<compile_context>
chip_gen: v7x
topology: tpu7x:2x2x1
jax: 0.10.2.dev20260603
libtpu: 0.0.44.dev20260713+nightly
codegen_flags: <defaults>
</compile_context>

<pallas_src>
import functools

import jax
import jax.numpy as jnp
from jax import lax
from jax.experimental import pallas as pl
from jax.experimental.pallas import tpu as pltpu
from jax.experimental.pallas import tpu_sc as plsc

EMB = 64
SEQ = 200
NCHUNK = 13
BATCH = 4096
NROWS = 201
NWORKERS = 32
ROWS_PER_W = BATCH // NWORKERS
GROUP = 4
NGROUPS = ROWS_PER_W // GROUP
GSEQ = GROUP * SEQ
LBLK = 8



def _sc_body(seq_hbm, pos_hbm, seq_g0, seq_g1, pos_g0, pos_g1,
             sin0, sin1, sout0, sout1):
    cid = lax.axis_index("c")
    sid = lax.axis_index("s")
    wid = sid * 2 + cid
    base = wid * ROWS_PER_W

    zeros16 = jnp.zeros((16,), jnp.int32)
    zeros16f = jnp.zeros((16,), jnp.float32)
    ones16 = jnp.ones((16,), jnp.int32)
    lane = lax.iota(jnp.int32, 16)
    tail_valid = lane < jnp.full((16,), 8, jnp.int32)
    scan_idx = [jnp.maximum(lane - (1 << k), zeros16) for k in range(4)]
    scan_msk = [lane >= jnp.full((16,), 1 << k, jnp.int32) for k in range(4)]
    idx_last = jnp.full((16,), 15, jnp.int32)

    dnums = lax.GatherDimensionNumbers(
        offset_dims=(), collapsed_slice_dims=(0,), start_index_map=(0,))

    def _lanegather(x, idx):
        return lax.gather(x, idx[:, None], dnums, slice_sizes=(1,),
                          mode=lax.GatherScatterMode.PROMISE_IN_BOUNDS)

    def _cumsum16(m):
        s = m
        for k in range(4):
            g = _lanegather(s, scan_idx[k])
            s = s + jnp.where(scan_msk[k], g, zeros16)
        return s

    def in_cp(g, seq_ref, sem):
        return pltpu.make_async_copy(
            seq_hbm.at[pl.ds((base + GROUP * g) * SEQ, GSEQ)],
            seq_ref.at[pl.ds(0, GSEQ)], sem)

    def out_cp(g, pos_ref, sem):
        return pltpu.make_async_copy(
            pos_ref.at[pl.ds(0, GSEQ)],
            pos_hbm.at[pl.ds((base + GROUP * g) * SEQ, GSEQ)], sem)

    def compute_pos(seq_ref, pos_ref, off):
        carry = zeros16
        for c in range(NCHUNK):
            v = seq_ref[pl.ds(off + 16 * c, 16)]
            nz = v != zeros16f
            if c == NCHUNK - 1:
                nz = jnp.logical_and(nz, tail_valid)
            m = jnp.where(nz, ones16, zeros16)
            s = _cumsum16(m)
            pos = (s + carry) * m
            pos_ref[pl.ds(off + 16 * c, 16)] = pos.astype(jnp.float32)
            carry = carry + _lanegather(s, idx_last)

    bufs = ((seq_g0, pos_g0, sin0, sout0),
            (seq_g1, pos_g1, sin1, sout1))

    in_cp(0, seq_g0, sin0).start()
    in_cp(1, seq_g1, sin1).start()

    def pair_loop(g2, carry_unused):
        for p in (0, 1):
            g = 2 * g2 + p
            seq_ref, pos_ref, sin, sout = bufs[p]
            in_cp(g, seq_ref, sin).wait()

            @pl.when(g2 >= 1)
            def _():
                out_cp(g - 2, pos_ref, sout).wait()

            for i in range(GROUP):
                compute_pos(seq_ref, pos_ref, SEQ * i)
            out_cp(g, pos_ref, sout).start()

            @pl.when(g2 < NGROUPS // 2 - 1)
            def _():
                in_cp(g + 2, seq_ref, sin).start()

        return carry_unused

    lax.fori_loop(0, NGROUPS // 2, pair_loop, jnp.int32(0))

    out_cp(NGROUPS - 2, pos_g0, sout0).wait()
    out_cp(NGROUPS - 1, pos_g1, sout1).wait()


@jax.jit
def _sc_positions(seq):
    fn = functools.partial(
        pl.kernel,
        mesh=plsc.VectorSubcoreMesh(core_axis_name="c", subcore_axis_name="s"),
        compiler_params=pltpu.CompilerParams(use_tc_tiling_on_sc=False),
        out_type=jax.ShapeDtypeStruct((BATCH * SEQ,), jnp.float32),
        scratch_types=[
            pltpu.VMEM((GSEQ + 8,), jnp.float32),
            pltpu.VMEM((GSEQ + 8,), jnp.float32),
            pltpu.VMEM((GSEQ + 8,), jnp.float32),
            pltpu.VMEM((GSEQ + 8,), jnp.float32),
            pltpu.SemaphoreType.DMA,
            pltpu.SemaphoreType.DMA,
            pltpu.SemaphoreType.DMA,
            pltpu.SemaphoreType.DMA,
        ],
    )(_sc_body)
    return fn(seq)



def _tc_body(tab_ref, pos_ref, out_ref):
    tab_t = tab_ref[...]
    posb = pos_ref[...]
    row_ids = lax.broadcasted_iota(jnp.int32, (NROWS, BATCH), 0).astype(
        jnp.float32)
    for j in range(LBLK):
        pj = jnp.broadcast_to(posb[j:j + 1, :], (NROWS, BATCH))
        onehot = (row_ids == pj).astype(jnp.float32)
        out_ref[j] = jax.lax.dot_general(
            tab_t, onehot, (((1,), (0,)), ((), ())),
            preferred_element_type=jnp.float32)


@jax.jit
def _tc_lookup(tab_t, pos_t):
    return pl.pallas_call(
        _tc_body,
        grid=(SEQ // LBLK,),
        in_specs=[
            pl.BlockSpec((EMB, NROWS), lambda l: (0, 0)),
            pl.BlockSpec((LBLK, BATCH), lambda l: (l, 0)),
        ],
        out_specs=pl.BlockSpec((LBLK, EMB, BATCH), lambda l: (l, 0, 0)),
        out_shape=jax.ShapeDtypeStruct((SEQ, EMB, BATCH), jnp.float32),
    )(tab_t, pos_t)


def kernel(word_seq, position_enc_weight):
    seq = word_seq.reshape(-1).astype(jnp.float32)
    pos = _sc_positions(seq)
    pos_t = jnp.transpose(pos.reshape(BATCH, SEQ))
    tab_t = jnp.transpose(position_enc_weight)
    out_t = _tc_lookup(tab_t, pos_t)
    return jnp.transpose(out_t, (2, 0, 1))

# --- scband reference (transcript-rebuilt; emitter-appended) ---
"""Pipeline reference for scband-positional-encoder-23029614641296 (READ-ONLY COPY).

The authoritative reference and input builder live on the scoring server;
editing this copy changes nothing except your own understanding.
"""

import jax, jax.numpy as jnp
import numpy as np

EMB_DIM = 64
MAX_LEN = 200
BATCH = 4096
PAD = 0

def position_encoding_init(n_position, emb_dim):
    position_enc = np.array([
        [pos / np.power(10000, 2 * (j // 2) / emb_dim) for j in range(emb_dim)]
        if pos != 0 else np.zeros(emb_dim)
        for pos in range(n_position)
    ])
    position_enc[1:, 0::2] = np.sin(position_enc[1:, 0::2])
    position_enc[1:, 1::2] = np.cos(position_enc[1:, 1::2])
    return jnp.asarray(position_enc, dtype=jnp.float32)


def setup_inputs(seed: int = 0) -> dict:
    key = jax.random.key(seed)
    word_seq = jax.random.randint(key, (BATCH, MAX_LEN), 0, 100000, dtype=jnp.int64)
    position_enc_weight = position_encoding_init(MAX_LEN + 1, EMB_DIM)
    return {"word_seq": word_seq, "position_enc_weight": position_enc_weight}


def reference(word_seq, position_enc_weight):
    # get_absolute_pos: running position counter over non-pad tokens, 0 at pad positions
    mask = (word_seq != PAD).astype(jnp.int32)
    word_pos = jnp.cumsum(mask, axis=1) * mask  # [B, L], values in [0, MAX_LEN]
    # embedding lookup (padding_idx=0 row is all zeros by construction)
    word_pos_emb = jnp.take(position_enc_weight, word_pos, axis=0)  # [B, L, EMB_DIM]
    return word_pos_emb

if __name__ == "__main__":
    import jax
    _d = setup_inputs()
    print(jax.jit(kernel)(*tuple(_d.values())))

</pallas_src>

<mosaic_0001>
#map = affine_map<(d0, d1) -> (0)>
module attributes {stable_mosaic.version = 14 : i64} {
  func.func @_sc_body(%arg0: i32, %arg1: i32, %arg2: memref<819200xf32, #tpu.memory_space<hbm>>, %arg3: memref<819200xf32, #tpu.memory_space<hbm>>, %arg4: memref<808xf32, #tpu.memory_space<vmem>>, %arg5: memref<808xf32, #tpu.memory_space<vmem>>, %arg6: memref<808xf32, #tpu.memory_space<vmem>>, %arg7: memref<808xf32, #tpu.memory_space<vmem>>, %arg8: memref<!tpu.dma_semaphore, #tpu.memory_space<semaphore_mem>>, %arg9: memref<!tpu.dma_semaphore, #tpu.memory_space<semaphore_mem>>, %arg10: memref<!tpu.dma_semaphore, #tpu.memory_space<semaphore_mem>>, %arg11: memref<!tpu.dma_semaphore, #tpu.memory_space<semaphore_mem>>) attributes {dimension_semantics = [#tpu.dimension_semantics<core_parallel>, #tpu.dimension_semantics<subcore_parallel>], iteration_bounds = array<i64: 2, 16>, scalar_prefetch = 0 : i64, scratch_operands = 8 : i64, tpu.core_type = #tpu.core_type<sc_vector_subcore>, window_params = [{transform_indices = #map}, {transform_indices = #map}]} {
    %mul3A = arith.constant 2 : i32
    %mul3A_0 = arith.muli %arg1, %mul3A : i32
    %add3A = arith.addi %mul3A_0, %arg0 : i32
    %mul3A_1 = arith.constant 128 : i32
    %mul3A_2 = arith.muli %add3A, %mul3A_1 : i32
    %broadcast_in_dim3A = arith.constant 0 : i32
    %broadcast_in_dim3A_3 = vector.broadcast %broadcast_in_dim3A : i32 to vector<16xi32>
    %broadcast_in_dim3A_4 = arith.constant 0.000000e+00 : f32
    %broadcast_in_dim3A_5 = vector.broadcast %broadcast_in_dim3A_4 : f32 to vector<16xf32>
    %broadcast_in_dim3A_6 = arith.constant 1 : i32
    %broadcast_in_dim3A_7 = vector.broadcast %broadcast_in_dim3A_6 : i32 to vector<16xi32>
    %iota3A = tpu.iota {dimensions = array<i32: 0>} : vector<16xi32>
    %broadcast_in_dim3A_8 = arith.constant 8 : i32
    %broadcast_in_dim3A_9 = vector.broadcast %broadcast_in_dim3A_8 : i32 to vector<16xi32>
    %lt3A = arith.cmpi slt, %iota3A, %broadcast_in_dim3A_9 : vector<16xi32>
    %sub3A = arith.constant 1 : i32
    %sub3A_10 = vector.broadcast %sub3A : i32 to vector<16xi32>
    %sub3A_11 = arith.subi %iota3A, %sub3A_10 : vector<16xi32>
    %max3A = arith.maxsi %sub3A_11, %broadcast_in_dim3A_3 : vector<16xi32>
    %sub3A_12 = arith.constant 2 : i32
    %sub3A_13 = vector.broadcast %sub3A_12 : i32 to vector<16xi32>
    %sub3A_14 = arith.subi %iota3A, %sub3A_13 : vector<16xi32>
    %max3A_15 = arith.maxsi %sub3A_14, %broadcast_in_dim3A_3 : vector<16xi32>
    %sub3A_16 = arith.constant 4 : i32
    %sub3A_17 = vector.broadcast %sub3A_16 : i32 to vector<16xi32>
    %sub3A_18 = arith.subi %iota3A, %sub3A_17 : vector<16xi32>
    %max3A_19 = arith.maxsi %sub3A_18, %broadcast_in_dim3A_3 : vector<16xi32>
    %sub3A_20 = arith.constant 8 : i32
    %sub3A_21 = vector.broadcast %sub3A_20 : i32 to vector<16xi32>
    %sub3A_22 = arith.subi %iota3A, %sub3A_21 : vector<16xi32>
    %max3A_23 = arith.maxsi %sub3A_22, %broadcast_in_dim3A_3 : vector<16xi32>
    %broadcast_in_dim3A_24 = arith.constant 1 : i32
    %broadcast_in_dim3A_25 = vector.broadcast %broadcast_in_dim3A_24 : i32 to vector<16xi32>
    %ge3A = arith.cmpi sge, %iota3A, %broadcast_in_dim3A_25 : vector<16xi32>
    %broadcast_in_dim3A_26 = arith.constant 2 : i32
    %broadcast_in_dim3A_27 = vector.broadcast %broadcast_in_dim3A_26 : i32 to vector<16xi32>
    %ge3A_28 = arith.cmpi sge, %iota3A, %broadcast_in_dim3A_27 : vector<16xi32>
    %broadcast_in_dim3A_29 = arith.constant 4 : i32
    %broadcast_in_dim3A_30 = vector.broadcast %broadcast_in_dim3A_29 : i32 to vector<16xi32>
    %ge3A_31 = arith.cmpi sge, %iota3A, %broadcast_in_dim3A_30 : vector<16xi32>
    %broadcast_in_dim3A_32 = arith.constant 8 : i32
    %broadcast_in_dim3A_33 = vector.broadcast %broadcast_in_dim3A_32 : i32 to vector<16xi32>
    %ge3A_34 = arith.cmpi sge, %iota3A, %broadcast_in_dim3A_33 : vector<16xi32>
    %broadcast_in_dim3A_35 = arith.constant 15 : i32
    %broadcast_in_dim3A_36 = vector.broadcast %broadcast_in_dim3A_35 : i32 to vector<16xi32>
    %add3A_37 = arith.constant 0 : i32
    %add3A_38 = arith.addi %mul3A_2, %add3A_37 : i32
    %mul3A_39 = arith.constant 200 : i32
    %mul3A_40 = arith.muli %add3A_38, %mul3A_39 : i32
    %dma_start3A = arith.constant 0 : i32
    %dma_start3A_41 = tpu.memref_slice %arg4[%dma_start3A] : memref<808xf32, #tpu.memory_space<vmem>> -> memref<800xf32, #tpu.memory_space<vmem>>
    %dma_start3A_42 = tpu.memref_slice %arg2[%mul3A_40] : memref<819200xf32, #tpu.memory_space<hbm>> -> memref<800xf32, #tpu.memory_space<hbm>>
    %dma_start3A_43 = arith.constant 0 : i32
    %dma_start3A_44 = tpu.memref_slice %arg4[%dma_start3A_43] : memref<808xf32, #tpu.memory_space<vmem>> -> memref<800xf32, #tpu.memory_space<vmem>>
    %dma_start3A_45 = tpu.memref_slice %arg2[%mul3A_40] : memref<819200xf32, #tpu.memory_space<hbm>> -> memref<800xf32, #tpu.memory_space<hbm>>
    tpu.enqueue_dma source(%dma_start3A_45 : memref<800xf32, #tpu.memory_space<hbm>>) target(%dma_start3A_44 : memref<800xf32, #tpu.memory_space<vmem>>) target_semaphore(%arg8 : memref<!tpu.dma_semaphore, #tpu.memory_space<semaphore_mem>>)
    %add3A_46 = arith.constant 4 : i32
    %add3A_47 = arith.addi %mul3A_2, %add3A_46 : i32
    %mul3A_48 = arith.constant 200 : i32
    %mul3A_49 = arith.muli %add3A_47, %mul3A_48 : i32
    %dma_start3A_50 = arith.constant 0 : i32
    %dma_start3A_51 = tpu.memref_slice %arg5[%dma_start3A_50] : memref<808xf32, #tpu.memory_space<vmem>> -> memref<800xf32, #tpu.memory_space<vmem>>
    %dma_start3A_52 = tpu.memref_slice %arg2[%mul3A_49] : memref<819200xf32, #tpu.memory_space<hbm>> -> memref<800xf32, #tpu.memory_space<hbm>>
    %dma_start3A_53 = arith.constant 0 : i32
    %dma_start3A_54 = tpu.memref_slice %arg5[%dma_start3A_53] : memref<808xf32, #tpu.memory_space<vmem>> -> memref<800xf32, #tpu.memory_space<vmem>>
    %dma_start3A_55 = tpu.memref_slice %arg2[%mul3A_49] : memref<819200xf32, #tpu.memory_space<hbm>> -> memref<800xf32, #tpu.memory_space<hbm>>
    tpu.enqueue_dma source(%dma_start3A_55 : memref<800xf32, #tpu.memory_space<hbm>>) target(%dma_start3A_54 : memref<800xf32, #tpu.memory_space<vmem>>) target_semaphore(%arg9 : memref<!tpu.dma_semaphore, #tpu.memory_space<semaphore_mem>>)
    %scan3A = arith.constant 0 : i32
    %scan3A_56 = arith.constant 0 : i32
    %scan3A_57 = arith.constant 16 : i32
    %scan3A_58 = arith.addi %scan3A_56, %scan3A_57 : i32
    %scan3A_59 = arith.constant 1 : i32
    scf.for %scan3A_80 = %scan3A_56 to %scan3A_58 step %scan3A_59  : i32 {
      %mul3A_81 = arith.constant 2 : i32
      %mul3A_82 = arith.muli %mul3A_81, %scan3A_80 : i32
      %add3A_83 = arith.constant 0 : i32
      %add3A_84 = arith.addi %mul3A_82, %add3A_83 : i32
      %mul3A_85 = arith.constant 4 : i32
      %mul3A_86 = arith.muli %mul3A_85, %add3A_84 : i32
      %add3A_87 = arith.addi %mul3A_2, %mul3A_86 : i32
      %mul3A_88 = arith.constant 200 : i32
      %mul3A_89 = arith.muli %add3A_87, %mul3A_88 : i32
      %dma_wait3A_90 = arith.constant 0 : i32
      %dma_wait3A_91 = tpu.memref_slice %arg4[%dma_wait3A_90] : memref<808xf32, #tpu.memory_space<vmem>> -> memref<800xf32, #tpu.memory_space<vmem>>
      %dma_wait3A_92 = tpu.memref_slice %arg2[%mul3A_89] : memref<819200xf32, #tpu.memory_space<hbm>> -> memref<800xf32, #tpu.memory_space<hbm>>
      %dma_wait3A_93 = arith.constant 0 : i32
      %dma_wait3A_94 = tpu.memref_slice %arg4[%dma_wait3A_93] : memref<808xf32, #tpu.memory_space<vmem>> -> memref<800xf32, #tpu.memory_space<vmem>>
      %dma_wait3A_95 = tpu.memref_slice %arg2[%mul3A_89] : memref<819200xf32, #tpu.memory_space<hbm>> -> memref<800xf32, #tpu.memory_space<hbm>>
      tpu.wait_dma2 semaphore(%arg8 : memref<!tpu.dma_semaphore, #tpu.memory_space<semaphore_mem>>) src(%dma_wait3A_95 : memref<800xf32, #tpu.memory_space<hbm>>) dst(%dma_wait3A_94 : memref<800xf32, #tpu.memory_space<vmem>>)
      %ge3A_96 = arith.constant 1 : i32
      %ge3A_97 = arith.cmpi sge, %scan3A_80, %ge3A_96 : i32
      %convert_element_type3A = arith.extui %ge3A_97 : i1 to i32
      %cond3A = arith.constant 0 : i32
      %cond3A_98 = arith.cmpi ne, %convert_element_type3A, %cond3A : i32
      scf.if %cond3A_98 {
        %sub3A_3897 = arith.constant 2 : i32
        %sub3A_3898 = arith.subi %add3A_84, %sub3A_3897 : i32
        %mul3A_3899 = arith.constant 4 : i32
        %mul3A_3900 = arith.muli %mul3A_3899, %sub3A_3898 : i32
        %add3A_3901 = arith.addi %mul3A_2, %mul3A_3900 : i32
        %mul3A_3902 = arith.constant 200 : i32
        %mul3A_3903 = arith.muli %add3A_3901, %mul3A_3902 : i32
        %dma_wait3A_3904 = arith.constant 0 : i32
        %dma_wait3A_3905 = tpu.memref_slice %arg6[%dma_wait3A_3904] : memref<808xf32, #tpu.memory_space<vmem>> -> memref<800xf32, #tpu.memory_space<vmem>>
        %dma_wait3A_3906 = tpu.memref_slice %arg3[%mul3A_3903] : memref<819200xf32, #tpu.memory_space<hbm>> -> memref<800xf32, #tpu.memory_space<hbm>>
        %dma_wait3A_3907 = tpu.memref_slice %arg3[%mul3A_3903] : memref<819200xf32, #tpu.memory_space<hbm>> -> memref<800xf32, #tpu.memory_space<hbm>>
        %dma_wait3A_3908 = arith.constant 0 : i32
        %dma_wait3A_3909 = tpu.memref_slice %arg6[%dma_wait3A_3908] : memref<808xf32, #tpu.memory_space<vmem>> -> memref<800xf32, #tpu.memory_space<vmem>>
        tpu.wait_dma2 semaphore(%arg10 : memref<!tpu.dma_semaphore, #tpu.memory_space<semaphore_mem>>) src(%dma_wait3A_3909 : memref<800xf32, #tpu.memory_space<vmem>>) dst(%dma_wait3A_3907 : memref<800xf32, #tpu.memory_space<hbm>>)
      } else {
      }
      %get3A = arith.constant 0 : index
      %get3A_99 = tpu.vector_load %arg4[%get3A] {strides = array<i32>} : memref<808xf32, #tpu.memory_space<vmem>>, vector<16xf32>,
      %get3A_100 = vector.shape_cast %get3A_99 : vector<16xf32> to vector<16xf32>
      %ne3A = arith.cmpf one, %get3A_100, %broadcast_in_dim3A_5 : vector<16xf32>
      %select_n3A = arith.select %ne3A, %broadcast_in_dim3A_7, %broadcast_in_dim3A_3 : vector<16xi1>, vector<16xi32>
      %broadcast_in_dim3A_101 = vector.shape_cast %max3A : vector<16xi32> to vector<16x1xi32>
      %gather3A = vector.shape_cast %broadcast_in_dim3A_101 : vector<16x1xi32> to vector<16xi32>
      %gather3A_102 = tpu.dynamic_gather %select_n3A[%gather3A] in [0] : vector<16xi32>, vector<16xi32> -> vector<16xi32>
      %select_n3A_103 = arith.select %ge3A, %gather3A_102, %broadcast_in_dim3A_3 : vector<16xi1>, vector<16xi32>
      %add3A_104 = arith.addi %select_n3A, %select_n3A_103 : vector<16xi32>
      %broadcast_in_dim3A_105 = vector.shape_cast %max3A_15 : vector<16xi32> to vector<16x1xi32>
      %gather3A_106 = vector.shape_cast %broadcast_in_dim3A_105 : vector<16x1xi32> to vector<16xi32>
      %gather3A_107 = tpu.dynamic_gather %add3A_104[%gather3A_106] in [0] : vector<16xi32>, vector<16xi32> -> vector<16xi32>
      %select_n3A_108 = arith.select %ge3A_28, %gather3A_107, %broadcast_in_dim3A_3 : vector<16xi1>, vector<16xi32>
      %add3A_109 = arith.addi %add3A_104, %select_n3A_108 : vector<16xi32>
      %broadcast_in_dim3A_110 = vector.shape_cast %max3A_19 : vector<16xi32> to vector<16x1xi32>
      %gather3A_111 = vector.shape_cast %broadcast_in_dim3A_110 : vector<16x1xi32> to vector<16xi32>
      %gather3A_112 = tpu.dynamic_gather %add3A_109[%gather3A_111] in [0] : vector<16xi32>, vector<16xi32> -> vector<16xi32>
      %select_n3A_113 = arith.select %ge3A_31, %gather3A_112, %broadcast_in_dim3A_3 : vector<16xi1>, vector<16xi32>
      %add3A_114 = arith.addi %add3A_109, %select_n3A_113 : vector<16xi32>
      %broadcast_in_dim3A_115 = vector.shape_cast %max3A_23 : vector<16xi32> to vector<16x1xi32>
      %gather3A_116 = vector.shape_cast %broadcast_in_dim3A_115 : vector<16x1xi32> to vector<16xi32>
      %gather3A_117 = tpu.dynamic_gather %add3A_114[%gather3A_116] in [0] : vector<16xi32>, vector<16xi32> -> vector<16xi32>
      %select_n3A_118 = arith.select %ge3A_34, %gather3A_117, %broadcast_in_dim3A_3 : vector<16xi1>, vector<16xi32>
      %add3A_119 = arith.addi %add3A_114, %select_n3A_118 : vector<16xi32>
      %add3A_120 = arith.addi %add3A_119, %broadcast_in_dim3A_3 : vector<16xi32>
      %mul3A_121 = arith.muli %add3A_120, %select_n3A : vector<16xi32>
      %convert_element_type3A_122 = arith.sitofp %mul3A_121 : vector<16xi32> to vector<16xf32>
      %swap3A = arith.constant 0 : index
      %swap3A_123 = tpu.vector_load %arg6[%swap3A] {strides = array<i32>} : memref<808xf32, #tpu.memory_space<vmem>>, vector<16xf32>,
      %swap3A_124 = vector.shape_cast %swap3A_123 : vector<16xf32> to vector<16xf32>
      %swap3A_125 = vector.shape_cast %convert_element_type3A_122 : vector<16xf32> to vector<16xf32>
      tpu.vector_store %arg6[%swap3A], %swap3A_125 {strides = array<i32>} : memref<808xf32, #tpu.memory_space<vmem>>, vector<16xf32>,
      %broadcast_in_dim3A_126 = vector.shape_cast %broadcast_in_dim3A_36 : vector<16xi32> to vector<16x1xi32>
      %gather3A_127 = vector.shape_cast %broadcast_in_dim3A_126 : vector<16x1xi32> to vector<16xi32>
      %gather3A_128 = tpu.dynamic_gather %add3A_119[%gather3A_127] in [0] : vector<16xi32>, vector<16xi32> -> vector<16xi32>
      %add3A_129 = arith.addi %broadcast_in_dim3A_3, %gather3A_128 : vector<16xi32>
      %get3A_130 = arith.constant 16 : index
      %get3A_131 = tpu.vector_load %arg4[%get3A_130] {strides = array<i32>} : memref<808xf32, #tpu.memory_space<vmem>>, vector<16xf32>,
      %get3A_132 = vector.shape_cast %get3A_131 : vector<16xf32> to vector<16xf32>
      %ne3A_133 = arith.cmpf one, %get3A_132, %broadcast_in_dim3A_5 : vector<16xf32>
      %select_n3A_134 = arith.select %ne3A_133, %broadcast_in_dim3A_7, %broadcast_in_dim3A_3 : vector<16xi1>, vector<16xi32>
      %broadcast_in_dim3A_135 = vector.shape_cast %max3A : vector<16xi32> to vector<16x1xi32>
      %gather3A_136 = vector.shape_cast %broadcast_in_dim3A_135 : vector<16x1xi32> to vector<16xi32>
      %gather3A_137 = tpu.dynamic_gather %select_n3A_134[%gather3A_136] in [0] : vector<16xi32>, vector<16xi32> -> vector<16xi32>
      %select_n3A_138 = arith.select %ge3A, %gather3A_137, %broadcast_in_dim3A_3 : vector<16xi1>, vector<16xi32>
      %add3A_139 = arith.addi %select_n3A_134, %select_n3A_138 : vector<16xi32>
      %broadcast_in_dim3A_140 = vector.shape_cast %max3A_15 : vector<16xi32> to vector<16x1xi32>
      %gather3A_141 = vector.shape_cast %broadcast_in_dim3A_140 : vector<16x1xi32> to vector<16xi32>
      %gather3A_142 = tpu.dynamic_gather %add3A_139[%gather3A_141] in [0] : vector<16xi32>, vector<16xi32> -> vector<16xi32>
      %select_n3A_143 = arith.select %ge3A_28, %gather3A_142, %broadcast_in_dim3A_3 : vector<16xi1>, vector<16xi32>
      %add3A_144 = arith.addi %add3A_139, %select_n3A_143 : vector<16xi32>
      %broadcast_in_dim3A_145 = vector.shape_cast %max3A_19 : vector<16xi32> to vector<16x1xi32>
      %gather3A_146 = vector.shape_cast %broadcast_in_dim3A_145 : vector<16x1xi32> to vector<16xi32>
      %gather3A_147 = tpu.dynamic_gather %add3A_144[%gather3A_146] in [0] : vector<16xi32>, vector<16xi32> -> vector<16xi32>
      %select_n3A_148 = arith.select %ge3A_31, %gather3A_147, %broadcast_in_dim3A_3 : vector<16xi1>, vector<16xi32>
      %add3A_149 = arith.addi %add3A_144, %select_n3A_148 : vector<16xi32>
      %broadcast_in_dim3A_150 = vector.shape_cast %max3A_23 : vector<16xi32> to vector<16x1xi32>
      %gather3A_151 = vector.shape_cast %broadcast_in_dim3A_150 : vector<16x1xi32> to vector<16xi32>
      %gather3A_152 = tpu.dynamic_gather %add3A_149[%gather3A_151] in [0] : vector<16xi32>, vector<16xi32> -> vector<16xi32>
      %select_n3A_153 = arith.select %ge3A_34, %gather3A_152, %broadcast_in_dim3A_3 : vector<16xi1>, vector<16xi32>
      %add3A_154 = arith.addi %add3A_149, %select_n3A_153 : vector<16xi32>
      %add3A_155 = arith.addi %add3A_154, %add3A_129 : vector<16xi32>
      %mul3A_156 = arith.muli %add3A_155, %select_n3A_134 : vector<16xi32>
      %convert_element_type3A_157 = arith.sitofp %mul3A_156 : vector<16xi32> to vector<16xf32>
      %swap3A_158 = arith.constant 16 : index
      %swap3A_159 = tpu.vector_load %arg6[%swap3A_158] {strides = array<i32>} : memref<808xf32, #tpu.memory_space<vmem>>, vector<16xf32>,
      %swap3A_160 = vector.shape_cast %swap3A_159 : vector<16xf32> to vector<16xf32>
      %swap3A_161 = vector.shape_cast %convert_element_type3A_157 : vector<16xf32> to vector<16xf32>
      tpu.vector_store %arg6[%swap3A_158], %swap3A_161 {strides = array<i32>} : memref<808xf32, #tpu.memory_space<vmem>>, vector<16xf32>,
      %broadcast_in_dim3A_162 = vector.shape_cast %broadcast_in_dim3A_36 : vector<16xi32> to vector<16x1xi32>
      %gather3A_163 = vector.shape_cast %broadcast_in_dim3A_162 : vector<16x1xi32> to vector<16xi32>
      %gather3A_164 = tpu.dynamic_gather %add3A_154[%gather3A_163] in [0] : vector<16xi32>, vector<16xi32> -> vector<16xi32>
      %add3A_165 = arith.addi %add3A_129, %gather3A_164 : vector<16xi32>
      %get3A_166 = arith.constant 32 : index
      %get3A_167 = tpu.vector_load %arg4[%get3A_166] {strides = array<i32>} : memref<808xf32, #tpu.memory_space<vmem>>, vector<16xf32>,
      %get3A_168 = vector.shape_cast %get3A_167 : vector<16xf32> to vector<16xf32>
      %ne3A_169 = arith.cmpf one, %get3A_168, %broadcast_in_dim3A_5 : vector<16xf32>
      %select_n3A_170 = arith.select %ne3A_169, %broadcast_in_dim3A_7, %broadcast_in_dim3A_3 : vector<16xi1>, vector<16xi32>
      %broadcast_in_dim3A_171 = vector.shape_cast %max3A : vector<16xi32> to vector<16x1xi32>
      %gather3A_172 = vector.shape_cast %broadcast_in_dim3A_171 : vector<16x1xi32> to vector<16xi32>
      %gather3A_173 = tpu.dynamic_gather %select_n3A_170[%gather3A_172] in [0] : vector<16xi32>, vector<16xi32> -> vector<16xi32>
      %select_n3A_174 = arith.select %ge3A, %gather3A_173, %broadcast_in_dim3A_3 : vector<16xi1>, vector<16xi32>
      %add3A_175 = arith.addi %select_n3A_170, %select_n3A_174 : vector<16xi32>
      %broadcast_in_dim3A_176 = vector.shape_cast %max3A_15 : vector<16xi32> to vector<16x1xi32>
      %gather3A_177 = vector.shape_cast %broadcast_in_dim3A_176 : vector<16x1xi32> to vector<16xi32>
      %gather3A_178 = tpu.dynamic_gather %add3A_175[%gather3A_177] in [0] : vector<16xi32>, vector<16xi32> -> vector<16xi32>
      %select_n3A_179 = arith.select %ge3A_28, %gather3A_178, %broadcast_in_dim3A_3 : vector<16xi1>, vector<16xi32>
      %add3A_180 = arith.addi %add3A_175, %select_n3A_179 : vector<16xi32>
      %broadcast_in_dim3A_181 = vector.shape_cast %max3A_19 : vector<16xi32> to vector<16x1xi32>
      %gather3A_182 = vector.shape_cast %broadcast_in_dim3A_181 : vector<16x1xi32> to vector<16xi32>
      %gather3A_183 = tpu.dynamic_gather %add3A_180[%gather3A_182] in [0] : vector<16xi32>, vector<16xi32> -> vector<16xi32>
      %select_n3A_184 = arith.select %ge3A_31, %gather3A_183, %broadcast_in_dim3A_3 : vector<16xi1>, vector<16xi32>
      %add3A_185 = arith.addi %add3A_180, %select_n3A_184 : vector<16xi32>
      %broadcast_in_dim3A_186 = vector.shape_cast %max3A_23 : vector<16xi32> to vector<16x1xi32>
      %gather3A_187 = vector.shape_cast %broadcast_in_dim3A_186 : vector<16x1xi32> to vector<16xi32>
      %gather3A_188 = tpu.dynamic_gather %add3A_185[%gather3A_187] in [0] : vector<16xi32>, vector<16xi32> -> vector<16xi32>
      %select_n3A_189 = arith.select %ge3A_34, %gather3A_188, %broadcast_in_dim3A_3 : vector<16xi1>, vector<16xi32>
      %add3A_190 = arith.addi %add3A_185, %select_n3A_189 : vector<16xi32>
      %add3A_191 = arith.addi %add3A_190, %add3A_165 : vector<16xi32>
      %mul3A_192 = arith.muli %add3A_191, %select_n3A_170 : vector<16xi32>
      %convert_element_type3A_193 = arith.sitofp %mul3A_192 : vector<16xi32> to vector<16xf32>
      %swap3A_194 = arith.constant 32 : index
      %swap3A_195 = tpu.vector_load %arg6[%swap3A_194] {strides = array<i32>} : memref<808xf32, #tpu.memory_space<vmem>>, vector<16xf32>,
      %swap3A_196 = vector.shape_cast %swap3A_195 : vector<16xf32> to vector<16xf32>
      %swap3A_197 = vector.shape_cast %convert_element_type3A_193 : vector<16xf32> to vector<16xf32>
      tpu.vector_store %arg6[%swap3A_194], %swap3A_197 {strides = array<i32>} : memref<808xf32, #tpu.memory_space<vmem>>, vector<16xf32>,
      %broadcast_in_dim3A_198 = vector.shape_cast %broadcast_in_dim3A_36 : vector<16xi32> to vector<16x1xi32>
      %gather3A_199 = vector.shape_cast %broadcast_in_dim3A_198 : vector<16x1xi32> to vector<16xi32>
      %gather3A_200 = tpu.dynamic_gather %add3A_190[%gather3A_199] in [0] : vector<16xi32>, vector<16xi32> -> vector<16xi32>
      %add3A_201 = arith.addi %add3A_165, %gather3A_200 : vector<16xi32>
      %get3A_202 = arith.constant 48 : index
      %get3A_203 = tpu.vector_load %arg4[%get3A_202] {strides = array<i32>} : memref<808xf32, #tpu.memory_space<vmem>>, vector<16xf32>,
      %get3A_204 = vector.shape_cast %get3A_203 : vector<16xf32> to vector<16xf32>
      %ne3A_205 = arith.cmpf one, %get3A_204, %broadcast_in_dim3A_5 : vector<16xf32>
      %select_n3A_206 = arith.select %ne3A_205, %broadcast_in_dim3A_7, %broadcast_in_dim3A_3 : vector<16xi1>, vector<16xi32>
      %broadcast_in_dim3A_207 = vector.shape_cast %max3A : vector<16xi32> to vector<16x1xi32>
      %gather3A_208 = vector.shape_cast %broadcast_in_dim3A_207 : vector<16x1xi32> to vector<16xi32>
      %gather3A_209 = tpu.dynamic_gather %select_n3A_206[%gather3A_208] in [0] : vector<16xi32>, vector<16xi32> -> vector<16xi32>
      %select_n3A_210 = arith.select %ge3A, %gather3A_209, %broadcast_in_dim3A_3 : vector<16xi1>, vector<16xi32>
      %add3A_211 = arith.addi %select_n3A_206, %select_n3A_210 : vector<16xi32>
      %broadcast_in_dim3A_212 = vector.shape_cast %max3A_15 : vector<16xi32> to vector<16x1xi32>
      %gather3A_213 = vector.shape_cast %broadcast_in_dim3A_212 : vector<16x1xi32> to vector<16xi32>
      %gather3A_214 = tpu.dynamic_gather %add3A_211[%gather3A_213] in [0] : vector<16xi32>, vector<16xi32> -> vector<16xi32>
      %select_n3A_215 = arith.select %ge3A_28, %gather3A_214, %broadcast_in_dim3A_3 : vector<16xi1>, vector<16xi32>
      %add3A_216 = arith.addi %add3A_211, %select_n3A_215 : vector<16xi32>
      %broadcast_in_dim3A_217 = vector.shape_cast %max3A_19 : vector<16xi32> to vector<16x1xi32>
      %gather3A_218 = vector.shape_cast %broadcast_in_dim3A_217 : vector<16x1xi32> to vector<16xi32>
      %gather3A_219 = tpu.dynamic_gather %add3A_216[%gather3A_218] in [0] : vector<16xi32>, vector<16xi32> -> vector<16xi32>
      %select_n3A_220 = arith.select %ge3A_31, %gather3A_219, %broadcast_in_dim3A_3 : vector<16xi1>, vector<16xi32>
      %add3A_221 = arith.addi %add3A_216, %select_n3A_220 : vector<16xi32>
      %broadcast_in_dim3A_222 = vector.shape_cast %max3A_23 : vector<16xi32> to vector<16x1xi32>
      %gather3A_223 = vector.shape_cast %broadcast_in_dim3A_222 : vector<16x1xi32> to vector<16xi32>
      %gather3A_224 = tpu.dynamic_gather %add3A_221[%gather3A_223] in [0] : vector<16xi32>, vector<16xi32> -> vector<16xi32>
      %select_n3A_225 = arith.select %ge3A_34, %gather3A_224, %broadcast_in_dim3A_3 : vector<16xi1>, vector<16xi32>
      %add3A_226 = arith.addi %add3A_221, %select_n3A_225 : vector<16xi32>
      %add3A_227 = arith.addi %add3A_226, %add3A_201 : vector<16xi32>
      %mul3A_228 = arith.muli %add3A_227, %select_n3A_206 : vector<16xi32>
      %convert_element_type3A_229 = arith.sitofp %mul3A_228 : vector<16xi32> to vector<16xf32>
      %swap3A_230 = arith.constant 48 : index
      %swap3A_231 = tpu.vector_load %arg6[%swap3A_230] {strides = array<i32>} : memref<808xf32, #tpu.memory_space<vmem>>, vector<16xf32>,
      %swap3A_232 = vector.shape_cast %swap3A_231 : vector<16xf32> to vector<16xf32>
      %swap3A_233 = vector.shape_cast %convert_element_type3A_229 : vector<16xf32> to vector<16xf32>
      tpu.vector_store %arg6[%swap3A_230], %swap3A_233 {strides = array<i32>} : memref<808xf32, #tpu.memory_space<vmem>>, vector<16xf32>,
      %broadcast_in_dim3A_234 = vector.shape_cast %broadcast_in_dim3A_36 : vector<16xi32> to vector<16x1xi32>
      %gather3A_235 = vector.shape_cast %broadcast_in_dim3A_234 : vector<16x1xi32> to vector<16xi32>
      %gather3A_236 = tpu.dynamic_gather %add3A_226[%gather3A_235] in [0] : vector<16xi32>, vector<16xi32> -> vector<16xi32>
      %add3A_237 = arith.addi %add3A_201, %gather3A_236 : vector<16xi32>
      %get3A_238 = arith.constant 64 : index
      %get3A_239 = tpu.vector_load %arg4[%get3A_238] {strides = array<i32>} : memref<808xf32, #tpu.memory_space<vmem>>, vector<16xf32>,
      %get3A_240 = vector.shape_cast %get3A_239 : vector<16xf32> to vector<16xf32>
      %ne3A_241 = arith.cmpf one, %get3A_240, %broadcast_in_dim3A_5 : vector<16xf32>
      %select_n3A_242 = arith.select %ne3A_241, %broadcast_in_dim3A_7, %broadcast_in_dim3A_3 : vector<16xi1>, vector<16xi32>
      %broadcast_in_dim3A_243 = vector.shape_cast %max3A : vector<16xi32> to vector<16x1xi32>
      %gather3A_244 = vector.shape_cast %broadcast_in_dim3A_243 : vector<16x1xi32> to vector<16xi32>
      %gather3A_245 = tpu.dynamic_gather %select_n3A_242[%gather3A_244] in [0] : vector<16xi32>, vector<16xi32> -> vector<16xi32>
      %select_n3A_246 = arith.select %ge3A, %gather3A_245, %broadcast_in_dim3A_3 : vector<16xi1>, vector<16xi32>
      %add3A_247 = arith.addi %select_n3A_242, %select_n3A_246 : vector<16xi32>
      %broadcast_in_dim3A_248 = vector.shape_cast %max3A_15 : vector<16xi32> to vector<16x1xi32>
      %gather3A_249 = vector.shape_cast %broadcast_in_dim3A_248 : vector<16x1xi32> to vector<16xi32>
      %gather3A_250 = tpu.dynamic_gather %add3A_247[%gather3A_249] in [0] : vector<16xi32>, vector<16xi32> -> vector<16xi32>
      %select_n3A_251 = arith.select %ge3A_28, %gather3A_250, %broadcast_in_dim3A_3 : vector<16xi1>, vector<16xi32>
      %add3A_252 = arith.addi %add3A_247, %select_n3A_251 : vector<16xi32>
      %broadcast_in_dim3A_253 = vector.shape_cast %max3A_19 : vector<16xi32> to vector<16x1xi32>
      %gather3A_254 = vector.shape_cast %broadcast_in_dim3A_253 : vector<16x1xi32> to vector<16xi32>
      %gather3A_255 = tpu.dynamic_gather %add3A_252[%gather3A_254] in [0] : vector<16xi32>, vector<16xi32> -> vector<16xi32>
      %select_n3A_256 = arith.select %ge3A_31, %gather3A_255, %broadcast_in_dim3A_3 : vector<16xi1>, vector<16xi32>
      %add3A_257 = arith.addi %add3A_252, %select_n3A_256 : vector<16xi32>
      %broadcast_in_dim3A_258 = vector.shape_cast %max3A_23 : vector<16xi32> to vector<16x1xi32>
      %gather3A_259 = vector.shape_cast %broadcast_in_dim3A_258 : vector<16x1xi32> to vector<16xi32>
      %gather3A_260 = tpu.dynamic_gather %add3A_257[%gather3A_259] in [0] : vector<16xi32>, vector<16xi32> -> vector<16xi32>
      %select_n3A_261 = arith.select %ge3A_34, %gather3A_260, %broadcast_in_dim3A_3 : vector<16xi1>, vector<16xi32>
      %add3A_262 = arith.addi %add3A_257, %select_n3A_261 : vector<16xi32>
      %add3A_263 = arith.addi %add3A_262, %add3A_237 : vector<16xi32>
      %mul3A_264 = arith.muli %add3A_263, %select_n3A_242 : vector<16xi32>
      %convert_element_type3A_265 = arith.sitofp %mul3A_264 : vector<16xi32> to vector<16xf32>
      %swap3A_266 = arith.constant 64 : index
      %swap3A_267 = tpu.vector_load %arg6[%swap3A_266] {strides = array<i32>} : memref<808xf32, #tpu.memory_space<vmem>>, vector<16xf32>,
      %swap3A_268 = vector.shape_cast %swap3A_267 : vector<16xf32> to vector<16xf32>
      %swap3A_269 = vector.shape_cast %convert_element_type3A_265 : vector<16xf32> to vector<16xf32>
      tpu.vector_store %arg6[%swap3A_266], %swap3A_269 {strides = array<i32>} : memref<808xf32, #tpu.memory_space<vmem>>, vector<16xf32>,
      %broadcast_in_dim3A_270 = vector.shape_cast %broadcast_in_dim3A_36 : vector<16xi32> to vector<16x1xi32>
      %gather3A_271 = vector.shape_cast %broadcast_in_dim3A_270 : vector<16x1xi32> to vector<16xi32>
      %gather3A_272 = tpu.dynamic_gather %add3A_262[%gather3A_271] in [0] : vector<16xi32>, vector<16xi32> -> vector<16xi32>
      %add3A_273 = arith.addi %add3A_237, %gather3A_272 : vector<16xi32>
      %get3A_274 = arith.constant 80 : index
      %get3A_275 = tpu.vector_load %arg4[%get3A_274] {strides = array<i32>} : memref<808xf32, #tpu.memory_space<vmem>>, vector<16xf32>,
      %get3A_276 = vector.shape_cast %get3A_275 : vector<16xf32> to vector<16xf32>
      %ne3A_277 = arith.cmpf one, %get3A_276, %broadcast_in_dim3A_5 : vector<16xf32>
      %select_n3A_278 = arith.select %ne3A_277, %broadcast_in_dim3A_7, %broadcast_in_dim3A_3 : vector<16xi1>, vector<16xi32>
      %broadcast_in_dim3A_279 = vector.shape_cast %max3A : vector<16xi32> to vector<16x1xi32>
      %gather3A_280 = vector.shape_cast %broadcast_in_dim3A_279 : vector<16x1xi32> to vector<16xi32>
      %gather3A_281 = tpu.dynamic_gather %select_n3A_278[%gather3A_280] in [0] : vector<16xi32>, vector<16xi32> -> vector<16xi32>
      %select_n3A_282 = arith.select %ge3A, %gather3A_281, %broadcast_in_dim3A_3 : vector<16xi1>, vector<16xi32>
      %add3A_283 = arith.addi %select_n3A_278, %select_n3A_282 : vector<16xi32>
      %broadcast_in_dim3A_284 = vector.shape_cast %max3A_15 : vector<16xi32> to vector<16x1xi32>
      %gather3A_285 = vector.shape_cast %broadcast_in_dim3A_284 : vector<16x1xi32> to vector<16xi32>
      %gather3A_286 = tpu.dynamic_gather %add3A_283[%gather3A_285] in [0] : vector<16xi32>, vector<16xi32> -> vector<16xi32>
      %select_n3A_287 = arith.select %ge3A_28, %gather3A_286, %broadcast_in_dim3A_3 : vector<16xi1>, vector<16xi32>
      %add3A_288 = arith.addi %add3A_283, %select_n3A_287 : vector<16xi32>
      %broadcast_in_dim3A_289 = vector.shape_cast %max3A_19 : vector<16xi32> to vector<16x1xi32>
      %gather3A_290 = vector.shape_cast %broadcast_in_dim3A_289 : vector<16x1xi32> to vector<16xi32>
      %gather3A_291 = tpu.dynamic_gather %add3A_288[%gather3A_290] in [0] : vector<16xi32>, vector<16xi32> -> vector<16xi32>
      %select_n3A_292 = arith.select %ge3A_31, %gather3A_291, %broadcast_in_dim3A_3 : vector<16xi1>, vector<16xi32>
      %add3A_293 = arith.addi %add3A_288, %select_n3A_292 : vector<16xi32>
      %broadcast_in_dim3A_294 = vector.shape_cast %max3A_23 : vector<16xi32> to vector<16x1xi32>
      %gather3A_295 = vector.shape_cast %broadcast_in_dim3A_294 : vector<16x1xi32> to vector<16xi32>
      %gather3A_296 = tpu.dynamic_gather %add3A_293[%gather3A_295] in [0] : vector<16xi32>, vector<16xi32> -> vector<16xi32>
      %select_n3A_297 = arith.select %ge3A_34, %gather3A_296, %broadcast_in_dim3A_3 : vector<16xi1>, vector<16xi32>
      %add3A_298 = arith.addi %add3A_293, %select_n3A_297 : vector<16xi32>
      %add3A_299 = arith.addi %add3A_298, %add3A_273 : vector<16xi32>
      %mul3A_300 = arith.muli %add3A_299, %select_n3A_278 : vector<16xi32>
      %convert_element_type3A_301 = arith.sitofp %mul3A_300 : vector<16xi32> to vector<16xf32>
      %swap3A_302 = arith.constant 80 : index
      %swap3A_303 = tpu.vector_load %arg6[%swap3A_302] {strides = array<i32>} : memref<808xf32, #tpu.memory_space<vmem>>, vector<16xf32>,
      %swap3A_304 = vector.shape_cast %swap3A_303 : vector<16xf32> to vector<16xf32>
      %swap3A_305 = vector.shape_cast %convert_element_type3A_301 : vector<16xf32> to vector<16xf32>
      tpu.vector_store %arg6[%swap3A_302], %swap3A_305 {strides = array<i32>} : memref<808xf32, #tpu.memory_space<vmem>>, vector<16xf32>,
      %broadcast_in_dim3A_306 = vector.shape_cast %broadcast_in_dim3A_36 : vector<16xi32> to vector<16x1xi32>
      %gather3A_307 = vector.shape_cast %broadcast_in_dim3A_306 : vector<16x1xi32> to vector<16xi32>
      %gather3A_308 = tpu.dynamic_gather %add3A_298[%gather3A_307] in [0] : vector<16xi32>, vector<16xi32> -> vector<16xi32>
      %add3A_309 = arith.addi %add3A_273, %gather3A_308 : vector<16xi32>
      %get3A_310 = arith.constant 96 : index
      %get3A_311 = tpu.vector_load %arg4[%get3A_310] {strides = array<i32>} : memref<808xf32, #tpu.memory_space<vmem>>, vector<16xf32>,
      %get3A_312 = vector.shape_cast %get3A_311 : vector<16xf32> to vector<16xf32>
      %ne3A_313 = arith.cmpf one, %get3A_312, %broadcast_in_dim3A_5 : vector<16xf32>
      %select_n3A_314 = arith.select %ne3A_313, %broadcast_in_dim3A_7, %broadcast_in_dim3A_3 : vector<16xi1>, vector<16xi32>
      %broadcast_in_dim3A_315 = vector.shape_cast %max3A : vector<16xi32> to vector<16x1xi32>
      %gather3A_316 = vector.shape_cast %broadcast_in_dim3A_315 : vector<16x1xi32> to vector<16xi32>
      %gather3A_317 = tpu.dynamic_gather %select_n3A_314[%gather3A_316] in [0] : vector<16xi32>, vector<16xi32> -> vector<16xi32>
      %select_n3A_318 = arith.select %ge3A, %gather3A_317, %broadcast_in_dim3A_3 : vector<16xi1>, vector<16xi32>
      %add3A_319 = arith.addi %select_n3A_314, %select_n3A_318 : vector<16xi32>
      %broadcast_in_dim3A_320 = vector.shape_cast %max3A_15 : vector<16xi32> to vector<16x1xi32>
      %gather3A_321 = vector.shape_cast %broadcast_in_dim3A_320 : vector<16x1xi32> to vector<16xi32>
      %gather3A_322 = tpu.dynamic_gather %add3A_319[%gather3A_321] in [0] : vector<16xi32>, vector<16xi32> -> vector<16xi32>
      %select_n3A_323 = arith.select %ge3A_28, %gather3A_322, %broadcast_in_dim3A_3 : vector<16xi1>, vector<16xi32>
      %add3A_324 = arith.addi %add3A_319, %select_n3A_323 : vector<16xi32>
      %broadcast_in_dim3A_325 = vector.shape_cast %max3A_19 : vector<16xi32> to vector<16x1xi32>
      %gather3A_326 = vector.shape_cast %broadcast_in_dim3A_325 : vector<16x1xi32> to vector<16xi32>
      %gather3A_327 = tpu.dynamic_gather %add3A_324[%gather3A_326] in [0] : vector<16xi32>, vector<16xi32> -> vector<16xi32>
      %select_n3A_328 = arith.select %ge3A_31, %gather3A_327, %broadcast_in_dim3A_3 : vector<16xi1>, vector<16xi32>
      %add3A_329 = arith.addi %add3A_324, %select_n3A_328 : vector<16xi32>
      %broadcast_in_dim3A_330 = vector.shape_cast %max3A_23 : vector<16xi32> to vector<16x1xi32>
      %gather3A_331 = vector.shape_cast %broadcast_in_dim3A_330 : vector<16x1xi32> to vector<16xi32>
      %gather3A_332 = tpu.dynamic_gather %add3A_329[%gather3A_331] in [0] : vector<16xi32>, vector<16xi32> -> vector<16xi32>
      %select_n3A_333 = arith.select %ge3A_34, %gather3A_332, %broadcast_in_dim3A_3 : vector<16xi1>, vector<16xi32>
      %add3A_334 = arith.addi %add3A_329, %select_n3A_333 : vector<16xi32>
      %add3A_335 = arith.addi %add3A_334, %add3A_309 : vector<16xi32>
      %mul3A_336 = arith.muli %add3A_335, %select_n3A_314 : vector<16xi32>
      %convert_element_type3A_337 = arith.sitofp %mul3A_336 : vector<16xi32> to vector<16xf32>
      %swap3A_338 = arith.constant 96 : index
      %swap3A_339 = tpu.vector_load %arg6[%swap3A_338] {strides = array<i32>} : memref<808xf32, #tpu.memory_space<vmem>>, vector<16xf32>,
      %swap3A_340 = vector.shape_cast %swap3A_339 : vector<16xf32> to vector<16xf32>
      %swap3A_341 = vector.shape_cast %convert_element_type3A_337 : vector<16xf32> to vector<16xf32>
      tpu.vector_store %arg6[%swap3A_338], %swap3A_341 {strides = array<i32>} : memref<808xf32, #tpu.memory_space<vmem>>, vector<16xf32>,
      %broadcast_in_dim3A_342 = vector.shape_cast %broadcast_in_dim3A_36 : vector<16xi32> to vector<16x1xi32>
      %gather3A_343 = vector.shape_cast %broadcast_in_dim3A_342 : vector<16x1xi32> to vector<16xi32>
      %gather3A_344 = tpu.dynamic_gather %add3A_334[%gather3A_343] in [0] : vector<16xi32>, vector<16xi32> -> vector<16xi32>
      %add3A_345 = arith.addi %add3A_309, %gather3A_344 : vector<16xi32>
      %get3A_346 = arith.constant 112 : index
      %get3A_347 = tpu.vector_load %arg4[%get3A_346] {strides = array<i32>} : memref<808xf32, #tpu.memory_space<vmem>>, vector<16xf32>,
      %get3A_348 = vector.shape_cast %get3A_347 : vector<16xf32> to vector<16xf32>
      %ne3A_349 = arith.cmpf one, %get3A_348, %broadcast_in_dim3A_5 : vector<16xf32>
      %select_n3A_350 = arith.select %ne3A_349, %broadcast_in_dim3A_7, %broadcast_in_dim3A_3 : vector<16xi1>, vector<16xi32>
      %broadcast_in_dim3A_351 = vector.shape_cast %max3A : vector<16xi32> to vector<16x1xi32>
      %gather3A_352 = vector.shape_cast %broadcast_in_dim3A_351 : vector<16x1xi32> to vector<16xi32>
      %gather3A_353 = tpu.dynamic_gather %select_n3A_350[%gather3A_352] in [0] : vector<16xi32>, vector<16xi32> -> vector<16xi32>
      %select_n3A_354 = arith.select %ge3A, %gather3A_353, %broadcast_in_dim3A_3 : vector<16xi1>, vector<16xi32>
      %add3A_355 = arith.addi %select_n3A_350, %select_n3A_354 : vector<16xi32>
      %broadcast_in_dim3A_356 = vector.shape_cast %max3A_15 : vector<16xi32> to vector<16x1xi32>
      %gather3A_357 = vector.shape_cast %broadcast_in_dim3A_356 : vector<16x1xi32> to vector<16xi32>
      %gather3A_358 = tpu.dynamic_gather %add3A_355[%gather3A_357] in [0] : vector<16xi32>, vector<16xi32> -> vector<16xi32>
      %select_n3A_359 = arith.select %ge3A_28, %gather3A_358, %broadcast_in_dim3A_3 : vector<16xi1>, vector<16xi32>
      %add3A_360 = arith.addi %add3A_355, %select_n3A_359 : vector<16xi32>
      %broadcast_in_dim3A_361 = vector.shape_cast %max3A_19 : vector<16xi32> to vector<16x1xi32>
      %gather3A_362 = vector.shape_cast %broadcast_in_dim3A_361 : vector<16x1xi32> to vector<16xi32>
      %gather3A_363 = tpu.dynamic_gather %add3A_360[%gather3A_362] in [0] : vector<16xi32>, vector<16xi32> -> vector<16xi32>
      %select_n3A_364 = arith.select %ge3A_31, %gather3A_363, %broadcast_in_dim3A_3 : vector<16xi1>, vector<16xi32>
      %add3A_365 = arith.addi %add3A_360, %select_n3A_364 : vector<16xi32>
      %broadcast_in_dim3A_366 = vector.shape_cast %max3A_23 : vector<16xi32> to vector<16x1xi32>
      %gather3A_367 = vector.shape_cast %broadcast_in_dim3A_366 : vector<16x1xi32> to vector<16xi32>
      %gather3A_368 = tpu.dynamic_gather %add3A_365[%gather3A_367] in [0] : vector<16xi32>, vector<16xi32> -> vector<16xi32>
      %select_n3A_369 = arith.select %ge3A_34, %gather3A_368, %broadcast_in_dim3A_3 : vector<16xi1>, vector<16xi32>
      %add3A_370 = arith.addi %add3A_365, %select_n3A_369 : vector<16xi32>
      %add3A_371 = arith.addi %add3A_370, %add3A_345 : vector<16xi32>
      %mul3A_372 = arith.muli %add3A_371, %select_n3A_350 : vector<16xi32>
      %convert_element_type3A_373 = arith.sitofp %mul3A_372 : vector<16xi32> to vector<16xf32>
      %swap3A_374 = arith.constant 112 : index
      %swap3A_375 = tpu.vector_load %arg6[%swap3A_374] {strides = array<i32>} : memref<808xf32, #tpu.memory_space<vmem>>, vector<16xf32>,
      %swap3A_376 = vector.shape_cast %swap3A_375 : vector<16xf32> to vector<16xf32>
      %swap3A_377 = vector.shape_cast %convert_element_type3A_373 : vector<16xf32> to vector<16xf32>
      tpu.vector_store %arg6[%swap3A_374], %swap3A_377 {strides = array<i32>} : memref<808xf32, #tpu.memory_space<vmem>>, vector<16xf32>,
      %broadcast_in_dim3A_378 = vector.shape_cast %broadcast_in_dim3A_36 : vector<16xi32> to vector<16x1xi32>
      %gather3A_379 = vector.shape_cast %broadcast_in_dim3A_378 : vector<16x1xi32> to vector<16xi32>
      %gather3A_380 = tpu.dynamic_gather %add3A_370[%gather3A_379] in [0] : vector<16xi32>, vector<16xi32> -> vector<16xi32>
      %add3A_381 = arith.addi %add3A_345, %gather3A_380 : vector<16xi32>
      %get3A_382 = arith.constant 128 : index
      %get3A_383 = tpu.vector_load %arg4[%get3A_382] {strides = array<i32>} : memref<808xf32, #tpu.memory_space<vmem>>, vector<16xf32>,
      %get3A_384 = vector.shape_cast %get3A_383 : vector<16xf32> to vector<16xf32>
      %ne3A_385 = arith.cmpf one, %get3A_384, %broadcast_in_dim3A_5 : vector<16xf32>
      %select_n3A_386 = arith.select %ne3A_385, %broadcast_in_dim3A_7, %broadcast_in_dim3A_3 : vector<16xi1>, vector<16xi32>
      %broadcast_in_dim3A_387 = vector.shape_cast %max3A : vector<16xi32> to vector<16x1xi32>
      %gather3A_388 = vector.shape_cast %broadcast_in_dim3A_387 : vector<16x1xi32> to vector<16xi32>
      %gather3A_389 = tpu.dynamic_gather %select_n3A_386[%gather3A_388] in [0] : vector<16xi32>, vector<16xi32> -> vector<16xi32>
      %select_n3A_390 = arith.select %ge3A, %gather3A_389, %broadcast_in_dim3A_3 : vector<16xi1>, vector<16xi32>
      %add3A_391 = arith.addi %select_n3A_386, %select_n3A_390 : vector<16xi32>
      %broadcast_in_dim3A_392 = vector.shape_cast %max3A_15 : vector<16xi32> to vector<16x1xi32>
      %gather3A_393 = vector.shape_cast %broadcast_in_dim3A_392 : vector<16x1xi32> to vector<16xi32>
      %gather3A_394 = tpu.dynamic_gather %add3A_391[%gather3A_393] in [0] : vector<16xi32>, vector<16xi32> -> vector<16xi32>
      %select_n3A_395 = arith.select %ge3A_28, %gather3A_394, %broadcast_in_dim3A_3 : vector<16xi1>, vector<16xi32>
      %add3A_396 = arith.addi %add3A_391, %select_n3A_395 : vector<16xi32>
      %broadcast_in_dim3A_397 = vector.shape_cast %max3A_19 : vector<16xi32> to vector<16x1xi32>
      %gather3A_398 = vector.shape_cast %broadcast_in_dim3A_397 : vector<16x1xi32> to vector<16xi32>
      %gather3A_399 = tpu.dynamic_gather %add3A_396[%gather3A_398] in [0] : vector<16xi32>, vector<16xi32> -> vector<16xi32>
      %select_n3A_400 = arith.select %ge3A_31, %gather3A_399, %broadcast_in_dim3A_3 : vector<16xi1>, vector<16xi32>
      %add3A_401 = arith.addi %add3A_396, %select_n3A_400 : vector<16xi32>
      %broadcast_in_dim3A_402 = vector.shape_cast %max3A_23 : vector<16xi32> to vector<16x1xi32>
      %gather3A_403 = vector.shape_cast %broadcast_in_dim3A_402 : vector<16x1xi32> to vector<16xi32>
      %gather3A_404 = tpu.dynamic_gather %add3A_401[%gather3A_403] in [0] : vector<16xi32>, vector<16xi32> -> vector<16xi32>
      %select_n3A_405 = arith.select %ge3A_34, %gather3A_404, %broadcast_in_dim3A_3 : vector<16xi1>, vector<16xi32>
      %add3A_406 = arith.addi %add3A_401, %select_n3A_405 : vector<16xi32>
      %add3A_407 = arith.addi %add3A_406, %add3A_381 : vector<16xi32>
      %mul3A_408 = arith.muli %add3A_407, %select_n3A_386 : vector<16xi32>
      %convert_element_type3A_409 = arith.sitofp %mul3A_408 : vector<16xi32> to vector<16xf32>
      %swap3A_410 = arith.constant 128 : index
      %swap3A_411 = tpu.vector_load %arg6[%swap3A_410] {strides = array<i32>} : memref<808xf32, #tpu.memory_space<vmem>>, vector<16xf32>,
      %swap3A_412 = vector.shape_cast %swap3A_411 : vector<16xf32> to vector<16xf32>
      %swap3A_413 = vector.shape_cast %convert_element_type3A_409 : vector<16xf32> to vector<16xf32>
      tpu.vector_store %arg6[%swap3A_410], %swap3A_413 {strides = array<i32>} : memref<808xf32, #tpu.memory_space<vmem>>, vector<16xf32>,
      %broadcast_in_dim3A_414 = vector.shape_cast %broadcast_in_dim3A_36 : vector<16xi32> to vector<16x1xi32>
      %gather3A_415 = vector.shape_cast %broadcast_in_dim3A_414 : vector<16x1xi32> to vector<16xi32>
      %gather3A_416 = tpu.dynamic_gather %add3A_406[%gather3A_415] in [0] : vector<16xi32>, vector<16xi32> -> vector<16xi32>
      %add3A_417 = arith.addi %add3A_381, %gather3A_416 : vector<16xi32>
      %get3A_418 = arith.constant 144 : index
      %get3A_419 = tpu.vector_load %arg4[%get3A_418] {strides = array<i32>} : memref<808xf32, #tpu.memory_space<vmem>>, vector<16xf32>,
      %get3A_420 = vector.shape_cast %get3A_419 : vector<16xf32> to vector<16xf32>
      %ne3A_421 = arith.cmpf one, %get3A_420, %broadcast_in_dim3A_5 : vector<16xf32>
      %select_n3A_422 = arith.select %ne3A_421, %broadcast_in_dim3A_7, %broadcast_in_dim3A_3 : vector<16xi1>, vector<16xi32>
      %broadcast_in_dim3A_423 = vector.shape_cast %max3A : vector<16xi32> to vector<16x1xi32>
      %gather3A_424 = vector.shape_cast %broadcast_in_dim3A_423 : vector<16x1xi32> to vector<16xi32>
      %gather3A_425 = tpu.dynamic_gather %select_n3A_422[%gather3A_424] in [0] : vector<16xi32>, vector<16xi32> -> vector<16xi32>
      %select_n3A_426 = arith.select %ge3A, %gather3A_425, %broadcast_in_dim3A_3 : vector<16xi1>, vector<16xi32>
      %add3A_427 = arith.addi %select_n3A_422, %select_n3A_426 : vector<16xi32>
      %broadcast_in_dim3A_428 = vector.shape_cast %max3A_15 : vector<16xi32> to vector<16x1xi32>
      %gather3A_429 = vector.shape_cast %broadcast_in_dim3A_428 : vector<16x1xi32> to vector<16xi32>
      %gather3A_430 = tpu.dynamic_gather %add3A_427[%gather3A_429] in [0] : vector<16xi32>, vector<16xi32> -> vector<16xi32>
      %select_n3A_431 = arith.select %ge3A_28, %gather3A_430, %broadcast_in_dim3A_3 : vector<16xi1>, vector<16xi32>
      %add3A_432 = arith.addi %add3A_427, %select_n3A_431 : vector<16xi32>
      %broadcast_in_dim3A_433 = vector.shape_cast %max3A_19 : vector<16xi32> to vector<16x1xi32>
      %gather3A_434 = vector.shape_cast %broadcast_in_dim3A_433 : vector<16x1xi32> to vector<16xi32>
      %gather3A_435 = tpu.dynamic_gather %add3A_432[%gather3A_434] in [0] : vector<16xi32>, vector<16xi32> -> vector<16xi32>
      %select_n3A_436 = arith.select %ge3A_31, %gather3A_435, %broadcast_in_dim3A_3 : vector<16xi1>, vector<16xi32>
      %add3A_437 = arith.addi %add3A_432, %select_n3A_436 : vector<16xi32>
      %broadcast_in_dim3A_438 = vector.shape_cast %max3A_23 : vector<16xi32> to vector<16x1xi32>
      %gather3A_439 = vector.shape_cast %broadcast_in_dim3A_438 : vector<16x1xi32> to vector<16xi32>
      %gather3A_440 = tpu.dynamic_gather %add3A_437[%gather3A_439] in [0] : vector<16xi32>, vector<16xi32> -> vector<16xi32>
      %select_n3A_441 = arith.select %ge3A_34, %gather3A_440, %broadcast_in_dim3A_3 : vector<16xi1>, vector<16xi32>
      %add3A_442 = arith.addi %add3A_437, %select_n3A_441 : vector<16xi32>
      %add3A_443 = arith.addi %add3A_442, %add3A_417 : vector<16xi32>
      %mul3A_444 = arith.muli %add3A_443, %select_n3A_422 : vector<16xi32>
      %convert_element_type3A_445 = arith.sitofp %mul3A_444 : vector<16xi32> to vector<16xf32>
      %swap3A_446 = arith.constant 144 : index
      %swap3A_447 = tpu.vector_load %arg6[%swap3A_446] {strides = array<i32>} : memref<808xf32, #tpu.memory_space<vmem>>, vector<16xf32>,
      %swap3A_448 = vector.shape_cast %swap3A_447 : vector<16xf32> to vector<16xf32>
      %swap3A_449 = vector.shape_cast %convert_element_type3A_445 : vector<16xf32> to vector<16xf32>
      tpu.vector_store %arg6[%swap3A_446], %swap3A_449 {strides = array<i32>} : memref<808xf32, #tpu.memory_space<vmem>>, vector<16xf32>,
      %broadcast_in_dim3A_450 = vector.shape_cast %broadcast_in_dim3A_36 : vector<16xi32> to vector<16x1xi32>
      %gather3A_451 = vector.shape_cast %broadcast_in_dim3A_450 : vector<16x1xi32> to vector<16xi32>
      %gather3A_452 = tpu.dynamic_gather %add3A_442[%gather3A_451] in [0] : vector<16xi32>, vector<16xi32> -> vector<16xi32>
      %add3A_453 = arith.addi %add3A_417, %gather3A_452 : vector<16xi32>
      %get3A_454 = arith.constant 160 : index
      %get3A_455 = tpu.vector_load %arg4[%get3A_454] {strides = array<i32>} : memref<808xf32, #tpu.memory_space<vmem>>, vector<16xf32>,
      %get3A_456 = vector.shape_cast %get3A_455 : vector<16xf32> to vector<16xf32>
      %ne3A_457 = arith.cmpf one, %get3A_456, %broadcast_in_dim3A_5 : vector<16xf32>
      %select_n3A_458 = arith.select %ne3A_457, %broadcast_in_dim3A_7, %broadcast_in_dim3A_3 : vector<16xi1>, vector<16xi32>
      %broadcast_in_dim3A_459 = vector.shape_cast %max3A : vector<16xi32> to vector<16x1xi32>
      %gather3A_460 = vector.shape_cast %broadcast_in_dim3A_459 : vector<16x1xi32> to vector<16xi32>
      %gather3A_461 = tpu.dynamic_gather %select_n3A_458[%gather3A_460] in [0] : vector<16xi32>, vector<16xi32> -> vector<16xi32>
      %select_n3A_462 = arith.select %ge3A, %gather3A_461, %broadcast_in_dim3A_3 : vector<16xi1>, vector<16xi32>
      %add3A_463 = arith.addi %select_n3A_458, %select_n3A_462 : vector<16xi32>
      %broadcast_in_dim3A_464 = vector.shape_cast %max3A_15 : vector<16xi32> to vector<16x1xi32>
      %gather3A_465 = vector.shape_cast %broadcast_in_dim3A_464 : vector<16x1xi32> to vector<16xi32>
      %gather3A_466 = tpu.dynamic_gather %add3A_463[%gather3A_465] in [0] : vector<16xi32>, vector<16xi32> -> vector<16xi32>
      %select_n3A_467 = arith.select %ge3A_28, %gather3A_466, %broadcast_in_dim3A_3 : vector<16xi1>, vector<16xi32>
      %add3A_468 = arith.addi %add3A_463, %select_n3A_467 : vector<16xi32>
      %broadcast_in_dim3A_469 = vector.shape_cast %max3A_19 : vector<16xi32> to vector<16x1xi32>
      %gather3A_470 = vector.shape_cast %broadcast_in_dim3A_469 : vector<16x1xi32> to vector<16xi32>
      %gather3A_471 = tpu.dynamic_gather %add3A_468[%gather3A_470] in [0] : vector<16xi32>, vector<16xi32> -> vector<16xi32>
      %select_n3A_472 = arith.select %ge3A_31, %gather3A_471, %broadcast_in_dim3A_3 : vector<16xi1>, vector<16xi32>
      %add3A_473 = arith.addi %add3A_468, %select_n3A_472 : vector<16xi32>
      %broadcast_in_dim3A_474 = vector.shape_cast %max3A_23 : vector<16xi32> to vector<16x1xi32>
      %gather3A_475 = vector.shape_cast %broadcast_in_dim3A_474 : vector<16x1xi32> to vector<16xi32>
      %gather3A_476 = tpu.dynamic_gather %add3A_473[%gather3A_475] in [0] : vector<16xi32>, vector<16xi32> -> vector<16xi32>
      %select_n3A_477 = arith.select %ge3A_34, %gather3A_476, %broadcast_in_dim3A_3 : vector<16xi1>, vector<16xi32>
      %add3A_478 = arith.addi %add3A_473, %select_n3A_477 : vector<16xi32>
      %add3A_479 = arith.addi %add3A_478, %add3A_453 : vector<16xi32>
      %mul3A_480 = arith.muli %add3A_479, %select_n3A_458 : vector<16xi32>
      %convert_element_type3A_481 = arith.sitofp %mul3A_480 : vector<16xi32> to vector<16xf32>
      %swap3A_482 = arith.constant 160 : index
      %swap3A_483 = tpu.vector_load %arg6[%swap3A_482] {strides = array<i32>} : memref<808xf32, #tpu.memory_space<vmem>>, vector<16xf32>,
      %swap3A_484 = vector.shape_cast %swap3A_483 : vector<16xf32> to vector<16xf32>
      %swap3A_485 = vector.shape_cast %convert_element_type3A_481 : vector<16xf32> to vector<16xf32>
      tpu.vector_store %arg6[%swap3A_482], %swap3A_485 {strides = array<i32>} : memref<808xf32, #tpu.memory_space<vmem>>, vector<16xf32>,
      %broadcast_in_dim3A_486 = vector.shape_cast %broadcast_in_dim3A_36 : vector<16xi32> to vector<16x1xi32>
      %gather3A_487 = vector.shape_cast %broadcast_in_dim3A_486 : vector<16x1xi32> to vector<16xi32>
      %gather3A_488 = tpu.dynamic_gather %add3A_478[%gather3A_487] in [0] : vector<16xi32>, vector<16xi32> -> vector<16xi32>
      %add3A_489 = arith.addi %add3A_453, %gather3A_488 : vector<16xi32>
      %get3A_490 = arith.constant 176 : index
      %get3A_491 = tpu.vector_load %arg4[%get3A_490] {strides = array<i32>} : memref<808xf32, #tpu.memory_space<vmem>>, vector<16xf32>,
      %get3A_492 = vector.shape_cast %get3A_491 : vector<16xf32> to vector<16xf32>
      %ne3A_493 = arith.cmpf one, %get3A_492, %broadcast_in_dim3A_5 : vector<16xf32>
      %select_n3A_494 = arith.select %ne3A_493, %broadcast_in_dim3A_7, %broadcast_in_dim3A_3 : vector<16xi1>, vector<16xi32>
      %broadcast_in_dim3A_495 = vector.shape_cast %max3A : vector<16xi32> to vector<16x1xi32>
      %gather3A_496 = vector.shape_cast %broadcast_in_dim3A_495 : vector<16x1xi32> to vector<16xi32>
      %gather3A_497 = tpu.dynamic_gather %select_n3A_494[%gather3A_496] in [0] : vector<16xi32>, vector<16xi32> -> vector<16xi32>
      %select_n3A_498 = arith.select %ge3A, %gather3A_497, %broadcast_in_dim3A_3 : vector<16xi1>, vector<16xi32>
      %add3A_499 = arith.addi %select_n3A_494, %select_n3A_498 : vector<16xi32>
      %broadcast_in_dim3A_500 = vector.shape_cast %max3A_15 : vector<16xi32> to vector<16x1xi32>
      %gather3A_501 = vector.shape_cast %broadcast_in_dim3A_500 : vector<16x1xi32> to vector<16xi32>
      %gather3A_502 = tpu.dynamic_gather %add3A_499[%gather3A_501] in [0] : vector<16xi32>, vector<16xi32> -> vector<16xi32>
      %select_n3A_503 = arith.select %ge3A_28, %gather3A_502, %broadcast_in_dim3A_3 : vector<16xi1>, vector<16xi32>
      %add3A_504 = arith.addi %add3A_499, %select_n3A_503 : vector<16xi32>
      %broadcast_in_dim3A_505 = vector.shape_cast %max3A_19 : vector<16xi32> to vector<16x1xi32>
      %gather3A_506 = vector.shape_cast %broadcast_in_dim3A_505 : vector<16x1xi32> to vector<16xi32>
      %gather3A_507 = tpu.dynamic_gather %add3A_504[%gather3A_506] in [0] : vector<16xi32>, vector<16xi32> -> vector<16xi32>
      %select_n3A_508 = arith.select %ge3A_31, %gather3A_507, %broadcast_in_dim3A_3 : vector<16xi1>, vector<16xi32>
      %add3A_509 = arith.addi %add3A_504, %select_n3A_508 : vector<16xi32>
      %broadcast_in_dim3A_510 = vector.shape_cast %max3A_23 : vector<16xi32> to vector<16x1xi32>
      %gather3A_511 = vector.shape_cast %broadcast_in_dim3A_510 : vector<16x1xi32> to vector<16xi32>
      %gather3A_512 = tpu.dynamic_gather %add3A_509[%gather3A_511] in [0] : vector<16xi32>, vector<16xi32> -> vector<16xi32>
      %select_n3A_513 = arith.select %ge3A_34, %gather3A_512, %broadcast_in_dim3A_3 : vector<16xi1>, vector<16xi32>
      %add3A_514 = arith.addi %add3A_509, %select_n3A_513 : vector<16xi32>
      %add3A_515 = arith.addi %add3A_514, %add3A_489 : vector<16xi32>
      %mul3A_516 = arith.muli %add3A_515, %select_n3A_494 : vector<16xi32>
      %convert_element_type3A_517 = arith.sitofp %mul3A_516 : vector<16xi32> to vector<16xf32>
      %swap3A_518 = arith.constant 176 : index
      %swap3A_519 = tpu.vector_load %arg6[%swap3A_518] {strides = array<i32>} : memref<808xf32, #tpu.memory_space<vmem>>, vector<16xf32>,
      %swap3A_520 = vector.shape_cast %swap3A_519 : vector<16xf32> to vector<16xf32>
      %swap3A_521 = vector.shape_cast %convert_element_type3A_517 : vector<16xf32> to vector<16xf32>
      tpu.vector_store %arg6[%swap3A_518], %swap3A_521 {strides = array<i32>} : memref<808xf32, #tpu.memory_space<vmem>>, vector<16xf32>,
      %broadcast_in_dim3A_522 = vector.shape_cast %broadcast_in_dim3A_36 : vector<16xi32> to vector<16x1xi32>
      %gather3A_523 = vector.shape_cast %broadcast_in_dim3A_522 : vector<16x1xi32> to vector<16xi32>
      %gather3A_524 = tpu.dynamic_gather %add3A_514[%gather3A_523] in [0] : vector<16xi32>, vector<16xi32> -> vector<16xi32>
      %add3A_525 = arith.addi %add3A_489, %gather3A_524 : vector<16xi32>
      %get3A_526 = arith.constant 192 : index
      %get3A_527 = tpu.vector_load %arg4[%get3A_526] {strides = array<i32>} : memref<808xf32, #tpu.memory_space<vmem>>, vector<16xf32>,
      %get3A_528 = vector.shape_cast %get3A_527 : vector<16xf32> to vector<16xf32>
      %ne3A_529 = arith.cmpf one, %get3A_528, %broadcast_in_dim3A_5 : vector<16xf32>
      %and3A = arith.andi %ne3A_529, %lt3A : vector<16xi1>
      %select_n3A_530 = arith.select %and3A, %broadcast_in_dim3A_7, %broadcast_in_dim3A_3 : vector<16xi1>, vector<16xi32>
      %broadcast_in_dim3A_531 = vector.shape_cast %max3A : vector<16xi32> to vector<16x1xi32>
      %gather3A_532 = vector.shape_cast %broadcast_in_dim3A_531 : vector<16x1xi32> to vector<16xi32>
      %gather3A_533 = tpu.dynamic_gather %select_n3A_530[%gather3A_532] in [0] : vector<16xi32>, vector<16xi32> -> vector<16xi32>
      %select_n3A_534 = arith.select %ge3A, %gather3A_533, %broadcast_in_dim3A_3 : vector<16xi1>, vector<16xi32>
      %add3A_535 = arith.addi %select_n3A_530, %select_n3A_534 : vector<16xi32>
      %broadcast_in_dim3A_536 = vector.shape_cast %max3A_15 : vector<16xi32> to vector<16x1xi32>
      %gather3A_537 = vector.shape_cast %broadcast_in_dim3A_536 : vector<16x1xi32> to vector<16xi32>
      %gather3A_538 = tpu.dynamic_gather %add3A_535[%gather3A_537] in [0] : vector<16xi32>, vector<16xi32> -> vector<16xi32>
      %select_n3A_539 = arith.select %ge3A_28, %gather3A_538, %broadcast_in_dim3A_3 : vector<16xi1>, vector<16xi32>
      %add3A_540 = arith.addi %add3A_535, %select_n3A_539 : vector<16xi32>
      %broadcast_in_dim3A_541 = vector.shape_cast %max3A_19 : vector<16xi32> to vector<16x1xi32>
      %gather3A_542 = vector.shape_cast %broadcast_in_dim3A_541 : vector<16x1xi32> to vector<16xi32>
      %gather3A_543 = tpu.dynamic_gather %add3A_540[%gather3A_542] in [0] : vector<16xi32>, vector<16xi32> -> vector<16xi32>
      %select_n3A_544 = arith.select %ge3A_31, %gather3A_543, %broadcast_in_dim3A_3 : vector<16xi1>, vector<16xi32>
      %add3A_545 = arith.addi %add3A_540, %select_n3A_544 : vector<16xi32>
      %broadcast_in_dim3A_546 = vector.shape_cast %max3A_23 : vector<16xi32> to vector<16x1xi32>
      %gather3A_547 = vector.shape_cast %broadcast_in_dim3A_546 : vector<16x1xi32> to vector<16xi32>
      %gather3A_548 = tpu.dynamic_gather %add3A_545[%gather3A_547] in [0] : vector<16xi32>, vector<16xi32> -> vector<16xi32>
      %select_n3A_549 = arith.select %ge3A_34, %gather3A_548, %broadcast_in_dim3A_3 : vector<16xi1>, vector<16xi32>
      %add3A_550 = arith.addi %add3A_545, %select_n3A_549 : vector<16xi32>
      %add3A_551 = arith.addi %add3A_550, %add3A_525 : vector<16xi32>
      %mul3A_552 = arith.muli %add3A_551, %select_n3A_530 : vector<16xi32>
      %convert_element_type3A_553 = arith.sitofp %mul3A_552 : vector<16xi32> to vector<16xf32>
      %swap3A_554 = arith.constant 192 : index
      %swap3A_555 = tpu.vector_load %arg6[%swap3A_554] {strides = array<i32>} : memref<808xf32, #tpu.memory_space<vmem>>, vector<16xf32>,
      %swap3A_556 = vector.shape_cast %swap3A_555 : vector<16xf32> to vector<16xf32>
      %swap3A_557 = vector.shape_cast %convert_element_type3A_553 : vector<16xf32> to vector<16xf32>
      tpu.vector_store %arg6[%swap3A_554], %swap3A_557 {strides = array<i32>} : memref<808xf32, #tpu.memory_space<vmem>>, vector<16xf32>,
      %broadcast_in_dim3A_558 = vector.shape_cast %broadcast_in_dim3A_36 : vector<16xi32> to vector<16x1xi32>
      %gather3A_559 = vector.shape_cast %broadcast_in_dim3A_558 : vector<16x1xi32> to vector<16xi32>
      %gather3A_560 = tpu.dynamic_gather %add3A_550[%gather3A_559] in [0] : vector<16xi32>, vector<16xi32> -> vector<16xi32>
      %add3A_561 = arith.addi %add3A_525, %gather3A_560 : vector<16xi32>
      %get3A_562 = arith.constant 200 : index
      %get3A_563 = tpu.vector_load %arg4[%get3A_562] {strides = array<i32>} : memref<808xf32, #tpu.memory_space<vmem>>, vector<16xf32>,
      %get3A_564 = vector.shape_cast %get3A_563 : vector<16xf32> to vector<16xf32>
      %ne3A_565 = arith.cmpf one, %get3A_564, %broadcast_in_dim3A_5 : vector<16xf32>
      %select_n3A_566 = arith.select %ne3A_565, %broadcast_in_dim3A_7, %broadcast_in_dim3A_3 : vector<16xi1>, vector<16xi32>
      %broadcast_in_dim3A_567 = vector.shape_cast %max3A : vector<16xi32> to vector<16x1xi32>
      %gather3A_568 = vector.shape_cast %broadcast_in_dim3A_567 : vector<16x1xi32> to vector<16xi32>
      %gather3A_569 = tpu.dynamic_gather %select_n3A_566[%gather3A_568] in [0] : vector<16xi32>, vector<16xi32> -> vector<16xi32>
      %select_n3A_570 = arith.select %ge3A, %gather3A_569, %broadcast_in_dim3A_3 : vector<16xi1>, vector<16xi32>
      %add3A_571 = arith.addi %select_n3A_566, %select_n3A_570 : vector<16xi32>
      %broadcast_in_dim3A_572 = vector.shape_cast %max3A_15 : vector<16xi32> to vector<16x1xi32>
      %gather3A_573 = vector.shape_cast %broadcast_in_dim3A_572 : vector<16x1xi32> to vector<16xi32>
      %gather3A_574 = tpu.dynamic_gather %add3A_571[%gather3A_573] in [0] : vector<16xi32>, vector<16xi32> -> vector<16xi32>
      %select_n3A_575 = arith.select %ge3A_28, %gather3A_574, %broadcast_in_dim3A_3 : vector<16xi1>, vector<16xi32>
      %add3A_576 = arith.addi %add3A_571, %select_n3A_575 : vector<16xi32>
      %broadcast_in_dim3A_577 = vector.shape_cast %max3A_19 : vector<16xi32> to vector<16x1xi32>
      %gather3A_578 = vector.shape_cast %broadcast_in_dim3A_577 : vector<16x1xi32> to vector<16xi32>
      %gather3A_579 = tpu.dynamic_gather %add3A_576[%gather3A_578] in [0] : vector<16xi32>, vector<16xi32> -> vector<16xi32>
      %select_n3A_580 = arith.select %ge3A_31, %gather3A_579, %broadcast_in_dim3A_3 : vector<16xi1>, vector<16xi32>
      %add3A_581 = arith.addi %add3A_576, %select_n3A_580 : vector<16xi32>
      %broadcast_in_dim3A_582 = vector.shape_cast %max3A_23 : vector<16xi32> to vector<16x1xi32>
      %gather3A_583 = vector.shape_cast %broadcast_in_dim3A_582 : vector<16x1xi32> to vector<16xi32>
      %gather3A_584 = tpu.dynamic_gather %add3A_581[%gather3A_583] in [0] : vector<16xi32>, vector<16xi32> -> vector<16xi32>
      %select_n3A_585 = arith.select %ge3A_34, %gather3A_584, %broadcast_in_dim3A_3 : vector<16xi1>, vector<16xi32>
      %add3A_586 = arith.addi %add3A_581, %select_n3A_585 : vector<16xi32>
      %add3A_587 = arith.addi %add3A_586, %broadcast_in_dim3A_3 : vector<16xi32>
      %mul3A_588 = arith.muli %add3A_587, %select_n3A_566 : vector<16xi32>
      %convert_element_type3A_589 = arith.sitofp %mul3A_588 : vector<16xi32> to vector<16xf32>
      %swap3A_590 = arith.constant 200 : index
      %swap3A_591 = tpu.vector_load %arg6[%swap3A_590] {strides = array<i32>} : memref<808xf32, #tpu.memory_space<vmem>>, vector<16xf32>,
      %swap3A_592 = vector.shape_cast %swap3A_591 : vector<16xf32> to vector<16xf32>
      %swap3A_593 = vector.shape_cast %convert_element_type3A_589 : vector<16xf32> to vector<16xf32>
      tpu.vector_store %arg6[%swap3A_590], %swap3A_593 {strides = array<i32>} : memref<808xf32, #tpu.memory_space<vmem>>, vector<16xf32>,
      %broadcast_in_dim3A_594 = vector.shape_cast %broadcast_in_dim3A_36 : vector<16xi32> to vector<16x1xi32>
      %gather3A_595 = vector.shape_cast %broadcast_in_dim3A_594 : vector<16x1xi32> to vector<16xi32>
      %gather3A_596 = tpu.dynamic_gather %add3A_586[%gather3A_595] in [0] : vector<16xi32>, vector<16xi32> -> vector<16xi32>
      %add3A_597 = arith.addi %broadcast_in_dim3A_3, %gather3A_596 : vector<16xi32>
      %get3A_598 = arith.constant 216 : index
      %get3A_599 = tpu.vector_load %arg4[%get3A_598] {strides = array<i32>} : memref<808xf32, #tpu.memory_space<vmem>>, vector<16xf32>,
      %get3A_600 = vector.shape_cast %get3A_599 : vector<16xf32> to vector<16xf32>
      %ne3A_601 = arith.cmpf one, %get3A_600, %broadcast_in_dim3A_5 : vector<16xf32>
      %select_n3A_602 = arith.select %ne3A_601, %broadcast_in_dim3A_7, %broadcast_in_dim3A_3 : vector<16xi1>, vector<16xi32>
      %broadcast_in_dim3A_603 = vector.shape_cast %max3A : vector<16xi32> to vector<16x1xi32>
      %gather3A_604 = vector.shape_cast %broadcast_in_dim3A_603 : vector<16x1xi32> to vector<16xi32>
      %gather3A_605 = tpu.dynamic_gather %select_n3A_602[%gather3A_604] in [0] : vector<16xi32>, vector<16xi32> -> vector<16xi32>
      %select_n3A_606 = arith.select %ge3A, %gather3A_605, %broadcast_in_dim3A_3 : vector<16xi1>, vector<16xi32>
      %add3A_607 = arith.addi %select_n3A_602, %select_n3A_606 : vector<16xi32>
      %broadcast_in_dim3A_608 = vector.shape_cast %max3A_15 : vector<16xi32> to vector<16x1xi32>
      %gather3A_609 = vector.shape_cast %broadcast_in_dim3A_608 : vector<16x1xi32> to vector<16xi32>
      %gather3A_610 = tpu.dynamic_gather %add3A_607[%gather3A_609] in [0] : vector<16xi32>, vector<16xi32> -> vector<16xi32>
      %select_n3A_611 = arith.select %ge3A_28, %gather3A_610, %broadcast_in_dim3A_3 : vector<16xi1>, vector<16xi32>
      %add3A_612 = arith.addi %add3A_607, %select_n3A_611 : vector<16xi32>
      %broadcast_in_dim3A_613 = vector.shape_cast %max3A_19 : vector<16xi32> to vector<16x1xi32>
      %gather3A_614 = vector.shape_cast %broadcast_in_dim3A_613 : vector<16x1xi32> to vector<16xi32>
      %gather3A_615 = tpu.dynamic_gather %add3A_612[%gather3A_614] in [0] : vector<16xi32>, vector<16xi32> -> vector<16xi32>
      %select_n3A_616 = arith.select %ge3A_31, %gather3A_615, %broadcast_in_dim3A_3 : vector<16xi1>, vector<16xi32>
      %add3A_617 = arith.addi %add3A_612, %select_n3A_616 : vector<16xi32>
      %broadcast_in_dim3A_618 = vector.shape_cast %max3A_23 : vector<16xi32> to vector<16x1xi32>
      %gather3A_619 = vector.shape_cast %broadcast_in_dim3A_618 : vector<16x1xi32> to vector<16xi32>
      %gather3A_620 = tpu.dynamic_gather %add3A_617[%gather3A_619] in [0] : vector<16xi32>, vector<16xi32> -> vector<16xi32>
      %select_n3A_621 = arith.select %ge3A_34, %gather3A_620, %broadcast_in_dim3A_3 : vector<16xi1>, vector<16xi32>
      %add3A_622 = arith.addi %add3A_617, %select_n3A_621 : vector<16xi32>
      %add3A_623 = arith.addi %add3A_622, %add3A_597 : vector<16xi32>
      %mul3A_624 = arith.muli %add3A_623, %select_n3A_602 : vector<16xi32>
      %convert_element_type3A_625 = arith.sitofp %mul3A_624 : vector<16xi32> to vector<16xf32>
      %swap3A_626 = arith.constant 216 : index
      %swap3A_627 = tpu.vector_load %arg6[%swap3A_626] {strides = array<i32>} : memref<808xf32, #tpu.memory_space<vmem>>, vector<16xf32>,
      %swap3A_628 = vector.shape_cast %swap3A_627 : vector<16xf32> to vector<16xf32>
      %swap3A_629 = vector.shape_cast %convert_element_type3A_625 : vector<16xf32> to vector<16xf32>
      tpu.vector_store %arg6[%swap3A_626], %swap3A_629 {strides = array<i32>} : memref<808xf32, #tpu.memory_space<vmem>>, vector<16xf32>,
      %broadcast_in_dim3A_630 = vector.shape_cast %broadcast_in_dim3A_36 : vector<16xi32> to vector<16x1xi32>
      %gather3A_631 = vector.shape_cast %broadcast_in_dim3A_630 : vector<16x1xi32> to vector<16xi32>
      %gather3A_632 = tpu.dynamic_gather %add3A_622[%gather3A_631] in [0] : vector<16xi32>, vector<16xi32> -> vector<16xi32>
      %add3A_633 = arith.addi %add3A_597, %gather3A_632 : vector<16xi32>
      %get3A_634 = arith.constant 232 : index
      %get3A_635 = tpu.vector_load %arg4[%get3A_634] {strides = array<i32>} : memref<808xf32, #tpu.memory_space<vmem>>, vector<16xf32>,
      %get3A_636 = vector.shape_cast %get3A_635 : vector<16xf32> to vector<16xf32>
      %ne3A_637 = arith.cmpf one, %get3A_636, %broadcast_in_dim3A_5 : vector<16xf32>
      %select_n3A_638 = arith.select %ne3A_637, %broadcast_in_dim3A_7, %broadcast_in_dim3A_3 : vector<16xi1>, vector<16xi32>
      %broadcast_in_dim3A_639 = vector.shape_cast %max3A : vector<16xi32> to vector<16x1xi32>
      %gather3A_640 = vector.shape_cast %broadcast_in_dim3A_639 : vector<16x1xi32> to vector<16xi32>
      %gather3A_641 = tpu.dynamic_gather %select_n3A_638[%gather3A_640] in [0] : vector<16xi32>, vector<16xi32> -> vector<16xi32>
      %select_n3A_642 = arith.select %ge3A, %gather3A_641, %broadcast_in_dim3A_3 : vector<16xi1>, vector<16xi32>
      %add3A_643 = arith.addi %select_n3A_638, %select_n3A_642 : vector<16xi32>
      %broadcast_in_dim3A_644 = vector.shape_cast %max3A_15 : vector<16xi32> to vector<16x1xi32>
      %gather3A_645 = vector.shape_cast %broadcast_in_dim3A_644 : vector<16x1xi32> to vector<16xi32>
      %gather3A_646 = tpu.dynamic_gather %add3A_643[%gather3A_645] in [0] : vector<16xi32>, vector<16xi32> -> vector<16xi32>
      %select_n3A_647 = arith.select %ge3A_28, %gather3A_646, %broadcast_in_dim3A_3 : vector<16xi1>, vector<16xi32>
      %add3A_648 = arith.addi %add3A_643, %select_n3A_647 : vector<16xi32>
      %broadcast_in_dim3A_649 = vector.shape_cast %max3A_19 : vector<16xi32> to vector<16x1xi32>
      %gather3A_650 = vector.shape_cast %broadcast_in_dim3A_649 : vector<16x1xi32> to vector<16xi32>
      %gather3A_651 = tpu.dynamic_gather %add3A_648[%gather3A_650] in [0] : vector<16xi32>, vector<16xi32> -> vector<16xi32>
      %select_n3A_652 = arith.select %ge3A_31, %gather3A_651, %broadcast_in_dim3A_3 : vector<16xi1>, vector<16xi32>
      %add3A_653 = arith.addi %add3A_648, %select_n3A_652 : vector<16xi32>
      %broadcast_in_dim3A_654 = vector.shape_cast %max3A_23 : vector<16xi32> to vector<16x1xi32>
      %gather3A_655 = vector.shape_cast %broadcast_in_dim3A_654 : vector<16x1xi32> to vector<16xi32>
      %gather3A_656 = tpu.dynamic_gather %add3A_653[%gather3A_655] in [0] : vector<16xi32>, vector<16xi32> -> vector<16xi32>
      %select_n3A_657 = arith.select %ge3A_34, %gather3A_656, %broadcast_in_dim3A_3 : vector<16xi1>, vector<16xi32>
      %add3A_658 = arith.addi %add3A_653, %select_n3A_657 : vector<16xi32>
      %add3A_659 = arith.addi %add3A_658, %add3A_633 : vector<16xi32>
      %mul3A_660 = arith.muli %add3A_659, %select_n3A_638 : vector<16xi32>
      %convert_element_type3A_661 = arith.sitofp %mul3A_660 : vector<16xi32> to vector<16xf32>
      %swap3A_662 = arith.constant 232 : index
      %swap3A_663 = tpu.vector_load %arg6[%swap3A_662] {strides = array<i32>} : memref<808xf32, #tpu.memory_space<vmem>>, vector<16xf32>,
      %swap3A_664 = vector.shape_cast %swap3A_663 : vector<16xf32> to vector<16xf32>
      %swap3A_665 = vector.shape_cast %convert_element_type3A_661 : vector<16xf32> to vector<16xf32>
      tpu.vector_store %arg6[%swap3A_662], %swap3A_665 {strides = array<i32>} : memref<808xf32, #tpu.memory_space<vmem>>, vector<16xf32>,
      %broadcast_in_dim3A_666 = vector.shape_cast %broadcast_in_dim3A_36 : vector<16xi32> to vector<16x1xi32>
      %gather3A_667 = vector.shape_cast %broadcast_in_dim3A_666 : vector<16x1xi32> to vector<16xi32>
      %gather3A_668 = tpu.dynamic_gather %add3A_658[%gather3A_667] in [0] : vector<16xi32>, vector<16xi32> -> vector<16xi32>
      %add3A_669 = arith.addi %add3A_633, %gather3A_668 : vector<16xi32>
      %get3A_670 = arith.constant 248 : index
      %get3A_671 = tpu.vector_load %arg4[%get3A_670] {strides = array<i32>} : memref<808xf32, #tpu.memory_space<vmem>>, vector<16xf32>,
      %get3A_672 = vector.shape_cast %get3A_671 : vector<16xf32> to vector<16xf32>
      %ne3A_673 = arith.cmpf one, %get3A_672, %broadcast_in_dim3A_5 : vector<16xf32>
      %select_n3A_674 = arith.select %ne3A_673, %broadcast_in_dim3A_7, %broadcast_in_dim3A_3 : vector<16xi1>, vector<16xi32>
      %broadcast_in_dim3A_675 = vector.shape_cast %max3A : vector<16xi32> to vector<16x1xi32>
      %gather3A_676 = vector.shape_cast %broadcast_in_dim3A_675 : vector<16x1xi32> to vector<16xi32>
      %gather3A_677 = tpu.dynamic_gather %select_n3A_674[%gather3A_676] in [0] : vector<16xi32>, vector<16xi32> -> vector<16xi32>
      %select_n3A_678 = arith.select %ge3A, %gather3A_677, %broadcast_in_dim3A_3 : vector<16xi1>, vector<16xi32>
      %add3A_679 = arith.addi %select_n3A_674, %select_n3A_678 : vector<16xi32>
      %broadcast_in_dim3A_680 = vector.shape_cast %max3A_15 : vector<16xi32> to vector<16x1xi32>
      %gather3A_681 = vector.shape_cast %broadcast_in_dim3A_680 : vector<16x1xi32> to vector<16xi32>
      %gather3A_682 = tpu.dynamic_gather %add3A_679[%gather3A_681] in [0] : vector<16xi32>, vector<16xi32> -> vector<16xi32>
      %select_n3A_683 = arith.select %ge3A_28, %gather3A_682, %broadcast_in_dim3A_3 : vector<16xi1>, vector<16xi32>
      %add3A_684 = arith.addi %add3A_679, %select_n3A_683 : vector<16xi32>
      %broadcast_in_dim3A_685 = vector.shape_cast %max3A_19 : vector<16xi32> to vector<16x1xi32>
      %gather3A_686 = vector.shape_cast %broadcast_in_dim3A_685 : vector<16x1xi32> to vector<16xi32>
      %gather3A_687 = tpu.dynamic_gather %add3A_684[%gather3A_686] in [0] : vector<16xi32>, vector<16xi32> -> vector<16xi32>
      %select_n3A_688 = arith.select %ge3A_31, %gather3A_687, %broadcast_in_dim3A_3 : vector<16xi1>, vector<16xi32>
      %add3A_689 = arith.addi %add3A_684, %select_n3A_688 : vector<16xi32>
      %broadcast_in_dim3A_690 = vector.shape_cast %max3A_23 : vector<16xi32> to vector<16x1xi32>
      %gather3A_691 = vector.shape_cast %broadcast_in_dim3A_690 : vector<16x1xi32> to vector<16xi32>
      %gather3A_692 = tpu.dynamic_gather %add3A_689[%gather3A_691] in [0] : vector<16xi32>, vector<16xi32> -> vector<16xi32>
      %select_n3A_693 = arith.select %ge3A_34, %gather3A_692, %broadcast_in_dim3A_3 : vector<16xi1>, vector<16xi32>
      %add3A_694 = arith.addi %add3A_689, %select_n3A_693 : vector<16xi32>
      %add3A_695 = arith.addi %add3A_694, %add3A_669 : vector<16xi32>
      %mul3A_696 = arith.muli %add3A_695, %select_n3A_674 : vector<16xi32>
      %convert_element_type3A_697 = arith.sitofp %mul3A_696 : vector<16xi32> to vector<16xf32>
      %swap3A_698 = arith.constant 248 : index
      %swap3A_699 = tpu.vector_load %arg6[%swap3A_698] {strides = array<i32>} : memref<808xf32, #tpu.memory_space<vmem>>, vector<16xf32>,
      %swap3A_700 = vector.shape_cast %swap3A_699 : vector<16xf32> to vector<16xf32>
      %swap3A_701 = vector.shape_cast %convert_element_type3A_697 : vector<16xf32> to vector<16xf32>
      tpu.vector_store %arg6[%swap3A_698], %swap3A_701 {strides = array<i32>} : memref<808xf32, #tpu.memory_space<vmem>>, vector<16xf32>,
      %broadcast_in_dim3A_702 = vector.shape_cast %broadcast_in_dim3A_36 : vector<16xi32> to vector<16x1xi32>
      %gather3A_703 = vector.shape_cast %broadcast_in_dim3A_702 : vector<16x1xi32> to vector<16xi32>
      %gather3A_704 = tpu.dynamic_gather %add3A_694[%gather3A_703] in [0] : vector<16xi32>, vector<16xi32> -> vector<16xi32>
      %add3A_705 = arith.addi %add3A_669, %gather3A_704 : vector<16xi32>
      %get3A_706 = arith.constant 264 : index
      %get3A_707 = tpu.vector_load %arg4[%get3A_706] {strides = array<i32>} : memref<808xf32, #tpu.memory_space<vmem>>, vector<16xf32>,
      %get3A_708 = vector.shape_cast %get3A_707 : vector<16xf32> to vector<16xf32>
      %ne3A_709 = arith.cmpf one, %get3A_708, %broadcast_in_dim3A_5 : vector<16xf32>
      %select_n3A_710 = arith.select %ne3A_709, %broadcast_in_dim3A_7, %broadcast_in_dim3A_3 : vector<16xi1>, vector<16xi32>
      %broadcast_in_dim3A_711 = vector.shape_cast %max3A : vector<16xi32> to vector<16x1xi32>
      %gather3A_712 = vector.shape_cast %broadcast_in_dim3A_711 : vector<16x1xi32> to vector<16xi32>
      %gather3A_713 = tpu.dynamic_gather %select_n3A_710[%gather3A_712] in [0] : vector<16xi32>, vector<16xi32> -> vector<16xi32>
      %select_n3A_714 = arith.select %ge3A, %gather3A_713, %broadcast_in_dim3A_3 : vector<16xi1>, vector<16xi32>
      %add3A_715 = arith.addi %select_n3A_710, %select_n3A_714 : vector<16xi32>
      %broadcast_in_dim3A_716 = vector.shape_cast %max3A_15 : vector<16xi32> to vector<16x1xi32>
      %gather3A_717 = vector.shape_cast %broadcast_in_dim3A_716 : vector<16x1xi32> to vector<16xi32>
      %gather3A_718 = tpu.dynamic_gather %add3A_715[%gather3A_717] in [0] : vector<16xi32>, vector<16xi32> -> vector<16xi32>
      %select_n3A_719 = arith.select %ge3A_28, %gather3A_718, %broadcast_in_dim3A_3 : vector<16xi1>, vector<16xi32>
      %add3A_720 = arith.addi %add3A_715, %select_n3A_719 : vector<16xi32>
      %broadcast_in_dim3A_721 = vector.shape_cast %max3A_19 : vector<16xi32> to vector<16x1xi32>
      %gather3A_722 = vector.shape_cast %broadcast_in_dim3A_721 : vector<16x1xi32> to vector<16xi32>
      %gather3A_723 = tpu.dynamic_gather %add3A_720[%gather3A_722] in [0] : vector<16xi32>, vector<16xi32> -> vector<16xi32>
      %select_n3A_724 = arith.select %ge3A_31, %gather3A_723, %broadcast_in_dim3A_3 : vector<16xi1>, vector<16xi32>
      %add3A_725 = arith.addi %add3A_720, %select_n3A_724 : vector<16xi32>
      %broadcast_in_dim3A_726 = vector.shape_cast %max3A_23 : vector<16xi32> to vector<16x1xi32>
      %gather3A_727 = vector.shape_cast %broadcast_in_dim3A_726 : vector<16x1xi32> to vector<16xi32>
      %gather3A_728 = tpu.dynamic_gather %add3A_725[%gather3A_727] in [0] : vector<16xi32>, vector<16xi32> -> vector<16xi32>
      %select_n3A_729 = arith.select %ge3A_34, %gather3A_728, %broadcast_in_dim3A_3 : vector<16xi1>, vector<16xi32>
      %add3A_730 = arith.addi %add3A_725, %select_n3A_729 : vector<16xi32>
      %add3A_731 = arith.addi %add3A_730, %add3A_705 : vector<16xi32>
      %mul3A_732 = arith.muli %add3A_731, %select_n3A_710 : vector<16xi32>
      %convert_element_type3A_733 = arith.sitofp %mul3A_732 : vector<16xi32> to vector<16xf32>
      %swap3A_734 = arith.constant 264 : index
      %swap3A_735 = tpu.vector_load %arg6[%swap3A_734] {strides = array<i32>} : memref<808xf32, #tpu.memory_space<vmem>>, vector<16xf32>,
      %swap3A_736 = vector.shape_cast %swap3A_735 : vector<16xf32> to vector<16xf32>
      %swap3A_737 = vector.shape_cast %convert_element_type3A_733 : vector<16xf32> to vector<16xf32>
      tpu.vector_store %arg6[%swap3A_734], %swap3A_737 {strides = array<i32>} : memref<808xf32, #tpu.memory_space<vmem>>, vector<16xf32>,
      %broadcast_in_dim3A_738 = vector.shape_cast %broadcast_in_dim3A_36 : vector<16xi32> to vector<16x1xi32>
      %gather3A_739 = vector.shape_cast %broadcast_in_dim3A_738 : vector<16x1xi32> to vector<16xi32>
      %gather3A_740 = tpu.dynamic_gather %add3A_730[%gather3A_739] in [0] : vector<16xi32>, vector<16xi32> -> vector<16xi32>
      %add3A_741 = arith.addi %add3A_705, %gather3A_740 : vector<16xi32>
      %get3A_742 = arith.constant 280 : index
      %get3A_743 = tpu.vector_load %arg4[%get3A_742] {strides = array<i32>} : memref<808xf32, #tpu.memory_space<vmem>>, vector<16xf32>,
      %get3A_744 = vector.shape_cast %get3A_743 : vector<16xf32> to vector<16xf32>
      %ne3A_745 = arith.cmpf one, %get3A_744, %broadcast_in_dim3A_5 : vector<16xf32>
      %select_n3A_746 = arith.select %ne3A_745, %broadcast_in_dim3A_7, %broadcast_in_dim3A_3 : vector<16xi1>, vector<16xi32>
      %broadcast_in_dim3A_747 = vector.shape_cast %max3A : vector<16xi32> to vector<16x1xi32>
      %gather3A_748 = vector.shape_cast %broadcast_in_dim3A_747 : vector<16x1xi32> to vector<16xi32>
      %gather3A_749 = tpu.dynamic_gather %select_n3A_746[%gather3A_748] in [0] : vector<16xi32>, vector<16xi32> -> vector<16xi32>
      %select_n3A_750 = arith.select %ge3A, %gather3A_749, %broadcast_in_dim3A_3 : vector<16xi1>, vector<16xi32>
      %add3A_751 = arith.addi %select_n3A_746, %select_n3A_750 : vector<16xi32>
      %broadcast_in_dim3A_752 = vector.shape_cast %max3A_15 : vector<16xi32> to vector<16x1xi32>
      %gather3A_753 = vector.shape_cast %broadcast_in_dim3A_752 : vector<16x1xi32> to vector<16xi32>
      %gather3A_754 = tpu.dynamic_gather %add3A_751[%gather3A_753] in [0] : vector<16xi32>, vector<16xi32> -> vector<16xi32>
      %select_n3A_755 = arith.select %ge3A_28, %gather3A_754, %broadcast_in_dim3A_3 : vector<16xi1>, vector<16xi32>
      %add3A_756 = arith.addi %add3A_751, %select_n3A_755 : vector<16xi32>
      %broadcast_in_dim3A_757 = vector.shape_cast %max3A_19 : vector<16xi32> to vector<16x1xi32>
      %gather3A_758 = vector.shape_cast %broadcast_in_dim3A_757 : vector<16x1xi32> to vector<16xi32>
      %gather3A_759 = tpu.dynamic_gather %add3A_756[%gather3A_758] in [0] : vector<16xi32>, vector<16xi32> -> vector<16xi32>
      %select_n3A_760 = arith.select %ge3A_31, %gather3A_759, %broadcast_in_dim3A_3 : vector<16xi1>, vector<16xi32>
      %add3A_761 = arith.addi %add3A_756, %select_n3A_760 : vector<16xi32>
      %broadcast_in_dim3A_762 = vector.shape_cast %max3A_23 : vector<16xi32> to vector<16x1xi32>
      %gather3A_763 = vector.shape_cast %broadcast_in_dim3A_762 : vector<16x1xi32> to vector<16xi32>
      %gather3A_764 = tpu.dynamic_gather %add3A_761[%gather3A_763] in [0] : vector<16xi32>, vector<16xi32> -> vector<16xi32>
      %select_n3A_765 = arith.select %ge3A_34, %gather3A_764, %broadcast_in_dim3A_3 : vector<16xi1>, vector<16xi32>
      %add3A_766 = arith.addi %add3A_761, %select_n3A_765 : vector<16xi32>
      %add3A_767 = arith.addi %add3A_766, %add3A_741 : vector<16xi32>
      %mul3A_768 = arith.muli %add3A_767, %select_n3A_746 : vector<16xi32>
      %convert_element_type3A_769 = arith.sitofp %mul3A_768 : vector<16xi32> to vector<16xf32>
      %swap3A_770 = arith.constant 280 : index
      %swap3A_771 = tpu.vector_load %arg6[%swap3A_770] {strides = array<i32>} : memref<808xf32, #tpu.memory_space<vmem>>, vector<16xf32>,
      %swap3A_772 = vector.shape_cast %swap3A_771 : vector<16xf32> to vector<16xf32>
      %swap3A_773 = vector.shape_cast %convert_element_type3A_769 : vector<16xf32> to vector<16xf32>
      tpu.vector_store %arg6[%swap3A_770], %swap3A_773 {strides = array<i32>} : memref<808xf32, #tpu.memory_space<vmem>>, vector<16xf32>,
      %broadcast_in_dim3A_774 = vector.shape_cast %broadcast_in_dim3A_36 : vector<16xi32> to vector<16x1xi32>
      %gather3A_775 = vector.shape_cast %broadcast_in_dim3A_774 : vector<16x1xi32> to vector<16xi32>
      %gather3A_776 = tpu.dynamic_gather %add3A_766[%gather3A_775] in [0] : vector<16xi32>, vector<16xi32> -> vector<16xi32>
      %add3A_777 = arith.addi %add3A_741, %gather3A_776 : vector<16xi32>
      %get3A_778 = arith.constant 296 : index
      %get3A_779 = tpu.vector_load %arg4[%get3A_778] {strides = array<i32>} : memref<808xf32, #tpu.memory_space<vmem>>, vector<16xf32>,
      %get3A_780 = vector.shape_cast %get3A_779 : vector<16xf32> to vector<16xf32>
      %ne3A_781 = arith.cmpf one, %get3A_780, %broadcast_in_dim3A_5 : vector<16xf32>
      %select_n3A_782 = arith.select %ne3A_781, %broadcast_in_dim3A_7, %broadcast_in_dim3A_3 : vector<16xi1>, vector<16xi32>
      %broadcast_in_dim3A_783 = vector.shape_cast %max3A : vector<16xi32> to vector<16x1xi32>
      %gather3A_784 = vector.shape_cast %broadcast_in_dim3A_783 : vector<16x1xi32> to vector<16xi32>
      %gather3A_785 = tpu.dynamic_gather %select_n3A_782[%gather3A_784] in [0] : vector<16xi32>, vector<16xi32> -> vector<16xi32>
      %select_n3A_786 = arith.select %ge3A, %gather3A_785, %broadcast_in_dim3A_3 : vector<16xi1>, vector<16xi32>
      %add3A_787 = arith.addi %select_n3A_782, %select_n3A_786 : vector<16xi32>
      %broadcast_in_dim3A_788 = vector.shape_cast %max3A_15 : vector<16xi32> to vector<16x1xi32>
      %gather3A_789 = vector.shape_cast %broadcast_in_dim3A_788 : vector<16x1xi32> to vector<16xi32>
      %gather3A_790 = tpu.dynamic_gather %add3A_787[%gather3A_789] in [0] : vector<16xi32>, vector<16xi32> -> vector<16xi32>
      %select_n3A_791 = arith.select %ge3A_28, %gather3A_790, %broadcast_in_dim3A_3 : vector<16xi1>, vector<16xi32>
      %add3A_792 = arith.addi %add3A_787, %select_n3A_791 : vector<16xi32>
      %broadcast_in_dim3A_793 = vector.shape_cast %max3A_19 : vector<16xi32> to vector<16x1xi32>
      %gather3A_794 = vector.shape_cast %broadcast_in_dim3A_793 : vector<16x1xi32> to vector<16xi32>
      %gather3A_795 = tpu.dynamic_gather %add3A_792[%gather3A_794] in [0] : vector<16xi32>, vector<16xi32> -> vector<16xi32>
      %select_n3A_796 = arith.select %ge3A_31, %gather3A_795, %broadcast_in_dim3A_3 : vector<16xi1>, vector<16xi32>
      %add3A_797 = arith.addi %add3A_792, %select_n3A_796 : vector<16xi32>
      %broadcast_in_dim3A_798 = vector.shape_cast %max3A_23 : vector<16xi32> to vector<16x1xi32>
      %gather3A_799 = vector.shape_cast %broadcast_in_dim3A_798 : vector<16x1xi32> to vector<16xi32>
      %gather3A_800 = tpu.dynamic_gather %add3A_797[%gather3A_799] in [0] : vector<16xi32>, vector<16xi32> -> vector<16xi32>
      %select_n3A_801 = arith.select %ge3A_34, %gather3A_800, %broadcast_in_dim3A_3 : vector<16xi1>, vector<16xi32>
      %add3A_802 = arith.addi %add3A_797, %select_n3A_801 : vector<16xi32>
      %add3A_803 = arith.addi %add3A_802, %add3A_777 : vector<16xi32>
      %mul3A_804 = arith.muli %add3A_803, %select_n3A_782 : vector<16xi32>
      %convert_element_type3A_805 = arith.sitofp %mul3A_804 : vector<16xi32> to vector<16xf32>
      %swap3A_806 = arith.constant 296 : index
      %swap3A_807 = tpu.vector_load %arg6[%swap3A_806] {strides = array<i32>} : memref<808xf32, #tpu.memory_space<vmem>>, vector<16xf32>,
      %swap3A_808 = vector.shape_cast %swap3A_807 : vector<16xf32> to vector<16xf32>
      %swap3A_809 = vector.shape_cast %convert_element_type3A_805 : vector<16xf32> to vector<16xf32>
      tpu.vector_store %arg6[%swap3A_806], %swap3A_809 {strides = array<i32>} : memref<808xf32, #tpu.memory_space<vmem>>, vector<16xf32>,
      %broadcast_in_dim3A_810 = vector.shape_cast %broadcast_in_dim3A_36 : vector<16xi32> to vector<16x1xi32>
      %gather3A_811 = vector.shape_cast %broadcast_in_dim3A_810 : vector<16x1xi32> to vector<16xi32>
      %gather3A_812 = tpu.dynamic_gather %add3A_802[%gather3A_811] in [0] : vector<16xi32>, vector<16xi32> -> vector<16xi32>
      %add3A_813 = arith.addi %add3A_777, %gather3A_812 : vector<16xi32>
      %get3A_814 = arith.constant 312 : index
      %get3A_815 = tpu.vector_load %arg4[%get3A_814] {strides = array<i32>} : memref<808xf32, #tpu.memory_space<vmem>>, vector<16xf32>,
      %get3A_816 = vector.shape_cast %get3A_815 : vector<16xf32> to vector<16xf32>
      %ne3A_817 = arith.cmpf one, %get3A_816, %broadcast_in_dim3A_5 : vector<16xf32>
      %select_n3A_818 = arith.select %ne3A_817, %broadcast_in_dim3A_7, %broadcast_in_dim3A_3 : vector<16xi1>, vector<16xi32>
      %broadcast_in_dim3A_819 = vector.shape_cast %max3A : vector<16xi32> to vector<16x1xi32>
      %gather3A_820 = vector.shape_cast %broadcast_in_dim3A_819 : vector<16x1xi32> to vector<16xi32>
      %gather3A_821 = tpu.dynamic_gather %select_n3A_818[%gather3A_820] in [0] : vector<16xi32>, vector<16xi32> -> vector<16xi32>
      %select_n3A_822 = arith.select %ge3A, %gather3A_821, %broadcast_in_dim3A_3 : vector<16xi1>, vector<16xi32>
      %add3A_823 = arith.addi %select_n3A_818, %select_n3A_822 : vector<16xi32>
      %broadcast_in_dim3A_824 = vector.shape_cast %max3A_15 : vector<16xi32> to vector<16x1xi32>
      %gather3A_825 = vector.shape_cast %broadcast_in_dim3A_824 : vector<16x1xi32> to vector<16xi32>
      %gather3A_826 = tpu.dynamic_gather %add3A_823[%gather3A_825] in [0] : vector<16xi32>, vector<16xi32> -> vector<16xi32>
      %select_n3A_827 = arith.select %ge3A_28, %gather3A_826, %broadcast_in_dim3A_3 : vector<16xi1>, vector<16xi32>
      %add3A_828 = arith.addi %add3A_823, %select_n3A_827 : vector<16xi32>
      %broadcast_in_dim3A_829 = vector.shape_cast %max3A_19 : vector<16xi32> to vector<16x1xi32>
      %gather3A_830 = vector.shape_cast %broadcast_in_dim3A_829 : vector<16x1xi32> to vector<16xi32>
      %gather3A_831 = tpu.dynamic_gather %add3A_828[%gather3A_830] in [0] : vector<16xi32>, vector<16xi32> -> vector<16xi32>
      %select_n3A_832 = arith.select %ge3A_31, %gather3A_831, %broadcast_in_dim3A_3 : vector<16xi1>, vector<16xi32>
      %add3A_833 = arith.addi %add3A_828, %select_n3A_832 : vector<16xi32>
      %broadcast_in_dim3A_834 = vector.shape_cast %max3A_23 : vector<16xi32> to vector<16x1xi32>
      %gather3A_835 = vector.shape_cast %broadcast_in_dim3A_834 : vector<16x1xi32> to vector<16xi32>
      %gather3A_836 = tpu.dynamic_gather %add3A_833[%gather3A_835] in [0] : vector<16xi32>, vector<16xi32> -> vector<16xi32>
      %select_n3A_837 = arith.select %ge3A_34, %gather3A_836, %broadcast_in_dim3A_3 : vector<16xi1>, vector<16xi32>
      %add3A_838 = arith.addi %add3A_833, %select_n3A_837 : vector<16xi32>
      %add3A_839 = arith.addi %add3A_838, %add3A_813 : vector<16xi32>
      %mul3A_840 = arith.muli %add3A_839, %select_n3A_818 : vector<16xi32>
      %convert_element_type3A_841 = arith.sitofp %mul3A_840 : vector<16xi32> to vector<16xf32>
      %swap3A_842 = arith.constant 312 : index
      %swap3A_843 = tpu.vector_load %arg6[%swap3A_842] {strides = array<i32>} : memref<808xf32, #tpu.memory_space<vmem>>, vector<16xf32>,
      %swap3A_844 = vector.shape_cast %swap3A_843 : vector<16xf32> to vector<16xf32>
      %swap3A_845 = vector.shape_cast %convert_element_type3A_841 : vector<16xf32> to vector<16xf32>
      tpu.vector_store %arg6[%swap3A_842], %swap3A_845 {strides = array<i32>} : memref<808xf32, #tpu.memory_space<vmem>>, vector<16xf32>,
      %broadcast_in_dim3A_846 = vector.shape_cast %broadcast_in_dim3A_36 : vector<16xi32> to vector<16x1xi32>
      %gather3A_847 = vector.shape_cast %broadcast_in_dim3A_846 : vector<16x1xi32> to vector<16xi32>
      %gather3A_848 = tpu.dynamic_gather %add3A_838[%gather3A_847] in [0] : vector<16xi32>, vector<16xi32> -> vector<16xi32>
      %add3A_849 = arith.addi %add3A_813, %gather3A_848 : vector<16xi32>
      %get3A_850 = arith.constant 328 : index
      %get3A_851 = tpu.vector_load %arg4[%get3A_850] {strides = array<i32>} : memref<808xf32, #tpu.memory_space<vmem>>, vector<16xf32>,
      %get3A_852 = vector.shape_cast %get3A_851 : vector<16xf32> to vector<16xf32>
      %ne3A_853 = arith.cmpf one, %get3A_852, %broadcast_in_dim3A_5 : vector<16xf32>
      %select_n3A_854 = arith.select %ne3A_853, %broadcast_in_dim3A_7, %broadcast_in_dim3A_3 : vector<16xi1>, vector<16xi32>
      %broadcast_in_dim3A_855 = vector.shape_cast %max3A : vector<16xi32> to vector<16x1xi32>
      %gather3A_856 = vector.shape_cast %broadcast_in_dim3A_855 : vector<16x1xi32> to vector<16xi32>
      %gather3A_857 = tpu.dynamic_gather %select_n3A_854[%gather3A_856] in [0] : vector<16xi32>, vector<16xi32> -> vector<16xi32>
      %select_n3A_858 = arith.select %ge3A, %gather3A_857, %broadcast_in_dim3A_3 : vector<16xi1>, vector<16xi32>
      %add3A_859 = arith.addi %select_n3A_854, %select_n3A_858 : vector<16xi32>
      %broadcast_in_dim3A_860 = vector.shape_cast %max3A_15 : vector<16xi32> to vector<16x1xi32>
      %gather3A_861 = vector.shape_cast %broadcast_in_dim3A_860 : vector<16x1xi32> to vector<16xi32>
      %gather3A_862 = tpu.dynamic_gather %add3A_859[%gather3A_861] in [0] : vector<16xi32>, vector<16xi32> -> vector<16xi32>
      %select_n3A_863 = arith.select %ge3A_28, %gather3A_862, %broadcast_in_dim3A_3 : vector<16xi1>, vector<16xi32>
      %add3A_864 = arith.addi %add3A_859, %select_n3A_863 : vector<16xi32>
      %broadcast_in_dim3A_865 = vector.shape_cast %max3A_19 : vector<16xi32> to vector<16x1xi32>
      %gather3A_866 = vector.shape_cast %broadcast_in_dim3A_865 : vector<16x1xi32> to vector<16xi32>
      %gather3A_867 = tpu.dynamic_gather %add3A_864[%gather3A_866] in [0] : vector<16xi32>, vector<16xi32> -> vector<16xi32>
      %select_n3A_868 = arith.select %ge3A_31, %gather3A_867, %broadcast_in_dim3A_3 : vector<16xi1>, vector<16xi32>
      %add3A_869 = arith.addi %add3A_864, %select_n3A_868 : vector<16xi32>
      %broadcast_in_dim3A_870 = vector.shape_cast %max3A_23 : vector<16xi32> to vector<16x1xi32>
      %gather3A_871 = vector.shape_cast %broadcast_in_dim3A_870 : vector<16x1xi32> to vector<16xi32>
      %gather3A_872 = tpu.dynamic_gather %add3A_869[%gather3A_871] in [0] : vector<16xi32>, vector<16xi32> -> vector<16xi32>
      %select_n3A_873 = arith.select %ge3A_34, %gather3A_872, %broadcast_in_dim3A_3 : vector<16xi1>, vector<16xi32>
      %add3A_874 = arith.addi %add3A_869, %select_n3A_873 : vector<16xi32>
      %add3A_875 = arith.addi %add3A_874, %add3A_849 : vector<16xi32>
      %mul3A_876 = arith.muli %add3A_875, %select_n3A_854 : vector<16xi32>
      %convert_element_type3A_877 = arith.sitofp %mul3A_876 : vector<16xi32> to vector<16xf32>
      %swap3A_878 = arith.constant 328 : index
      %swap3A_879 = tpu.vector_load %arg6[%swap3A_878] {strides = array<i32>} : memref<808xf32, #tpu.memory_space<vmem>>, vector<16xf32>,
      %swap3A_880 = vector.shape_cast %swap3A_879 : vector<16xf32> to vector<16xf32>
      %swap3A_881 = vector.shape_cast %convert_element_type3A_877 : vector<16xf32> to vector<16xf32>
      tpu.vector_store %arg6[%swap3A_878], %swap3A_881 {strides = array<i32>} : memref<808xf32, #tpu.memory_space<vmem>>, vector<16xf32>,
      %broadcast_in_dim3A_882 = vector.shape_cast %broadcast_in_dim3A_36 : vector<16xi32> to vector<16x1xi32>
      %gather3A_883 = vector.shape_cast %broadcast_in_dim3A_882 : vector<16x1xi32> to vector<16xi32>
      %gather3A_884 = tpu.dynamic_gather %add3A_874[%gather3A_883] in [0] : vector<16xi32>, vector<16xi32> -> vector<16xi32>
      %add3A_885 = arith.addi %add3A_849, %gather3A_884 : vector<16xi32>
      %get3A_886 = arith.constant 344 : index
      %get3A_887 = tpu.vector_load %arg4[%get3A_886] {strides = array<i32>} : memref<808xf32, #tpu.memory_space<vmem>>, vector<16xf32>,
      %get3A_888 = vector.shape_cast %get3A_887 : vector<16xf32> to vector<16xf32>
      %ne3A_889 = arith.cmpf one, %get3A_888, %broadcast_in_dim3A_5 : vector<16xf32>
      %select_n3A_890 = arith.select %ne3A_889, %broadcast_in_dim3A_7, %broadcast_in_dim3A_3 : vector<16xi1>, vector<16xi32>
      %broadcast_in_dim3A_891 = vector.shape_cast %max3A : vector<16xi32> to vector<16x1xi32>
      %gather3A_892 = vector.shape_cast %broadcast_in_dim3A_891 : vector<16x1xi32> to vector<16xi32>
      %gather3A_893 = tpu.dynamic_gather %select_n3A_890[%gather3A_892] in [0] : vector<16xi32>, vector<16xi32> -> vector<16xi32>
      %select_n3A_894 = arith.select %ge3A, %gather3A_893, %broadcast_in_dim3A_3 : vector<16xi1>, vector<16xi32>
      %add3A_895 = arith.addi %select_n3A_890, %select_n3A_894 : vector<16xi32>
      %broadcast_in_dim3A_896 = vector.shape_cast %max3A_15 : vector<16xi32> to vector<16x1xi32>
      %gather3A_897 = vector.shape_cast %broadcast_in_dim3A_896 : vector<16x1xi32> to vector<16xi32>
      %gather3A_898 = tpu.dynamic_gather %add3A_895[%gather3A_897] in [0] : vector<16xi32>, vector<16xi32> -> vector<16xi32>
      %select_n3A_899 = arith.select %ge3A_28, %gather3A_898, %broadcast_in_dim3A_3 : vector<16xi1>, vector<16xi32>
      %add3A_900 = arith.addi %add3A_895, %select_n3A_899 : vector<16xi32>
      %broadcast_in_dim3A_901 = vector.shape_cast %max3A_19 : vector<16xi32> to vector<16x1xi32>
      %gather3A_902 = vector.shape_cast %broadcast_in_dim3A_901 : vector<16x1xi32> to vector<16xi32>
      %gather3A_903 = tpu.dynamic_gather %add3A_900[%gather3A_902] in [0] : vector<16xi32>, vector<16xi32> -> vector<16xi32>
      %select_n3A_904 = arith.select %ge3A_31, %gather3A_903, %broadcast_in_dim3A_3 : vector<16xi1>, vector<16xi32>
      %add3A_905 = arith.addi %add3A_900, %select_n3A_904 : vector<16xi32>
      %broadcast_in_dim3A_906 = vector.shape_cast %max3A_23 : vector<16xi32> to vector<16x1xi32>
      %gather3A_907 = vector.shape_cast %broadcast_in_dim3A_906 : vector<16x1xi32> to vector<16xi32>
      %gather3A_908 = tpu.dynamic_gather %add3A_905[%gather3A_907] in [0] : vector<16xi32>, vector<16xi32> -> vector<16xi32>
      %select_n3A_909 = arith.select %ge3A_34, %gather3A_908, %broadcast_in_dim3A_3 : vector<16xi1>, vector<16xi32>
      %add3A_910 = arith.addi %add3A_905, %select_n3A_909 : vector<16xi32>
      %add3A_911 = arith.addi %add3A_910, %add3A_885 : vector<16xi32>
      %mul3A_912 = arith.muli %add3A_911, %select_n3A_890 : vector<16xi32>
      %convert_element_type3A_913 = arith.sitofp %mul3A_912 : vector<16xi32> to vector<16xf32>
      %swap3A_914 = arith.constant 344 : index
      %swap3A_915 = tpu.vector_load %arg6[%swap3A_914] {strides = array<i32>} : memref<808xf32, #tpu.memory_space<vmem>>, vector<16xf32>,
      %swap3A_916 = vector.shape_cast %swap3A_915 : vector<16xf32> to vector<16xf32>
      %swap3A_917 = vector.shape_cast %convert_element_type3A_913 : vector<16xf32> to vector<16xf32>
      tpu.vector_store %arg6[%swap3A_914], %swap3A_917 {strides = array<i32>} : memref<808xf32, #tpu.memory_space<vmem>>, vector<16xf32>,
      %broadcast_in_dim3A_918 = vector.shape_cast %broadcast_in_dim3A_36 : vector<16xi32> to vector<16x1xi32>
      %gather3A_919 = vector.shape_cast %broadcast_in_dim3A_918 : vector<16x1xi32> to vector<16xi32>
      %gather3A_920 = tpu.dynamic_gather %add3A_910[%gather3A_919] in [0] : vector<16xi32>, vector<16xi32> -> vector<16xi32>
      %add3A_921 = arith.addi %add3A_885, %gather3A_920 : vector<16xi32>
      %get3A_922 = arith.constant 360 : index
      %get3A_923 = tpu.vector_load %arg4[%get3A_922] {strides = array<i32>} : memref<808xf32, #tpu.memory_space<vmem>>, vector<16xf32>,
      %get3A_924 = vector.shape_cast %get3A_923 : vector<16xf32> to vector<16xf32>
      %ne3A_925 = arith.cmpf one, %get3A_924, %broadcast_in_dim3A_5 : vector<16xf32>
      %select_n3A_926 = arith.select %ne3A_925, %broadcast_in_dim3A_7, %broadcast_in_dim3A_3 : vector<16xi1>, vector<16xi32>
      %broadcast_in_dim3A_927 = vector.shape_cast %max3A : vector<16xi32> to vector<16x1xi32>
      %gather3A_928 = vector.shape_cast %broadcast_in_dim3A_927 : vector<16x1xi32> to vector<16xi32>
      %gather3A_929 = tpu.dynamic_gather %select_n3A_926[%gather3A_928] in [0] : vector<16xi32>, vector<16xi32> -> vector<16xi32>
      %select_n3A_930 = arith.select %ge3A, %gather3A_929, %broadcast_in_dim3A_3 : vector<16xi1>, vector<16xi32>
      %add3A_931 = arith.addi %select_n3A_926, %select_n3A_930 : vector<16xi32>
      %broadcast_in_dim3A_932 = vector.shape_cast %max3A_15 : vector<16xi32> to vector<16x1xi32>
      %gather3A_933 = vector.shape_cast %broadcast_in_dim3A_932 : vector<16x1xi32> to vector<16xi32>
      %gather3A_934 = tpu.dynamic_gather %add3A_931[%gather3A_933] in [0] : vector<16xi32>, vector<16xi32> -> vector<16xi32>
      %select_n3A_935 = arith.select %ge3A_28, %gather3A_934, %broadcast_in_dim3A_3 : vector<16xi1>, vector<16xi32>
      %add3A_936 = arith.addi %add3A_931, %select_n3A_935 : vector<16xi32>
      %broadcast_in_dim3A_937 = vector.shape_cast %max3A_19 : vector<16xi32> to vector<16x1xi32>
      %gather3A_938 = vector.shape_cast %broadcast_in_dim3A_937 : vector<16x1xi32> to vector<16xi32>
      %gather3A_939 = tpu.dynamic_gather %add3A_936[%gather3A_938] in [0] : vector<16xi32>, vector<16xi32> -> vector<16xi32>
      %select_n3A_940 = arith.select %ge3A_31, %gather3A_939, %broadcast_in_dim3A_3 : vector<16xi1>, vector<16xi32>
      %add3A_941 = arith.addi %add3A_936, %select_n3A_940 : vector<16xi32>
      %broadcast_in_dim3A_942 = vector.shape_cast %max3A_23 : vector<16xi32> to vector<16x1xi32>
      %gather3A_943 = vector.shape_cast %broadcast_in_dim3A_942 : vector<16x1xi32> to vector<16xi32>
      %gather3A_944 = tpu.dynamic_gather %add3A_941[%gather3A_943] in [0] : vector<16xi32>, vector<16xi32> -> vector<16xi32>
      %select_n3A_945 = arith.select %ge3A_34, %gather3A_944, %broadcast_in_dim3A_3 : vector<16xi1>, vector<16xi32>
      %add3A_946 = arith.addi %add3A_941, %select_n3A_945 : vector<16xi32>
      %add3A_947 = arith.addi %add3A_946, %add3A_921 : vector<16xi32>
      %mul3A_948 = arith.muli %add3A_947, %select_n3A_926 : vector<16xi32>
      %convert_element_type3A_949 = arith.sitofp %mul3A_948 : vector<16xi32> to vector<16xf32>
      %swap3A_950 = arith.constant 360 : index
      %swap3A_951 = tpu.vector_load %arg6[%swap3A_950] {strides = array<i32>} : memref<808xf32, #tpu.memory_space<vmem>>, vector<16xf32>,
      %swap3A_952 = vector.shape_cast %swap3A_951 : vector<16xf32> to vector<16xf32>
      %swap3A_953 = vector.shape_cast %convert_element_type3A_949 : vector<16xf32> to vector<16xf32>
      tpu.vector_store %arg6[%swap3A_950], %swap3A_953 {strides = array<i32>} : memref<808xf32, #tpu.memory_space<vmem>>, vector<16xf32>,
      %broadcast_in_dim3A_954 = vector.shape_cast %broadcast_in_dim3A_36 : vector<16xi32> to vector<16x1xi32>
      %gather3A_955 = vector.shape_cast %broadcast_in_dim3A_954 : vector<16x1xi32> to vector<16xi32>
      %gather3A_956 = tpu.dynamic_gather %add3A_946[%gather3A_955] in [0] : vector<16xi32>, vector<16xi32> -> vector<16xi32>
      %add3A_957 = arith.addi %add3A_921, %gather3A_956 : vector<16xi32>
      %get3A_958 = arith.constant 376 : index
      %get3A_959 = tpu.vector_load %arg4[%get3A_958] {strides = array<i32>} : memref<808xf32, #tpu.memory_space<vmem>>, vector<16xf32>,
      %get3A_960 = vector.shape_cast %get3A_959 : vector<16xf32> to vector<16xf32>
      %ne3A_961 = arith.cmpf one, %get3A_960, %broadcast_in_dim3A_5 : vector<16xf32>
      %select_n3A_962 = arith.select %ne3A_961, %broadcast_in_dim3A_7, %broadcast_in_dim3A_3 : vector<16xi1>, vector<16xi32>
      %broadcast_in_dim3A_963 = vector.shape_cast %max3A : vector<16xi32> to vector<16x1xi32>
      %gather3A_964 = vector.shape_cast %broadcast_in_dim3A_963 : vector<16x1xi32> to vector<16xi32>
      %gather3A_965 = tpu.dynamic_gather %select_n3A_962[%gather3A_964] in [0] : vector<16xi32>, vector<16xi32> -> vector<16xi32>
      %select_n3A_966 = arith.select %ge3A, %gather3A_965, %broadcast_in_dim3A_3 : vector<16xi1>, vector<16xi32>
      %add3A_967 = arith.addi %select_n3A_962, %select_n3A_966 : vector<16xi32>
      %broadcast_in_dim3A_968 = vector.shape_cast %max3A_15 : vector<16xi32> to vector<16x1xi32>
      %gather3A_969 = vector.shape_cast %broadcast_in_dim3A_968 : vector<16x1xi32> to vector<16xi32>
      %gather3A_970 = tpu.dynamic_gather %add3A_967[%gather3A_969] in [0] : vector<16xi32>, vector<16xi32> -> vector<16xi32>
      %select_n3A_971 = arith.select %ge3A_28, %gather3A_970, %broadcast_in_dim3A_3 : vector<16xi1>, vector<16xi32>
      %add3A_972 = arith.addi %add3A_967, %select_n3A_971 : vector<16xi32>
      %broadcast_in_dim3A_973 = vector.shape_cast %max3A_19 : vector<16xi32> to vector<16x1xi32>
      %gather3A_974 = vector.shape_cast %broadcast_in_dim3A_973 : vector<16x1xi32> to vector<16xi32>
      %gather3A_975 = tpu.dynamic_gather %add3A_972[%gather3A_974] in [0] : vector<16xi32>, vector<16xi32> -> vector<16xi32>
      %select_n3A_976 = arith.select %ge3A_31, %gather3A_975, %broadcast_in_dim3A_3 : vector<16xi1>, vector<16xi32>
      %add3A_977 = arith.addi %add3A_972, %select_n3A_976 : vector<16xi32>
      %broadcast_in_dim3A_978 = vector.shape_cast %max3A_23 : vector<16xi32> to vector<16x1xi32>
      %gather3A_979 = vector.shape_cast %broadcast_in_dim3A_978 : vector<16x1xi32> to vector<16xi32>
      %gather3A_980 = tpu.dynamic_gather %add3A_977[%gather3A_979] in [0] : vector<16xi32>, vector<16xi32> -> vector<16xi32>
      %select_n3A_981 = arith.select %ge3A_34, %gather3A_980, %broadcast_in_dim3A_3 : vector<16xi1>, vector<16xi32>
      %add3A_982 = arith.addi %add3A_977, %select_n3A_981 : vector<16xi32>
      %add3A_983 = arith.addi %add3A_982, %add3A_957 : vector<16xi32>
      %mul3A_984 = arith.muli %add3A_983, %select_n3A_962 : vector<16xi32>
      %convert_element_type3A_985 = arith.sitofp %mul3A_984 : vector<16xi32> to vector<16xf32>
      %swap3A_986 = arith.constant 376 : index
      %swap3A_987 = tpu.vector_load %arg6[%swap3A_986] {strides = array<i32>} : memref<808xf32, #tpu.memory_space<vmem>>, vector<16xf32>,
      %swap3A_988 = vector.shape_cast %swap3A_987 : vector<16xf32> to vector<16xf32>
      %swap3A_989 = vector.shape_cast %convert_element_type3A_985 : vector<16xf32> to vector<16xf32>
      tpu.vector_store %arg6[%swap3A_986], %swap3A_989 {strides = array<i32>} : memref<808xf32, #tpu.memory_space<vmem>>, vector<16xf32>,
      %broadcast_in_dim3A_990 = vector.shape_cast %broadcast_in_dim3A_36 : vector<16xi32> to vector<16x1xi32>
      %gather3A_991 = vector.shape_cast %broadcast_in_dim3A_990 : vector<16x1xi32> to vector<16xi32>
      %gather3A_992 = tpu.dynamic_gather %add3A_982[%gather3A_991] in [0] : vector<16xi32>, vector<16xi32> -> vector<16xi32>
      %add3A_993 = arith.addi %add3A_957, %gather3A_992 : vector<16xi32>
      %get3A_994 = arith.constant 392 : index
      %get3A_995 = tpu.vector_load %arg4[%get3A_994] {strides = array<i32>} : memref<808xf32, #tpu.memory_space<vmem>>, vector<16xf32>,
      %get3A_996 = vector.shape_cast %get3A_995 : vector<16xf32> to vector<16xf32>
      %ne3A_997 = arith.cmpf one, %get3A_996, %broadcast_in_dim3A_5 : vector<16xf32>
      %and3A_998 = arith.andi %ne3A_997, %lt3A : vector<16xi1>
      %select_n3A_999 = arith.select %and3A_998, %broadcast_in_dim3A_7, %broadcast_in_dim3A_3 : vector<16xi1>, vector<16xi32>
      %broadcast_in_dim3A_1000 = vector.shape_cast %max3A : vector<16xi32> to vector<16x1xi32>
      %gather3A_1001 = vector.shape_cast %broadcast_in_dim3A_1000 : vector<16x1xi32> to vector<16xi32>
      %gather3A_1002 = tpu.dynamic_gather %select_n3A_999[%gather3A_1001] in [0] : vector<16xi32>, vector<16xi32> -> vector<16xi32>
      %select_n3A_1003 = arith.select %ge3A, %gather3A_1002, %broadcast_in_dim3A_3 : vector<16xi1>, vector<16xi32>
      %add3A_1004 = arith.addi %select_n3A_999, %select_n3A_1003 : vector<16xi32>
      %broadcast_in_dim3A_1005 = vector.shape_cast %max3A_15 : vector<16xi32> to vector<16x1xi32>
      %gather3A_1006 = vector.shape_cast %broadcast_in_dim3A_1005 : vector<16x1xi32> to vector<16xi32>
      %gather3A_1007 = tpu.dynamic_gather %add3A_1004[%gather3A_1006] in [0] : vector<16xi32>, vector<16xi32> -> vector<16xi32>
      %select_n3A_1008 = arith.select %ge3A_28, %gather3A_1007, %broadcast_in_dim3A_3 : vector<16xi1>, vector<16xi32>
      %add3A_1009 = arith.addi %add3A_1004, %select_n3A_1008 : vector<16xi32>
      %broadcast_in_dim3A_1010 = vector.shape_cast %max3A_19 : vector<16xi32> to vector<16x1xi32>
      %gather3A_1011 = vector.shape_cast %broadcast_in_dim3A_1010 : vector<16x1xi32> to vector<16xi32>
      %gather3A_1012 = tpu.dynamic_gather %add3A_1009[%gather3A_1011] in [0] : vector<16xi32>, vector<16xi32> -> vector<16xi32>
      %select_n3A_1013 = arith.select %ge3A_31, %gather3A_1012, %broadcast_in_dim3A_3 : vector<16xi1>, vector<16xi32>
      %add3A_1014 = arith.addi %add3A_1009, %select_n3A_1013 : vector<16xi32>
      %broadcast_in_dim3A_1015 = vector.shape_cast %max3A_23 : vector<16xi32> to vector<16x1xi32>
      %gather3A_1016 = vector.shape_cast %broadcast_in_dim3A_1015 : vector<16x1xi32> to vector<16xi32>
      %gather3A_1017 = tpu.dynamic_gather %add3A_1014[%gather3A_1016] in [0] : vector<16xi32>, vector<16xi32> -> vector<16xi32>
      %select_n3A_1018 = arith.select %ge3A_34, %gather3A_1017, %broadcast_in_dim3A_3 : vector<16xi1>, vector<16xi32>
      %add3A_1019 = arith.addi %add3A_1014, %select_n3A_1018 : vector<16xi32>
      %add3A_1020 = arith.addi %add3A_1019, %add3A_993 : vector<16xi32>
      %mul3A_1021 = arith.muli %add3A_1020, %select_n3A_999 : vector<16xi32>
      %convert_element_type3A_1022 = arith.sitofp %mul3A_1021 : vector<16xi32> to vector<16xf32>
      %swap3A_1023 = arith.constant 392 : index
      %swap3A_1024 = tpu.vector_load %arg6[%swap3A_1023] {strides = array<i32>} : memref<808xf32, #tpu.memory_space<vmem>>, vector<16xf32>,
      %swap3A_1025 = vector.shape_cast %swap3A_1024 : vector<16xf32> to vector<16xf32>
      %swap3A_1026 = vector.shape_cast %convert_element_type3A_1022 : vector<16xf32> to vector<16xf32>
      tpu.vector_store %arg6[%swap3A_1023], %swap3A_1026 {strides = array<i32>} : memref<808xf32, #tpu.memory_space<vmem>>, vector<16xf32>,
      %broadcast_in_dim3A_1027 = vector.shape_cast %broadcast_in_dim3A_36 : vector<16xi32> to vector<16x1xi32>
      %gather3A_1028 = vector.shape_cast %broadcast_in_dim3A_1027 : vector<16x1xi32> to vector<16xi32>
      %gather3A_1029 = tpu.dynamic_gather %add3A_1019[%gather3A_1028] in [0] : vector<16xi32>, vector<16xi32> -> vector<16xi32>
      %add3A_1030 = arith.addi %add3A_993, %gather3A_1029 : vector<16xi32>
      %get3A_1031 = arith.constant 400 : index
      %get3A_1032 = tpu.vector_load %arg4[%get3A_1031] {strides = array<i32>} : memref<808xf32, #tpu.memory_space<vmem>>, vector<16xf32>,
      %get3A_1033 = vector.shape_cast %get3A_1032 : vector<16xf32> to vector<16xf32>
      %ne3A_1034 = arith.cmpf one, %get3A_1033, %broadcast_in_dim3A_5 : vector<16xf32>
      %select_n3A_1035 = arith.select %ne3A_1034, %broadcast_in_dim3A_7, %broadcast_in_dim3A_3 : vector<16xi1>, vector<16xi32>
      %broadcast_in_dim3A_1036 = vector.shape_cast %max3A : vector<16xi32> to vector<16x1xi32>
      %gather3A_1037 = vector.shape_cast %broadcast_in_dim3A_1036 : vector<16x1xi32> to vector<16xi32>
      %gather3A_1038 = tpu.dynamic_gather %select_n3A_1035[%gather3A_1037] in [0] : vector<16xi32>, vector<16xi32> -> vector<16xi32>
      %select_n3A_1039 = arith.select %ge3A, %gather3A_1038, %broadcast_in_dim3A_3 : vector<16xi1>, vector<16xi32>
      %add3A_1040 = arith.addi %select_n3A_1035, %select_n3A_1039 : vector<16xi32>
      %broadcast_in_dim3A_1041 = vector.shape_cast %max3A_15 : vector<16xi32> to vector<16x1xi32>
      %gather3A_1042 = vector.shape_cast %broadcast_in_dim3A_1041 : vector<16x1xi32> to vector<16xi32>
      %gather3A_1043 = tpu.dynamic_gather %add3A_1040[%gather3A_1042] in [0] : vector<16xi32>, vector<16xi32> -> vector<16xi32>
      %select_n3A_1044 = arith.select %ge3A_28, %gather3A_1043, %broadcast_in_dim3A_3 : vector<16xi1>, vector<16xi32>
      %add3A_1045 = arith.addi %add3A_1040, %select_n3A_1044 : vector<16xi32>
      %broadcast_in_dim3A_1046 = vector.shape_cast %max3A_19 : vector<16xi32> to vector<16x1xi32>
      %gather3A_1047 = vector.shape_cast %broadcast_in_dim3A_1046 : vector<16x1xi32> to vector<16xi32>
      %gather3A_1048 = tpu.dynamic_gather %add3A_1045[%gather3A_1047] in [0] : vector<16xi32>, vector<16xi32> -> vector<16xi32>
      %select_n3A_1049 = arith.select %ge3A_31, %gather3A_1048, %broadcast_in_dim3A_3 : vector<16xi1>, vector<16xi32>
      %add3A_1050 = arith.addi %add3A_1045, %select_n3A_1049 : vector<16xi32>
      %broadcast_in_dim3A_1051 = vector.shape_cast %max3A_23 : vector<16xi32> to vector<16x1xi32>
      %gather3A_1052 = vector.shape_cast %broadcast_in_dim3A_1051 : vector<16x1xi32> to vector<16xi32>
      %gather3A_1053 = tpu.dynamic_gather %add3A_1050[%gather3A_1052] in [0] : vector<16xi32>, vector<16xi32> -> vector<16xi32>
      %select_n3A_1054 = arith.select %ge3A_34, %gather3A_1053, %broadcast_in_dim3A_3 : vector<16xi1>, vector<16xi32>
      %add3A_1055 = arith.addi %add3A_1050, %select_n3A_1054 : vector<16xi32>
      %add3A_1056 = arith.addi %add3A_1055, %broadcast_in_dim3A_3 : vector<16xi32>
      %mul3A_1057 = arith.muli %add3A_1056, %select_n3A_1035 : vector<16xi32>
      %convert_element_type3A_1058 = arith.sitofp %mul3A_1057 : vector<16xi32> to vector<16xf32>
      %swap3A_1059 = arith.constant 400 : index
      %swap3A_1060 = tpu.vector_load %arg6[%swap3A_1059] {strides = array<i32>} : memref<808xf32, #tpu.memory_space<vmem>>, vector<16xf32>,
      %swap3A_1061 = vector.shape_cast %swap3A_1060 : vector<16xf32> to vector<16xf32>
      %swap3A_1062 = vector.shape_cast %convert_element_type3A_1058 : vector<16xf32> to vector<16xf32>
      tpu.vector_store %arg6[%swap3A_1059], %swap3A_1062 {strides = array<i32>} : memref<808xf32, #tpu.memory_space<vmem>>, vector<16xf32>,
      %broadcast_in_dim3A_1063 = vector.shape_cast %broadcast_in_dim3A_36 : vector<16xi32> to vector<16x1xi32>
      %gather3A_1064 = vector.shape_cast %broadcast_in_dim3A_1063 : vector<16x1xi32> to vector<16xi32>
      %gather3A_1065 = tpu.dynamic_gather %add3A_1055[%gather3A_1064] in [0] : vector<16xi32>, vector<16xi32> -> vector<16xi32>
      %add3A_1066 = arith.addi %broadcast_in_dim3A_3, %gather3A_1065 : vector<16xi32>
      %get3A_1067 = arith.constant 416 : index
      %get3A_1068 = tpu.vector_load %arg4[%get3A_1067] {strides = array<i32>} : memref<808xf32, #tpu.memory_space<vmem>>, vector<16xf32>,
      %get3A_1069 = vector.shape_cast %get3A_1068 : vector<16xf32> to vector<16xf32>
      %ne3A_1070 = arith.cmpf one, %get3A_1069, %broadcast_in_dim3A_5 : vector<16xf32>
      %select_n3A_1071 = arith.select %ne3A_1070, %broadcast_in_dim3A_7, %broadcast_in_dim3A_3 : vector<16xi1>, vector<16xi32>
      %broadcast_in_dim3A_1072 = vector.shape_cast %max3A : vector<16xi32> to vector<16x1xi32>
      %gather3A_1073 = vector.shape_cast %broadcast_in_dim3A_1072 : vector<16x1xi32> to vector<16xi32>
      %gather3A_1074 = tpu.dynamic_gather %select_n3A_1071[%gather3A_1073] in [0] : vector<16xi32>, vector<16xi32> -> vector<16xi32>
      %select_n3A_1075 = arith.select %ge3A, %gather3A_1074, %broadcast_in_dim3A_3 : vector<16xi1>, vector<16xi32>
      %add3A_1076 = arith.addi %select_n3A_1071, %select_n3A_1075 : vector<16xi32>
      %broadcast_in_dim3A_1077 = vector.shape_cast %max3A_15 : vector<16xi32> to vector<16x1xi32>
      %gather3A_1078 = vector.shape_cast %broadcast_in_dim3A_1077 : vector<16x1xi32> to vector<16xi32>
      %gather3A_1079 = tpu.dynamic_gather %add3A_1076[%gather3A_1078] in [0] : vector<16xi32>, vector<16xi32> -> vector<16xi32>
      %select_n3A_1080 = arith.select %ge3A_28, %gather3A_1079, %broadcast_in_dim3A_3 : vector<16xi1>, vector<16xi32>
      %add3A_1081 = arith.addi %add3A_1076, %select_n3A_1080 : vector<16xi32>
      %broadcast_in_dim3A_1082 = vector.shape_cast %max3A_19 : vector<16xi32> to vector<16x1xi32>
      %gather3A_1083 = vector.shape_cast %broadcast_in_dim3A_1082 : vector<16x1xi32> to vector<16xi32>
      %gather3A_1084 = tpu.dynamic_gather %add3A_1081[%gather3A_1083] in [0] : vector<16xi32>, vector<16xi32> -> vector<16xi32>
      %select_n3A_1085 = arith.select %ge3A_31, %gather3A_1084, %broadcast_in_dim3A_3 : vector<16xi1>, vector<16xi32>
      %add3A_1086 = arith.addi %add3A_1081, %select_n3A_1085 : vector<16xi32>
      %broadcast_in_dim3A_1087 = vector.shape_cast %max3A_23 : vector<16xi32> to vector<16x1xi32>
      %gather3A_1088 = vector.shape_cast %broadcast_in_dim3A_1087 : vector<16x1xi32> to vector<16xi32>
      %gather3A_1089 = tpu.dynamic_gather %add3A_1086[%gather3A_1088] in [0] : vector<16xi32>, vector<16xi32> -> vector<16xi32>
      %select_n3A_1090 = arith.select %ge3A_34, %gather3A_1089, %broadcast_in_dim3A_3 : vector<16xi1>, vector<16xi32>
      %add3A_1091 = arith.addi %add3A_1086, %select_n3A_1090 : vector<16xi32>
      %add3A_1092 = arith.addi %add3A_1091, %add3A_1066 : vector<16xi32>
      %mul3A_1093 = arith.muli %add3A_1092, %select_n3A_1071 : vector<16xi32>
      %convert_element_type3A_1094 = arith.sitofp %mul3A_1093 : vector<16xi32> to vector<16xf32>
      %swap3A_1095 = arith.constant 416 : index
      %swap3A_1096 = tpu.vector_load %arg6[%swap3A_1095] {strides = array<i32>} : memref<808xf32, #tpu.memory_space<vmem>>, vector<16xf32>,
      %swap3A_1097 = vector.shape_cast %swap3A_1096 : vector<16xf32> to vector<16xf32>
      %swap3A_1098 = vector.shape_cast %convert_element_type3A_1094 : vector<16xf32> to vector<16xf32>
      tpu.vector_store %arg6[%swap3A_1095], %swap3A_1098 {strides = array<i32>} : memref<808xf32, #tpu.memory_space<vmem>>, vector<16xf32>,
      %broadcast_in_dim3A_1099 = vector.shape_cast %broadcast_in_dim3A_36 : vector<16xi32> to vector<16x1xi32>
      %gather3A_1100 = vector.shape_cast %broadcast_in_dim3A_1099 : vector<16x1xi32> to vector<16xi32>
      %gather3A_1101 = tpu.dynamic_gather %add3A_1091[%gather3A_1100] in [0] : vector<16xi32>, vector<16xi32> -> vector<16xi32>
      %add3A_1102 = arith.addi %add3A_1066, %gather3A_1101 : vector<16xi32>
      %get3A_1103 = arith.constant 432 : index
      %get3A_1104 = tpu.vector_load %arg4[%get3A_1103] {strides = array<i32>} : memref<808xf32, #tpu.memory_space<vmem>>, vector<16xf32>,
      %get3A_1105 = vector.shape_cast %get3A_1104 : vector<16xf32> to vector<16xf32>
      %ne3A_1106 = arith.cmpf one, %get3A_1105, %broadcast_in_dim3A_5 : vector<16xf32>
      %select_n3A_1107 = arith.select %ne3A_1106, %broadcast_in_dim3A_7, %broadcast_in_dim3A_3 : vector<16xi1>, vector<16xi32>
      %broadcast_in_dim3A_1108 = vector.shape_cast %max3A : vector<16xi32> to vector<16x1xi32>
      %gather3A_1109 = vector.shape_cast %broadcast_in_dim3A_1108 : vector<16x1xi32> to vector<16xi32>
      %gather3A_1110 = tpu.dynamic_gather %select_n3A_1107[%gather3A_1109] in [0] : vector<16xi32>, vector<16xi32> -> vector<16xi32>
      %select_n3A_1111 = arith.select %ge3A, %gather3A_1110, %broadcast_in_dim3A_3 : vector<16xi1>, vector<16xi32>
      %add3A_1112 = arith.addi %select_n3A_1107, %select_n3A_1111 : vector<16xi32>
      %broadcast_in_dim3A_1113 = vector.shape_cast %max3A_15 : vector<16xi32> to vector<16x1xi32>
      %gather3A_1114 = vector.shape_cast %broadcast_in_dim3A_1113 : vector<16x1xi32> to vector<16xi32>
      %gather3A_1115 = tpu.dynamic_gather %add3A_1112[%gather3A_1114] in [0] : vector<16xi32>, vector<16xi32> -> vector<16xi32>
      %select_n3A_1116 = arith.select %ge3A_28, %gather3A_1115, %broadcast_in_dim3A_3 : vector<16xi1>, vector<16xi32>
      %add3A_1117 = arith.addi %add3A_1112, %select_n3A_1116 : vector<16xi32>
      %broadcast_in_dim3A_1118 = vector.shape_cast %max3A_19 : vector<16xi32> to vector<16x1xi32>
      %gather3A_1119 = vector.shape_cast %broadcast_in_dim3A_1118 : vector<16x1xi32> to vector<16xi32>
      %gather3A_1120 = tpu.dynamic_gather %add3A_1117[%gather3A_1119] in [0] : vector<16xi32>, vector<16xi32> -> vector<16xi32>
      %select_n3A_1121 = arith.select %ge3A_31, %gather3A_1120, %broadcast_in_dim3A_3 : vector<16xi1>, vector<16xi32>
      %add3A_1122 = arith.addi %add3A_1117, %select_n3A_1121 : vector<16xi32>
      %broadcast_in_dim3A_1123 = vector.shape_cast %max3A_23 : vector<16xi32> to vector<16x1xi32>
      %gather3A_1124 = vector.shape_cast %broadcast_in_dim3A_1123 : vector<16x1xi32> to vector<16xi32>
      %gather3A_1125 = tpu.dynamic_gather %add3A_1122[%gather3A_1124] in [0] : vector<16xi32>, vector<16xi32> -> vector<16xi32>
      %select_n3A_1126 = arith.select %ge3A_34, %gather3A_1125, %broadcast_in_dim3A_3 : vector<16xi1>, vector<16xi32>
      %add3A_1127 = arith.addi %add3A_1122, %select_n3A_1126 : vector<16xi32>
      %add3A_1128 = arith.addi %add3A_1127, %add3A_1102 : vector<16xi32>
      %mul3A_1129 = arith.muli %add3A_1128, %select_n3A_1107 : vector<16xi32>
      %convert_element_type3A_1130 = arith.sitofp %mul3A_1129 : vector<16xi32> to vector<16xf32>
      %swap3A_1131 = arith.constant 432 : index
      %swap3A_1132 = tpu.vector_load %arg6[%swap3A_1131] {strides = array<i32>} : memref<808xf32, #tpu.memory_space<vmem>>, vector<16xf32>,
      %swap3A_1133 = vector.shape_cast %swap3A_1132 : vector<16xf32> to vector<16xf32>
      %swap3A_1134 = vector.shape_cast %convert_element_type3A_1130 : vector<16xf32> to vector<16xf32>
      tpu.vector_store %arg6[%swap3A_1131], %swap3A_1134 {strides = array<i32>} : memref<808xf32, #tpu.memory_space<vmem>>, vector<16xf32>,
      %broadcast_in_dim3A_1135 = vector.shape_cast %broadcast_in_dim3A_36 : vector<16xi32> to vector<16x1xi32>
      %gather3A_1136 = vector.shape_cast %broadcast_in_dim3A_1135 : vector<16x1xi32> to vector<16xi32>
      %gather3A_1137 = tpu.dynamic_gather %add3A_1127[%gather3A_1136] in [0] : vector<16xi32>, vector<16xi32> -> vector<16xi32>
      %add3A_1138 = arith.addi %add3A_1102, %gather3A_1137 : vector<16xi32>
      %get3A_1139 = arith.constant 448 : index
      %get3A_1140 = tpu.vector_load %arg4[%get3A_1139] {strides = array<i32>} : memref<808xf32, #tpu.memory_space<vmem>>, vector<16xf32>,
      %get3A_1141 = vector.shape_cast %get3A_1140 : vector<16xf32> to vector<16xf32>
      %ne3A_1142 = arith.cmpf one, %get3A_1141, %broadcast_in_dim3A_5 : vector<16xf32>
      %select_n3A_1143 = arith.select %ne3A_1142, %broadcast_in_dim3A_7, %broadcast_in_dim3A_3 : vector<16xi1>, vector<16xi32>
      %broadcast_in_dim3A_1144 = vector.shape_cast %max3A : vector<16xi32> to vector<16x1xi32>
      %gather3A_1145 = vector.shape_cast %broadcast_in_dim3A_1144 : vector<16x1xi32> to vector<16xi32>
      %gather3A_1146 = tpu.dynamic_gather %select_n3A_1143[%gather3A_1145] in [0] : vector<16xi32>, vector<16xi32> -> vector<16xi32>
      %select_n3A_1147 = arith.select %ge3A, %gather3A_1146, %broadcast_in_dim3A_3 : vector<16xi1>, vector<16xi32>
      %add3A_1148 = arith.addi %select_n3A_1143, %select_n3A_1147 : vector<16xi32>
      %broadcast_in_dim3A_1149 = vector.shape_cast %max3A_15 : vector<16xi32> to vector<16x1xi32>
      %gather3A_1150 = vector.shape_cast %broadcast_in_dim3A_1149 : vector<16x1xi32> to vector<16xi32>
      %gather3A_1151 = tpu.dynamic_gather %add3A_1148[%gather3A_1150] in [0] : vector<16xi32>, vector<16xi32> -> vector<16xi32>
      %select_n3A_1152 = arith.select %ge3A_28, %gather3A_1151, %broadcast_in_dim3A_3 : vector<16xi1>, vector<16xi32>
      %add3A_1153 = arith.addi %add3A_1148, %select_n3A_1152 : vector<16xi32>
      %broadcast_in_dim3A_1154 = vector.shape_cast %max3A_19 : vector<16xi32> to vector<16x1xi32>
      %gather3A_1155 = vector.shape_cast %broadcast_in_dim3A_1154 : vector<16x1xi32> to vector<16xi32>
      %gather3A_1156 = tpu.dynamic_gather %add3A_1153[%gather3A_1155] in [0] : vector<16xi32>, vector<16xi32> -> vector<16xi32>
      %select_n3A_1157 = arith.select %ge3A_31, %gather3A_1156, %broadcast_in_dim3A_3 : vector<16xi1>, vector<16xi32>
      %add3A_1158 = arith.addi %add3A_1153, %select_n3A_1157 : vector<16xi32>
      %broadcast_in_dim3A_1159 = vector.shape_cast %max3A_23 : vector<16xi32> to vector<16x1xi32>
      %gather3A_1160 = vector.shape_cast %broadcast_in_dim3A_1159 : vector<16x1xi32> to vector<16xi32>
      %gather3A_1161 = tpu.dynamic_gather %add3A_1158[%gather3A_1160] in [0] : vector<16xi32>, vector<16xi32> -> vector<16xi32>
      %select_n3A_1162 = arith.select %ge3A_34, %gather3A_1161, %broadcast_in_dim3A_3 : vector<16xi1>, vector<16xi32>
      %add3A_1163 = arith.addi %add3A_1158, %select_n3A_1162 : vector<16xi32>
      %add3A_1164 = arith.addi %add3A_1163, %add3A_1138 : vector<16xi32>
      %mul3A_1165 = arith.muli %add3A_1164, %select_n3A_1143 : vector<16xi32>
      %convert_element_type3A_1166 = arith.sitofp %mul3A_1165 : vector<16xi32> to vector<16xf32>
      %swap3A_1167 = arith.constant 448 : index
      %swap3A_1168 = tpu.vector_load %arg6[%swap3A_1167] {strides = array<i32>} : memref<808xf32, #tpu.memory_space<vmem>>, vector<16xf32>,
      %swap3A_1169 = vector.shape_cast %swap3A_1168 : vector<16xf32> to vector<16xf32>
      %swap3A_1170 = vector.shape_cast %convert_element_type3A_1166 : vector<16xf32> to vector<16xf32>
      tpu.vector_store %arg6[%swap3A_1167], %swap3A_1170 {strides = array<i32>} : memref<808xf32, #tpu.memory_space<vmem>>, vector<16xf32>,
      %broadcast_in_dim3A_1171 = vector.shape_cast %broadcast_in_dim3A_36 : vector<16xi32> to vector<16x1xi32>
      %gather3A_1172 = vector.shape_cast %broadcast_in_dim3A_1171 : vector<16x1xi32> to vector<16xi32>
      %gather3A_1173 = tpu.dynamic_gather %add3A_1163[%gather3A_1172] in [0] : vector<16xi32>, vector<16xi32> -> vector<16xi32>
      %add3A_1174 = arith.addi %add3A_1138, %gather3A_1173 : vector<16xi32>
      %get3A_1175 = arith.constant 464 : index
      %get3A_1176 = tpu.vector_load %arg4[%get3A_1175] {strides = array<i32>} : memref<808xf32, #tpu.memory_space<vmem>>, vector<16xf32>,
      %get3A_1177 = vector.shape_cast %get3A_1176 : vector<16xf32> to vector<16xf32>
      %ne3A_1178 = arith.cmpf one, %get3A_1177, %broadcast_in_dim3A_5 : vector<16xf32>
      %select_n3A_1179 = arith.select %ne3A_1178, %broadcast_in_dim3A_7, %broadcast_in_dim3A_3 : vector<16xi1>, vector<16xi32>
      %broadcast_in_dim3A_1180 = vector.shape_cast %max3A : vector<16xi32> to vector<16x1xi32>
      %gather3A_1181 = vector.shape_cast %broadcast_in_dim3A_1180 : vector<16x1xi32> to vector<16xi32>
      %gather3A_1182 = tpu.dynamic_gather %select_n3A_1179[%gather3A_1181] in [0] : vector<16xi32>, vector<16xi32> -> vector<16xi32>
      %select_n3A_1183 = arith.select %ge3A, %gather3A_1182, %broadcast_in_dim3A_3 : vector<16xi1>, vector<16xi32>
      %add3A_1184 = arith.addi %select_n3A_1179, %select_n3A_1183 : vector<16xi32>
      %broadcast_in_dim3A_1185 = vector.shape_cast %max3A_15 : vector<16xi32> to vector<16x1xi32>
      %gather3A_1186 = vector.shape_cast %broadcast_in_dim3A_1185 : vector<16x1xi32> to vector<16xi32>
      %gather3A_1187 = tpu.dynamic_gather %add3A_1184[%gather3A_1186] in [0] : vector<16xi32>, vector<16xi32> -> vector<16xi32>
      %select_n3A_1188 = arith.select %ge3A_28, %gather3A_1187, %broadcast_in_dim3A_3 : vector<16xi1>, vector<16xi32>
      %add3A_1189 = arith.addi %add3A_1184, %select_n3A_1188 : vector<16xi32>
      %broadcast_in_dim3A_1190 = vector.shape_cast %max3A_19 : vector<16xi32> to vector<16x1xi32>
      %gather3A_1191 = vector.shape_cast %broadcast_in_dim3A_1190 : vector<16x1xi32> to vector<16xi32>
      %gather3A_1192 = tpu.dynamic_gather %add3A_1189[%gather3A_1191] in [0] : vector<16xi32>, vector<16xi32> -> vector<16xi32>
      %select_n3A_1193 = arith.select %ge3A_31, %gather3A_1192, %broadcast_in_dim3A_3 : vector<16xi1>, vector<16xi32>
      %add3A_1194 = arith.addi %add3A_1189, %select_n3A_1193 : vector<16xi32>
      %broadcast_in_dim3A_1195 = vector.shape_cast %max3A_23 : vector<16xi32> to vector<16x1xi32>
      %gather3A_1196 = vector.shape_cast %broadcast_in_dim3A_1195 : vector<16x1xi32> to vector<16xi32>
      %gather3A_1197 = tpu.dynamic_gather %add3A_1194[%gather3A_1196] in [0] : vector<16xi32>, vector<16xi32> -> vector<16xi32>
      %select_n3A_1198 = arith.select %ge3A_34, %gather3A_1197, %broadcast_in_dim3A_3 : vector<16xi1>, vector<16xi32>
      %add3A_1199 = arith.addi %add3A_1194, %select_n3A_1198 : vector<16xi32>
      %add3A_1200 = arith.addi %add3A_1199, %add3A_1174 : vector<16xi32>
      %mul3A_1201 = arith.muli %add3A_1200, %select_n3A_1179 : vector<16xi32>
      %convert_element_type3A_1202 = arith.sitofp %mul3A_1201 : vector<16xi32> to vector<16xf32>
      %swap3A_1203 = arith.constant 464 : index
      %swap3A_1204 = tpu.vector_load %arg6[%swap3A_1203] {strides = array<i32>} : memref<808xf32, #tpu.memory_space<vmem>>, vector<16xf32>,
      %swap3A_1205 = vector.shape_cast %swap3A_1204 : vector<16xf32> to vector<16xf32>
      %swap3A_1206 = vector.shape_cast %convert_element_type3A_1202 : vector<16xf32> to vector<16xf32>
      tpu.vector_store %arg6[%swap3A_1203], %swap3A_1206 {strides = array<i32>} : memref<808xf32, #tpu.memory_space<vmem>>, vector<16xf32>,
      %broadcast_in_dim3A_1207 = vector.shape_cast %broadcast_in_dim3A_36 : vector<16xi32> to vector<16x1xi32>
      %gather3A_1208 = vector.shape_cast %broadcast_in_dim3A_1207 : vector<16x1xi32> to vector<16xi32>
      %gather3A_1209 = tpu.dynamic_gather %add3A_1199[%gather3A_1208] in [0] : vector<16xi32>, vector<16xi32> -> vector<16xi32>
      %add3A_1210 = arith.addi %add3A_1174, %gather3A_1209 : vector<16xi32>
      %get3A_1211 = arith.constant 480 : index
      %get3A_1212 = tpu.vector_load %arg4[%get3A_1211] {strides = array<i32>} : memref<808xf32, #tpu.memory_space<vmem>>, vector<16xf32>,
      %get3A_1213 = vector.shape_cast %get3A_1212 : vector<16xf32> to vector<16xf32>
      %ne3A_1214 = arith.cmpf one, %get3A_1213, %broadcast_in_dim3A_5 : vector<16xf32>
      %select_n3A_1215 = arith.select %ne3A_1214, %broadcast_in_dim3A_7, %broadcast_in_dim3A_3 : vector<16xi1>, vector<16xi32>
      %broadcast_in_dim3A_1216 = vector.shape_cast %max3A : vector<16xi32> to vector<16x1xi32>
      %gather3A_1217 = vector.shape_cast %broadcast_in_dim3A_1216 : vector<16x1xi32> to vector<16xi32>
      %gather3A_1218 = tpu.dynamic_gather %select_n3A_1215[%gather3A_1217] in [0] : vector<16xi32>, vector<16xi32> -> vector<16xi32>
      %select_n3A_1219 = arith.select %ge3A, %gather3A_1218, %broadcast_in_dim3A_3 : vector<16xi1>, vector<16xi32>
      %add3A_1220 = arith.addi %select_n3A_1215, %select_n3A_1219 : vector<16xi32>
      %broadcast_in_dim3A_1221 = vector.shape_cast %max3A_15 : vector<16xi32> to vector<16x1xi32>
      %gather3A_1222 = vector.shape_cast %broadcast_in_dim3A_1221 : vector<16x1xi32> to vector<16xi32>
      %gather3A_1223 = tpu.dynamic_gather %add3A_1220[%gather3A_1222] in [0] : vector<16xi32>, vector<16xi32> -> vector<16xi32>
      %select_n3A_1224 = arith.select %ge3A_28, %gather3A_1223, %broadcast_in_dim3A_3 : vector<16xi1>, vector<16xi32>
      %add3A_1225 = arith.addi %add3A_1220, %select_n3A_1224 : vector<16xi32>
      %broadcast_in_dim3A_1226 = vector.shape_cast %max3A_19 : vector<16xi32> to vector<16x1xi32>
      %gather3A_1227 = vector.shape_cast %broadcast_in_dim3A_1226 : vector<16x1xi32> to vector<16xi32>
      %gather3A_1228 = tpu.dynamic_gather %add3A_1225[%gather3A_1227] in [0] : vector<16xi32>, vector<16xi32> -> vector<16xi32>
      %select_n3A_1229 = arith.select %ge3A_31, %gather3A_1228, %broadcast_in_dim3A_3 : vector<16xi1>, vector<16xi32>
      %add3A_1230 = arith.addi %add3A_1225, %select_n3A_1229 : vector<16xi32>
      %broadcast_in_dim3A_1231 = vector.shape_cast %max3A_23 : vector<16xi32> to vector<16x1xi32>
      %gather3A_1232 = vector.shape_cast %broadcast_in_dim3A_1231 : vector<16x1xi32> to vector<16xi32>
      %gather3A_1233 = tpu.dynamic_gather %add3A_1230[%gather3A_1232] in [0] : vector<16xi32>, vector<16xi32> -> vector<16xi32>
      %select_n3A_1234 = arith.select %ge3A_34, %gather3A_1233, %broadcast_in_dim3A_3 : vector<16xi1>, vector<16xi32>
      %add3A_1235 = arith.addi %add3A_1230, %select_n3A_1234 : vector<16xi32>
      %add3A_1236 = arith.addi %add3A_1235, %add3A_1210 : vector<16xi32>
      %mul3A_1237 = arith.muli %add3A_1236, %select_n3A_1215 : vector<16xi32>
      %convert_element_type3A_1238 = arith.sitofp %mul3A_1237 : vector<16xi32> to vector<16xf32>
      %swap3A_1239 = arith.constant 480 : index
      %swap3A_1240 = tpu.vector_load %arg6[%swap3A_1239] {strides = array<i32>} : memref<808xf32, #tpu.memory_space<vmem>>, vector<16xf32>,
      %swap3A_1241 = vector.shape_cast %swap3A_1240 : vector<16xf32> to vector<16xf32>
      %swap3A_1242 = vector.shape_cast %convert_element_type3A_1238 : vector<16xf32> to vector<16xf32>
      tpu.vector_store %arg6[%swap3A_1239], %swap3A_1242 {strides = array<i32>} : memref<808xf32, #tpu.memory_space<vmem>>, vector<16xf32>,
      %broadcast_in_dim3A_1243 = vector.shape_cast %broadcast_in_dim3A_36 : vector<16xi32> to vector<16x1xi32>
      %gather3A_1244 = vector.shape_cast %broadcast_in_dim3A_1243 : vector<16x1xi32> to vector<16xi32>
      %gather3A_1245 = tpu.dynamic_gather %add3A_1235[%gather3A_1244] in [0] : vector<16xi32>, vector<16xi32> -> vector<16xi32>
      %add3A_1246 = arith.addi %add3A_1210, %gather3A_1245 : vector<16xi32>
      %get3A_1247 = arith.constant 496 : index
      %get3A_1248 = tpu.vector_load %arg4[%get3A_1247] {strides = array<i32>} : memref<808xf32, #tpu.memory_space<vmem>>, vector<16xf32>,
      %get3A_1249 = vector.shape_cast %get3A_1248 : vector<16xf32> to vector<16xf32>
      %ne3A_1250 = arith.cmpf one, %get3A_1249, %broadcast_in_dim3A_5 : vector<16xf32>
      %select_n3A_1251 = arith.select %ne3A_1250, %broadcast_in_dim3A_7, %broadcast_in_dim3A_3 : vector<16xi1>, vector<16xi32>
      %broadcast_in_dim3A_1252 = vector.shape_cast %max3A : vector<16xi32> to vector<16x1xi32>
      %gather3A_1253 = vector.shape_cast %broadcast_in_dim3A_1252 : vector<16x1xi32> to vector<16xi32>
      %gather3A_1254 = tpu.dynamic_gather %select_n3A_1251[%gather3A_1253] in [0] : vector<16xi32>, vector<16xi32> -> vector<16xi32>
      %select_n3A_1255 = arith.select %ge3A, %gather3A_1254, %broadcast_in_dim3A_3 : vector<16xi1>, vector<16xi32>
      %add3A_1256 = arith.addi %select_n3A_1251, %select_n3A_1255 : vector<16xi32>
      %broadcast_in_dim3A_1257 = vector.shape_cast %max3A_15 : vector<16xi32> to vector<16x1xi32>
      %gather3A_1258 = vector.shape_cast %broadcast_in_dim3A_1257 : vector<16x1xi32> to vector<16xi32>
      %gather3A_1259 = tpu.dynamic_gather %add3A_1256[%gather3A_1258] in [0] : vector<16xi32>, vector<16xi32> -> vector<16xi32>
      %select_n3A_1260 = arith.select %ge3A_28, %gather3A_1259, %broadcast_in_dim3A_3 : vector<16xi1>, vector<16xi32>
      %add3A_1261 = arith.addi %add3A_1256, %select_n3A_1260 : vector<16xi32>
      %broadcast_in_dim3A_1262 = vector.shape_cast %max3A_19 : vector<16xi32> to vector<16x1xi32>
      %gather3A_1263 = vector.shape_cast %broadcast_in_dim3A_1262 : vector<16x1xi32> to vector<16xi32>
      %gather3A_1264 = tpu.dynamic_gather %add3A_1261[%gather3A_1263] in [0] : vector<16xi32>, vector<16xi32> -> vector<16xi32>
      %select_n3A_1265 = arith.select %ge3A_31, %gather3A_1264, %broadcast_in_dim3A_3 : vector<16xi1>, vector<16xi32>
      %add3A_1266 = arith.addi %add3A_1261, %select_n3A_1265 : vector<16xi32>
      %broadcast_in_dim3A_1267 = vector.shape_cast %max3A_23 : vector<16xi32> to vector<16x1xi32>
      %gather3A_1268 = vector.shape_cast %broadcast_in_dim3A_1267 : vector<16x1xi32> to vector<16xi32>
      %gather3A_1269 = tpu.dynamic_gather %add3A_1266[%gather3A_1268] in [0] : vector<16xi32>, vector<16xi32> -> vector<16xi32>
      %select_n3A_1270 = arith.select %ge3A_34, %gather3A_1269, %broadcast_in_dim3A_3 : vector<16xi1>, vector<16xi32>
      %add3A_1271 = arith.addi %add3A_1266, %select_n3A_1270 : vector<16xi32>
      %add3A_1272 = arith.addi %add3A_1271, %add3A_1246 : vector<16xi32>
      %mul3A_1273 = arith.muli %add3A_1272, %select_n3A_1251 : vector<16xi32>
      %convert_element_type3A_1274 = arith.sitofp %mul3A_1273 : vector<16xi32> to vector<16xf32>
      %swap3A_1275 = arith.constant 496 : index
      %swap3A_1276 = tpu.vector_load %arg6[%swap3A_1275] {strides = array<i32>} : memref<808xf32, #tpu.memory_space<vmem>>, vector<16xf32>,
      %swap3A_1277 = vector.shape_cast %swap3A_1276 : vector<16xf32> to vector<16xf32>
      %swap3A_1278 = vector.shape_cast %convert_element_type3A_1274 : vector<16xf32> to vector<16xf32>
      tpu.vector_store %arg6[%swap3A_1275], %swap3A_1278 {strides = array<i32>} : memref<808xf32, #tpu.memory_space<vmem>>, vector<16xf32>,
      %broadcast_in_dim3A_1279 = vector.shape_cast %broadcast_in_dim3A_36 : vector<16xi32> to vector<16x1xi32>
      %gather3A_1280 = vector.shape_cast %broadcast_in_dim3A_1279 : vector<16x1xi32> to vector<16xi32>
      %gather3A_1281 = tpu.dynamic_gather %add3A_1271[%gather3A_1280] in [0] : vector<16xi32>, vector<16xi32> -> vector<16xi32>
      %add3A_1282 = arith.addi %add3A_1246, %gather3A_1281 : vector<16xi32>
      %get3A_1283 = arith.constant 512 : index
      %get3A_1284 = tpu.vector_load %arg4[%get3A_1283] {strides = array<i32>} : memref<808xf32, #tpu.memory_space<vmem>>, vector<16xf32>,
      %get3A_1285 = vector.shape_cast %get3A_1284 : vector<16xf32> to vector<16xf32>
      %ne3A_1286 = arith.cmpf one, %get3A_1285, %broadcast_in_dim3A_5 : vector<16xf32>
      %select_n3A_1287 = arith.select %ne3A_1286, %broadcast_in_dim3A_7, %broadcast_in_dim3A_3 : vector<16xi1>, vector<16xi32>
      %broadcast_in_dim3A_1288 = vector.shape_cast %max3A : vector<16xi32> to vector<16x1xi32>
      %gather3A_1289 = vector.shape_cast %broadcast_in_dim3A_1288 : vector<16x1xi32> to vector<16xi32>
      %gather3A_1290 = tpu.dynamic_gather %select_n3A_1287[%gather3A_1289] in [0] : vector<16xi32>, vector<16xi32> -> vector<16xi32>
      %select_n3A_1291 = arith.select %ge3A, %gather3A_1290, %broadcast_in_dim3A_3 : vector<16xi1>, vector<16xi32>
      %add3A_1292 = arith.addi %select_n3A_1287, %select_n3A_1291 : vector<16xi32>
      %broadcast_in_dim3A_1293 = vector.shape_cast %max3A_15 : vector<16xi32> to vector<16x1xi32>
      %gather3A_1294 = vector.shape_cast %broadcast_in_dim3A_1293 : vector<16x1xi32> to vector<16xi32>
      %gather3A_1295 = tpu.dynamic_gather %add3A_1292[%gather3A_1294] in [0] : vector<16xi32>, vector<16xi32> -> vector<16xi32>
      %select_n3A_1296 = arith.select %ge3A_28, %gather3A_1295, %broadcast_in_dim3A_3 : vector<16xi1>, vector<16xi32>
      %add3A_1297 = arith.addi %add3A_1292, %select_n3A_1296 : vector<16xi32>
      %broadcast_in_dim3A_1298 = vector.shape_cast %max3A_19 : vector<16xi32> to vector<16x1xi32>
      %gather3A_1299 = vector.shape_cast %broadcast_in_dim3A_1298 : vector<16x1xi32> to vector<16xi32>
      %gather3A_1300 = tpu.dynamic_gather %add3A_1297[%gather3A_1299] in [0] : vector<16xi32>, vector<16xi32> -> vector<16xi32>
      %select_n3A_1301 = arith.select %ge3A_31, %gather3A_1300, %broadcast_in_dim3A_3 : vector<16xi1>, vector<16xi32>
      %add3A_1302 = arith.addi %add3A_1297, %select_n3A_1301 : vector<16xi32>
      %broadcast_in_dim3A_1303 = vector.shape_cast %max3A_23 : vector<16xi32> to vector<16x1xi32>
      %gather3A_1304 = vector.shape_cast %broadcast_in_dim3A_1303 : vector<16x1xi32> to vector<16xi32>
      %gather3A_1305 = tpu.dynamic_gather %add3A_1302[%gather3A_1304] in [0] : vector<16xi32>, vector<16xi32> -> vector<16xi32>
      %select_n3A_1306 = arith.select %ge3A_34, %gather3A_1305, %broadcast_in_dim3A_3 : vector<16xi1>, vector<16xi32>
      %add3A_1307 = arith.addi %add3A_1302, %select_n3A_1306 : vector<16xi32>
      %add3A_1308 = arith.addi %add3A_1307, %add3A_1282 : vector<16xi32>
      %mul3A_1309 = arith.muli %add3A_1308, %select_n3A_1287 : vector<16xi32>
      %convert_element_type3A_1310 = arith.sitofp %mul3A_1309 : vector<16xi32> to vector<16xf32>
      %swap3A_1311 = arith.constant 512 : index
      %swap3A_1312 = tpu.vector_load %arg6[%swap3A_1311] {strides = array<i32>} : memref<808xf32, #tpu.memory_space<vmem>>, vector<16xf32>,
      %swap3A_1313 = vector.shape_cast %swap3A_1312 : vector<16xf32> to vector<16xf32>
      %swap3A_1314 = vector.shape_cast %convert_element_type3A_1310 : vector<16xf32> to vector<16xf32>
      tpu.vector_store %arg6[%swap3A_1311], %swap3A_1314 {strides = array<i32>} : memref<808xf32, #tpu.memory_space<vmem>>, vector<16xf32>,
      %broadcast_in_dim3A_1315 = vector.shape_cast %broadcast_in_dim3A_36 : vector<16xi32> to vector<16x1xi32>
      %gather3A_1316 = vector.shape_cast %broadcast_in_dim3A_1315 : vector<16x1xi32> to vector<16xi32>
      %gather3A_1317 = tpu.dynamic_gather %add3A_1307[%gather3A_1316] in [0] : vector<16xi32>, vector<16xi32> -> vector<16xi32>
      %add3A_1318 = arith.addi %add3A_1282, %gather3A_1317 : vector<16xi32>
      %get3A_1319 = arith.constant 528 : index
      %get3A_1320 = tpu.vector_load %arg4[%get3A_1319] {strides = array<i32>} : memref<808xf32, #tpu.memory_space<vmem>>, vector<16xf32>,
      %get3A_1321 = vector.shape_cast %get3A_1320 : vector<16xf32> to vector<16xf32>
      %ne3A_1322 = arith.cmpf one, %get3A_1321, %broadcast_in_dim3A_5 : vector<16xf32>
      %select_n3A_1323 = arith.select %ne3A_1322, %broadcast_in_dim3A_7, %broadcast_in_dim3A_3 : vector<16xi1>, vector<16xi32>
      %broadcast_in_dim3A_1324 = vector.shape_cast %max3A : vector<16xi32> to vector<16x1xi32>
      %gather3A_1325 = vector.shape_cast %broadcast_in_dim3A_1324 : vector<16x1xi32> to vector<16xi32>
      %gather3A_1326 = tpu.dynamic_gather %select_n3A_1323[%gather3A_1325] in [0] : vector<16xi32>, vector<16xi32> -> vector<16xi32>
      %select_n3A_1327 = arith.select %ge3A, %gather3A_1326, %broadcast_in_dim3A_3 : vector<16xi1>, vector<16xi32>
      %add3A_1328 = arith.addi %select_n3A_1323, %select_n3A_1327 : vector<16xi32>
      %broadcast_in_dim3A_1329 = vector.shape_cast %max3A_15 : vector<16xi32> to vector<16x1xi32>
      %gather3A_1330 = vector.shape_cast %broadcast_in_dim3A_1329 : vector<16x1xi32> to vector<16xi32>
      %gather3A_1331 = tpu.dynamic_gather %add3A_1328[%gather3A_1330] in [0] : vector<16xi32>, vector<16xi32> -> vector<16xi32>
      %select_n3A_1332 = arith.select %ge3A_28, %gather3A_1331, %broadcast_in_dim3A_3 : vector<16xi1>, vector<16xi32>
      %add3A_1333 = arith.addi %add3A_1328, %select_n3A_1332 : vector<16xi32>
      %broadcast_in_dim3A_1334 = vector.shape_cast %max3A_19 : vector<16xi32> to vector<16x1xi32>
      %gather3A_1335 = vector.shape_cast %broadcast_in_dim3A_1334 : vector<16x1xi32> to vector<16xi32>
      %gather3A_1336 = tpu.dynamic_gather %add3A_1333[%gather3A_1335] in [0] : vector<16xi32>, vector<16xi32> -> vector<16xi32>
      %select_n3A_1337 = arith.select %ge3A_31, %gather3A_1336, %broadcast_in_dim3A_3 : vector<16xi1>, vector<16xi32>
      %add3A_1338 = arith.addi %add3A_1333, %select_n3A_1337 : vector<16xi32>
      %broadcast_in_dim3A_1339 = vector.shape_cast %max3A_23 : vector<16xi32> to vector<16x1xi32>
      %gather3A_1340 = vector.shape_cast %broadcast_in_dim3A_1339 : vector<16x1xi32> to vector<16xi32>
      %gather3A_1341 = tpu.dynamic_gather %add3A_1338[%gather3A_1340] in [0] : vector<16xi32>, vector<16xi32> -> vector<16xi32>
      %select_n3A_1342 = arith.select %ge3A_34, %gather3A_1341, %broadcast_in_dim3A_3 : vector<16xi1>, vector<16xi32>
      %add3A_1343 = arith.addi %add3A_1338, %select_n3A_1342 : vector<16xi32>
      %add3A_1344 = arith.addi %add3A_1343, %add3A_1318 : vector<16xi32>
      %mul3A_1345 = arith.muli %add3A_1344, %select_n3A_1323 : vector<16xi32>
      %convert_element_type3A_1346 = arith.sitofp %mul3A_1345 : vector<16xi32> to vector<16xf32>
      %swap3A_1347 = arith.constant 528 : index
      %swap3A_1348 = tpu.vector_load %arg6[%swap3A_1347] {strides = array<i32>} : memref<808xf32, #tpu.memory_space<vmem>>, vector<16xf32>,
      %swap3A_1349 = vector.shape_cast %swap3A_1348 : vector<16xf32> to vector<16xf32>
      %swap3A_1350 = vector.shape_cast %convert_element_type3A_1346 : vector<16xf32> to vector<16xf32>
      tpu.vector_store %arg6[%swap3A_1347], %swap3A_1350 {strides = array<i32>} : memref<808xf32, #tpu.memory_space<vmem>>, vector<16xf32>,
      %broadcast_in_dim3A_1351 = vector.shape_cast %broadcast_in_dim3A_36 : vector<16xi32> to vector<16x1xi32>
      %gather3A_1352 = vector.shape_cast %broadcast_in_dim3A_1351 : vector<16x1xi32> to vector<16xi32>
      %gather3A_1353 = tpu.dynamic_gather %add3A_1343[%gather3A_1352] in [0] : vector<16xi32>, vector<16xi32> -> vector<16xi32>
      %add3A_1354 = arith.addi %add3A_1318, %gather3A_1353 : vector<16xi32>
      %get3A_1355 = arith.constant 544 : index
      %get3A_1356 = tpu.vector_load %arg4[%get3A_1355] {strides = array<i32>} : memref<808xf32, #tpu.memory_space<vmem>>, vector<16xf32>,
      %get3A_1357 = vector.shape_cast %get3A_1356 : vector<16xf32> to vector<16xf32>
      %ne3A_1358 = arith.cmpf one, %get3A_1357, %broadcast_in_dim3A_5 : vector<16xf32>
      %select_n3A_1359 = arith.select %ne3A_1358, %broadcast_in_dim3A_7, %broadcast_in_dim3A_3 : vector<16xi1>, vector<16xi32>
      %broadcast_in_dim3A_1360 = vector.shape_cast %max3A : vector<16xi32> to vector<16x1xi32>
      %gather3A_1361 = vector.shape_cast %broadcast_in_dim3A_1360 : vector<16x1xi32> to vector<16xi32>
      %gather3A_1362 = tpu.dynamic_gather %select_n3A_1359[%gather3A_1361] in [0] : vector<16xi32>, vector<16xi32> -> vector<16xi32>
      %select_n3A_1363 = arith.select %ge3A, %gather3A_1362, %broadcast_in_dim3A_3 : vector<16xi1>, vector<16xi32>
      %add3A_1364 = arith.addi %select_n3A_1359, %select_n3A_1363 : vector<16xi32>
      %broadcast_in_dim3A_1365 = vector.shape_cast %max3A_15 : vector<16xi32> to vector<16x1xi32>
      %gather3A_1366 = vector.shape_cast %broadcast_in_dim3A_1365 : vector<16x1xi32> to vector<16xi32>
      %gather3A_1367 = tpu.dynamic_gather %add3A_1364[%gather3A_1366] in [0] : vector<16xi32>, vector<16xi32> -> vector<16xi32>
      %select_n3A_1368 = arith.select %ge3A_28, %gather3A_1367, %broadcast_in_dim3A_3 : vector<16xi1>, vector<16xi32>
      %add3A_1369 = arith.addi %add3A_1364, %select_n3A_1368 : vector<16xi32>
      %broadcast_in_dim3A_1370 = vector.shape_cast %max3A_19 : vector<16xi32> to vector<16x1xi32>
      %gather3A_1371 = vector.shape_cast %broadcast_in_dim3A_1370 : vector<16x1xi32> to vector<16xi32>
      %gather3A_1372 = tpu.dynamic_gather %add3A_1369[%gather3A_1371] in [0] : vector<16xi32>, vector<16xi32> -> vector<16xi32>
      %select_n3A_1373 = arith.select %ge3A_31, %gather3A_1372, %broadcast_in_dim3A_3 : vector<16xi1>, vector<16xi32>
      %add3A_1374 = arith.addi %add3A_1369, %select_n3A_1373 : vector<16xi32>
      %broadcast_in_dim3A_1375 = vector.shape_cast %max3A_23 : vector<16xi32> to vector<16x1xi32>
      %gather3A_1376 = vector.shape_cast %broadcast_in_dim3A_1375 : vector<16x1xi32> to vector<16xi32>
      %gather3A_1377 = tpu.dynamic_gather %add3A_1374[%gather3A_1376] in [0] : vector<16xi32>, vector<16xi32> -> vector<16xi32>
      %select_n3A_1378 = arith.select %ge3A_34, %gather3A_1377, %broadcast_in_dim3A_3 : vector<16xi1>, vector<16xi32>
      %add3A_1379 = arith.addi %add3A_1374, %select_n3A_1378 : vector<16xi32>
      %add3A_1380 = arith.addi %add3A_1379, %add3A_1354 : vector<16xi32>
      %mul3A_1381 = arith.muli %add3A_1380, %select_n3A_1359 : vector<16xi32>
      %convert_element_type3A_1382 = arith.sitofp %mul3A_1381 : vector<16xi32> to vector<16xf32>
      %swap3A_1383 = arith.constant 544 : index
      %swap3A_1384 = tpu.vector_load %arg6[%swap3A_1383] {strides = array<i32>} : memref<808xf32, #tpu.memory_space<vmem>>, vector<16xf32>,
      %swap3A_1385 = vector.shape_cast %swap3A_1384 : vector<16xf32> to vector<16xf32>
      %swap3A_1386 = vector.shape_cast %convert_element_type3A_1382 : vector<16xf32> to vector<16xf32>
      tpu.vector_store %arg6[%swap3A_1383], %swap3A_1386 {strides = array<i32>} : memref<808xf32, #tpu.memory_space<vmem>>, vector<16xf32>,
      %broadcast_in_dim3A_1387 = vector.shape_cast %broadcast_in_dim3A_36 : vector<16xi32> to vector<16x1xi32>
      %gather3A_1388 = vector.shape_cast %broadcast_in_dim3A_1387 : vector<16x1xi32> to vector<16xi32>
      %gather3A_1389 = tpu.dynamic_gather %add3A_1379[%gather3A_1388] in [0] : vector<16xi32>, vector<16xi32> -> vector<16xi32>
      %add3A_1390 = arith.addi %add3A_1354, %gather3A_1389 : vector<16xi32>
      %get3A_1391 = arith.constant 560 : index
      %get3A_1392 = tpu.vector_load %arg4[%get3A_1391] {strides = array<i32>} : memref<808xf32, #tpu.memory_space<vmem>>, vector<16xf32>,
      %get3A_1393 = vector.shape_cast %get3A_1392 : vector<16xf32> to vector<16xf32>
      %ne3A_1394 = arith.cmpf one, %get3A_1393, %broadcast_in_dim3A_5 : vector<16xf32>
      %select_n3A_1395 = arith.select %ne3A_1394, %broadcast_in_dim3A_7, %broadcast_in_dim3A_3 : vector<16xi1>, vector<16xi32>
      %broadcast_in_dim3A_1396 = vector.shape_cast %max3A : vector<16xi32> to vector<16x1xi32>
      %gather3A_1397 = vector.shape_cast %broadcast_in_dim3A_1396 : vector<16x1xi32> to vector<16xi32>
      %gather3A_1398 = tpu.dynamic_gather %select_n3A_1395[%gather3A_1397] in [0] : vector<16xi32>, vector<16xi32> -> vector<16xi32>
      %select_n3A_1399 = arith.select %ge3A, %gather3A_1398, %broadcast_in_dim3A_3 : vector<16xi1>, vector<16xi32>
      %add3A_1400 = arith.addi %select_n3A_1395, %select_n3A_1399 : vector<16xi32>
      %broadcast_in_dim3A_1401 = vector.shape_cast %max3A_15 : vector<16xi32> to vector<16x1xi32>
      %gather3A_1402 = vector.shape_cast %broadcast_in_dim3A_1401 : vector<16x1xi32> to vector<16xi32>
      %gather3A_1403 = tpu.dynamic_gather %add3A_1400[%gather3A_1402] in [0] : vector<16xi32>, vector<16xi32> -> vector<16xi32>
      %select_n3A_1404 = arith.select %ge3A_28, %gather3A_1403, %broadcast_in_dim3A_3 : vector<16xi1>, vector<16xi32>
      %add3A_1405 = arith.addi %add3A_1400, %select_n3A_1404 : vector<16xi32>
      %broadcast_in_dim3A_1406 = vector.shape_cast %max3A_19 : vector<16xi32> to vector<16x1xi32>
      %gather3A_1407 = vector.shape_cast %broadcast_in_dim3A_1406 : vector<16x1xi32> to vector<16xi32>
      %gather3A_1408 = tpu.dynamic_gather %add3A_1405[%gather3A_1407] in [0] : vector<16xi32>, vector<16xi32> -> vector<16xi32>
      %select_n3A_1409 = arith.select %ge3A_31, %gather3A_1408, %broadcast_in_dim3A_3 : vector<16xi1>, vector<16xi32>
      %add3A_1410 = arith.addi %add3A_1405, %select_n3A_1409 : vector<16xi32>
      %broadcast_in_dim3A_1411 = vector.shape_cast %max3A_23 : vector<16xi32> to vector<16x1xi32>
      %gather3A_1412 = vector.shape_cast %broadcast_in_dim3A_1411 : vector<16x1xi32> to vector<16xi32>
      %gather3A_1413 = tpu.dynamic_gather %add3A_1410[%gather3A_1412] in [0] : vector<16xi32>, vector<16xi32> -> vector<16xi32>
      %select_n3A_1414 = arith.select %ge3A_34, %gather3A_1413, %broadcast_in_dim3A_3 : vector<16xi1>, vector<16xi32>
      %add3A_1415 = arith.addi %add3A_1410, %select_n3A_1414 : vector<16xi32>
      %add3A_1416 = arith.addi %add3A_1415, %add3A_1390 : vector<16xi32>
      %mul3A_1417 = arith.muli %add3A_1416, %select_n3A_1395 : vector<16xi32>
      %convert_element_type3A_1418 = arith.sitofp %mul3A_1417 : vector<16xi32> to vector<16xf32>
      %swap3A_1419 = arith.constant 560 : index
      %swap3A_1420 = tpu.vector_load %arg6[%swap3A_1419] {strides = array<i32>} : memref<808xf32, #tpu.memory_space<vmem>>, vector<16xf32>,
      %swap3A_1421 = vector.shape_cast %swap3A_1420 : vector<16xf32> to vector<16xf32>
      %swap3A_1422 = vector.shape_cast %convert_element_type3A_1418 : vector<16xf32> to vector<16xf32>
      tpu.vector_store %arg6[%swap3A_1419], %swap3A_1422 {strides = array<i32>} : memref<808xf32, #tpu.memory_space<vmem>>, vector<16xf32>,
      %broadcast_in_dim3A_1423 = vector.shape_cast %broadcast_in_dim3A_36 : vector<16xi32> to vector<16x1xi32>
      %gather3A_1424 = vector.shape_cast %broadcast_in_dim3A_1423 : vector<16x1xi32> to vector<16xi32>
      %gather3A_1425 = tpu.dynamic_gather %add3A_1415[%gather3A_1424] in [0] : vector<16xi32>, vector<16xi32> -> vector<16xi32>
      %add3A_1426 = arith.addi %add3A_1390, %gather3A_1425 : vector<16xi32>
      %get3A_1427 = arith.constant 576 : index
      %get3A_1428 = tpu.vector_load %arg4[%get3A_1427] {strides = array<i32>} : memref<808xf32, #tpu.memory_space<vmem>>, vector<16xf32>,
      %get3A_1429 = vector.shape_cast %get3A_1428 : vector<16xf32> to vector<16xf32>
      %ne3A_1430 = arith.cmpf one, %get3A_1429, %broadcast_in_dim3A_5 : vector<16xf32>
      %select_n3A_1431 = arith.select %ne3A_1430, %broadcast_in_dim3A_7, %broadcast_in_dim3A_3 : vector<16xi1>, vector<16xi32>
      %broadcast_in_dim3A_1432 = vector.shape_cast %max3A : vector<16xi32> to vector<16x1xi32>
      %gather3A_1433 = vector.shape_cast %broadcast_in_dim3A_1432 : vector<16x1xi32> to vector<16xi32>
      %gather3A_1434 = tpu.dynamic_gather %select_n3A_1431[%gather3A_1433] in [0] : vector<16xi32>, vector<16xi32> -> vector<16xi32>
      %select_n3A_1435 = arith.select %ge3A, %gather3A_1434, %broadcast_in_dim3A_3 : vector<16xi1>, vector<16xi32>
      %add3A_1436 = arith.addi %select_n3A_1431, %select_n3A_1435 : vector<16xi32>
      %broadcast_in_dim3A_1437 = vector.shape_cast %max3A_15 : vector<16xi32> to vector<16x1xi32>
      %gather3A_1438 = vector.shape_cast %broadcast_in_dim3A_1437 : vector<16x1xi32> to vector<16xi32>
      %gather3A_1439 = tpu.dynamic_gather %add3A_1436[%gather3A_1438] in [0] : vector<16xi32>, vector<16xi32> -> vector<16xi32>
      %select_n3A_1440 = arith.select %ge3A_28, %gather3A_1439, %broadcast_in_dim3A_3 : vector<16xi1>, vector<16xi32>
      %add3A_1441 = arith.addi %add3A_1436, %select_n3A_1440 : vector<16xi32>
      %broadcast_in_dim3A_1442 = vector.shape_cast %max3A_19 : vector<16xi32> to vector<16x1xi32>
      %gather3A_1443 = vector.shape_cast %broadcast_in_dim3A_1442 : vector<16x1xi32> to vector<16xi32>
      %gather3A_1444 = tpu.dynamic_gather %add3A_1441[%gather3A_1443] in [0] : vector<16xi32>, vector<16xi32> -> vector<16xi32>
      %select_n3A_1445 = arith.select %ge3A_31, %gather3A_1444, %broadcast_in_dim3A_3 : vector<16xi1>, vector<16xi32>
      %add3A_1446 = arith.addi %add3A_1441, %select_n3A_1445 : vector<16xi32>
      %broadcast_in_dim3A_1447 = vector.shape_cast %max3A_23 : vector<16xi32> to vector<16x1xi32>
      %gather3A_1448 = vector.shape_cast %broadcast_in_dim3A_1447 : vector<16x1xi32> to vector<16xi32>
      %gather3A_1449 = tpu.dynamic_gather %add3A_1446[%gather3A_1448] in [0] : vector<16xi32>, vector<16xi32> -> vector<16xi32>
      %select_n3A_1450 = arith.select %ge3A_34, %gather3A_1449, %broadcast_in_dim3A_3 : vector<16xi1>, vector<16xi32>
      %add3A_1451 = arith.addi %add3A_1446, %select_n3A_1450 : vector<16xi32>
      %add3A_1452 = arith.addi %add3A_1451, %add3A_1426 : vector<16xi32>
      %mul3A_1453 = arith.muli %add3A_1452, %select_n3A_1431 : vector<16xi32>
      %convert_element_type3A_1454 = arith.sitofp %mul3A_1453 : vector<16xi32> to vector<16xf32>
      %swap3A_1455 = arith.constant 576 : index
      %swap3A_1456 = tpu.vector_load %arg6[%swap3A_1455] {strides = array<i32>} : memref<808xf32, #tpu.memory_space<vmem>>, vector<16xf32>,
      %swap3A_1457 = vector.shape_cast %swap3A_1456 : vector<16xf32> to vector<16xf32>
      %swap3A_1458 = vector.shape_cast %convert_element_type3A_1454 : vector<16xf32> to vector<16xf32>
      tpu.vector_store %arg6[%swap3A_1455], %swap3A_1458 {strides = array<i32>} : memref<808xf32, #tpu.memory_space<vmem>>, vector<16xf32>,
      %broadcast_in_dim3A_1459 = vector.shape_cast %broadcast_in_dim3A_36 : vector<16xi32> to vector<16x1xi32>
      %gather3A_1460 = vector.shape_cast %broadcast_in_dim3A_1459 : vector<16x1xi32> to vector<16xi32>
      %gather3A_1461 = tpu.dynamic_gather %add3A_1451[%gather3A_1460] in [0] : vector<16xi32>, vector<16xi32> -> vector<16xi32>
      %add3A_1462 = arith.addi %add3A_1426, %gather3A_1461 : vector<16xi32>
      %get3A_1463 = arith.constant 592 : index
      %get3A_1464 = tpu.vector_load %arg4[%get3A_1463] {strides = array<i32>} : memref<808xf32, #tpu.memory_space<vmem>>, vector<16xf32>,
      %get3A_1465 = vector.shape_cast %get3A_1464 : vector<16xf32> to vector<16xf32>
      %ne3A_1466 = arith.cmpf one, %get3A_1465, %broadcast_in_dim3A_5 : vector<16xf32>
      %and3A_1467 = arith.andi %ne3A_1466, %lt3A : vector<16xi1>
      %select_n3A_1468 = arith.select %and3A_1467, %broadcast_in_dim3A_7, %broadcast_in_dim3A_3 : vector<16xi1>, vector<16xi32>
      %broadcast_in_dim3A_1469 = vector.shape_cast %max3A : vector<16xi32> to vector<16x1xi32>
      %gather3A_1470 = vector.shape_cast %broadcast_in_dim3A_1469 : vector<16x1xi32> to vector<16xi32>
      %gather3A_1471 = tpu.dynamic_gather %select_n3A_1468[%gather3A_1470] in [0] : vector<16xi32>, vector<16xi32> -> vector<16xi32>
      %select_n3A_1472 = arith.select %ge3A, %gather3A_1471, %broadcast_in_dim3A_3 : vector<16xi1>, vector<16xi32>
      %add3A_1473 = arith.addi %select_n3A_1468, %select_n3A_1472 : vector<16xi32>
      %broadcast_in_dim3A_1474 = vector.shape_cast %max3A_15 : vector<16xi32> to vector<16x1xi32>
      %gather3A_1475 = vector.shape_cast %broadcast_in_dim3A_1474 : vector<16x1xi32> to vector<16xi32>
      %gather3A_1476 = tpu.dynamic_gather %add3A_1473[%gather3A_1475] in [0] : vector<16xi32>, vector<16xi32> -> vector<16xi32>
      %select_n3A_1477 = arith.select %ge3A_28, %gather3A_1476, %broadcast_in_dim3A_3 : vector<16xi1>, vector<16xi32>
      %add3A_1478 = arith.addi %add3A_1473, %select_n3A_1477 : vector<16xi32>
      %broadcast_in_dim3A_1479 = vector.shape_cast %max3A_19 : vector<16xi32> to vector<16x1xi32>
      %gather3A_1480 = vector.shape_cast %broadcast_in_dim3A_1479 : vector<16x1xi32> to vector<16xi32>
      %gather3A_1481 = tpu.dynamic_gather %add3A_1478[%gather3A_1480] in [0] : vector<16xi32>, vector<16xi32> -> vector<16xi32>
      %select_n3A_1482 = arith.select %ge3A_31, %gather3A_1481, %broadcast_in_dim3A_3 : vector<16xi1>, vector<16xi32>
      %add3A_1483 = arith.addi %add3A_1478, %select_n3A_1482 : vector<16xi32>
      %broadcast_in_dim3A_1484 = vector.shape_cast %max3A_23 : vector<16xi32> to vector<16x1xi32>
      %gather3A_1485 = vector.shape_cast %broadcast_in_dim3A_1484 : vector<16x1xi32> to vector<16xi32>
      %gather3A_1486 = tpu.dynamic_gather %add3A_1483[%gather3A_1485] in [0] : vector<16xi32>, vector<16xi32> -> vector<16xi32>
      %select_n3A_1487 = arith.select %ge3A_34, %gather3A_1486, %broadcast_in_dim3A_3 : vector<16xi1>, vector<16xi32>
      %add3A_1488 = arith.addi %add3A_1483, %select_n3A_1487 : vector<16xi32>
      %add3A_1489 = arith.addi %add3A_1488, %add3A_1462 : vector<16xi32>
      %mul3A_1490 = arith.muli %add3A_1489, %select_n3A_1468 : vector<16xi32>
      %convert_element_type3A_1491 = arith.sitofp %mul3A_1490 : vector<16xi32> to vector<16xf32>
      %swap3A_1492 = arith.constant 592 : index
      %swap3A_1493 = tpu.vector_load %arg6[%swap3A_1492] {strides = array<i32>} : memref<808xf32, #tpu.memory_space<vmem>>, vector<16xf32>,
      %swap3A_1494 = vector.shape_cast %swap3A_1493 : vector<16xf32> to vector<16xf32>
      %swap3A_1495 = vector.shape_cast %convert_element_type3A_1491 : vector<16xf32> to vector<16xf32>
      tpu.vector_store %arg6[%swap3A_1492], %swap3A_1495 {strides = array<i32>} : memref<808xf32, #tpu.memory_space<vmem>>, vector<16xf32>,
      %broadcast_in_dim3A_1496 = vector.shape_cast %broadcast_in_dim3A_36 : vector<16xi32> to vector<16x1xi32>
      %gather3A_1497 = vector.shape_cast %broadcast_in_dim3A_1496 : vector<16x1xi32> to vector<16xi32>
      %gather3A_1498 = tpu.dynamic_gather %add3A_1488[%gather3A_1497] in [0] : vector<16xi32>, vector<16xi32> -> vector<16xi32>
      %add3A_1499 = arith.addi %add3A_1462, %gather3A_1498 : vector<16xi32>
      %get3A_1500 = arith.constant 600 : index
      %get3A_1501 = tpu.vector_load %arg4[%get3A_1500] {strides = array<i32>} : memref<808xf32, #tpu.memory_space<vmem>>, vector<16xf32>,
      %get3A_1502 = vector.shape_cast %get3A_1501 : vector<16xf32> to vector<16xf32>
      %ne3A_1503 = arith.cmpf one, %get3A_1502, %broadcast_in_dim3A_5 : vector<16xf32>
      %select_n3A_1504 = arith.select %ne3A_1503, %broadcast_in_dim3A_7, %broadcast_in_dim3A_3 : vector<16xi1>, vector<16xi32>
      %broadcast_in_dim3A_1505 = vector.shape_cast %max3A : vector<16xi32> to vector<16x1xi32>
      %gather3A_1506 = vector.shape_cast %broadcast_in_dim3A_1505 : vector<16x1xi32> to vector<16xi32>
      %gather3A_1507 = tpu.dynamic_gather %select_n3A_1504[%gather3A_1506] in [0] : vector<16xi32>, vector<16xi32> -> vector<16xi32>
      %select_n3A_1508 = arith.select %ge3A, %gather3A_1507, %broadcast_in_dim3A_3 : vector<16xi1>, vector<16xi32>
      %add3A_1509 = arith.addi %select_n3A_1504, %select_n3A_1508 : vector<16xi32>
      %broadcast_in_dim3A_1510 = vector.shape_cast %max3A_15 : vector<16xi32> to vector<16x1xi32>
      %gather3A_1511 = vector.shape_cast %broadcast_in_dim3A_1510 : vector<16x1xi32> to vector<16xi32>
      %gather3A_1512 = tpu.dynamic_gather %add3A_1509[%gather3A_1511] in [0] : vector<16xi32>, vector<16xi32> -> vector<16xi32>
      %select_n3A_1513 = arith.select %ge3A_28, %gather3A_1512, %broadcast_in_dim3A_3 : vector<16xi1>, vector<16xi32>
      %add3A_1514 = arith.addi %add3A_1509, %select_n3A_1513 : vector<16xi32>
      %broadcast_in_dim3A_1515 = vector.shape_cast %max3A_19 : vector<16xi32> to vector<16x1xi32>
      %gather3A_1516 = vector.shape_cast %broadcast_in_dim3A_1515 : vector<16x1xi32> to vector<16xi32>
      %gather3A_1517 = tpu.dynamic_gather %add3A_1514[%gather3A_1516] in [0] : vector<16xi32>, vector<16xi32> -> vector<16xi32>
      %select_n3A_1518 = arith.select %ge3A_31, %gather3A_1517, %broadcast_in_dim3A_3 : vector<16xi1>, vector<16xi32>
      %add3A_1519 = arith.addi %add3A_1514, %select_n3A_1518 : vector<16xi32>
      %broadcast_in_dim3A_1520 = vector.shape_cast %max3A_23 : vector<16xi32> to vector<16x1xi32>
      %gather3A_1521 = vector.shape_cast %broadcast_in_dim3A_1520 : vector<16x1xi32> to vector<16xi32>
      %gather3A_1522 = tpu.dynamic_gather %add3A_1519[%gather3A_1521] in [0] : vector<16xi32>, vector<16xi32> -> vector<16xi32>
      %select_n3A_1523 = arith.select %ge3A_34, %gather3A_1522, %broadcast_in_dim3A_3 : vector<16xi1>, vector<16xi32>
      %add3A_1524 = arith.addi %add3A_1519, %select_n3A_1523 : vector<16xi32>
      %add3A_1525 = arith.addi %add3A_1524, %broadcast_in_dim3A_3 : vector<16xi32>
      %mul3A_1526 = arith.muli %add3A_1525, %select_n3A_1504 : vector<16xi32>
      %convert_element_type3A_1527 = arith.sitofp %mul3A_1526 : vector<16xi32> to vector<16xf32>
      %swap3A_1528 = arith.constant 600 : index
      %swap3A_1529 = tpu.vector_load %arg6[%swap3A_1528] {strides = array<i32>} : memref<808xf32, #tpu.memory_space<vmem>>, vector<16xf32>,
      %swap3A_1530 = vector.shape_cast %swap3A_1529 : vector<16xf32> to vector<16xf32>
      %swap3A_1531 = vector.shape_cast %convert_element_type3A_1527 : vector<16xf32> to vector<16xf32>
      tpu.vector_store %arg6[%swap3A_1528], %swap3A_1531 {strides = array<i32>} : memref<808xf32, #tpu.memory_space<vmem>>, vector<16xf32>,
      %broadcast_in_dim3A_1532 = vector.shape_cast %broadcast_in_dim3A_36 : vector<16xi32> to vector<16x1xi32>
      %gather3A_1533 = vector.shape_cast %broadcast_in_dim3A_1532 : vector<16x1xi32> to vector<16xi32>
      %gather3A_1534 = tpu.dynamic_gather %add3A_1524[%gather3A_1533] in [0] : vector<16xi32>, vector<16xi32> -> vector<16xi32>
      %add3A_1535 = arith.addi %broadcast_in_dim3A_3, %gather3A_1534 : vector<16xi32>
      %get3A_1536 = arith.constant 616 : index
      %get3A_1537 = tpu.vector_load %arg4[%get3A_1536] {strides = array<i32>} : memref<808xf32, #tpu.memory_space<vmem>>, vector<16xf32>,
      %get3A_1538 = vector.shape_cast %get3A_1537 : vector<16xf32> to vector<16xf32>
      %ne3A_1539 = arith.cmpf one, %get3A_1538, %broadcast_in_dim3A_5 : vector<16xf32>
      %select_n3A_1540 = arith.select %ne3A_1539, %broadcast_in_dim3A_7, %broadcast_in_dim3A_3 : vector<16xi1>, vector<16xi32>
      %broadcast_in_dim3A_1541 = vector.shape_cast %max3A : vector<16xi32> to vector<16x1xi32>
      %gather3A_1542 = vector.shape_cast %broadcast_in_dim3A_1541 : vector<16x1xi32> to vector<16xi32>
      %gather3A_1543 = tpu.dynamic_gather %select_n3A_1540[%gather3A_1542] in [0] : vector<16xi32>, vector<16xi32> -> vector<16xi32>
      %select_n3A_1544 = arith.select %ge3A, %gather3A_1543, %broadcast_in_dim3A_3 : vector<16xi1>, vector<16xi32>
      %add3A_1545 = arith.addi %select_n3A_1540, %select_n3A_1544 : vector<16xi32>
      %broadcast_in_dim3A_1546 = vector.shape_cast %max3A_15 : vector<16xi32> to vector<16x1xi32>
      %gather3A_1547 = vector.shape_cast %broadcast_in_dim3A_1546 : vector<16x1xi32> to vector<16xi32>
      %gather3A_1548 = tpu.dynamic_gather %add3A_1545[%gather3A_1547] in [0] : vector<16xi32>, vector<16xi32> -> vector<16xi32>
      %select_n3A_1549 = arith.select %ge3A_28, %gather3A_1548, %broadcast_in_dim3A_3 : vector<16xi1>, vector<16xi32>
      %add3A_1550 = arith.addi %add3A_1545, %select_n3A_1549 : vector<16xi32>
      %broadcast_in_dim3A_1551 = vector.shape_cast %max3A_19 : vector<16xi32> to vector<16x1xi32>
      %gather3A_1552 = vector.shape_cast %broadcast_in_dim3A_1551 : vector<16x1xi32> to vector<16xi32>
      %gather3A_1553 = tpu.dynamic_gather %add3A_1550[%gather3A_1552] in [0] : vector<16xi32>, vector<16xi32> -> vector<16xi32>
      %select_n3A_1554 = arith.select %ge3A_31, %gather3A_1553, %broadcast_in_dim3A_3 : vector<16xi1>, vector<16xi32>
      %add3A_1555 = arith.addi %add3A_1550, %select_n3A_1554 : vector<16xi32>
      %broadcast_in_dim3A_1556 = vector.shape_cast %max3A_23 : vector<16xi32> to vector<16x1xi32>
      %gather3A_1557 = vector.shape_cast %broadcast_in_dim3A_1556 : vector<16x1xi32> to vector<16xi32>
      %gather3A_1558 = tpu.dynamic_gather %add3A_1555[%gather3A_1557] in [0] : vector<16xi32>, vector<16xi32> -> vector<16xi32>
      %select_n3A_1559 = arith.select %ge3A_34, %gather3A_1558, %broadcast_in_dim3A_3 : vector<16xi1>, vector<16xi32>
      %add3A_1560 = arith.addi %add3A_1555, %select_n3A_1559 : vector<16xi32>
      %add3A_1561 = arith.addi %add3A_1560, %add3A_1535 : vector<16xi32>
      %mul3A_1562 = arith.muli %add3A_1561, %select_n3A_1540 : vector<16xi32>
      %convert_element_type3A_1563 = arith.sitofp %mul3A_1562 : vector<16xi32> to vector<16xf32>
      %swap3A_1564 = arith.constant 616 : index
      %swap3A_1565 = tpu.vector_load %arg6[%swap3A_1564] {strides = array<i32>} : memref<808xf32, #tpu.memory_space<vmem>>, vector<16xf32>,
      %swap3A_1566 = vector.shape_cast %swap3A_1565 : vector<16xf32> to vector<16xf32>
      %swap3A_1567 = vector.shape_cast %convert_element_type3A_1563 : vector<16xf32> to vector<16xf32>
      tpu.vector_store %arg6[%swap3A_1564], %swap3A_1567 {strides = array<i32>} : memref<808xf32, #tpu.memory_space<vmem>>, vector<16xf32>,
      %broadcast_in_dim3A_1568 = vector.shape_cast %broadcast_in_dim3A_36 : vector<16xi32> to vector<16x1xi32>
      %gather3A_1569 = vector.shape_cast %broadcast_in_dim3A_1568 : vector<16x1xi32> to vector<16xi32>
      %gather3A_1570 = tpu.dynamic_gather %add3A_1560[%gather3A_1569] in [0] : vector<16xi32>, vector<16xi32> -> vector<16xi32>
      %add3A_1571 = arith.addi %add3A_1535, %gather3A_1570 : vector<16xi32>
      %get3A_1572 = arith.constant 632 : index
      %get3A_1573 = tpu.vector_load %arg4[%get3A_1572] {strides = array<i32>} : memref<808xf32, #tpu.memory_space<vmem>>, vector<16xf32>,
      %get3A_1574 = vector.shape_cast %get3A_1573 : vector<16xf32> to vector<16xf32>
      %ne3A_1575 = arith.cmpf one, %get3A_1574, %broadcast_in_dim3A_5 : vector<16xf32>
      %select_n3A_1576 = arith.select %ne3A_1575, %broadcast_in_dim3A_7, %broadcast_in_dim3A_3 : vector<16xi1>, vector<16xi32>
      %broadcast_in_dim3A_1577 = vector.shape_cast %max3A : vector<16xi32> to vector<16x1xi32>
      %gather3A_1578 = vector.shape_cast %broadcast_in_dim3A_1577 : vector<16x1xi32> to vector<16xi32>
      %gather3A_1579 = tpu.dynamic_gather %select_n3A_1576[%gather3A_1578] in [0] : vector<16xi32>, vector<16xi32> -> vector<16xi32>
      %select_n3A_1580 = arith.select %ge3A, %gather3A_1579, %broadcast_in_dim3A_3 : vector<16xi1>, vector<16xi32>
      %add3A_1581 = arith.addi %select_n3A_1576, %select_n3A_1580 : vector<16xi32>
      %broadcast_in_dim3A_1582 = vector.shape_cast %max3A_15 : vector<16xi32> to vector<16x1xi32>
      %gather3A_1583 = vector.shape_cast %broadcast_in_dim3A_1582 : vector<16x1xi32> to vector<16xi32>
      %gather3A_1584 = tpu.dynamic_gather %add3A_1581[%gather3A_1583] in [0] : vector<16xi32>, vector<16xi32> -> vector<16xi32>
      %select_n3A_1585 = arith.select %ge3A_28, %gather3A_1584, %broadcast_in_dim3A_3 : vector<16xi1>, vector<16xi32>
      %add3A_1586 = arith.addi %add3A_1581, %select_n3A_1585 : vector<16xi32>
      %broadcast_in_dim3A_1587 = vector.shape_cast %max3A_19 : vector<16xi32> to vector<16x1xi32>
      %gather3A_1588 = vector.shape_cast %broadcast_in_dim3A_1587 : vector<16x1xi32> to vector<16xi32>
      %gather3A_1589 = tpu.dynamic_gather %add3A_1586[%gather3A_1588] in [0] : vector<16xi32>, vector<16xi32> -> vector<16xi32>
      %select_n3A_1590 = arith.select %ge3A_31, %gather3A_1589, %broadcast_in_dim3A_3 : vector<16xi1>, vector<16xi32>
      %add3A_1591 = arith.addi %add3A_1586, %select_n3A_1590 : vector<16xi32>
      %broadcast_in_dim3A_1592 = vector.shape_cast %max3A_23 : vector<16xi32> to vector<16x1xi32>
      %gather3A_1593 = vector.shape_cast %broadcast_in_dim3A_1592 : vector<16x1xi32> to vector<16xi32>
      %gather3A_1594 = tpu.dynamic_gather %add3A_1591[%gather3A_1593] in [0] : vector<16xi32>, vector<16xi32> -> vector<16xi32>
      %select_n3A_1595 = arith.select %ge3A_34, %gather3A_1594, %broadcast_in_dim3A_3 : vector<16xi1>, vector<16xi32>
      %add3A_1596 = arith.addi %add3A_1591, %select_n3A_1595 : vector<16xi32>
      %add3A_1597 = arith.addi %add3A_1596, %add3A_1571 : vector<16xi32>
      %mul3A_1598 = arith.muli %add3A_1597, %select_n3A_1576 : vector<16xi32>
      %convert_element_type3A_1599 = arith.sitofp %mul3A_1598 : vector<16xi32> to vector<16xf32>
      %swap3A_1600 = arith.constant 632 : index
      %swap3A_1601 = tpu.vector_load %arg6[%swap3A_1600] {strides = array<i32>} : memref<808xf32, #tpu.memory_space<vmem>>, vector<16xf32>,
      %swap3A_1602 = vector.shape_cast %swap3A_1601 : vector<16xf32> to vector<16xf32>
      %swap3A_1603 = vector.shape_cast %convert_element_type3A_1599 : vector<16xf32> to vector<16xf32>
      tpu.vector_store %arg6[%swap3A_1600], %swap3A_1603 {strides = array<i32>} : memref<808xf32, #tpu.memory_space<vmem>>, vector<16xf32>,
      %broadcast_in_dim3A_1604 = vector.shape_cast %broadcast_in_dim3A_36 : vector<16xi32> to vector<16x1xi32>
      %gather3A_1605 = vector.shape_cast %broadcast_in_dim3A_1604 : vector<16x1xi32> to vector<16xi32>
      %gather3A_1606 = tpu.dynamic_gather %add3A_1596[%gather3A_1605] in [0] : vector<16xi32>, vector<16xi32> -> vector<16xi32>
      %add3A_1607 = arith.addi %add3A_1571, %gather3A_1606 : vector<16xi32>
      %get3A_1608 = arith.constant 648 : index
      %get3A_1609 = tpu.vector_load %arg4[%get3A_1608] {strides = array<i32>} : memref<808xf32, #tpu.memory_space<vmem>>, vector<16xf32>,
      %get3A_1610 = vector.shape_cast %get3A_1609 : vector<16xf32> to vector<16xf32>
      %ne3A_1611 = arith.cmpf one, %get3A_1610, %broadcast_in_dim3A_5 : vector<16xf32>
      %select_n3A_1612 = arith.select %ne3A_1611, %broadcast_in_dim3A_7, %broadcast_in_dim3A_3 : vector<16xi1>, vector<16xi32>
      %broadcast_in_dim3A_1613 = vector.shape_cast %max3A : vector<16xi32> to vector<16x1xi32>
      %gather3A_1614 = vector.shape_cast %broadcast_in_dim3A_1613 : vector<16x1xi32> to vector<16xi32>
      %gather3A_1615 = tpu.dynamic_gather %select_n3A_1612[%gather3A_1614] in [0] : vector<16xi32>, vector<16xi32> -> vector<16xi32>
      %select_n3A_1616 = arith.select %ge3A, %gather3A_1615, %broadcast_in_dim3A_3 : vector<16xi1>, vector<16xi32>
      %add3A_1617 = arith.addi %select_n3A_1612, %select_n3A_1616 : vector<16xi32>
      %broadcast_in_dim3A_1618 = vector.shape_cast %max3A_15 : vector<16xi32> to vector<16x1xi32>
      %gather3A_1619 = vector.shape_cast %broadcast_in_dim3A_1618 : vector<16x1xi32> to vector<16xi32>
      %gather3A_1620 = tpu.dynamic_gather %add3A_1617[%gather3A_1619] in [0] : vector<16xi32>, vector<16xi32> -> vector<16xi32>
      %select_n3A_1621 = arith.select %ge3A_28, %gather3A_1620, %broadcast_in_dim3A_3 : vector<16xi1>, vector<16xi32>
      %add3A_1622 = arith.addi %add3A_1617, %select_n3A_1621 : vector<16xi32>
      %broadcast_in_dim3A_1623 = vector.shape_cast %max3A_19 : vector<16xi32> to vector<16x1xi32>
      %gather3A_1624 = vector.shape_cast %broadcast_in_dim3A_1623 : vector<16x1xi32> to vector<16xi32>
      %gather3A_1625 = tpu.dynamic_gather %add3A_1622[%gather3A_1624] in [0] : vector<16xi32>, vector<16xi32> -> vector<16xi32>
      %select_n3A_1626 = arith.select %ge3A_31, %gather3A_1625, %broadcast_in_dim3A_3 : vector<16xi1>, vector<16xi32>
      %add3A_1627 = arith.addi %add3A_1622, %select_n3A_1626 : vector<16xi32>
      %broadcast_in_dim3A_1628 = vector.shape_cast %max3A_23 : vector<16xi32> to vector<16x1xi32>
      %gather3A_1629 = vector.shape_cast %broadcast_in_dim3A_1628 : vector<16x1xi32> to vector<16xi32>
      %gather3A_1630 = tpu.dynamic_gather %add3A_1627[%gather3A_1629] in [0] : vector<16xi32>, vector<16xi32> -> vector<16xi32>
      %select_n3A_1631 = arith.select %ge3A_34, %gather3A_1630, %broadcast_in_dim3A_3 : vector<16xi1>, vector<16xi32>
      %add3A_1632 = arith.addi %add3A_1627, %select_n3A_1631 : vector<16xi32>
      %add3A_1633 = arith.addi %add3A_1632, %add3A_1607 : vector<16xi32>
      %mul3A_1634 = arith.muli %add3A_1633, %select_n3A_1612 : vector<16xi32>
      %convert_element_type3A_1635 = arith.sitofp %mul3A_1634 : vector<16xi32> to vector<16xf32>
      %swap3A_1636 = arith.constant 648 : index
      %swap3A_1637 = tpu.vector_load %arg6[%swap3A_1636] {strides = array<i32>} : memref<808xf32, #tpu.memory_space<vmem>>, vector<16xf32>,
      %swap3A_1638 = vector.shape_cast %swap3A_1637 : vector<16xf32> to vector<16xf32>
      %swap3A_1639 = vector.shape_cast %convert_element_type3A_1635 : vector<16xf32> to vector<16xf32>
      tpu.vector_store %arg6[%swap3A_1636], %swap3A_1639 {strides = array<i32>} : memref<808xf32, #tpu.memory_space<vmem>>, vector<16xf32>,
      %broadcast_in_dim3A_1640 = vector.shape_cast %broadcast_in_dim3A_36 : vector<16xi32> to vector<16x1xi32>
      %gather3A_1641 = vector.shape_cast %broadcast_in_dim3A_1640 : vector<16x1xi32> to vector<16xi32>
      %gather3A_1642 = tpu.dynamic_gather %add3A_1632[%gather3A_1641] in [0] : vector<16xi32>, vector<16xi32> -> vector<16xi32>
      %add3A_1643 = arith.addi %add3A_1607, %gather3A_1642 : vector<16xi32>
      %get3A_1644 = arith.constant 664 : index
      %get3A_1645 = tpu.vector_load %arg4[%get3A_1644] {strides = array<i32>} : memref<808xf32, #tpu.memory_space<vmem>>, vector<16xf32>,
      %get3A_1646 = vector.shape_cast %get3A_1645 : vector<16xf32> to vector<16xf32>
      %ne3A_1647 = arith.cmpf one, %get3A_1646, %broadcast_in_dim3A_5 : vector<16xf32>
      %select_n3A_1648 = arith.select %ne3A_1647, %broadcast_in_dim3A_7, %broadcast_in_dim3A_3 : vector<16xi1>, vector<16xi32>
      %broadcast_in_dim3A_1649 = vector.shape_cast %max3A : vector<16xi32> to vector<16x1xi32>
      %gather3A_1650 = vector.shape_cast %broadcast_in_dim3A_1649 : vector<16x1xi32> to vector<16xi32>
      %gather3A_1651 = tpu.dynamic_gather %select_n3A_1648[%gather3A_1650] in [0] : vector<16xi32>, vector<16xi32> -> vector<16xi32>
      %select_n3A_1652 = arith.select %ge3A, %gather3A_1651, %broadcast_in_dim3A_3 : vector<16xi1>, vector<16xi32>
      %add3A_1653 = arith.addi %select_n3A_1648, %select_n3A_1652 : vector<16xi32>
      %broadcast_in_dim3A_1654 = vector.shape_cast %max3A_15 : vector<16xi32> to vector<16x1xi32>
      %gather3A_1655 = vector.shape_cast %broadcast_in_dim3A_1654 : vector<16x1xi32> to vector<16xi32>
      %gather3A_1656 = tpu.dynamic_gather %add3A_1653[%gather3A_1655] in [0] : vector<16xi32>, vector<16xi32> -> vector<16xi32>
      %select_n3A_1657 = arith.select %ge3A_28, %gather3A_1656, %broadcast_in_dim3A_3 : vector<16xi1>, vector<16xi32>
      %add3A_1658 = arith.addi %add3A_1653, %select_n3A_1657 : vector<16xi32>
      %broadcast_in_dim3A_1659 = vector.shape_cast %max3A_19 : vector<16xi32> to vector<16x1xi32>
      %gather3A_1660 = vector.shape_cast %broadcast_in_dim3A_1659 : vector<16x1xi32> to vector<16xi32>
      %gather3A_1661 = tpu.dynamic_gather %add3A_1658[%gather3A_1660] in [0] : vector<16xi32>, vector<16xi32> -> vector<16xi32>
      %select_n3A_1662 = arith.select %ge3A_31, %gather3A_1661, %broadcast_in_dim3A_3 : vector<16xi1>, vector<16xi32>
      %add3A_1663 = arith.addi %add3A_1658, %select_n3A_1662 : vector<16xi32>
      %broadcast_in_dim3A_1664 = vector.shape_cast %max3A_23 : vector<16xi32> to vector<16x1xi32>
      %gather3A_1665 = vector.shape_cast %broadcast_in_dim3A_1664 : vector<16x1xi32> to vector<16xi32>
      %gather3A_1666 = tpu.dynamic_gather %add3A_1663[%gather3A_1665] in [0] : vector<16xi32>, vector<16xi32> -> vector<16xi32>
      %select_n3A_1667 = arith.select %ge3A_34, %gather3A_1666, %broadcast_in_dim3A_3 : vector<16xi1>, vector<16xi32>
      %add3A_1668 = arith.addi %add3A_1663, %select_n3A_1667 : vector<16xi32>
      %add3A_1669 = arith.addi %add3A_1668, %add3A_1643 : vector<16xi32>
      %mul3A_1670 = arith.muli %add3A_1669, %select_n3A_1648 : vector<16xi32>
      %convert_element_type3A_1671 = arith.sitofp %mul3A_1670 : vector<16xi32> to vector<16xf32>
      %swap3A_1672 = arith.constant 664 : index
      %swap3A_1673 = tpu.vector_load %arg6[%swap3A_1672] {strides = array<i32>} : memref<808xf32, #tpu.memory_space<vmem>>, vector<16xf32>,
      %swap3A_1674 = vector.shape_cast %swap3A_1673 : vector<16xf32> to vector<16xf32>
      %swap3A_1675 = vector.shape_cast %convert_element_type3A_1671 : vector<16xf32> to vector<16xf32>
      tpu.vector_store %arg6[%swap3A_1672], %swap3A_1675 {strides = array<i32>} : memref<808xf32, #tpu.memory_space<vmem>>, vector<16xf32>,
      %broadcast_in_dim3A_1676 = vector.shape_cast %broadcast_in_dim3A_36 : vector<16xi32> to vector<16x1xi32>
      %gather3A_1677 = vector.shape_cast %broadcast_in_dim3A_1676 : vector<16x1xi32> to vector<16xi32>
      %gather3A_1678 = tpu.dynamic_gather %add3A_1668[%gather3A_1677] in [0] : vector<16xi32>, vector<16xi32> -> vector<16xi32>
      %add3A_1679 = arith.addi %add3A_1643, %gather3A_1678 : vector<16xi32>
      %get3A_1680 = arith.constant 680 : index
      %get3A_1681 = tpu.vector_load %arg4[%get3A_1680] {strides = array<i32>} : memref<808xf32, #tpu.memory_space<vmem>>, vector<16xf32>,
      %get3A_1682 = vector.shape_cast %get3A_1681 : vector<16xf32> to vector<16xf32>
      %ne3A_1683 = arith.cmpf one, %get3A_1682, %broadcast_in_dim3A_5 : vector<16xf32>
      %select_n3A_1684 = arith.select %ne3A_1683, %broadcast_in_dim3A_7, %broadcast_in_dim3A_3 : vector<16xi1>, vector<16xi32>
      %broadcast_in_dim3A_1685 = vector.shape_cast %max3A : vector<16xi32> to vector<16x1xi32>
      %gather3A_1686 = vector.shape_cast %broadcast_in_dim3A_1685 : vector<16x1xi32> to vector<16xi32>
      %gather3A_1687 = tpu.dynamic_gather %select_n3A_1684[%gather3A_1686] in [0] : vector<16xi32>, vector<16xi32> -> vector<16xi32>
      %select_n3A_1688 = arith.select %ge3A, %gather3A_1687, %broadcast_in_dim3A_3 : vector<16xi1>, vector<16xi32>
      %add3A_1689 = arith.addi %select_n3A_1684, %select_n3A_1688 : vector<16xi32>
      %broadcast_in_dim3A_1690 = vector.shape_cast %max3A_15 : vector<16xi32> to vector<16x1xi32>
      %gather3A_1691 = vector.shape_cast %broadcast_in_dim3A_1690 : vector<16x1xi32> to vector<16xi32>
      %gather3A_1692 = tpu.dynamic_gather %add3A_1689[%gather3A_1691] in [0] : vector<16xi32>, vector<16xi32> -> vector<16xi32>
      %select_n3A_1693 = arith.select %ge3A_28, %gather3A_1692, %broadcast_in_dim3A_3 : vector<16xi1>, vector<16xi32>
      %add3A_1694 = arith.addi %add3A_1689, %select_n3A_1693 : vector<16xi32>
      %broadcast_in_dim3A_1695 = vector.shape_cast %max3A_19 : vector<16xi32> to vector<16x1xi32>
      %gather3A_1696 = vector.shape_cast %broadcast_in_dim3A_1695 : vector<16x1xi32> to vector<16xi32>
      %gather3A_1697 = tpu.dynamic_gather %add3A_1694[%gather3A_1696] in [0] : vector<16xi32>, vector<16xi32> -> vector<16xi32>
      %select_n3A_1698 = arith.select %ge3A_31, %gather3A_1697, %broadcast_in_dim3A_3 : vector<16xi1>, vector<16xi32>
      %add3A_1699 = arith.addi %add3A_1694, %select_n3A_1698 : vector<16xi32>
      %broadcast_in_dim3A_1700 = vector.shape_cast %max3A_23 : vector<16xi32> to vector<16x1xi32>
      %gather3A_1701 = vector.shape_cast %broadcast_in_dim3A_1700 : vector<16x1xi32> to vector<16xi32>
      %gather3A_1702 = tpu.dynamic_gather %add3A_1699[%gather3A_1701] in [0] : vector<16xi32>, vector<16xi32> -> vector<16xi32>
      %select_n3A_1703 = arith.select %ge3A_34, %gather3A_1702, %broadcast_in_dim3A_3 : vector<16xi1>, vector<16xi32>
      %add3A_1704 = arith.addi %add3A_1699, %select_n3A_1703 : vector<16xi32>
      %add3A_1705 = arith.addi %add3A_1704, %add3A_1679 : vector<16xi32>
      %mul3A_1706 = arith.muli %add3A_1705, %select_n3A_1684 : vector<16xi32>
      %convert_element_type3A_1707 = arith.sitofp %mul3A_1706 : vector<16xi32> to vector<16xf32>
      %swap3A_1708 = arith.constant 680 : index
      %swap3A_1709 = tpu.vector_load %arg6[%swap3A_1708] {strides = array<i32>} : memref<808xf32, #tpu.memory_space<vmem>>, vector<16xf32>,
      %swap3A_1710 = vector.shape_cast %swap3A_1709 : vector<16xf32> to vector<16xf32>
      %swap3A_1711 = vector.shape_cast %convert_element_type3A_1707 : vector<16xf32> to vector<16xf32>
      tpu.vector_store %arg6[%swap3A_1708], %swap3A_1711 {strides = array<i32>} : memref<808xf32, #tpu.memory_space<vmem>>, vector<16xf32>,
      %broadcast_in_dim3A_1712 = vector.shape_cast %broadcast_in_dim3A_36 : vector<16xi32> to vector<16x1xi32>
      %gather3A_1713 = vector.shape_cast %broadcast_in_dim3A_1712 : vector<16x1xi32> to vector<16xi32>
      %gather3A_1714 = tpu.dynamic_gather %add3A_1704[%gather3A_1713] in [0] : vector<16xi32>, vector<16xi32> -> vector<16xi32>
      %add3A_1715 = arith.addi %add3A_1679, %gather3A_1714 : vector<16xi32>
      %get3A_1716 = arith.constant 696 : index
      %get3A_1717 = tpu.vector_load %arg4[%get3A_1716] {strides = array<i32>} : memref<808xf32, #tpu.memory_space<vmem>>, vector<16xf32>,
      %get3A_1718 = vector.shape_cast %get3A_1717 : vector<16xf32> to vector<16xf32>
      %ne3A_1719 = arith.cmpf one, %get3A_1718, %broadcast_in_dim3A_5 : vector<16xf32>
      %select_n3A_1720 = arith.select %ne3A_1719, %broadcast_in_dim3A_7, %broadcast_in_dim3A_3 : vector<16xi1>, vector<16xi32>
      %broadcast_in_dim3A_1721 = vector.shape_cast %max3A : vector<16xi32> to vector<16x1xi32>
      %gather3A_1722 = vector.shape_cast %broadcast_in_dim3A_1721 : vector<16x1xi32> to vector<16xi32>
      %gather3A_1723 = tpu.dynamic_gather %select_n3A_1720[%gather3A_1722] in [0] : vector<16xi32>, vector<16xi32> -> vector<16xi32>
      %select_n3A_1724 = arith.select %ge3A, %gather3A_1723, %broadcast_in_dim3A_3 : vector<16xi1>, vector<16xi32>
      %add3A_1725 = arith.addi %select_n3A_1720, %select_n3A_1724 : vector<16xi32>
      %broadcast_in_dim3A_1726 = vector.shape_cast %max3A_15 : vector<16xi32> to vector<16x1xi32>
      %gather3A_1727 = vector.shape_cast %broadcast_in_dim3A_1726 : vector<16x1xi32> to vector<16xi32>
      %gather3A_1728 = tpu.dynamic_gather %add3A_1725[%gather3A_1727] in [0] : vector<16xi32>, vector<16xi32> -> vector<16xi32>
      %select_n3A_1729 = arith.select %ge3A_28, %gather3A_1728, %broadcast_in_dim3A_3 : vector<16xi1>, vector<16xi32>
      %add3A_1730 = arith.addi %add3A_1725, %select_n3A_1729 : vector<16xi32>
      %broadcast_in_dim3A_1731 = vector.shape_cast %max3A_19 : vector<16xi32> to vector<16x1xi32>
      %gather3A_1732 = vector.shape_cast %broadcast_in_dim3A_1731 : vector<16x1xi32> to vector<16xi32>
      %gather3A_1733 = tpu.dynamic_gather %add3A_1730[%gather3A_1732] in [0] : vector<16xi32>, vector<16xi32> -> vector<16xi32>
      %select_n3A_1734 = arith.select %ge3A_31, %gather3A_1733, %broadcast_in_dim3A_3 : vector<16xi1>, vector<16xi32>
      %add3A_1735 = arith.addi %add3A_1730, %select_n3A_1734 : vector<16xi32>
      %broadcast_in_dim3A_1736 = vector.shape_cast %max3A_23 : vector<16xi32> to vector<16x1xi32>
      %gather3A_1737 = vector.shape_cast %broadcast_in_dim3A_1736 : vector<16x1xi32> to vector<16xi32>
      %gather3A_1738 = tpu.dynamic_gather %add3A_1735[%gather3A_1737] in [0] : vector<16xi32>, vector<16xi32> -> vector<16xi32>
      %select_n3A_1739 = arith.select %ge3A_34, %gather3A_1738, %broadcast_in_dim3A_3 : vector<16xi1>, vector<16xi32>
      %add3A_1740 = arith.addi %add3A_1735, %select_n3A_1739 : vector<16xi32>
      %add3A_1741 = arith.addi %add3A_1740, %add3A_1715 : vector<16xi32>
      %mul3A_1742 = arith.muli %add3A_1741, %select_n3A_1720 : vector<16xi32>
      %convert_element_type3A_1743 = arith.sitofp %mul3A_1742 : vector<16xi32> to vector<16xf32>
      %swap3A_1744 = arith.constant 696 : index
      %swap3A_1745 = tpu.vector_load %arg6[%swap3A_1744] {strides = array<i32>} : memref<808xf32, #tpu.memory_space<vmem>>, vector<16xf32>,
      %swap3A_1746 = vector.shape_cast %swap3A_1745 : vector<16xf32> to vector<16xf32>
      %swap3A_1747 = vector.shape_cast %convert_element_type3A_1743 : vector<16xf32> to vector<16xf32>
      tpu.vector_store %arg6[%swap3A_1744], %swap3A_1747 {strides = array<i32>} : memref<808xf32, #tpu.memory_space<vmem>>, vector<16xf32>,
      %broadcast_in_dim3A_1748 = vector.shape_cast %broadcast_in_dim3A_36 : vector<16xi32> to vector<16x1xi32>
      %gather3A_1749 = vector.shape_cast %broadcast_in_dim3A_1748 : vector<16x1xi32> to vector<16xi32>
      %gather3A_1750 = tpu.dynamic_gather %add3A_1740[%gather3A_1749] in [0] : vector<16xi32>, vector<16xi32> -> vector<16xi32>
      %add3A_1751 = arith.addi %add3A_1715, %gather3A_1750 : vector<16xi32>
      %get3A_1752 = arith.constant 712 : index
      %get3A_1753 = tpu.vector_load %arg4[%get3A_1752] {strides = array<i32>} : memref<808xf32, #tpu.memory_space<vmem>>, vector<16xf32>,
      %get3A_1754 = vector.shape_cast %get3A_1753 : vector<16xf32> to vector<16xf32>
      %ne3A_1755 = arith.cmpf one, %get3A_1754, %broadcast_in_dim3A_5 : vector<16xf32>
      %select_n3A_1756 = arith.select %ne3A_1755, %broadcast_in_dim3A_7, %broadcast_in_dim3A_3 : vector<16xi1>, vector<16xi32>
      %broadcast_in_dim3A_1757 = vector.shape_cast %max3A : vector<16xi32> to vector<16x1xi32>
      %gather3A_1758 = vector.shape_cast %broadcast_in_dim3A_1757 : vector<16x1xi32> to vector<16xi32>
      %gather3A_1759 = tpu.dynamic_gather %select_n3A_1756[%gather3A_1758] in [0] : vector<16xi32>, vector<16xi32> -> vector<16xi32>
      %select_n3A_1760 = arith.select %ge3A, %gather3A_1759, %broadcast_in_dim3A_3 : vector<16xi1>, vector<16xi32>
      %add3A_1761 = arith.addi %select_n3A_1756, %select_n3A_1760 : vector<16xi32>
      %broadcast_in_dim3A_1762 = vector.shape_cast %max3A_15 : vector<16xi32> to vector<16x1xi32>
      %gather3A_1763 = vector.shape_cast %broadcast_in_dim3A_1762 : vector<16x1xi32> to vector<16xi32>
      %gather3A_1764 = tpu.dynamic_gather %add3A_1761[%gather3A_1763] in [0] : vector<16xi32>, vector<16xi32> -> vector<16xi32>
      %select_n3A_1765 = arith.select %ge3A_28, %gather3A_1764, %broadcast_in_dim3A_3 : vector<16xi1>, vector<16xi32>
      %add3A_1766 = arith.addi %add3A_1761, %select_n3A_1765 : vector<16xi32>
      %broadcast_in_dim3A_1767 = vector.shape_cast %max3A_19 : vector<16xi32> to vector<16x1xi32>
      %gather3A_1768 = vector.shape_cast %broadcast_in_dim3A_1767 : vector<16x1xi32> to vector<16xi32>
      %gather3A_1769 = tpu.dynamic_gather %add3A_1766[%gather3A_1768] in [0] : vector<16xi32>, vector<16xi32> -> vector<16xi32>
      %select_n3A_1770 = arith.select %ge3A_31, %gather3A_1769, %broadcast_in_dim3A_3 : vector<16xi1>, vector<16xi32>
      %add3A_1771 = arith.addi %add3A_1766, %select_n3A_1770 : vector<16xi32>
      %broadcast_in_dim3A_1772 = vector.shape_cast %max3A_23 : vector<16xi32> to vector<16x1xi32>
      %gather3A_1773 = vector.shape_cast %broadcast_in_dim3A_1772 : vector<16x1xi32> to vector<16xi32>
      %gather3A_1774 = tpu.dynamic_gather %add3A_1771[%gather3A_1773] in [0] : vector<16xi32>, vector<16xi32> -> vector<16xi32>
      %select_n3A_1775 = arith.select %ge3A_34, %gather3A_1774, %broadcast_in_dim3A_3 : vector<16xi1>, vector<16xi32>
      %add3A_1776 = arith.addi %add3A_1771, %select_n3A_1775 : vector<16xi32>
      %add3A_1777 = arith.addi %add3A_1776, %add3A_1751 : vector<16xi32>
      %mul3A_1778 = arith.muli %add3A_1777, %select_n3A_1756 : vector<16xi32>
      %convert_element_type3A_1779 = arith.sitofp %mul3A_1778 : vector<16xi32> to vector<16xf32>
      %swap3A_1780 = arith.constant 712 : index
      %swap3A_1781 = tpu.vector_load %arg6[%swap3A_1780] {strides = array<i32>} : memref<808xf32, #tpu.memory_space<vmem>>, vector<16xf32>,
      %swap3A_1782 = vector.shape_cast %swap3A_1781 : vector<16xf32> to vector<16xf32>
      %swap3A_1783 = vector.shape_cast %convert_element_type3A_1779 : vector<16xf32> to vector<16xf32>
      tpu.vector_store %arg6[%swap3A_1780], %swap3A_1783 {strides = array<i32>} : memref<808xf32, #tpu.memory_space<vmem>>, vector<16xf32>,
      %broadcast_in_dim3A_1784 = vector.shape_cast %broadcast_in_dim3A_36 : vector<16xi32> to vector<16x1xi32>
      %gather3A_1785 = vector.shape_cast %broadcast_in_dim3A_1784 : vector<16x1xi32> to vector<16xi32>
      %gather3A_1786 = tpu.dynamic_gather %add3A_1776[%gather3A_1785] in [0] : vector<16xi32>, vector<16xi32> -> vector<16xi32>
      %add3A_1787 = arith.addi %add3A_1751, %gather3A_1786 : vector<16xi32>
      %get3A_1788 = arith.constant 728 : index
      %get3A_1789 = tpu.vector_load %arg4[%get3A_1788] {strides = array<i32>} : memref<808xf32, #tpu.memory_space<vmem>>, vector<16xf32>,
      %get3A_1790 = vector.shape_cast %get3A_1789 : vector<16xf32> to vector<16xf32>
      %ne3A_1791 = arith.cmpf one, %get3A_1790, %broadcast_in_dim3A_5 : vector<16xf32>
      %select_n3A_1792 = arith.select %ne3A_1791, %broadcast_in_dim3A_7, %broadcast_in_dim3A_3 : vector<16xi1>, vector<16xi32>
      %broadcast_in_dim3A_1793 = vector.shape_cast %max3A : vector<16xi32> to vector<16x1xi32>
      %gather3A_1794 = vector.shape_cast %broadcast_in_dim3A_1793 : vector<16x1xi32> to vector<16xi32>
      %gather3A_1795 = tpu.dynamic_gather %select_n3A_1792[%gather3A_1794] in [0] : vector<16xi32>, vector<16xi32> -> vector<16xi32>
      %select_n3A_1796 = arith.select %ge3A, %gather3A_1795, %broadcast_in_dim3A_3 : vector<16xi1>, vector<16xi32>
      %add3A_1797 = arith.addi %select_n3A_1792, %select_n3A_1796 : vector<16xi32>
      %broadcast_in_dim3A_1798 = vector.shape_cast %max3A_15 : vector<16xi32> to vector<16x1xi32>
      %gather3A_1799 = vector.shape_cast %broadcast_in_dim3A_1798 : vector<16x1xi32> to vector<16xi32>
      %gather3A_1800 = tpu.dynamic_gather %add3A_1797[%gather3A_1799] in [0] : vector<16xi32>, vector<16xi32> -> vector<16xi32>
      %select_n3A_1801 = arith.select %ge3A_28, %gather3A_1800, %broadcast_in_dim3A_3 : vector<16xi1>, vector<16xi32>
      %add3A_1802 = arith.addi %add3A_1797, %select_n3A_1801 : vector<16xi32>
      %broadcast_in_dim3A_1803 = vector.shape_cast %max3A_19 : vector<16xi32> to vector<16x1xi32>
      %gather3A_1804 = vector.shape_cast %broadcast_in_dim3A_1803 : vector<16x1xi32> to vector<16xi32>
      %gather3A_1805 = tpu.dynamic_gather %add3A_1802[%gather3A_1804] in [0] : vector<16xi32>, vector<16xi32> -> vector<16xi32>
      %select_n3A_1806 = arith.select %ge3A_31, %gather3A_1805, %broadcast_in_dim3A_3 : vector<16xi1>, vector<16xi32>
      %add3A_1807 = arith.addi %add3A_1802, %select_n3A_1806 : vector<16xi32>
      %broadcast_in_dim3A_1808 = vector.shape_cast %max3A_23 : vector<16xi32> to vector<16x1xi32>
      %gather3A_1809 = vector.shape_cast %broadcast_in_dim3A_1808 : vector<16x1xi32> to vector<16xi32>
      %gather3A_1810 = tpu.dynamic_gather %add3A_1807[%gather3A_1809] in [0] : vector<16xi32>, vector<16xi32> -> vector<16xi32>
      %select_n3A_1811 = arith.select %ge3A_34, %gather3A_1810, %broadcast_in_dim3A_3 : vector<16xi1>, vector<16xi32>
      %add3A_1812 = arith.addi %add3A_1807, %select_n3A_1811 : vector<16xi32>
      %add3A_1813 = arith.addi %add3A_1812, %add3A_1787 : vector<16xi32>
      %mul3A_1814 = arith.muli %add3A_1813, %select_n3A_1792 : vector<16xi32>
      %convert_element_type3A_1815 = arith.sitofp %mul3A_1814 : vector<16xi32> to vector<16xf32>
      %swap3A_1816 = arith.constant 728 : index
      %swap3A_1817 = tpu.vector_load %arg6[%swap3A_1816] {strides = array<i32>} : memref<808xf32, #tpu.memory_space<vmem>>, vector<16xf32>,
      %swap3A_1818 = vector.shape_cast %swap3A_1817 : vector<16xf32> to vector<16xf32>
      %swap3A_1819 = vector.shape_cast %convert_element_type3A_1815 : vector<16xf32> to vector<16xf32>
      tpu.vector_store %arg6[%swap3A_1816], %swap3A_1819 {strides = array<i32>} : memref<808xf32, #tpu.memory_space<vmem>>, vector<16xf32>,
      %broadcast_in_dim3A_1820 = vector.shape_cast %broadcast_in_dim3A_36 : vector<16xi32> to vector<16x1xi32>
      %gather3A_1821 = vector.shape_cast %broadcast_in_dim3A_1820 : vector<16x1xi32> to vector<16xi32>
      %gather3A_1822 = tpu.dynamic_gather %add3A_1812[%gather3A_1821] in [0] : vector<16xi32>, vector<16xi32> -> vector<16xi32>
      %add3A_1823 = arith.addi %add3A_1787, %gather3A_1822 : vector<16xi32>
      %get3A_1824 = arith.constant 744 : index
      %get3A_1825 = tpu.vector_load %arg4[%get3A_1824] {strides = array<i32>} : memref<808xf32, #tpu.memory_space<vmem>>, vector<16xf32>,
      %get3A_1826 = vector.shape_cast %get3A_1825 : vector<16xf32> to vector<16xf32>
      %ne3A_1827 = arith.cmpf one, %get3A_1826, %broadcast_in_dim3A_5 : vector<16xf32>
      %select_n3A_1828 = arith.select %ne3A_1827, %broadcast_in_dim3A_7, %broadcast_in_dim3A_3 : vector<16xi1>, vector<16xi32>
      %broadcast_in_dim3A_1829 = vector.shape_cast %max3A : vector<16xi32> to vector<16x1xi32>
      %gather3A_1830 = vector.shape_cast %broadcast_in_dim3A_1829 : vector<16x1xi32> to vector<16xi32>
      %gather3A_1831 = tpu.dynamic_gather %select_n3A_1828[%gather3A_1830] in [0] : vector<16xi32>, vector<16xi32> -> vector<16xi32>
      %select_n3A_1832 = arith.select %ge3A, %gather3A_1831, %broadcast_in_dim3A_3 : vector<16xi1>, vector<16xi32>
      %add3A_1833 = arith.addi %select_n3A_1828, %select_n3A_1832 : vector<16xi32>
      %broadcast_in_dim3A_1834 = vector.shape_cast %max3A_15 : vector<16xi32> to vector<16x1xi32>
      %gather3A_1835 = vector.shape_cast %broadcast_in_dim3A_1834 : vector<16x1xi32> to vector<16xi32>
      %gather3A_1836 = tpu.dynamic_gather %add3A_1833[%gather3A_1835] in [0] : vector<16xi32>, vector<16xi32> -> vector<16xi32>
      %select_n3A_1837 = arith.select %ge3A_28, %gather3A_1836, %broadcast_in_dim3A_3 : vector<16xi1>, vector<16xi32>
      %add3A_1838 = arith.addi %add3A_1833, %select_n3A_1837 : vector<16xi32>
      %broadcast_in_dim3A_1839 = vector.shape_cast %max3A_19 : vector<16xi32> to vector<16x1xi32>
      %gather3A_1840 = vector.shape_cast %broadcast_in_dim3A_1839 : vector<16x1xi32> to vector<16xi32>
      %gather3A_1841 = tpu.dynamic_gather %add3A_1838[%gather3A_1840] in [0] : vector<16xi32>, vector<16xi32> -> vector<16xi32>
      %select_n3A_1842 = arith.select %ge3A_31, %gather3A_1841, %broadcast_in_dim3A_3 : vector<16xi1>, vector<16xi32>
      %add3A_1843 = arith.addi %add3A_1838, %select_n3A_1842 : vector<16xi32>
      %broadcast_in_dim3A_1844 = vector.shape_cast %max3A_23 : vector<16xi32> to vector<16x1xi32>
      %gather3A_1845 = vector.shape_cast %broadcast_in_dim3A_1844 : vector<16x1xi32> to vector<16xi32>
      %gather3A_1846 = tpu.dynamic_gather %add3A_1843[%gather3A_1845] in [0] : vector<16xi32>, vector<16xi32> -> vector<16xi32>
      %select_n3A_1847 = arith.select %ge3A_34, %gather3A_1846, %broadcast_in_dim3A_3 : vector<16xi1>, vector<16xi32>
      %add3A_1848 = arith.addi %add3A_1843, %select_n3A_1847 : vector<16xi32>
      %add3A_1849 = arith.addi %add3A_1848, %add3A_1823 : vector<16xi32>
      %mul3A_1850 = arith.muli %add3A_1849, %select_n3A_1828 : vector<16xi32>
      %convert_element_type3A_1851 = arith.sitofp %mul3A_1850 : vector<16xi32> to vector<16xf32>
      %swap3A_1852 = arith.constant 744 : index
      %swap3A_1853 = tpu.vector_load %arg6[%swap3A_1852] {strides = array<i32>} : memref<808xf32, #tpu.memory_space<vmem>>, vector<16xf32>,
      %swap3A_1854 = vector.shape_cast %swap3A_1853 : vector<16xf32> to vector<16xf32>
      %swap3A_1855 = vector.shape_cast %convert_element_type3A_1851 : vector<16xf32> to vector<16xf32>
      tpu.vector_store %arg6[%swap3A_1852], %swap3A_1855 {strides = array<i32>} : memref<808xf32, #tpu.memory_space<vmem>>, vector<16xf32>,
      %broadcast_in_dim3A_1856 = vector.shape_cast %broadcast_in_dim3A_36 : vector<16xi32> to vector<16x1xi32>
      %gather3A_1857 = vector.shape_cast %broadcast_in_dim3A_1856 : vector<16x1xi32> to vector<16xi32>
      %gather3A_1858 = tpu.dynamic_gather %add3A_1848[%gather3A_1857] in [0] : vector<16xi32>, vector<16xi32> -> vector<16xi32>
      %add3A_1859 = arith.addi %add3A_1823, %gather3A_1858 : vector<16xi32>
      %get3A_1860 = arith.constant 760 : index
      %get3A_1861 = tpu.vector_load %arg4[%get3A_1860] {strides = array<i32>} : memref<808xf32, #tpu.memory_space<vmem>>, vector<16xf32>,
      %get3A_1862 = vector.shape_cast %get3A_1861 : vector<16xf32> to vector<16xf32>
      %ne3A_1863 = arith.cmpf one, %get3A_1862, %broadcast_in_dim3A_5 : vector<16xf32>
      %select_n3A_1864 = arith.select %ne3A_1863, %broadcast_in_dim3A_7, %broadcast_in_dim3A_3 : vector<16xi1>, vector<16xi32>
      %broadcast_in_dim3A_1865 = vector.shape_cast %max3A : vector<16xi32> to vector<16x1xi32>
      %gather3A_1866 = vector.shape_cast %broadcast_in_dim3A_1865 : vector<16x1xi32> to vector<16xi32>
      %gather3A_1867 = tpu.dynamic_gather %select_n3A_1864[%gather3A_1866] in [0] : vector<16xi32>, vector<16xi32> -> vector<16xi32>
      %select_n3A_1868 = arith.select %ge3A, %gather3A_1867, %broadcast_in_dim3A_3 : vector<16xi1>, vector<16xi32>
      %add3A_1869 = arith.addi %select_n3A_1864, %select_n3A_1868 : vector<16xi32>
      %broadcast_in_dim3A_1870 = vector.shape_cast %max3A_15 : vector<16xi32> to vector<16x1xi32>
      %gather3A_1871 = vector.shape_cast %broadcast_in_dim3A_1870 : vector<16x1xi32> to vector<16xi32>
      %gather3A_1872 = tpu.dynamic_gather %add3A_1869[%gather3A_1871] in [0] : vector<16xi32>, vector<16xi32> -> vector<16xi32>
      %select_n3A_1873 = arith.select %ge3A_28, %gather3A_1872, %broadcast_in_dim3A_3 : vector<16xi1>, vector<16xi32>
      %add3A_1874 = arith.addi %add3A_1869, %select_n3A_1873 : vector<16xi32>
      %broadcast_in_dim3A_1875 = vector.shape_cast %max3A_19 : vector<16xi32> to vector<16x1xi32>
      %gather3A_1876 = vector.shape_cast %broadcast_in_dim3A_1875 : vector<16x1xi32> to vector<16xi32>
      %gather3A_1877 = tpu.dynamic_gather %add3A_1874[%gather3A_1876] in [0] : vector<16xi32>, vector<16xi32> -> vector<16xi32>
      %select_n3A_1878 = arith.select %ge3A_31, %gather3A_1877, %broadcast_in_dim3A_3 : vector<16xi1>, vector<16xi32>
      %add3A_1879 = arith.addi %add3A_1874, %select_n3A_1878 : vector<16xi32>
      %broadcast_in_dim3A_1880 = vector.shape_cast %max3A_23 : vector<16xi32> to vector<16x1xi32>
      %gather3A_1881 = vector.shape_cast %broadcast_in_dim3A_1880 : vector<16x1xi32> to vector<16xi32>
      %gather3A_1882 = tpu.dynamic_gather %add3A_1879[%gather3A_1881] in [0] : vector<16xi32>, vector<16xi32> -> vector<16xi32>
      %select_n3A_1883 = arith.select %ge3A_34, %gather3A_1882, %broadcast_in_dim3A_3 : vector<16xi1>, vector<16xi32>
      %add3A_1884 = arith.addi %add3A_1879, %select_n3A_1883 : vector<16xi32>
      %add3A_1885 = arith.addi %add3A_1884, %add3A_1859 : vector<16xi32>
      %mul3A_1886 = arith.muli %add3A_1885, %select_n3A_1864 : vector<16xi32>
      %convert_element_type3A_1887 = arith.sitofp %mul3A_1886 : vector<16xi32> to vector<16xf32>
      %swap3A_1888 = arith.constant 760 : index
      %swap3A_1889 = tpu.vector_load %arg6[%swap3A_1888] {strides = array<i32>} : memref<808xf32, #tpu.memory_space<vmem>>, vector<16xf32>,
      %swap3A_1890 = vector.shape_cast %swap3A_1889 : vector<16xf32> to vector<16xf32>
      %swap3A_1891 = vector.shape_cast %convert_element_type3A_1887 : vector<16xf32> to vector<16xf32>
      tpu.vector_store %arg6[%swap3A_1888], %swap3A_1891 {strides = array<i32>} : memref<808xf32, #tpu.memory_space<vmem>>, vector<16xf32>,
      %broadcast_in_dim3A_1892 = vector.shape_cast %broadcast_in_dim3A_36 : vector<16xi32> to vector<16x1xi32>
      %gather3A_1893 = vector.shape_cast %broadcast_in_dim3A_1892 : vector<16x1xi32> to vector<16xi32>
      %gather3A_1894 = tpu.dynamic_gather %add3A_1884[%gather3A_1893] in [0] : vector<16xi32>, vector<16xi32> -> vector<16xi32>
      %add3A_1895 = arith.addi %add3A_1859, %gather3A_1894 : vector<16xi32>
      %get3A_1896 = arith.constant 776 : index
      %get3A_1897 = tpu.vector_load %arg4[%get3A_1896] {strides = array<i32>} : memref<808xf32, #tpu.memory_space<vmem>>, vector<16xf32>,
      %get3A_1898 = vector.shape_cast %get3A_1897 : vector<16xf32> to vector<16xf32>
      %ne3A_1899 = arith.cmpf one, %get3A_1898, %broadcast_in_dim3A_5 : vector<16xf32>
      %select_n3A_1900 = arith.select %ne3A_1899, %broadcast_in_dim3A_7, %broadcast_in_dim3A_3 : vector<16xi1>, vector<16xi32>
      %broadcast_in_dim3A_1901 = vector.shape_cast %max3A : vector<16xi32> to vector<16x1xi32>
      %gather3A_1902 = vector.shape_cast %broadcast_in_dim3A_1901 : vector<16x1xi32> to vector<16xi32>
      %gather3A_1903 = tpu.dynamic_gather %select_n3A_1900[%gather3A_1902] in [0] : vector<16xi32>, vector<16xi32> -> vector<16xi32>
      %select_n3A_1904 = arith.select %ge3A, %gather3A_1903, %broadcast_in_dim3A_3 : vector<16xi1>, vector<16xi32>
      %add3A_1905 = arith.addi %select_n3A_1900, %select_n3A_1904 : vector<16xi32>
      %broadcast_in_dim3A_1906 = vector.shape_cast %max3A_15 : vector<16xi32> to vector<16x1xi32>
      %gather3A_1907 = vector.shape_cast %broadcast_in_dim3A_1906 : vector<16x1xi32> to vector<16xi32>
      %gather3A_1908 = tpu.dynamic_gather %add3A_1905[%gather3A_1907] in [0] : vector<16xi32>, vector<16xi32> -> vector<16xi32>
      %select_n3A_1909 = arith.select %ge3A_28, %gather3A_1908, %broadcast_in_dim3A_3 : vector<16xi1>, vector<16xi32>
      %add3A_1910 = arith.addi %add3A_1905, %select_n3A_1909 : vector<16xi32>
      %broadcast_in_dim3A_1911 = vector.shape_cast %max3A_19 : vector<16xi32> to vector<16x1xi32>
      %gather3A_1912 = vector.shape_cast %broadcast_in_dim3A_1911 : vector<16x1xi32> to vector<16xi32>
      %gather3A_1913 = tpu.dynamic_gather %add3A_1910[%gather3A_1912] in [0] : vector<16xi32>, vector<16xi32> -> vector<16xi32>
      %select_n3A_1914 = arith.select %ge3A_31, %gather3A_1913, %broadcast_in_dim3A_3 : vector<16xi1>, vector<16xi32>
      %add3A_1915 = arith.addi %add3A_1910, %select_n3A_1914 : vector<16xi32>
      %broadcast_in_dim3A_1916 = vector.shape_cast %max3A_23 : vector<16xi32> to vector<16x1xi32>
      %gather3A_1917 = vector.shape_cast %broadcast_in_dim3A_1916 : vector<16x1xi32> to vector<16xi32>
      %gather3A_1918 = tpu.dynamic_gather %add3A_1915[%gather3A_1917] in [0] : vector<16xi32>, vector<16xi32> -> vector<16xi32>
      %select_n3A_1919 = arith.select %ge3A_34, %gather3A_1918, %broadcast_in_dim3A_3 : vector<16xi1>, vector<16xi32>
      %add3A_1920 = arith.addi %add3A_1915, %select_n3A_1919 : vector<16xi32>
      %add3A_1921 = arith.addi %add3A_1920, %add3A_1895 : vector<16xi32>
      %mul3A_1922 = arith.muli %add3A_1921, %select_n3A_1900 : vector<16xi32>
      %convert_element_type3A_1923 = arith.sitofp %mul3A_1922 : vector<16xi32> to vector<16xf32>
      %swap3A_1924 = arith.constant 776 : index
      %swap3A_1925 = tpu.vector_load %arg6[%swap3A_1924] {strides = array<i32>} : memref<808xf32, #tpu.memory_space<vmem>>, vector<16xf32>,
      %swap3A_1926 = vector.shape_cast %swap3A_1925 : vector<16xf32> to vector<16xf32>
      %swap3A_1927 = vector.shape_cast %convert_element_type3A_1923 : vector<16xf32> to vector<16xf32>
      tpu.vector_store %arg6[%swap3A_1924], %swap3A_1927 {strides = array<i32>} : memref<808xf32, #tpu.memory_space<vmem>>, vector<16xf32>,
      %broadcast_in_dim3A_1928 = vector.shape_cast %broadcast_in_dim3A_36 : vector<16xi32> to vector<16x1xi32>
      %gather3A_1929 = vector.shape_cast %broadcast_in_dim3A_1928 : vector<16x1xi32> to vector<16xi32>
      %gather3A_1930 = tpu.dynamic_gather %add3A_1920[%gather3A_1929] in [0] : vector<16xi32>, vector<16xi32> -> vector<16xi32>
      %add3A_1931 = arith.addi %add3A_1895, %gather3A_1930 : vector<16xi32>
      %get3A_1932 = arith.constant 792 : index
      %get3A_1933 = tpu.vector_load %arg4[%get3A_1932] {strides = array<i32>} : memref<808xf32, #tpu.memory_space<vmem>>, vector<16xf32>,
      %get3A_1934 = vector.shape_cast %get3A_1933 : vector<16xf32> to vector<16xf32>
      %ne3A_1935 = arith.cmpf one, %get3A_1934, %broadcast_in_dim3A_5 : vector<16xf32>
      %and3A_1936 = arith.andi %ne3A_1935, %lt3A : vector<16xi1>
      %select_n3A_1937 = arith.select %and3A_1936, %broadcast_in_dim3A_7, %broadcast_in_dim3A_3 : vector<16xi1>, vector<16xi32>
      %broadcast_in_dim3A_1938 = vector.shape_cast %max3A : vector<16xi32> to vector<16x1xi32>
      %gather3A_1939 = vector.shape_cast %broadcast_in_dim3A_1938 : vector<16x1xi32> to vector<16xi32>
      %gather3A_1940 = tpu.dynamic_gather %select_n3A_1937[%gather3A_1939] in [0] : vector<16xi32>, vector<16xi32> -> vector<16xi32>
      %select_n3A_1941 = arith.select %ge3A, %gather3A_1940, %broadcast_in_dim3A_3 : vector<16xi1>, vector<16xi32>
      %add3A_1942 = arith.addi %select_n3A_1937, %select_n3A_1941 : vector<16xi32>
      %broadcast_in_dim3A_1943 = vector.shape_cast %max3A_15 : vector<16xi32> to vector<16x1xi32>
      %gather3A_1944 = vector.shape_cast %broadcast_in_dim3A_1943 : vector<16x1xi32> to vector<16xi32>
      %gather3A_1945 = tpu.dynamic_gather %add3A_1942[%gather3A_1944] in [0] : vector<16xi32>, vector<16xi32> -> vector<16xi32>
      %select_n3A_1946 = arith.select %ge3A_28, %gather3A_1945, %broadcast_in_dim3A_3 : vector<16xi1>, vector<16xi32>
      %add3A_1947 = arith.addi %add3A_1942, %select_n3A_1946 : vector<16xi32>
      %broadcast_in_dim3A_1948 = vector.shape_cast %max3A_19 : vector<16xi32> to vector<16x1xi32>
      %gather3A_1949 = vector.shape_cast %broadcast_in_dim3A_1948 : vector<16x1xi32> to vector<16xi32>
      %gather3A_1950 = tpu.dynamic_gather %add3A_1947[%gather3A_1949] in [0] : vector<16xi32>, vector<16xi32> -> vector<16xi32>
      %select_n3A_1951 = arith.select %ge3A_31, %gather3A_1950, %broadcast_in_dim3A_3 : vector<16xi1>, vector<16xi32>
      %add3A_1952 = arith.addi %add3A_1947, %select_n3A_1951 : vector<16xi32>
      %broadcast_in_dim3A_1953 = vector.shape_cast %max3A_23 : vector<16xi32> to vector<16x1xi32>
      %gather3A_1954 = vector.shape_cast %broadcast_in_dim3A_1953 : vector<16x1xi32> to vector<16xi32>
      %gather3A_1955 = tpu.dynamic_gather %add3A_1952[%gather3A_1954] in [0] : vector<16xi32>, vector<16xi32> -> vector<16xi32>
      %select_n3A_1956 = arith.select %ge3A_34, %gather3A_1955, %broadcast_in_dim3A_3 : vector<16xi1>, vector<16xi32>
      %add3A_1957 = arith.addi %add3A_1952, %select_n3A_1956 : vector<16xi32>
      %add3A_1958 = arith.addi %add3A_1957, %add3A_1931 : vector<16xi32>
      %mul3A_1959 = arith.muli %add3A_1958, %select_n3A_1937 : vector<16xi32>
      %convert_element_type3A_1960 = arith.sitofp %mul3A_1959 : vector<16xi32> to vector<16xf32>
      %swap3A_1961 = arith.constant 792 : index
      %swap3A_1962 = tpu.vector_load %arg6[%swap3A_1961] {strides = array<i32>} : memref<808xf32, #tpu.memory_space<vmem>>, vector<16xf32>,
      %swap3A_1963 = vector.shape_cast %swap3A_1962 : vector<16xf32> to vector<16xf32>
      %swap3A_1964 = vector.shape_cast %convert_element_type3A_1960 : vector<16xf32> to vector<16xf32>
      tpu.vector_store %arg6[%swap3A_1961], %swap3A_1964 {strides = array<i32>} : memref<808xf32, #tpu.memory_space<vmem>>, vector<16xf32>,
      %broadcast_in_dim3A_1965 = vector.shape_cast %broadcast_in_dim3A_36 : vector<16xi32> to vector<16x1xi32>
      %gather3A_1966 = vector.shape_cast %broadcast_in_dim3A_1965 : vector<16x1xi32> to vector<16xi32>
      %gather3A_1967 = tpu.dynamic_gather %add3A_1957[%gather3A_1966] in [0] : vector<16xi32>, vector<16xi32> -> vector<16xi32>
      %add3A_1968 = arith.addi %add3A_1931, %gather3A_1967 : vector<16xi32>
      %mul3A_1969 = arith.constant 4 : i32
      %mul3A_1970 = arith.muli %mul3A_1969, %add3A_84 : i32
      %add3A_1971 = arith.addi %mul3A_2, %mul3A_1970 : i32
      %mul3A_1972 = arith.constant 200 : i32
      %mul3A_1973 = arith.muli %add3A_1971, %mul3A_1972 : i32
      %dma_start3A_1974 = arith.constant 0 : i32
      %dma_start3A_1975 = tpu.memref_slice %arg6[%dma_start3A_1974] : memref<808xf32, #tpu.memory_space<vmem>> -> memref<800xf32, #tpu.memory_space<vmem>>
      %dma_start3A_1976 = tpu.memref_slice %arg3[%mul3A_1973] : memref<819200xf32, #tpu.memory_space<hbm>> -> memref<800xf32, #tpu.memory_space<hbm>>
      %dma_start3A_1977 = tpu.memref_slice %arg3[%mul3A_1973] : memref<819200xf32, #tpu.memory_space<hbm>> -> memref<800xf32, #tpu.memory_space<hbm>>
      %dma_start3A_1978 = arith.constant 0 : i32
      %dma_start3A_1979 = tpu.memref_slice %arg6[%dma_start3A_1978] : memref<808xf32, #tpu.memory_space<vmem>> -> memref<800xf32, #tpu.memory_space<vmem>>
      tpu.enqueue_dma source(%dma_start3A_1979 : memref<800xf32, #tpu.memory_space<vmem>>) target(%dma_start3A_1977 : memref<800xf32, #tpu.memory_space<hbm>>) target_semaphore(%arg10 : memref<!tpu.dma_semaphore, #tpu.memory_space<semaphore_mem>>)
      %lt3A_1980 = arith.constant 15 : i32
      %lt3A_1981 = arith.cmpi slt, %scan3A_80, %lt3A_1980 : i32
      %convert_element_type3A_1982 = arith.extui %lt3A_1981 : i1 to i32
      %cond3A_1983 = arith.constant 0 : i32
      %cond3A_1984 = arith.cmpi ne, %convert_element_type3A_1982, %cond3A_1983 : i32
      scf.if %cond3A_1984 {
        %add3A_3897 = arith.constant 2 : i32
        %add3A_3898 = arith.addi %add3A_84, %add3A_3897 : i32
        %mul3A_3899 = arith.constant 4 : i32
        %mul3A_3900 = arith.muli %mul3A_3899, %add3A_3898 : i32
        %add3A_3901 = arith.addi %mul3A_2, %mul3A_3900 : i32
        %mul3A_3902 = arith.constant 200 : i32
        %mul3A_3903 = arith.muli %add3A_3901, %mul3A_3902 : i32
        %dma_start3A_3904 = arith.constant 0 : i32
        %dma_start3A_3905 = tpu.memref_slice %arg4[%dma_start3A_3904] : memref<808xf32, #tpu.memory_space<vmem>> -> memref<800xf32, #tpu.memory_space<vmem>>
        %dma_start3A_3906 = tpu.memref_slice %arg2[%mul3A_3903] : memref<819200xf32, #tpu.memory_space<hbm>> -> memref<800xf32, #tpu.memory_space<hbm>>
        %dma_start3A_3907 = arith.constant 0 : i32
        %dma_start3A_3908 = tpu.memref_slice %arg4[%dma_start3A_3907] : memref<808xf32, #tpu.memory_space<vmem>> -> memref<800xf32, #tpu.memory_space<vmem>>
        %dma_start3A_3909 = tpu.memref_slice %arg2[%mul3A_3903] : memref<819200xf32, #tpu.memory_space<hbm>> -> memref<800xf32, #tpu.memory_space<hbm>>
        tpu.enqueue_dma source(%dma_start3A_3909 : memref<800xf32, #tpu.memory_space<hbm>>) target(%dma_start3A_3908 : memref<800xf32, #tpu.memory_space<vmem>>) target_semaphore(%arg8 : memref<!tpu.dma_semaphore, #tpu.memory_space<semaphore_mem>>)
      } else {
      }
      %mul3A_1985 = arith.constant 2 : i32
      %mul3A_1986 = arith.muli %mul3A_1985, %scan3A_80 : i32
      %add3A_1987 = arith.constant 1 : i32
      %add3A_1988 = arith.addi %mul3A_1986, %add3A_1987 : i32
      %mul3A_1989 = arith.constant 4 : i32
      %mul3A_1990 = arith.muli %mul3A_1989, %add3A_1988 : i32
      %add3A_1991 = arith.addi %mul3A_2, %mul3A_1990 : i32
      %mul3A_1992 = arith.constant 200 : i32
      %mul3A_1993 = arith.muli %add3A_1991, %mul3A_1992 : i32
      %dma_wait3A_1994 = arith.constant 0 : i32
      %dma_wait3A_1995 = tpu.memref_slice %arg5[%dma_wait3A_1994] : memref<808xf32, #tpu.memory_space<vmem>> -> memref<800xf32, #tpu.memory_space<vmem>>
      %dma_wait3A_1996 = tpu.memref_slice %arg2[%mul3A_1993] : memref<819200xf32, #tpu.memory_space<hbm>> -> memref<800xf32, #tpu.memory_space<hbm>>
      %dma_wait3A_1997 = arith.constant 0 : i32
      %dma_wait3A_1998 = tpu.memref_slice %arg5[%dma_wait3A_1997] : memref<808xf32, #tpu.memory_space<vmem>> -> memref<800xf32, #tpu.memory_space<vmem>>
      %dma_wait3A_1999 = tpu.memref_slice %arg2[%mul3A_1993] : memref<819200xf32, #tpu.memory_space<hbm>> -> memref<800xf32, #tpu.memory_space<hbm>>
      tpu.wait_dma2 semaphore(%arg9 : memref<!tpu.dma_semaphore, #tpu.memory_space<semaphore_mem>>) src(%dma_wait3A_1999 : memref<800xf32, #tpu.memory_space<hbm>>) dst(%dma_wait3A_1998 : memref<800xf32, #tpu.memory_space<vmem>>)
      %ge3A_2000 = arith.constant 1 : i32
      %ge3A_2001 = arith.cmpi sge, %scan3A_80, %ge3A_2000 : i32
      %convert_element_type3A_2002 = arith.extui %ge3A_2001 : i1 to i32
      %cond3A_2003 = arith.constant 0 : i32
      %cond3A_2004 = arith.cmpi ne, %convert_element_type3A_2002, %cond3A_2003 : i32
      scf.if %cond3A_2004 {
        %sub3A_3897 = arith.constant 2 : i32
        %sub3A_3898 = arith.subi %add3A_1988, %sub3A_3897 : i32
        %mul3A_3899 = arith.constant 4 : i32
        %mul3A_3900 = arith.muli %mul3A_3899, %sub3A_3898 : i32
        %add3A_3901 = arith.addi %mul3A_2, %mul3A_3900 : i32
        %mul3A_3902 = arith.constant 200 : i32
        %mul3A_3903 = arith.muli %add3A_3901, %mul3A_3902 : i32
        %dma_wait3A_3904 = arith.constant 0 : i32
        %dma_wait3A_3905 = tpu.memref_slice %arg7[%dma_wait3A_3904] : memref<808xf32, #tpu.memory_space<vmem>> -> memref<800xf32, #tpu.memory_space<vmem>>
        %dma_wait3A_3906 = tpu.memref_slice %arg3[%mul3A_3903] : memref<819200xf32, #tpu.memory_space<hbm>> -> memref<800xf32, #tpu.memory_space<hbm>>
        %dma_wait3A_3907 = tpu.memref_slice %arg3[%mul3A_3903] : memref<819200xf32, #tpu.memory_space<hbm>> -> memref<800xf32, #tpu.memory_space<hbm>>
        %dma_wait3A_3908 = arith.constant 0 : i32
        %dma_wait3A_3909 = tpu.memref_slice %arg7[%dma_wait3A_3908] : memref<808xf32, #tpu.memory_space<vmem>> -> memref<800xf32, #tpu.memory_space<vmem>>
        tpu.wait_dma2 semaphore(%arg11 : memref<!tpu.dma_semaphore, #tpu.memory_space<semaphore_mem>>) src(%dma_wait3A_3909 : memref<800xf32, #tpu.memory_space<vmem>>) dst(%dma_wait3A_3907 : memref<800xf32, #tpu.memory_space<hbm>>)
      } else {
      }
      %get3A_2005 = arith.constant 0 : index
      %get3A_2006 = tpu.vector_load %arg5[%get3A_2005] {strides = array<i32>} : memref<808xf32, #tpu.memory_space<vmem>>, vector<16xf32>,
      %get3A_2007 = vector.shape_cast %get3A_2006 : vector<16xf32> to vector<16xf32>
      %ne3A_2008 = arith.cmpf one, %get3A_2007, %broadcast_in_dim3A_5 : vector<16xf32>
      %select_n3A_2009 = arith.select %ne3A_2008, %broadcast_in_dim3A_7, %broadcast_in_dim3A_3 : vector<16xi1>, vector<16xi32>
      %broadcast_in_dim3A_2010 = vector.shape_cast %max3A : vector<16xi32> to vector<16x1xi32>
      %gather3A_2011 = vector.shape_cast %broadcast_in_dim3A_2010 : vector<16x1xi32> to vector<16xi32>
      %gather3A_2012 = tpu.dynamic_gather %select_n3A_2009[%gather3A_2011] in [0] : vector<16xi32>, vector<16xi32> -> vector<16xi32>
      %select_n3A_2013 = arith.select %ge3A, %gather3A_2012, %broadcast_in_dim3A_3 : vector<16xi1>, vector<16xi32>
      %add3A_2014 = arith.addi %select_n3A_2009, %select_n3A_2013 : vector<16xi32>
      %broadcast_in_dim3A_2015 = vector.shape_cast %max3A_15 : vector<16xi32> to vector<16x1xi32>
      %gather3A_2016 = vector.shape_cast %broadcast_in_dim3A_2015 : vector<16x1xi32> to vector<16xi32>
      %gather3A_2017 = tpu.dynamic_gather %add3A_2014[%gather3A_2016] in [0] : vector<16xi32>, vector<16xi32> -> vector<16xi32>
      %select_n3A_2018 = arith.select %ge3A_28, %gather3A_2017, %broadcast_in_dim3A_3 : vector<16xi1>, vector<16xi32>
      %add3A_2019 = arith.addi %add3A_2014, %select_n3A_2018 : vector<16xi32>
      %broadcast_in_dim3A_2020 = vector.shape_cast %max3A_19 : vector<16xi32> to vector<16x1xi32>
      %gather3A_2021 = vector.shape_cast %broadcast_in_dim3A_2020 : vector<16x1xi32> to vector<16xi32>
      %gather3A_2022 = tpu.dynamic_gather %add3A_2019[%gather3A_2021] in [0] : vector<16xi32>, vector<16xi32> -> vector<16xi32>
      %select_n3A_2023 = arith.select %ge3A_31, %gather3A_2022, %broadcast_in_dim3A_3 : vector<16xi1>, vector<16xi32>
      %add3A_2024 = arith.addi %add3A_2019, %select_n3A_2023 : vector<16xi32>
      %broadcast_in_dim3A_2025 = vector.shape_cast %max3A_23 : vector<16xi32> to vector<16x1xi32>
      %gather3A_2026 = vector.shape_cast %broadcast_in_dim3A_2025 : vector<16x1xi32> to vector<16xi32>
      %gather3A_2027 = tpu.dynamic_gather %add3A_2024[%gather3A_2026] in [0] : vector<16xi32>, vector<16xi32> -> vector<16xi32>
      %select_n3A_2028 = arith.select %ge3A_34, %gather3A_2027, %broadcast_in_dim3A_3 : vector<16xi1>, vector<16xi32>
      %add3A_2029 = arith.addi %add3A_2024, %select_n3A_2028 : vector<16xi32>
      %add3A_2030 = arith.addi %add3A_2029, %broadcast_in_dim3A_3 : vector<16xi32>
      %mul3A_2031 = arith.muli %add3A_2030, %select_n3A_2009 : vector<16xi32>
      %convert_element_type3A_2032 = arith.sitofp %mul3A_2031 : vector<16xi32> to vector<16xf32>
      %swap3A_2033 = arith.constant 0 : index
      %swap3A_2034 = tpu.vector_load %arg7[%swap3A_2033] {strides = array<i32>} : memref<808xf32, #tpu.memory_space<vmem>>, vector<16xf32>,
      %swap3A_2035 = vector.shape_cast %swap3A_2034 : vector<16xf32> to vector<16xf32>
      %swap3A_2036 = vector.shape_cast %convert_element_type3A_2032 : vector<16xf32> to vector<16xf32>
      tpu.vector_store %arg7[%swap3A_2033], %swap3A_2036 {strides = array<i32>} : memref<808xf32, #tpu.memory_space<vmem>>, vector<16xf32>,
      %broadcast_in_dim3A_2037 = vector.shape_cast %broadcast_in_dim3A_36 : vector<16xi32> to vector<16x1xi32>
      %gather3A_2038 = vector.shape_cast %broadcast_in_dim3A_2037 : vector<16x1xi32> to vector<16xi32>
      %gather3A_2039 = tpu.dynamic_gather %add3A_2029[%gather3A_2038] in [0] : vector<16xi32>, vector<16xi32> -> vector<16xi32>
      %add3A_2040 = arith.addi %broadcast_in_dim3A_3, %gather3A_2039 : vector<16xi32>
      %get3A_2041 = arith.constant 16 : index
      %get3A_2042 = tpu.vector_load %arg5[%get3A_2041] {strides = array<i32>} : memref<808xf32, #tpu.memory_space<vmem>>, vector<16xf32>,
      %get3A_2043 = vector.shape_cast %get3A_2042 : vector<16xf32> to vector<16xf32>
      %ne3A_2044 = arith.cmpf one, %get3A_2043, %broadcast_in_dim3A_5 : vector<16xf32>
      %select_n3A_2045 = arith.select %ne3A_2044, %broadcast_in_dim3A_7, %broadcast_in_dim3A_3 : vector<16xi1>, vector<16xi32>
      %broadcast_in_dim3A_2046 = vector.shape_cast %max3A : vector<16xi32> to vector<16x1xi32>
      %gather3A_2047 = vector.shape_cast %broadcast_in_dim3A_2046 : vector<16x1xi32> to vector<16xi32>
      %gather3A_2048 = tpu.dynamic_gather %select_n3A_2045[%gather3A_2047] in [0] : vector<16xi32>, vector<16xi32> -> vector<16xi32>
      %select_n3A_2049 = arith.select %ge3A, %gather3A_2048, %broadcast_in_dim3A_3 : vector<16xi1>, vector<16xi32>
      %add3A_2050 = arith.addi %select_n3A_2045, %select_n3A_2049 : vector<16xi32>
      %broadcast_in_dim3A_2051 = vector.shape_cast %max3A_15 : vector<16xi32> to vector<16x1xi32>
      %gather3A_2052 = vector.shape_cast %broadcast_in_dim3A_2051 : vector<16x1xi32> to vector<16xi32>
      %gather3A_2053 = tpu.dynamic_gather %add3A_2050[%gather3A_2052] in [0] : vector<16xi32>, vector<16xi32> -> vector<16xi32>
      %select_n3A_2054 = arith.select %ge3A_28, %gather3A_2053, %broadcast_in_dim3A_3 : vector<16xi1>, vector<16xi32>
      %add3A_2055 = arith.addi %add3A_2050, %select_n3A_2054 : vector<16xi32>
      %broadcast_in_dim3A_2056 = vector.shape_cast %max3A_19 : vector<16xi32> to vector<16x1xi32>
      %gather3A_2057 = vector.shape_cast %broadcast_in_dim3A_2056 : vector<16x1xi32> to vector<16xi32>
      %gather3A_2058 = tpu.dynamic_gather %add3A_2055[%gather3A_2057] in [0] : vector<16xi32>, vector<16xi32> -> vector<16xi32>
      %select_n3A_2059 = arith.select %ge3A_31, %gather3A_2058, %broadcast_in_dim3A_3 : vector<16xi1>, vector<16xi32>
      %add3A_2060 = arith.addi %add3A_2055, %select_n3A_2059 : vector<16xi32>
      %broadcast_in_dim3A_2061 = vector.shape_cast %max3A_23 : vector<16xi32> to vector<16x1xi32>
      %gather3A_2062 = vector.shape_cast %broadcast_in_dim3A_2061 : vector<16x1xi32> to vector<16xi32>
      %gather3A_2063 = tpu.dynamic_gather %add3A_2060[%gather3A_2062] in [0] : vector<16xi32>, vector<16xi32> -> vector<16xi32>
      %select_n3A_2064 = arith.select %ge3A_34, %gather3A_2063, %broadcast_in_dim3A_3 : vector<16xi1>, vector<16xi32>
      %add3A_2065 = arith.addi %add3A_2060, %select_n3A_2064 : vector<16xi32>
      %add3A_2066 = arith.addi %add3A_2065, %add3A_2040 : vector<16xi32>
      %mul3A_2067 = arith.muli %add3A_2066, %select_n3A_2045 : vector<16xi32>
      %convert_element_type3A_2068 = arith.sitofp %mul3A_2067 : vector<16xi32> to vector<16xf32>
      %swap3A_2069 = arith.constant 16 : index
      %swap3A_2070 = tpu.vector_load %arg7[%swap3A_2069] {strides = array<i32>} : memref<808xf32, #tpu.memory_space<vmem>>, vector<16xf32>,
      %swap3A_2071 = vector.shape_cast %swap3A_2070 : vector<16xf32> to vector<16xf32>
      %swap3A_2072 = vector.shape_cast %convert_element_type3A_2068 : vector<16xf32> to vector<16xf32>
      tpu.vector_store %arg7[%swap3A_2069], %swap3A_2072 {strides = array<i32>} : memref<808xf32, #tpu.memory_space<vmem>>, vector<16xf32>,
      %broadcast_in_dim3A_2073 = vector.shape_cast %broadcast_in_dim3A_36 : vector<16xi32> to vector<16x1xi32>
      %gather3A_2074 = vector.shape_cast %broadcast_in_dim3A_2073 : vector<16x1xi32> to vector<16xi32>
      %gather3A_2075 = tpu.dynamic_gather %add3A_2065[%gather3A_2074] in [0] : vector<16xi32>, vector<16xi32> -> vector<16xi32>
      %add3A_2076 = arith.addi %add3A_2040, %gather3A_2075 : vector<16xi32>
      %get3A_2077 = arith.constant 32 : index
      %get3A_2078 = tpu.vector_load %arg5[%get3A_2077] {strides = array<i32>} : memref<808xf32, #tpu.memory_space<vmem>>, vector<16xf32>,
      %get3A_2079 = vector.shape_cast %get3A_2078 : vector<16xf32> to vector<16xf32>
      %ne3A_2080 = arith.cmpf one, %get3A_2079, %broadcast_in_dim3A_5 : vector<16xf32>
      %select_n3A_2081 = arith.select %ne3A_2080, %broadcast_in_dim3A_7, %broadcast_in_dim3A_3 : vector<16xi1>, vector<16xi32>
      %broadcast_in_dim3A_2082 = vector.shape_cast %max3A : vector<16xi32> to vector<16x1xi32>
      %gather3A_2083 = vector.shape_cast %broadcast_in_dim3A_2082 : vector<16x1xi32> to vector<16xi32>
      %gather3A_2084 = tpu.dynamic_gather %select_n3A_2081[%gather3A_2083] in [0] : vector<16xi32>, vector<16xi32> -> vector<16xi32>
      %select_n3A_2085 = arith.select %ge3A, %gather3A_2084, %broadcast_in_dim3A_3 : vector<16xi1>, vector<16xi32>
      %add3A_2086 = arith.addi %select_n3A_2081, %select_n3A_2085 : vector<16xi32>
      %broadcast_in_dim3A_2087 = vector.shape_cast %max3A_15 : vector<16xi32> to vector<16x1xi32>
      %gather3A_2088 = vector.shape_cast %broadcast_in_dim3A_2087 : vector<16x1xi32> to vector<16xi32>
      %gather3A_2089 = tpu.dynamic_gather %add3A_2086[%gather3A_2088] in [0] : vector<16xi32>, vector<16xi32> -> vector<16xi32>
      %select_n3A_2090 = arith.select %ge3A_28, %gather3A_2089, %broadcast_in_dim3A_3 : vector<16xi1>, vector<16xi32>
      %add3A_2091 = arith.addi %add3A_2086, %select_n3A_2090 : vector<16xi32>
      %broadcast_in_dim3A_2092 = vector.shape_cast %max3A_19 : vector<16xi32> to vector<16x1xi32>
      %gather3A_2093 = vector.shape_cast %broadcast_in_dim3A_2092 : vector<16x1xi32> to vector<16xi32>
      %gather3A_2094 = tpu.dynamic_gather %add3A_2091[%gather3A_2093] in [0] : vector<16xi32>, vector<16xi32> -> vector<16xi32>
      %select_n3A_2095 = arith.select %ge3A_31, %gather3A_2094, %broadcast_in_dim3A_3 : vector<16xi1>, vector<16xi32>
      %add3A_2096 = arith.addi %add3A_2091, %select_n3A_2095 : vector<16xi32>
      %broadcast_in_dim3A_2097 = vector.shape_cast %max3A_23 : vector<16xi32> to vector<16x1xi32>
      %gather3A_2098 = vector.shape_cast %broadcast_in_dim3A_2097 : vector<16x1xi32> to vector<16xi32>
      %gather3A_2099 = tpu.dynamic_gather %add3A_2096[%gather3A_2098] in [0] : vector<16xi32>, vector<16xi32> -> vector<16xi32>
      %select_n3A_2100 = arith.select %ge3A_34, %gather3A_2099, %broadcast_in_dim3A_3 : vector<16xi1>, vector<16xi32>
      %add3A_2101 = arith.addi %add3A_2096, %select_n3A_2100 : vector<16xi32>
      %add3A_2102 = arith.addi %add3A_2101, %add3A_2076 : vector<16xi32>
      %mul3A_2103 = arith.muli %add3A_2102, %select_n3A_2081 : vector<16xi32>
      %convert_element_type3A_2104 = arith.sitofp %mul3A_2103 : vector<16xi32> to vector<16xf32>
      %swap3A_2105 = arith.constant 32 : index
      %swap3A_2106 = tpu.vector_load %arg7[%swap3A_2105] {strides = array<i32>} : memref<808xf32, #tpu.memory_space<vmem>>, vector<16xf32>,
      %swap3A_2107 = vector.shape_cast %swap3A_2106 : vector<16xf32> to vector<16xf32>
      %swap3A_2108 = vector.shape_cast %convert_element_type3A_2104 : vector<16xf32> to vector<16xf32>
      tpu.vector_store %arg7[%swap3A_2105], %swap3A_2108 {strides = array<i32>} : memref<808xf32, #tpu.memory_space<vmem>>, vector<16xf32>,
      %broadcast_in_dim3A_2109 = vector.shape_cast %broadcast_in_dim3A_36 : vector<16xi32> to vector<16x1xi32>
      %gather3A_2110 = vector.shape_cast %broadcast_in_dim3A_2109 : vector<16x1xi32> to vector<16xi32>
      %gather3A_2111 = tpu.dynamic_gather %add3A_2101[%gather3A_2110] in [0] : vector<16xi32>, vector<16xi32> -> vector<16xi32>
      %add3A_2112 = arith.addi %add3A_2076, %gather3A_2111 : vector<16xi32>
      %get3A_2113 = arith.constant 48 : index
      %get3A_2114 = tpu.vector_load %arg5[%get3A_2113] {strides = array<i32>} : memref<808xf32, #tpu.memory_space<vmem>>, vector<16xf32>,
      %get3A_2115 = vector.shape_cast %get3A_2114 : vector<16xf32> to vector<16xf32>
      %ne3A_2116 = arith.cmpf one, %get3A_2115, %broadcast_in_dim3A_5 : vector<16xf32>
      %select_n3A_2117 = arith.select %ne3A_2116, %broadcast_in_dim3A_7, %broadcast_in_dim3A_3 : vector<16xi1>, vector<16xi32>
      %broadcast_in_dim3A_2118 = vector.shape_cast %max3A : vector<16xi32> to vector<16x1xi32>
      %gather3A_2119 = vector.shape_cast %broadcast_in_dim3A_2118 : vector<16x1xi32> to vector<16xi32>
      %gather3A_2120 = tpu.dynamic_gather %select_n3A_2117[%gather3A_2119] in [0] : vector<16xi32>, vector<16xi32> -> vector<16xi32>
      %select_n3A_2121 = arith.select %ge3A, %gather3A_2120, %broadcast_in_dim3A_3 : vector<16xi1>, vector<16xi32>
      %add3A_2122 = arith.addi %select_n3A_2117, %select_n3A_2121 : vector<16xi32>
      %broadcast_in_dim3A_2123 = vector.shape_cast %max3A_15 : vector<16xi32> to vector<16x1xi32>
      %gather3A_2124 = vector.shape_cast %broadcast_in_dim3A_2123 : vector<16x1xi32> to vector<16xi32>
      %gather3A_2125 = tpu.dynamic_gather %add3A_2122[%gather3A_2124] in [0] : vector<16xi32>, vector<16xi32> -> vector<16xi32>
      %select_n3A_2126 = arith.select %ge3A_28, %gather3A_2125, %broadcast_in_dim3A_3 : vector<16xi1>, vector<16xi32>
      %add3A_2127 = arith.addi %add3A_2122, %select_n3A_2126 : vector<16xi32>
      %broadcast_in_dim3A_2128 = vector.shape_cast %max3A_19 : vector<16xi32> to vector<16x1xi32>
      %gather3A_2129 = vector.shape_cast %broadcast_in_dim3A_2128 : vector<16x1xi32> to vector<16xi32>
      %gather3A_2130 = tpu.dynamic_gather %add3A_2127[%gather3A_2129] in [0] : vector<16xi32>, vector<16xi32> -> vector<16xi32>
      %select_n3A_2131 = arith.select %ge3A_31, %gather3A_2130, %broadcast_in_dim3A_3 : vector<16xi1>, vector<16xi32>
      %add3A_2132 = arith.addi %add3A_2127, %select_n3A_2131 : vector<16xi32>
      %broadcast_in_dim3A_2133 = vector.shape_cast %max3A_23 : vector<16xi32> to vector<16x1xi32>
      %gather3A_2134 = vector.shape_cast %broadcast_in_dim3A_2133 : vector<16x1xi32> to vector<16xi32>
      %gather3A_2135 = tpu.dynamic_gather %add3A_2132[%gather3A_2134] in [0] : vector<16xi32>, vector<16xi32> -> vector<16xi32>
      %select_n3A_2136 = arith.select %ge3A_34, %gather3A_2135, %broadcast_in_dim3A_3 : vector<16xi1>, vector<16xi32>
      %add3A_2137 = arith.addi %add3A_2132, %select_n3A_2136 : vector<16xi32>
      %add3A_2138 = arith.addi %add3A_2137, %add3A_2112 : vector<16xi32>
      %mul3A_2139 = arith.muli %add3A_2138, %select_n3A_2117 : vector<16xi32>
      %convert_element_type3A_2140 = arith.sitofp %mul3A_2139 : vector<16xi32> to vector<16xf32>
      %swap3A_2141 = arith.constant 48 : index
      %swap3A_2142 = tpu.vector_load %arg7[%swap3A_2141] {strides = array<i32>} : memref<808xf32, #tpu.memory_space<vmem>>, vector<16xf32>,
      %swap3A_2143 = vector.shape_cast %swap3A_2142 : vector<16xf32> to vector<16xf32>
      %swap3A_2144 = vector.shape_cast %convert_element_type3A_2140 : vector<16xf32> to vector<16xf32>
      tpu.vector_store %arg7[%swap3A_2141], %swap3A_2144 {strides = array<i32>} : memref<808xf32, #tpu.memory_space<vmem>>, vector<16xf32>,
      %broadcast_in_dim3A_2145 = vector.shape_cast %broadcast_in_dim3A_36 : vector<16xi32> to vector<16x1xi32>
      %gather3A_2146 = vector.shape_cast %broadcast_in_dim3A_2145 : vector<16x1xi32> to vector<16xi32>
      %gather3A_2147 = tpu.dynamic_gather %add3A_2137[%gather3A_2146] in [0] : vector<16xi32>, vector<16xi32> -> vector<16xi32>
      %add3A_2148 = arith.addi %add3A_2112, %gather3A_2147 : vector<16xi32>
      %get3A_2149 = arith.constant 64 : index
      %get3A_2150 = tpu.vector_load %arg5[%get3A_2149] {strides = array<i32>} : memref<808xf32, #tpu.memory_space<vmem>>, vector<16xf32>,
      %get3A_2151 = vector.shape_cast %get3A_2150 : vector<16xf32> to vector<16xf32>
      %ne3A_2152 = arith.cmpf one, %get3A_2151, %broadcast_in_dim3A_5 : vector<16xf32>
      %select_n3A_2153 = arith.select %ne3A_2152, %broadcast_in_dim3A_7, %broadcast_in_dim3A_3 : vector<16xi1>, vector<16xi32>
      %broadcast_in_dim3A_2154 = vector.shape_cast %max3A : vector<16xi32> to vector<16x1xi32>
      %gather3A_2155 = vector.shape_cast %broadcast_in_dim3A_2154 : vector<16x1xi32> to vector<16xi32>
      %gather3A_2156 = tpu.dynamic_gather %select_n3A_2153[%gather3A_2155] in [0] : vector<16xi32>, vector<16xi32> -> vector<16xi32>
      %select_n3A_2157 = arith.select %ge3A, %gather3A_2156, %broadcast_in_dim3A_3 : vector<16xi1>, vector<16xi32>
      %add3A_2158 = arith.addi %select_n3A_2153, %select_n3A_2157 : vector<16xi32>
      %broadcast_in_dim3A_2159 = vector.shape_cast %max3A_15 : vector<16xi32> to vector<16x1xi32>
      %gather3A_2160 = vector.shape_cast %broadcast_in_dim3A_2159 : vector<16x1xi32> to vector<16xi32>
      %gather3A_2161 = tpu.dynamic_gather %add3A_2158[%gather3A_2160] in [0] : vector<16xi32>, vector<16xi32> -> vector<16xi32>
      %select_n3A_2162 = arith.select %ge3A_28, %gather3A_2161, %broadcast_in_dim3A_3 : vector<16xi1>, vector<16xi32>
      %add3A_2163 = arith.addi %add3A_2158, %select_n3A_2162 : vector<16xi32>
      %broadcast_in_dim3A_2164 = vector.shape_cast %max3A_19 : vector<16xi32> to vector<16x1xi32>
      %gather3A_2165 = vector.shape_cast %broadcast_in_dim3A_2164 : vector<16x1xi32> to vector<16xi32>
      %gather3A_2166 = tpu.dynamic_gather %add3A_2163[%gather3A_2165] in [0] : vector<16xi32>, vector<16xi32> -> vector<16xi32>
      %select_n3A_2167 = arith.select %ge3A_31, %gather3A_2166, %broadcast_in_dim3A_3 : vector<16xi1>, vector<16xi32>
      %add3A_2168 = arith.addi %add3A_2163, %select_n3A_2167 : vector<16xi32>
      %broadcast_in_dim3A_2169 = vector.shape_cast %max3A_23 : vector<16xi32> to vector<16x1xi32>
      %gather3A_2170 = vector.shape_cast %broadcast_in_dim3A_2169 : vector<16x1xi32> to vector<16xi32>
      %gather3A_2171 = tpu.dynamic_gather %add3A_2168[%gather3A_2170] in [0] : vector<16xi32>, vector<16xi32> -> vector<16xi32>
      %select_n3A_2172 = arith.select %ge3A_34, %gather3A_2171, %broadcast_in_dim3A_3 : vector<16xi1>, vector<16xi32>
      %add3A_2173 = arith.addi %add3A_2168, %select_n3A_2172 : vector<16xi32>
      %add3A_2174 = arith.addi %add3A_2173, %add3A_2148 : vector<16xi32>
      %mul3A_2175 = arith.muli %add3A_2174, %select_n3A_2153 : vector<16xi32>
      %convert_element_type3A_2176 = arith.sitofp %mul3A_2175 : vector<16xi32> to vector<16xf32>
      %swap3A_2177 = arith.constant 64 : index
      %swap3A_2178 = tpu.vector_load %arg7[%swap3A_2177] {strides = array<i32>} : memref<808xf32, #tpu.memory_space<vmem>>, vector<16xf32>,
      %swap3A_2179 = vector.shape_cast %swap3A_2178 : vector<16xf32> to vector<16xf32>
      %swap3A_2180 = vector.shape_cast %convert_element_type3A_2176 : vector<16xf32> to vector<16xf32>
      tpu.vector_store %arg7[%swap3A_2177], %swap3A_2180 {strides = array<i32>} : memref<808xf32, #tpu.memory_space<vmem>>, vector<16xf32>,
      %broadcast_in_dim3A_2181 = vector.shape_cast %broadcast_in_dim3A_36 : vector<16xi32> to vector<16x1xi32>
      %gather3A_2182 = vector.shape_cast %broadcast_in_dim3A_2181 : vector<16x1xi32> to vector<16xi32>
      %gather3A_2183 = tpu.dynamic_gather %add3A_2173[%gather3A_2182] in [0] : vector<16xi32>, vector<16xi32> -> vector<16xi32>
      %add3A_2184 = arith.addi %add3A_2148, %gather3A_2183 : vector<16xi32>
      %get3A_2185 = arith.constant 80 : index
      %get3A_2186 = tpu.vector_load %arg5[%get3A_2185] {strides = array<i32>} : memref<808xf32, #tpu.memory_space<vmem>>, vector<16xf32>,
      %get3A_2187 = vector.shape_cast %get3A_2186 : vector<16xf32> to vector<16xf32>
      %ne3A_2188 = arith.cmpf one, %get3A_2187, %broadcast_in_dim3A_5 : vector<16xf32>
      %select_n3A_2189 = arith.select %ne3A_2188, %broadcast_in_dim3A_7, %broadcast_in_dim3A_3 : vector<16xi1>, vector<16xi32>
      %broadcast_in_dim3A_2190 = vector.shape_cast %max3A : vector<16xi32> to vector<16x1xi32>
      %gather3A_2191 = vector.shape_cast %broadcast_in_dim3A_2190 : vector<16x1xi32> to vector<16xi32>
      %gather3A_2192 = tpu.dynamic_gather %select_n3A_2189[%gather3A_2191] in [0] : vector<16xi32>, vector<16xi32> -> vector<16xi32>
      %select_n3A_2193 = arith.select %ge3A, %gather3A_2192, %broadcast_in_dim3A_3 : vector<16xi1>, vector<16xi32>
      %add3A_2194 = arith.addi %select_n3A_2189, %select_n3A_2193 : vector<16xi32>
      %broadcast_in_dim3A_2195 = vector.shape_cast %max3A_15 : vector<16xi32> to vector<16x1xi32>
      %gather3A_2196 = vector.shape_cast %broadcast_in_dim3A_2195 : vector<16x1xi32> to vector<16xi32>
      %gather3A_2197 = tpu.dynamic_gather %add3A_2194[%gather3A_2196] in [0] : vector<16xi32>, vector<16xi32> -> vector<16xi32>
      %select_n3A_2198 = arith.select %ge3A_28, %gather3A_2197, %broadcast_in_dim3A_3 : vector<16xi1>, vector<16xi32>
      %add3A_2199 = arith.addi %add3A_2194, %select_n3A_2198 : vector<16xi32>
      %broadcast_in_dim3A_2200 = vector.shape_cast %max3A_19 : vector<16xi32> to vector<16x1xi32>
      %gather3A_2201 = vector.shape_cast %broadcast_in_dim3A_2200 : vector<16x1xi32> to vector<16xi32>
      %gather3A_2202 = tpu.dynamic_gather %add3A_2199[%gather3A_2201] in [0] : vector<16xi32>, vector<16xi32> -> vector<16xi32>
      %select_n3A_2203 = arith.select %ge3A_31, %gather3A_2202, %broadcast_in_dim3A_3 : vector<16xi1>, vector<16xi32>
      %add3A_2204 = arith.addi %add3A_2199, %select_n3A_2203 : vector<16xi32>
      %broadcast_in_dim3A_2205 = vector.shape_cast %max3A_23 : vector<16xi32> to vector<16x1xi32>
      %gather3A_2206 = vector.shape_cast %broadcast_in_dim3A_2205 : vector<16x1xi32> to vector<16xi32>
      %gather3A_2207 = tpu.dynamic_gather %add3A_2204[%gather3A_2206] in [0] : vector<16xi32>, vector<16xi32> -> vector<16xi32>
      %select_n3A_2208 = arith.select %ge3A_34, %gather3A_2207, %broadcast_in_dim3A_3 : vector<16xi1>, vector<16xi32>
      %add3A_2209 = arith.addi %add3A_2204, %select_n3A_2208 : vector<16xi32>
      %add3A_2210 = arith.addi %add3A_2209, %add3A_2184 : vector<16xi32>
      %mul3A_2211 = arith.muli %add3A_2210, %select_n3A_2189 : vector<16xi32>
      %convert_element_type3A_2212 = arith.sitofp %mul3A_2211 : vector<16xi32> to vector<16xf32>
      %swap3A_2213 = arith.constant 80 : index
      %swap3A_2214 = tpu.vector_load %arg7[%swap3A_2213] {strides = array<i32>} : memref<808xf32, #tpu.memory_space<vmem>>, vector<16xf32>,
      %swap3A_2215 = vector.shape_cast %swap3A_2214 : vector<16xf32> to vector<16xf32>
      %swap3A_2216 = vector.shape_cast %convert_element_type3A_2212 : vector<16xf32> to vector<16xf32>
      tpu.vector_store %arg7[%swap3A_2213], %swap3A_2216 {strides = array<i32>} : memref<808xf32, #tpu.memory_space<vmem>>, vector<16xf32>,
      %broadcast_in_dim3A_2217 = vector.shape_cast %broadcast_in_dim3A_36 : vector<16xi32> to vector<16x1xi32>
      %gather3A_2218 = vector.shape_cast %broadcast_in_dim3A_2217 : vector<16x1xi32> to vector<16xi32>
      %gather3A_2219 = tpu.dynamic_gather %add3A_2209[%gather3A_2218] in [0] : vector<16xi32>, vector<16xi32> -> vector<16xi32>
      %add3A_2220 = arith.addi %add3A_2184, %gather3A_2219 : vector<16xi32>
      %get3A_2221 = arith.constant 96 : index
      %get3A_2222 = tpu.vector_load %arg5[%get3A_2221] {strides = array<i32>} : memref<808xf32, #tpu.memory_space<vmem>>, vector<16xf32>,
      %get3A_2223 = vector.shape_cast %get3A_2222 : vector<16xf32> to vector<16xf32>
      %ne3A_2224 = arith.cmpf one, %get3A_2223, %broadcast_in_dim3A_5 : vector<16xf32>
      %select_n3A_2225 = arith.select %ne3A_2224, %broadcast_in_dim3A_7, %broadcast_in_dim3A_3 : vector<16xi1>, vector<16xi32>
      %broadcast_in_dim3A_2226 = vector.shape_cast %max3A : vector<16xi32> to vector<16x1xi32>
      %gather3A_2227 = vector.shape_cast %broadcast_in_dim3A_2226 : vector<16x1xi32> to vector<16xi32>
      %gather3A_2228 = tpu.dynamic_gather %select_n3A_2225[%gather3A_2227] in [0] : vector<16xi32>, vector<16xi32> -> vector<16xi32>
      %select_n3A_2229 = arith.select %ge3A, %gather3A_2228, %broadcast_in_dim3A_3 : vector<16xi1>, vector<16xi32>
      %add3A_2230 = arith.addi %select_n3A_2225, %select_n3A_2229 : vector<16xi32>
      %broadcast_in_dim3A_2231 = vector.shape_cast %max3A_15 : vector<16xi32> to vector<16x1xi32>
      %gather3A_2232 = vector.shape_cast %broadcast_in_dim3A_2231 : vector<16x1xi32> to vector<16xi32>
      %gather3A_2233 = tpu.dynamic_gather %add3A_2230[%gather3A_2232] in [0] : vector<16xi32>, vector<16xi32> -> vector<16xi32>
      %select_n3A_2234 = arith.select %ge3A_28, %gather3A_2233, %broadcast_in_dim3A_3 : vector<16xi1>, vector<16xi32>
      %add3A_2235 = arith.addi %add3A_2230, %select_n3A_2234 : vector<16xi32>
      %broadcast_in_dim3A_2236 = vector.shape_cast %max3A_19 : vector<16xi32> to vector<16x1xi32>
      %gather3A_2237 = vector.shape_cast %broadcast_in_dim3A_2236 : vector<16x1xi32> to vector<16xi32>
      %gather3A_2238 = tpu.dynamic_gather %add3A_2235[%gather3A_2237] in [0] : vector<16xi32>, vector<16xi32> -> vector<16xi32>
      %select_n3A_2239 = arith.select %ge3A_31, %gather3A_2238, %broadcast_in_dim3A_3 : vector<16xi1>, vector<16xi32>
      %add3A_2240 = arith.addi %add3A_2235, %select_n3A_2239 : vector<16xi32>
      %broadcast_in_dim3A_2241 = vector.shape_cast %max3A_23 : vector<16xi32> to vector<16x1xi32>
      %gather3A_2242 = vector.shape_cast %broadcast_in_dim3A_2241 : vector<16x1xi32> to vector<16xi32>
      %gather3A_2243 = tpu.dynamic_gather %add3A_2240[%gather3A_2242] in [0] : vector<16xi32>, vector<16xi32> -> vector<16xi32>
      %select_n3A_2244 = arith.select %ge3A_34, %gather3A_2243, %broadcast_in_dim3A_3 : vector<16xi1>, vector<16xi32>
      %add3A_2245 = arith.addi %add3A_2240, %select_n3A_2244 : vector<16xi32>
      %add3A_2246 = arith.addi %add3A_2245, %add3A_2220 : vector<16xi32>
      %mul3A_2247 = arith.muli %add3A_2246, %select_n3A_2225 : vector<16xi32>
      %convert_element_type3A_2248 = arith.sitofp %mul3A_2247 : vector<16xi32> to vector<16xf32>
      %swap3A_2249 = arith.constant 96 : index
      %swap3A_2250 = tpu.vector_load %arg7[%swap3A_2249] {strides = array<i32>} : memref<808xf32, #tpu.memory_space<vmem>>, vector<16xf32>,
      %swap3A_2251 = vector.shape_cast %swap3A_2250 : vector<16xf32> to vector<16xf32>
      %swap3A_2252 = vector.shape_cast %convert_element_type3A_2248 : vector<16xf32> to vector<16xf32>
      tpu.vector_store %arg7[%swap3A_2249], %swap3A_2252 {strides = array<i32>} : memref<808xf32, #tpu.memory_space<vmem>>, vector<16xf32>,
      %broadcast_in_dim3A_2253 = vector.shape_cast %broadcast_in_dim3A_36 : vector<16xi32> to vector<16x1xi32>
      %gather3A_2254 = vector.shape_cast %broadcast_in_dim3A_2253 : vector<16x1xi32> to vector<16xi32>
      %gather3A_2255 = tpu.dynamic_gather %add3A_2245[%gather3A_2254] in [0] : vector<16xi32>, vector<16xi32> -> vector<16xi32>
      %add3A_2256 = arith.addi %add3A_2220, %gather3A_2255 : vector<16xi32>
      %get3A_2257 = arith.constant 112 : index
      %get3A_2258 = tpu.vector_load %arg5[%get3A_2257] {strides = array<i32>} : memref<808xf32, #tpu.memory_space<vmem>>, vector<16xf32>,
      %get3A_2259 = vector.shape_cast %get3A_2258 : vector<16xf32> to vector<16xf32>
      %ne3A_2260 = arith.cmpf one, %get3A_2259, %broadcast_in_dim3A_5 : vector<16xf32>
      %select_n3A_2261 = arith.select %ne3A_2260, %broadcast_in_dim3A_7, %broadcast_in_dim3A_3 : vector<16xi1>, vector<16xi32>
      %broadcast_in_dim3A_2262 = vector.shape_cast %max3A : vector<16xi32> to vector<16x1xi32>
      %gather3A_2263 = vector.shape_cast %broadcast_in_dim3A_2262 : vector<16x1xi32> to vector<16xi32>
      %gather3A_2264 = tpu.dynamic_gather %select_n3A_2261[%gather3A_2263] in [0] : vector<16xi32>, vector<16xi32> -> vector<16xi32>
      %select_n3A_2265 = arith.select %ge3A, %gather3A_2264, %broadcast_in_dim3A_3 : vector<16xi1>, vector<16xi32>
      %add3A_2266 = arith.addi %select_n3A_2261, %select_n3A_2265 : vector<16xi32>
      %broadcast_in_dim3A_2267 = vector.shape_cast %max3A_15 : vector<16xi32> to vector<16x1xi32>
      %gather3A_2268 = vector.shape_cast %broadcast_in_dim3A_2267 : vector<16x1xi32> to vector<16xi32>
      %gather3A_2269 = tpu.dynamic_gather %add3A_2266[%gather3A_2268] in [0] : vector<16xi32>, vector<16xi32> -> vector<16xi32>
      %select_n3A_2270 = arith.select %ge3A_28, %gather3A_2269, %broadcast_in_dim3A_3 : vector<16xi1>, vector<16xi32>
      %add3A_2271 = arith.addi %add3A_2266, %select_n3A_2270 : vector<16xi32>
      %broadcast_in_dim3A_2272 = vector.shape_cast %max3A_19 : vector<16xi32> to vector<16x1xi32>
      %gather3A_2273 = vector.shape_cast %broadcast_in_dim3A_2272 : vector<16x1xi32> to vector<16xi32>
      %gather3A_2274 = tpu.dynamic_gather %add3A_2271[%gather3A_2273] in [0] : vector<16xi32>, vector<16xi32> -> vector<16xi32>
      %select_n3A_2275 = arith.select %ge3A_31, %gather3A_2274, %broadcast_in_dim3A_3 : vector<16xi1>, vector<16xi32>
      %add3A_2276 = arith.addi %add3A_2271, %select_n3A_2275 : vector<16xi32>
      %broadcast_in_dim3A_2277 = vector.shape_cast %max3A_23 : vector<16xi32> to vector<16x1xi32>
      %gather3A_2278 = vector.shape_cast %broadcast_in_dim3A_2277 : vector<16x1xi32> to vector<16xi32>
      %gather3A_2279 = tpu.dynamic_gather %add3A_2276[%gather3A_2278] in [0] : vector<16xi32>, vector<16xi32> -> vector<16xi32>
      %select_n3A_2280 = arith.select %ge3A_34, %gather3A_2279, %broadcast_in_dim3A_3 : vector<16xi1>, vector<16xi32>
      %add3A_2281 = arith.addi %add3A_2276, %select_n3A_2280 : vector<16xi32>
      %add3A_2282 = arith.addi %add3A_2281, %add3A_2256 : vector<16xi32>
      %mul3A_2283 = arith.muli %add3A_2282, %select_n3A_2261 : vector<16xi32>
      %convert_element_type3A_2284 = arith.sitofp %mul3A_2283 : vector<16xi32> to vector<16xf32>
      %swap3A_2285 = arith.constant 112 : index
      %swap3A_2286 = tpu.vector_load %arg7[%swap3A_2285] {strides = array<i32>} : memref<808xf32, #tpu.memory_space<vmem>>, vector<16xf32>,
      %swap3A_2287 = vector.shape_cast %swap3A_2286 : vector<16xf32> to vector<16xf32>
      %swap3A_2288 = vector.shape_cast %convert_element_type3A_2284 : vector<16xf32> to vector<16xf32>
      tpu.vector_store %arg7[%swap3A_2285], %swap3A_2288 {strides = array<i32>} : memref<808xf32, #tpu.memory_space<vmem>>, vector<16xf32>,
      %broadcast_in_dim3A_2289 = vector.shape_cast %broadcast_in_dim3A_36 : vector<16xi32> to vector<16x1xi32>
      %gather3A_2290 = vector.shape_cast %broadcast_in_dim3A_2289 : vector<16x1xi32> to vector<16xi32>
      %gather3A_2291 = tpu.dynamic_gather %add3A_2281[%gather3A_2290] in [0] : vector<16xi32>, vector<16xi32> -> vector<16xi32>
      %add3A_2292 = arith.addi %add3A_2256, %gather3A_2291 : vector<16xi32>
      %get3A_2293 = arith.constant 128 : index
      %get3A_2294 = tpu.vector_load %arg5[%get3A_2293] {strides = array<i32>} : memref<808xf32, #tpu.memory_space<vmem>>, vector<16xf32>,
      %get3A_2295 = vector.shape_cast %get3A_2294 : vector<16xf32> to vector<16xf32>
      %ne3A_2296 = arith.cmpf one, %get3A_2295, %broadcast_in_dim3A_5 : vector<16xf32>
      %select_n3A_2297 = arith.select %ne3A_2296, %broadcast_in_dim3A_7, %broadcast_in_dim3A_3 : vector<16xi1>, vector<16xi32>
      %broadcast_in_dim3A_2298 = vector.shape_cast %max3A : vector<16xi32> to vector<16x1xi32>
      %gather3A_2299 = vector.shape_cast %broadcast_in_dim3A_2298 : vector<16x1xi32> to vector<16xi32>
      %gather3A_2300 = tpu.dynamic_gather %select_n3A_2297[%gather3A_2299] in [0] : vector<16xi32>, vector<16xi32> -> vector<16xi32>
      %select_n3A_2301 = arith.select %ge3A, %gather3A_2300, %broadcast_in_dim3A_3 : vector<16xi1>, vector<16xi32>
      %add3A_2302 = arith.addi %select_n3A_2297, %select_n3A_2301 : vector<16xi32>
      %broadcast_in_dim3A_2303 = vector.shape_cast %max3A_15 : vector<16xi32> to vector<16x1xi32>
      %gather3A_2304 = vector.shape_cast %broadcast_in_dim3A_2303 : vector<16x1xi32> to vector<16xi32>
      %gather3A_2305 = tpu.dynamic_gather %add3A_2302[%gather3A_2304] in [0] : vector<16xi32>, vector<16xi32> -> vector<16xi32>
      %select_n3A_2306 = arith.select %ge3A_28, %gather3A_2305, %broadcast_in_dim3A_3 : vector<16xi1>, vector<16xi32>
      %add3A_2307 = arith.addi %add3A_2302, %select_n3A_2306 : vector<16xi32>
      %broadcast_in_dim3A_2308 = vector.shape_cast %max3A_19 : vector<16xi32> to vector<16x1xi32>
      %gather3A_2309 = vector.shape_cast %broadcast_in_dim3A_2308 : vector<16x1xi32> to vector<16xi32>
      %gather3A_2310 = tpu.dynamic_gather %add3A_2307[%gather3A_2309] in [0] : vector<16xi32>, vector<16xi32> -> vector<16xi32>
      %select_n3A_2311 = arith.select %ge3A_31, %gather3A_2310, %broadcast_in_dim3A_3 : vector<16xi1>, vector<16xi32>
      %add3A_2312 = arith.addi %add3A_2307, %select_n3A_2311 : vector<16xi32>
      %broadcast_in_dim3A_2313 = vector.shape_cast %max3A_23 : vector<16xi32> to vector<16x1xi32>
      %gather3A_2314 = vector.shape_cast %broadcast_in_dim3A_2313 : vector<16x1xi32> to vector<16xi32>
      %gather3A_2315 = tpu.dynamic_gather %add3A_2312[%gather3A_2314] in [0] : vector<16xi32>, vector<16xi32> -> vector<16xi32>
      %select_n3A_2316 = arith.select %ge3A_34, %gather3A_2315, %broadcast_in_dim3A_3 : vector<16xi1>, vector<16xi32>
      %add3A_2317 = arith.addi %add3A_2312, %select_n3A_2316 : vector<16xi32>
      %add3A_2318 = arith.addi %add3A_2317, %add3A_2292 : vector<16xi32>
      %mul3A_2319 = arith.muli %add3A_2318, %select_n3A_2297 : vector<16xi32>
      %convert_element_type3A_2320 = arith.sitofp %mul3A_2319 : vector<16xi32> to vector<16xf32>
      %swap3A_2321 = arith.constant 128 : index
      %swap3A_2322 = tpu.vector_load %arg7[%swap3A_2321] {strides = array<i32>} : memref<808xf32, #tpu.memory_space<vmem>>, vector<16xf32>,
      %swap3A_2323 = vector.shape_cast %swap3A_2322 : vector<16xf32> to vector<16xf32>
      %swap3A_2324 = vector.shape_cast %convert_element_type3A_2320 : vector<16xf32> to vector<16xf32>
      tpu.vector_store %arg7[%swap3A_2321], %swap3A_2324 {strides = array<i32>} : memref<808xf32, #tpu.memory_space<vmem>>, vector<16xf32>,
      %broadcast_in_dim3A_2325 = vector.shape_cast %broadcast_in_dim3A_36 : vector<16xi32> to vector<16x1xi32>
      %gather3A_2326 = vector.shape_cast %broadcast_in_dim3A_2325 : vector<16x1xi32> to vector<16xi32>
      %gather3A_2327 = tpu.dynamic_gather %add3A_2317[%gather3A_2326] in [0] : vector<16xi32>, vector<16xi32> -> vector<16xi32>
      %add3A_2328 = arith.addi %add3A_2292, %gather3A_2327 : vector<16xi32>
      %get3A_2329 = arith.constant 144 : index
      %get3A_2330 = tpu.vector_load %arg5[%get3A_2329] {strides = array<i32>} : memref<808xf32, #tpu.memory_space<vmem>>, vector<16xf32>,
      %get3A_2331 = vector.shape_cast %get3A_2330 : vector<16xf32> to vector<16xf32>
      %ne3A_2332 = arith.cmpf one, %get3A_2331, %broadcast_in_dim3A_5 : vector<16xf32>
      %select_n3A_2333 = arith.select %ne3A_2332, %broadcast_in_dim3A_7, %broadcast_in_dim3A_3 : vector<16xi1>, vector<16xi32>
      %broadcast_in_dim3A_2334 = vector.shape_cast %max3A : vector<16xi32> to vector<16x1xi32>
      %gather3A_2335 = vector.shape_cast %broadcast_in_dim3A_2334 : vector<16x1xi32> to vector<16xi32>
      %gather3A_2336 = tpu.dynamic_gather %select_n3A_2333[%gather3A_2335] in [0] : vector<16xi32>, vector<16xi32> -> vector<16xi32>
      %select_n3A_2337 = arith.select %ge3A, %gather3A_2336, %broadcast_in_dim3A_3 : vector<16xi1>, vector<16xi32>
      %add3A_2338 = arith.addi %select_n3A_2333, %select_n3A_2337 : vector<16xi32>
      %broadcast_in_dim3A_2339 = vector.shape_cast %max3A_15 : vector<16xi32> to vector<16x1xi32>
      %gather3A_2340 = vector.shape_cast %broadcast_in_dim3A_2339 : vector<16x1xi32> to vector<16xi32>
      %gather3A_2341 = tpu.dynamic_gather %add3A_2338[%gather3A_2340] in [0] : vector<16xi32>, vector<16xi32> -> vector<16xi32>
      %select_n3A_2342 = arith.select %ge3A_28, %gather3A_2341, %broadcast_in_dim3A_3 : vector<16xi1>, vector<16xi32>
      %add3A_2343 = arith.addi %add3A_2338, %select_n3A_2342 : vector<16xi32>
      %broadcast_in_dim3A_2344 = vector.shape_cast %max3A_19 : vector<16xi32> to vector<16x1xi32>
      %gather3A_2345 = vector.shape_cast %broadcast_in_dim3A_2344 : vector<16x1xi32> to vector<16xi32>
      %gather3A_2346 = tpu.dynamic_gather %add3A_2343[%gather3A_2345] in [0] : vector<16xi32>, vector<16xi32> -> vector<16xi32>
      %select_n3A_2347 = arith.select %ge3A_31, %gather3A_2346, %broadcast_in_dim3A_3 : vector<16xi1>, vector<16xi32>
      %add3A_2348 = arith.addi %add3A_2343, %select_n3A_2347 : vector<16xi32>
      %broadcast_in_dim3A_2349 = vector.shape_cast %max3A_23 : vector<16xi32> to vector<16x1xi32>
      %gather3A_2350 = vector.shape_cast %broadcast_in_dim3A_2349 : vector<16x1xi32> to vector<16xi32>
      %gather3A_2351 = tpu.dynamic_gather %add3A_2348[%gather3A_2350] in [0] : vector<16xi32>, vector<16xi32> -> vector<16xi32>
      %select_n3A_2352 = arith.select %ge3A_34, %gather3A_2351, %broadcast_in_dim3A_3 : vector<16xi1>, vector<16xi32>
      %add3A_2353 = arith.addi %add3A_2348, %select_n3A_2352 : vector<16xi32>
      %add3A_2354 = arith.addi %add3A_2353, %add3A_2328 : vector<16xi32>
      %mul3A_2355 = arith.muli %add3A_2354, %select_n3A_2333 : vector<16xi32>
      %convert_element_type3A_2356 = arith.sitofp %mul3A_2355 : vector<16xi32> to vector<16xf32>
      %swap3A_2357 = arith.constant 144 : index
      %swap3A_2358 = tpu.vector_load %arg7[%swap3A_2357] {strides = array<i32>} : memref<808xf32, #tpu.memory_space<vmem>>, vector<16xf32>,
      %swap3A_2359 = vector.shape_cast %swap3A_2358 : vector<16xf32> to vector<16xf32>
      %swap3A_2360 = vector.shape_cast %convert_element_type3A_2356 : vector<16xf32> to vector<16xf32>
      tpu.vector_store %arg7[%swap3A_2357], %swap3A_2360 {strides = array<i32>} : memref<808xf32, #tpu.memory_space<vmem>>, vector<16xf32>,
      %broadcast_in_dim3A_2361 = vector.shape_cast %broadcast_in_dim3A_36 : vector<16xi32> to vector<16x1xi32>
      %gather3A_2362 = vector.shape_cast %broadcast_in_dim3A_2361 : vector<16x1xi32> to vector<16xi32>
      %gather3A_2363 = tpu.dynamic_gather %add3A_2353[%gather3A_2362] in [0] : vector<16xi32>, vector<16xi32> -> vector<16xi32>
      %add3A_2364 = arith.addi %add3A_2328, %gather3A_2363 : vector<16xi32>
      %get3A_2365 = arith.constant 160 : index
      %get3A_2366 = tpu.vector_load %arg5[%get3A_2365] {strides = array<i32>} : memref<808xf32, #tpu.memory_space<vmem>>, vector<16xf32>,
      %get3A_2367 = vector.shape_cast %get3A_2366 : vector<16xf32> to vector<16xf32>
      %ne3A_2368 = arith.cmpf one, %get3A_2367, %broadcast_in_dim3A_5 : vector<16xf32>
      %select_n3A_2369 = arith.select %ne3A_2368, %broadcast_in_dim3A_7, %broadcast_in_dim3A_3 : vector<16xi1>, vector<16xi32>
      %broadcast_in_dim3A_2370 = vector.shape_cast %max3A : vector<16xi32> to vector<16x1xi32>
      %gather3A_2371 = vector.shape_cast %broadcast_in_dim3A_2370 : vector<16x1xi32> to vector<16xi32>
      %gather3A_2372 = tpu.dynamic_gather %select_n3A_2369[%gather3A_2371] in [0] : vector<16xi32>, vector<16xi32> -> vector<16xi32>
      %select_n3A_2373 = arith.select %ge3A, %gather3A_2372, %broadcast_in_dim3A_3 : vector<16xi1>, vector<16xi32>
      %add3A_2374 = arith.addi %select_n3A_2369, %select_n3A_2373 : vector<16xi32>
      %broadcast_in_dim3A_2375 = vector.shape_cast %max3A_15 : vector<16xi32> to vector<16x1xi32>
      %gather3A_2376 = vector.shape_cast %broadcast_in_dim3A_2375 : vector<16x1xi32> to vector<16xi32>
      %gather3A_2377 = tpu.dynamic_gather %add3A_2374[%gather3A_2376] in [0] : vector<16xi32>, vector<16xi32> -> vector<16xi32>
      %select_n3A_2378 = arith.select %ge3A_28, %gather3A_2377, %broadcast_in_dim3A_3 : vector<16xi1>, vector<16xi32>
      %add3A_2379 = arith.addi %add3A_2374, %select_n3A_2378 : vector<16xi32>
      %broadcast_in_dim3A_2380 = vector.shape_cast %max3A_19 : vector<16xi32> to vector<16x1xi32>
      %gather3A_2381 = vector.shape_cast %broadcast_in_dim3A_2380 : vector<16x1xi32> to vector<16xi32>
      %gather3A_2382 = tpu.dynamic_gather %add3A_2379[%gather3A_2381] in [0] : vector<16xi32>, vector<16xi32> -> vector<16xi32>
      %select_n3A_2383 = arith.select %ge3A_31, %gather3A_2382, %broadcast_in_dim3A_3 : vector<16xi1>, vector<16xi32>
      %add3A_2384 = arith.addi %add3A_2379, %select_n3A_2383 : vector<16xi32>
      %broadcast_in_dim3A_2385 = vector.shape_cast %max3A_23 : vector<16xi32> to vector<16x1xi32>
      %gather3A_2386 = vector.shape_cast %broadcast_in_dim3A_2385 : vector<16x1xi32> to vector<16xi32>
      %gather3A_2387 = tpu.dynamic_gather %add3A_2384[%gather3A_2386] in [0] : vector<16xi32>, vector<16xi32> -> vector<16xi32>
      %select_n3A_2388 = arith.select %ge3A_34, %gather3A_2387, %broadcast_in_dim3A_3 : vector<16xi1>, vector<16xi32>
      %add3A_2389 = arith.addi %add3A_2384, %select_n3A_2388 : vector<16xi32>
      %add3A_2390 = arith.addi %add3A_2389, %add3A_2364 : vector<16xi32>
      %mul3A_2391 = arith.muli %add3A_2390, %select_n3A_2369 : vector<16xi32>
      %convert_element_type3A_2392 = arith.sitofp %mul3A_2391 : vector<16xi32> to vector<16xf32>
      %swap3A_2393 = arith.constant 160 : index
      %swap3A_2394 = tpu.vector_load %arg7[%swap3A_2393] {strides = array<i32>} : memref<808xf32, #tpu.memory_space<vmem>>, vector<16xf32>,
      %swap3A_2395 = vector.shape_cast %swap3A_2394 : vector<16xf32> to vector<16xf32>
      %swap3A_2396 = vector.shape_cast %convert_element_type3A_2392 : vector<16xf32> to vector<16xf32>
      tpu.vector_store %arg7[%swap3A_2393], %swap3A_2396 {strides = array<i32>} : memref<808xf32, #tpu.memory_space<vmem>>, vector<16xf32>,
      %broadcast_in_dim3A_2397 = vector.shape_cast %broadcast_in_dim3A_36 : vector<16xi32> to vector<16x1xi32>
      %gather3A_2398 = vector.shape_cast %broadcast_in_dim3A_2397 : vector<16x1xi32> to vector<16xi32>
      %gather3A_2399 = tpu.dynamic_gather %add3A_2389[%gather3A_2398] in [0] : vector<16xi32>, vector<16xi32> -> vector<16xi32>
      %add3A_2400 = arith.addi %add3A_2364, %gather3A_2399 : vector<16xi32>
      %get3A_2401 = arith.constant 176 : index
      %get3A_2402 = tpu.vector_load %arg5[%get3A_2401] {strides = array<i32>} : memref<808xf32, #tpu.memory_space<vmem>>, vector<16xf32>,
      %get3A_2403 = vector.shape_cast %get3A_2402 : vector<16xf32> to vector<16xf32>
      %ne3A_2404 = arith.cmpf one, %get3A_2403, %broadcast_in_dim3A_5 : vector<16xf32>
      %select_n3A_2405 = arith.select %ne3A_2404, %broadcast_in_dim3A_7, %broadcast_in_dim3A_3 : vector<16xi1>, vector<16xi32>
      %broadcast_in_dim3A_2406 = vector.shape_cast %max3A : vector<16xi32> to vector<16x1xi32>
      %gather3A_2407 = vector.shape_cast %broadcast_in_dim3A_2406 : vector<16x1xi32> to vector<16xi32>
      %gather3A_2408 = tpu.dynamic_gather %select_n3A_2405[%gather3A_2407] in [0] : vector<16xi32>, vector<16xi32> -> vector<16xi32>
      %select_n3A_2409 = arith.select %ge3A, %gather3A_2408, %broadcast_in_dim3A_3 : vector<16xi1>, vector<16xi32>
      %add3A_2410 = arith.addi %select_n3A_2405, %select_n3A_2409 : vector<16xi32>
      %broadcast_in_dim3A_2411 = vector.shape_cast %max3A_15 : vector<16xi32> to vector<16x1xi32>
      %gather3A_2412 = vector.shape_cast %broadcast_in_dim3A_2411 : vector<16x1xi32> to vector<16xi32>
      %gather3A_2413 = tpu.dynamic_gather %add3A_2410[%gather3A_2412] in [0] : vector<16xi32>, vector<16xi32> -> vector<16xi32>
      %select_n3A_2414 = arith.select %ge3A_28, %gather3A_2413, %broadcast_in_dim3A_3 : vector<16xi1>, vector<16xi32>
      %add3A_2415 = arith.addi %add3A_2410, %select_n3A_2414 : vector<16xi32>
      %broadcast_in_dim3A_2416 = vector.shape_cast %max3A_19 : vector<16xi32> to vector<16x1xi32>
      %gather3A_2417 = vector.shape_cast %broadcast_in_dim3A_2416 : vector<16x1xi32> to vector<16xi32>
      %gather3A_2418 = tpu.dynamic_gather %add3A_2415[%gather3A_2417] in [0] : vector<16xi32>, vector<16xi32> -> vector<16xi32>
      %select_n3A_2419 = arith.select %ge3A_31, %gather3A_2418, %broadcast_in_dim3A_3 : vector<16xi1>, vector<16xi32>
      %add3A_2420 = arith.addi %add3A_2415, %select_n3A_2419 : vector<16xi32>
      %broadcast_in_dim3A_2421 = vector.shape_cast %max3A_23 : vector<16xi32> to vector<16x1xi32>
      %gather3A_2422 = vector.shape_cast %broadcast_in_dim3A_2421 : vector<16x1xi32> to vector<16xi32>
      %gather3A_2423 = tpu.dynamic_gather %add3A_2420[%gather3A_2422] in [0] : vector<16xi32>, vector<16xi32> -> vector<16xi32>
      %select_n3A_2424 = arith.select %ge3A_34, %gather3A_2423, %broadcast_in_dim3A_3 : vector<16xi1>, vector<16xi32>
      %add3A_2425 = arith.addi %add3A_2420, %select_n3A_2424 : vector<16xi32>
      %add3A_2426 = arith.addi %add3A_2425, %add3A_2400 : vector<16xi32>
      %mul3A_2427 = arith.muli %add3A_2426, %select_n3A_2405 : vector<16xi32>
      %convert_element_type3A_2428 = arith.sitofp %mul3A_2427 : vector<16xi32> to vector<16xf32>
      %swap3A_2429 = arith.constant 176 : index
      %swap3A_2430 = tpu.vector_load %arg7[%swap3A_2429] {strides = array<i32>} : memref<808xf32, #tpu.memory_space<vmem>>, vector<16xf32>,
      %swap3A_2431 = vector.shape_cast %swap3A_2430 : vector<16xf32> to vector<16xf32>
      %swap3A_2432 = vector.shape_cast %convert_element_type3A_2428 : vector<16xf32> to vector<16xf32>
      tpu.vector_store %arg7[%swap3A_2429], %swap3A_2432 {strides = array<i32>} : memref<808xf32, #tpu.memory_space<vmem>>, vector<16xf32>,
      %broadcast_in_dim3A_2433 = vector.shape_cast %broadcast_in_dim3A_36 : vector<16xi32> to vector<16x1xi32>
      %gather3A_2434 = vector.shape_cast %broadcast_in_dim3A_2433 : vector<16x1xi32> to vector<16xi32>
      %gather3A_2435 = tpu.dynamic_gather %add3A_2425[%gather3A_2434] in [0] : vector<16xi32>, vector<16xi32> -> vector<16xi32>
      %add3A_2436 = arith.addi %add3A_2400, %gather3A_2435 : vector<16xi32>
      %get3A_2437 = arith.constant 192 : index
      %get3A_2438 = tpu.vector_load %arg5[%get3A_2437] {strides = array<i32>} : memref<808xf32, #tpu.memory_space<vmem>>, vector<16xf32>,
      %get3A_2439 = vector.shape_cast %get3A_2438 : vector<16xf32> to vector<16xf32>
      %ne3A_2440 = arith.cmpf one, %get3A_2439, %broadcast_in_dim3A_5 : vector<16xf32>
      %and3A_2441 = arith.andi %ne3A_2440, %lt3A : vector<16xi1>
      %select_n3A_2442 = arith.select %and3A_2441, %broadcast_in_dim3A_7, %broadcast_in_dim3A_3 : vector<16xi1>, vector<16xi32>
      %broadcast_in_dim3A_2443 = vector.shape_cast %max3A : vector<16xi32> to vector<16x1xi32>
      %gather3A_2444 = vector.shape_cast %broadcast_in_dim3A_2443 : vector<16x1xi32> to vector<16xi32>
      %gather3A_2445 = tpu.dynamic_gather %select_n3A_2442[%gather3A_2444] in [0] : vector<16xi32>, vector<16xi32> -> vector<16xi32>
      %select_n3A_2446 = arith.select %ge3A, %gather3A_2445, %broadcast_in_dim3A_3 : vector<16xi1>, vector<16xi32>
      %add3A_2447 = arith.addi %select_n3A_2442, %select_n3A_2446 : vector<16xi32>
      %broadcast_in_dim3A_2448 = vector.shape_cast %max3A_15 : vector<16xi32> to vector<16x1xi32>
      %gather3A_2449 = vector.shape_cast %broadcast_in_dim3A_2448 : vector<16x1xi32> to vector<16xi32>
      %gather3A_2450 = tpu.dynamic_gather %add3A_2447[%gather3A_2449] in [0] : vector<16xi32>, vector<16xi32> -> vector<16xi32>
      %select_n3A_2451 = arith.select %ge3A_28, %gather3A_2450, %broadcast_in_dim3A_3 : vector<16xi1>, vector<16xi32>
      %add3A_2452 = arith.addi %add3A_2447, %select_n3A_2451 : vector<16xi32>
      %broadcast_in_dim3A_2453 = vector.shape_cast %max3A_19 : vector<16xi32> to vector<16x1xi32>
      %gather3A_2454 = vector.shape_cast %broadcast_in_dim3A_2453 : vector<16x1xi32> to vector<16xi32>
      %gather3A_2455 = tpu.dynamic_gather %add3A_2452[%gather3A_2454] in [0] : vector<16xi32>, vector<16xi32> -> vector<16xi32>
      %select_n3A_2456 = arith.select %ge3A_31, %gather3A_2455, %broadcast_in_dim3A_3 : vector<16xi1>, vector<16xi32>
      %add3A_2457 = arith.addi %add3A_2452, %select_n3A_2456 : vector<16xi32>
      %broadcast_in_dim3A_2458 = vector.shape_cast %max3A_23 : vector<16xi32> to vector<16x1xi32>
      %gather3A_2459 = vector.shape_cast %broadcast_in_dim3A_2458 : vector<16x1xi32> to vector<16xi32>
      %gather3A_2460 = tpu.dynamic_gather %add3A_2457[%gather3A_2459] in [0] : vector<16xi32>, vector<16xi32> -> vector<16xi32>
      %select_n3A_2461 = arith.select %ge3A_34, %gather3A_2460, %broadcast_in_dim3A_3 : vector<16xi1>, vector<16xi32>
      %add3A_2462 = arith.addi %add3A_2457, %select_n3A_2461 : vector<16xi32>
      %add3A_2463 = arith.addi %add3A_2462, %add3A_2436 : vector<16xi32>
      %mul3A_2464 = arith.muli %add3A_2463, %select_n3A_2442 : vector<16xi32>
      %convert_element_type3A_2465 = arith.sitofp %mul3A_2464 : vector<16xi32> to vector<16xf32>
      %swap3A_2466 = arith.constant 192 : index
      %swap3A_2467 = tpu.vector_load %arg7[%swap3A_2466] {strides = array<i32>} : memref<808xf32, #tpu.memory_space<vmem>>, vector<16xf32>,
      %swap3A_2468 = vector.shape_cast %swap3A_2467 : vector<16xf32> to vector<16xf32>
      %swap3A_2469 = vector.shape_cast %convert_element_type3A_2465 : vector<16xf32> to vector<16xf32>
      tpu.vector_store %arg7[%swap3A_2466], %swap3A_2469 {strides = array<i32>} : memref<808xf32, #tpu.memory_space<vmem>>, vector<16xf32>,
      %broadcast_in_dim3A_2470 = vector.shape_cast %broadcast_in_dim3A_36 : vector<16xi32> to vector<16x1xi32>
      %gather3A_2471 = vector.shape_cast %broadcast_in_dim3A_2470 : vector<16x1xi32> to vector<16xi32>
      %gather3A_2472 = tpu.dynamic_gather %add3A_2462[%gather3A_2471] in [0] : vector<16xi32>, vector<16xi32> -> vector<16xi32>
      %add3A_2473 = arith.addi %add3A_2436, %gather3A_2472 : vector<16xi32>
      %get3A_2474 = arith.constant 200 : index
      %get3A_2475 = tpu.vector_load %arg5[%get3A_2474] {strides = array<i32>} : memref<808xf32, #tpu.memory_space<vmem>>, vector<16xf32>,
      %get3A_2476 = vector.shape_cast %get3A_2475 : vector<16xf32> to vector<16xf32>
      %ne3A_2477 = arith.cmpf one, %get3A_2476, %broadcast_in_dim3A_5 : vector<16xf32>
      %select_n3A_2478 = arith.select %ne3A_2477, %broadcast_in_dim3A_7, %broadcast_in_dim3A_3 : vector<16xi1>, vector<16xi32>
      %broadcast_in_dim3A_2479 = vector.shape_cast %max3A : vector<16xi32> to vector<16x1xi32>
      %gather3A_2480 = vector.shape_cast %broadcast_in_dim3A_2479 : vector<16x1xi32> to vector<16xi32>
      %gather3A_2481 = tpu.dynamic_gather %select_n3A_2478[%gather3A_2480] in [0] : vector<16xi32>, vector<16xi32> -> vector<16xi32>
      %select_n3A_2482 = arith.select %ge3A, %gather3A_2481, %broadcast_in_dim3A_3 : vector<16xi1>, vector<16xi32>
      %add3A_2483 = arith.addi %select_n3A_2478, %select_n3A_2482 : vector<16xi32>
      %broadcast_in_dim3A_2484 = vector.shape_cast %max3A_15 : vector<16xi32> to vector<16x1xi32>
      %gather3A_2485 = vector.shape_cast %broadcast_in_dim3A_2484 : vector<16x1xi32> to vector<16xi32>
      %gather3A_2486 = tpu.dynamic_gather %add3A_2483[%gather3A_2485] in [0] : vector<16xi32>, vector<16xi32> -> vector<16xi32>
      %select_n3A_2487 = arith.select %ge3A_28, %gather3A_2486, %broadcast_in_dim3A_3 : vector<16xi1>, vector<16xi32>
      %add3A_2488 = arith.addi %add3A_2483, %select_n3A_2487 : vector<16xi32>
      %broadcast_in_dim3A_2489 = vector.shape_cast %max3A_19 : vector<16xi32> to vector<16x1xi32>
      %gather3A_2490 = vector.shape_cast %broadcast_in_dim3A_2489 : vector<16x1xi32> to vector<16xi32>
      %gather3A_2491 = tpu.dynamic_gather %add3A_2488[%gather3A_2490] in [0] : vector<16xi32>, vector<16xi32> -> vector<16xi32>
      %select_n3A_2492 = arith.select %ge3A_31, %gather3A_2491, %broadcast_in_dim3A_3 : vector<16xi1>, vector<16xi32>
      %add3A_2493 = arith.addi %add3A_2488, %select_n3A_2492 : vector<16xi32>
      %broadcast_in_dim3A_2494 = vector.shape_cast %max3A_23 : vector<16xi32> to vector<16x1xi32>
      %gather3A_2495 = vector.shape_cast %broadcast_in_dim3A_2494 : vector<16x1xi32> to vector<16xi32>
      %gather3A_2496 = tpu.dynamic_gather %add3A_2493[%gather3A_2495] in [0] : vector<16xi32>, vector<16xi32> -> vector<16xi32>
      %select_n3A_2497 = arith.select %ge3A_34, %gather3A_2496, %broadcast_in_dim3A_3 : vector<16xi1>, vector<16xi32>
      %add3A_2498 = arith.addi %add3A_2493, %select_n3A_2497 : vector<16xi32>
      %add3A_2499 = arith.addi %add3A_2498, %broadcast_in_dim3A_3 : vector<16xi32>
      %mul3A_2500 = arith.muli %add3A_2499, %select_n3A_2478 : vector<16xi32>
      %convert_element_type3A_2501 = arith.sitofp %mul3A_2500 : vector<16xi32> to vector<16xf32>
      %swap3A_2502 = arith.constant 200 : index
      %swap3A_2503 = tpu.vector_load %arg7[%swap3A_2502] {strides = array<i32>} : memref<808xf32, #tpu.memory_space<vmem>>, vector<16xf32>,
      %swap3A_2504 = vector.shape_cast %swap3A_2503 : vector<16xf32> to vector<16xf32>
      %swap3A_2505 = vector.shape_cast %convert_element_type3A_2501 : vector<16xf32> to vector<16xf32>
      tpu.vector_store %arg7[%swap3A_2502], %swap3A_2505 {strides = array<i32>} : memref<808xf32, #tpu.memory_space<vmem>>, vector<16xf32>,
      %broadcast_in_dim3A_2506 = vector.shape_cast %broadcast_in_dim3A_36 : vector<16xi32> to vector<16x1xi32>
      %gather3A_2507 = vector.shape_cast %broadcast_in_dim3A_2506 : vector<16x1xi32> to vector<16xi32>
      %gather3A_2508 = tpu.dynamic_gather %add3A_2498[%gather3A_2507] in [0] : vector<16xi32>, vector<16xi32> -> vector<16xi32>
      %add3A_2509 = arith.addi %broadcast_in_dim3A_3, %gather3A_2508 : vector<16xi32>
      %get3A_2510 = arith.constant 216 : index
      %get3A_2511 = tpu.vector_load %arg5[%get3A_2510] {strides = array<i32>} : memref<808xf32, #tpu.memory_space<vmem>>, vector<16xf32>,
      %get3A_2512 = vector.shape_cast %get3A_2511 : vector<16xf32> to vector<16xf32>
      %ne3A_2513 = arith.cmpf one, %get3A_2512, %broadcast_in_dim3A_5 : vector<16xf32>
      %select_n3A_2514 = arith.select %ne3A_2513, %broadcast_in_dim3A_7, %broadcast_in_dim3A_3 : vector<16xi1>, vector<16xi32>
      %broadcast_in_dim3A_2515 = vector.shape_cast %max3A : vector<16xi32> to vector<16x1xi32>
      %gather3A_2516 = vector.shape_cast %broadcast_in_dim3A_2515 : vector<16x1xi32> to vector<16xi32>
      %gather3A_2517 = tpu.dynamic_gather %select_n3A_2514[%gather3A_2516] in [0] : vector<16xi32>, vector<16xi32> -> vector<16xi32>
      %select_n3A_2518 = arith.select %ge3A, %gather3A_2517, %broadcast_in_dim3A_3 : vector<16xi1>, vector<16xi32>
      %add3A_2519 = arith.addi %select_n3A_2514, %select_n3A_2518 : vector<16xi32>
      %broadcast_in_dim3A_2520 = vector.shape_cast %max3A_15 : vector<16xi32> to vector<16x1xi32>
      %gather3A_2521 = vector.shape_cast %broadcast_in_dim3A_2520 : vector<16x1xi32> to vector<16xi32>
      %gather3A_2522 = tpu.dynamic_gather %add3A_2519[%gather3A_2521] in [0] : vector<16xi32>, vector<16xi32> -> vector<16xi32>
      %select_n3A_2523 = arith.select %ge3A_28, %gather3A_2522, %broadcast_in_dim3A_3 : vector<16xi1>, vector<16xi32>
      %add3A_2524 = arith.addi %add3A_2519, %select_n3A_2523 : vector<16xi32>
      %broadcast_in_dim3A_2525 = vector.shape_cast %max3A_19 : vector<16xi32> to vector<16x1xi32>
      %gather3A_2526 = vector.shape_cast %broadcast_in_dim3A_2525 : vector<16x1xi32> to vector<16xi32>
      %gather3A_2527 = tpu.dynamic_gather %add3A_2524[%gather3A_2526] in [0] : vector<16xi32>, vector<16xi32> -> vector<16xi32>
      %select_n3A_2528 = arith.select %ge3A_31, %gather3A_2527, %broadcast_in_dim3A_3 : vector<16xi1>, vector<16xi32>
      %add3A_2529 = arith.addi %add3A_2524, %select_n3A_2528 : vector<16xi32>
      %broadcast_in_dim3A_2530 = vector.shape_cast %max3A_23 : vector<16xi32> to vector<16x1xi32>
      %gather3A_2531 = vector.shape_cast %broadcast_in_dim3A_2530 : vector<16x1xi32> to vector<16xi32>
      %gather3A_2532 = tpu.dynamic_gather %add3A_2529[%gather3A_2531] in [0] : vector<16xi32>, vector<16xi32> -> vector<16xi32>
      %select_n3A_2533 = arith.select %ge3A_34, %gather3A_2532, %broadcast_in_dim3A_3 : vector<16xi1>, vector<16xi32>
      %add3A_2534 = arith.addi %add3A_2529, %select_n3A_2533 : vector<16xi32>
      %add3A_2535 = arith.addi %add3A_2534, %add3A_2509 : vector<16xi32>
      %mul3A_2536 = arith.muli %add3A_2535, %select_n3A_2514 : vector<16xi32>
      %convert_element_type3A_2537 = arith.sitofp %mul3A_2536 : vector<16xi32> to vector<16xf32>
      %swap3A_2538 = arith.constant 216 : index
      %swap3A_2539 = tpu.vector_load %arg7[%swap3A_2538] {strides = array<i32>} : memref<808xf32, #tpu.memory_space<vmem>>, vector<16xf32>,
      %swap3A_2540 = vector.shape_cast %swap3A_2539 : vector<16xf32> to vector<16xf32>
      %swap3A_2541 = vector.shape_cast %convert_element_type3A_2537 : vector<16xf32> to vector<16xf32>
      tpu.vector_store %arg7[%swap3A_2538], %swap3A_2541 {strides = array<i32>} : memref<808xf32, #tpu.memory_space<vmem>>, vector<16xf32>,
      %broadcast_in_dim3A_2542 = vector.shape_cast %broadcast_in_dim3A_36 : vector<16xi32> to vector<16x1xi32>
      %gather3A_2543 = vector.shape_cast %broadcast_in_dim3A_2542 : vector<16x1xi32> to vector<16xi32>
      %gather3A_2544 = tpu.dynamic_gather %add3A_2534[%gather3A_2543] in [0] : vector<16xi32>, vector<16xi32> -> vector<16xi32>
      %add3A_2545 = arith.addi %add3A_2509, %gather3A_2544 : vector<16xi32>
      %get3A_2546 = arith.constant 232 : index
      %get3A_2547 = tpu.vector_load %arg5[%get3A_2546] {strides = array<i32>} : memref<808xf32, #tpu.memory_space<vmem>>, vector<16xf32>,
      %get3A_2548 = vector.shape_cast %get3A_2547 : vector<16xf32> to vector<16xf32>
      %ne3A_2549 = arith.cmpf one, %get3A_2548, %broadcast_in_dim3A_5 : vector<16xf32>
      %select_n3A_2550 = arith.select %ne3A_2549, %broadcast_in_dim3A_7, %broadcast_in_dim3A_3 : vector<16xi1>, vector<16xi32>
      %broadcast_in_dim3A_2551 = vector.shape_cast %max3A : vector<16xi32> to vector<16x1xi32>
      %gather3A_2552 = vector.shape_cast %broadcast_in_dim3A_2551 : vector<16x1xi32> to vector<16xi32>
      %gather3A_2553 = tpu.dynamic_gather %select_n3A_2550[%gather3A_2552] in [0] : vector<16xi32>, vector<16xi32> -> vector<16xi32>
      %select_n3A_2554 = arith.select %ge3A, %gather3A_2553, %broadcast_in_dim3A_3 : vector<16xi1>, vector<16xi32>
      %add3A_2555 = arith.addi %select_n3A_2550, %select_n3A_2554 : vector<16xi32>
      %broadcast_in_dim3A_2556 = vector.shape_cast %max3A_15 : vector<16xi32> to vector<16x1xi32>
      %gather3A_2557 = vector.shape_cast %broadcast_in_dim3A_2556 : vector<16x1xi32> to vector<16xi32>
      %gather3A_2558 = tpu.dynamic_gather %add3A_2555[%gather3A_2557] in [0] : vector<16xi32>, vector<16xi32> -> vector<16xi32>
      %select_n3A_2559 = arith.select %ge3A_28, %gather3A_2558, %broadcast_in_dim3A_3 : vector<16xi1>, vector<16xi32>
      %add3A_2560 = arith.addi %add3A_2555, %select_n3A_2559 : vector<16xi32>
      %broadcast_in_dim3A_2561 = vector.shape_cast %max3A_19 : vector<16xi32> to vector<16x1xi32>
      %gather3A_2562 = vector.shape_cast %broadcast_in_dim3A_2561 : vector<16x1xi32> to vector<16xi32>
      %gather3A_2563 = tpu.dynamic_gather %add3A_2560[%gather3A_2562] in [0] : vector<16xi32>, vector<16xi32> -> vector<16xi32>
      %select_n3A_2564 = arith.select %ge3A_31, %gather3A_2563, %broadcast_in_dim3A_3 : vector<16xi1>, vector<16xi32>
      %add3A_2565 = arith.addi %add3A_2560, %select_n3A_2564 : vector<16xi32>
      %broadcast_in_dim3A_2566 = vector.shape_cast %max3A_23 : vector<16xi32> to vector<16x1xi32>
      %gather3A_2567 = vector.shape_cast %broadcast_in_dim3A_2566 : vector<16x1xi32> to vector<16xi32>
      %gather3A_2568 = tpu.dynamic_gather %add3A_2565[%gather3A_2567] in [0] : vector<16xi32>, vector<16xi32> -> vector<16xi32>
      %select_n3A_2569 = arith.select %ge3A_34, %gather3A_2568, %broadcast_in_dim3A_3 : vector<16xi1>, vector<16xi32>
      %add3A_2570 = arith.addi %add3A_2565, %select_n3A_2569 : vector<16xi32>
      %add3A_2571 = arith.addi %add3A_2570, %add3A_2545 : vector<16xi32>
      %mul3A_2572 = arith.muli %add3A_2571, %select_n3A_2550 : vector<16xi32>
      %convert_element_type3A_2573 = arith.sitofp %mul3A_2572 : vector<16xi32> to vector<16xf32>
      %swap3A_2574 = arith.constant 232 : index
      %swap3A_2575 = tpu.vector_load %arg7[%swap3A_2574] {strides = array<i32>} : memref<808xf32, #tpu.memory_space<vmem>>, vector<16xf32>,
      %swap3A_2576 = vector.shape_cast %swap3A_2575 : vector<16xf32> to vector<16xf32>
      %swap3A_2577 = vector.shape_cast %convert_element_type3A_2573 : vector<16xf32> to vector<16xf32>
      tpu.vector_store %arg7[%swap3A_2574], %swap3A_2577 {strides = array<i32>} : memref<808xf32, #tpu.memory_space<vmem>>, vector<16xf32>,
      %broadcast_in_dim3A_2578 = vector.shape_cast %broadcast_in_dim3A_36 : vector<16xi32> to vector<16x1xi32>
      %gather3A_2579 = vector.shape_cast %broadcast_in_dim3A_2578 : vector<16x1xi32> to vector<16xi32>
      %gather3A_2580 = tpu.dynamic_gather %add3A_2570[%gather3A_2579] in [0] : vector<16xi32>, vector<16xi32> -> vector<16xi32>
      %add3A_2581 = arith.addi %add3A_2545, %gather3A_2580 : vector<16xi32>
      %get3A_2582 = arith.constant 248 : index
      %get3A_2583 = tpu.vector_load %arg5[%get3A_2582] {strides = array<i32>} : memref<808xf32, #tpu.memory_space<vmem>>, vector<16xf32>,
      %get3A_2584 = vector.shape_cast %get3A_2583 : vector<16xf32> to vector<16xf32>
      %ne3A_2585 = arith.cmpf one, %get3A_2584, %broadcast_in_dim3A_5 : vector<16xf32>
      %select_n3A_2586 = arith.select %ne3A_2585, %broadcast_in_dim3A_7, %broadcast_in_dim3A_3 : vector<16xi1>, vector<16xi32>
      %broadcast_in_dim3A_2587 = vector.shape_cast %max3A : vector<16xi32> to vector<16x1xi32>
      %gather3A_2588 = vector.shape_cast %broadcast_in_dim3A_2587 : vector<16x1xi32> to vector<16xi32>
      %gather3A_2589 = tpu.dynamic_gather %select_n3A_2586[%gather3A_2588] in [0] : vector<16xi32>, vector<16xi32> -> vector<16xi32>
      %select_n3A_2590 = arith.select %ge3A, %gather3A_2589, %broadcast_in_dim3A_3 : vector<16xi1>, vector<16xi32>
      %add3A_2591 = arith.addi %select_n3A_2586, %select_n3A_2590 : vector<16xi32>
      %broadcast_in_dim3A_2592 = vector.shape_cast %max3A_15 : vector<16xi32> to vector<16x1xi32>
      %gather3A_2593 = vector.shape_cast %broadcast_in_dim3A_2592 : vector<16x1xi32> to vector<16xi32>
      %gather3A_2594 = tpu.dynamic_gather %add3A_2591[%gather3A_2593] in [0] : vector<16xi32>, vector<16xi32> -> vector<16xi32>
      %select_n3A_2595 = arith.select %ge3A_28, %gather3A_2594, %broadcast_in_dim3A_3 : vector<16xi1>, vector<16xi32>
      %add3A_2596 = arith.addi %add3A_2591, %select_n3A_2595 : vector<16xi32>
      %broadcast_in_dim3A_2597 = vector.shape_cast %max3A_19 : vector<16xi32> to vector<16x1xi32>
      %gather3A_2598 = vector.shape_cast %broadcast_in_dim3A_2597 : vector<16x1xi32> to vector<16xi32>
      %gather3A_2599 = tpu.dynamic_gather %add3A_2596[%gather3A_2598] in [0] : vector<16xi32>, vector<16xi32> -> vector<16xi32>
      %select_n3A_2600 = arith.select %ge3A_31, %gather3A_2599, %broadcast_in_dim3A_3 : vector<16xi1>, vector<16xi32>
      %add3A_2601 = arith.addi %add3A_2596, %select_n3A_2600 : vector<16xi32>
      %broadcast_in_dim3A_2602 = vector.shape_cast %max3A_23 : vector<16xi32> to vector<16x1xi32>
      %gather3A_2603 = vector.shape_cast %broadcast_in_dim3A_2602 : vector<16x1xi32> to vector<16xi32>
      %gather3A_2604 = tpu.dynamic_gather %add3A_2601[%gather3A_2603] in [0] : vector<16xi32>, vector<16xi32> -> vector<16xi32>
      %select_n3A_2605 = arith.select %ge3A_34, %gather3A_2604, %broadcast_in_dim3A_3 : vector<16xi1>, vector<16xi32>
      %add3A_2606 = arith.addi %add3A_2601, %select_n3A_2605 : vector<16xi32>
      %add3A_2607 = arith.addi %add3A_2606, %add3A_2581 : vector<16xi32>
      %mul3A_2608 = arith.muli %add3A_2607, %select_n3A_2586 : vector<16xi32>
      %convert_element_type3A_2609 = arith.sitofp %mul3A_2608 : vector<16xi32> to vector<16xf32>
      %swap3A_2610 = arith.constant 248 : index
      %swap3A_2611 = tpu.vector_load %arg7[%swap3A_2610] {strides = array<i32>} : memref<808xf32, #tpu.memory_space<vmem>>, vector<16xf32>,
      %swap3A_2612 = vector.shape_cast %swap3A_2611 : vector<16xf32> to vector<16xf32>
      %swap3A_2613 = vector.shape_cast %convert_element_type3A_2609 : vector<16xf32> to vector<16xf32>
      tpu.vector_store %arg7[%swap3A_2610], %swap3A_2613 {strides = array<i32>} : memref<808xf32, #tpu.memory_space<vmem>>, vector<16xf32>,
      %broadcast_in_dim3A_2614 = vector.shape_cast %broadcast_in_dim3A_36 : vector<16xi32> to vector<16x1xi32>
      %gather3A_2615 = vector.shape_cast %broadcast_in_dim3A_2614 : vector<16x1xi32> to vector<16xi32>
      %gather3A_2616 = tpu.dynamic_gather %add3A_2606[%gather3A_2615] in [0] : vector<16xi32>, vector<16xi32> -> vector<16xi32>
      %add3A_2617 = arith.addi %add3A_2581, %gather3A_2616 : vector<16xi32>
      %get3A_2618 = arith.constant 264 : index
      %get3A_2619 = tpu.vector_load %arg5[%get3A_2618] {strides = array<i32>} : memref<808xf32, #tpu.memory_space<vmem>>, vector<16xf32>,
      %get3A_2620 = vector.shape_cast %get3A_2619 : vector<16xf32> to vector<16xf32>
      %ne3A_2621 = arith.cmpf one, %get3A_2620, %broadcast_in_dim3A_5 : vector<16xf32>
      %select_n3A_2622 = arith.select %ne3A_2621, %broadcast_in_dim3A_7, %broadcast_in_dim3A_3 : vector<16xi1>, vector<16xi32>
      %broadcast_in_dim3A_2623 = vector.shape_cast %max3A : vector<16xi32> to vector<16x1xi32>
      %gather3A_2624 = vector.shape_cast %broadcast_in_dim3A_2623 : vector<16x1xi32> to vector<16xi32>
      %gather3A_2625 = tpu.dynamic_gather %select_n3A_2622[%gather3A_2624] in [0] : vector<16xi32>, vector<16xi32> -> vector<16xi32>
      %select_n3A_2626 = arith.select %ge3A, %gather3A_2625, %broadcast_in_dim3A_3 : vector<16xi1>, vector<16xi32>
      %add3A_2627 = arith.addi %select_n3A_2622, %select_n3A_2626 : vector<16xi32>
      %broadcast_in_dim3A_2628 = vector.shape_cast %max3A_15 : vector<16xi32> to vector<16x1xi32>
      %gather3A_2629 = vector.shape_cast %broadcast_in_dim3A_2628 : vector<16x1xi32> to vector<16xi32>
      %gather3A_2630 = tpu.dynamic_gather %add3A_2627[%gather3A_2629] in [0] : vector<16xi32>, vector<16xi32> -> vector<16xi32>
      %select_n3A_2631 = arith.select %ge3A_28, %gather3A_2630, %broadcast_in_dim3A_3 : vector<16xi1>, vector<16xi32>
      %add3A_2632 = arith.addi %add3A_2627, %select_n3A_2631 : vector<16xi32>
      %broadcast_in_dim3A_2633 = vector.shape_cast %max3A_19 : vector<16xi32> to vector<16x1xi32>
      %gather3A_2634 = vector.shape_cast %broadcast_in_dim3A_2633 : vector<16x1xi32> to vector<16xi32>
      %gather3A_2635 = tpu.dynamic_gather %add3A_2632[%gather3A_2634] in [0] : vector<16xi32>, vector<16xi32> -> vector<16xi32>
      %select_n3A_2636 = arith.select %ge3A_31, %gather3A_2635, %broadcast_in_dim3A_3 : vector<16xi1>, vector<16xi32>
      %add3A_2637 = arith.addi %add3A_2632, %select_n3A_2636 : vector<16xi32>
      %broadcast_in_dim3A_2638 = vector.shape_cast %max3A_23 : vector<16xi32> to vector<16x1xi32>
      %gather3A_2639 = vector.shape_cast %broadcast_in_dim3A_2638 : vector<16x1xi32> to vector<16xi32>
      %gather3A_2640 = tpu.dynamic_gather %add3A_2637[%gather3A_2639] in [0] : vector<16xi32>, vector<16xi32> -> vector<16xi32>
      %select_n3A_2641 = arith.select %ge3A_34, %gather3A_2640, %broadcast_in_dim3A_3 : vector<16xi1>, vector<16xi32>
      %add3A_2642 = arith.addi %add3A_2637, %select_n3A_2641 : vector<16xi32>
      %add3A_2643 = arith.addi %add3A_2642, %add3A_2617 : vector<16xi32>
      %mul3A_2644 = arith.muli %add3A_2643, %select_n3A_2622 : vector<16xi32>
      %convert_element_type3A_2645 = arith.sitofp %mul3A_2644 : vector<16xi32> to vector<16xf32>
      %swap3A_2646 = arith.constant 264 : index
      %swap3A_2647 = tpu.vector_load %arg7[%swap3A_2646] {strides = array<i32>} : memref<808xf32, #tpu.memory_space<vmem>>, vector<16xf32>,
      %swap3A_2648 = vector.shape_cast %swap3A_2647 : vector<16xf32> to vector<16xf32>
      %swap3A_2649 = vector.shape_cast %convert_element_type3A_2645 : vector<16xf32> to vector<16xf32>
      tpu.vector_store %arg7[%swap3A_2646], %swap3A_2649 {strides = array<i32>} : memref<808xf32, #tpu.memory_space<vmem>>, vector<16xf32>,
      %broadcast_in_dim3A_2650 = vector.shape_cast %broadcast_in_dim3A_36 : vector<16xi32> to vector<16x1xi32>
      %gather3A_2651 = vector.shape_cast %broadcast_in_dim3A_2650 : vector<16x1xi32> to vector<16xi32>
      %gather3A_2652 = tpu.dynamic_gather %add3A_2642[%gather3A_2651] in [0] : vector<16xi32>, vector<16xi32> -> vector<16xi32>
      %add3A_2653 = arith.addi %add3A_2617, %gather3A_2652 : vector<16xi32>
      %get3A_2654 = arith.constant 280 : index
      %get3A_2655 = tpu.vector_load %arg5[%get3A_2654] {strides = array<i32>} : memref<808xf32, #tpu.memory_space<vmem>>, vector<16xf32>,
      %get3A_2656 = vector.shape_cast %get3A_2655 : vector<16xf32> to vector<16xf32>
      %ne3A_2657 = arith.cmpf one, %get3A_2656, %broadcast_in_dim3A_5 : vector<16xf32>
      %select_n3A_2658 = arith.select %ne3A_2657, %broadcast_in_dim3A_7, %broadcast_in_dim3A_3 : vector<16xi1>, vector<16xi32>
      %broadcast_in_dim3A_2659 = vector.shape_cast %max3A : vector<16xi32> to vector<16x1xi32>
      %gather3A_2660 = vector.shape_cast %broadcast_in_dim3A_2659 : vector<16x1xi32> to vector<16xi32>
      %gather3A_2661 = tpu.dynamic_gather %select_n3A_2658[%gather3A_2660] in [0] : vector<16xi32>, vector<16xi32> -> vector<16xi32>
      %select_n3A_2662 = arith.select %ge3A, %gather3A_2661, %broadcast_in_dim3A_3 : vector<16xi1>, vector<16xi32>
      %add3A_2663 = arith.addi %select_n3A_2658, %select_n3A_2662 : vector<16xi32>
      %broadcast_in_dim3A_2664 = vector.shape_cast %max3A_15 : vector<16xi32> to vector<16x1xi32>
      %gather3A_2665 = vector.shape_cast %broadcast_in_dim3A_2664 : vector<16x1xi32> to vector<16xi32>
      %gather3A_2666 = tpu.dynamic_gather %add3A_2663[%gather3A_2665] in [0] : vector<16xi32>, vector<16xi32> -> vector<16xi32>
      %select_n3A_2667 = arith.select %ge3A_28, %gather3A_2666, %broadcast_in_dim3A_3 : vector<16xi1>, vector<16xi32>
      %add3A_2668 = arith.addi %add3A_2663, %select_n3A_2667 : vector<16xi32>
      %broadcast_in_dim3A_2669 = vector.shape_cast %max3A_19 : vector<16xi32> to vector<16x1xi32>
      %gather3A_2670 = vector.shape_cast %broadcast_in_dim3A_2669 : vector<16x1xi32> to vector<16xi32>
      %gather3A_2671 = tpu.dynamic_gather %add3A_2668[%gather3A_2670] in [0] : vector<16xi32>, vector<16xi32> -> vector<16xi32>
      %select_n3A_2672 = arith.select %ge3A_31, %gather3A_2671, %broadcast_in_dim3A_3 : vector<16xi1>, vector<16xi32>
      %add3A_2673 = arith.addi %add3A_2668, %select_n3A_2672 : vector<16xi32>
      %broadcast_in_dim3A_2674 = vector.shape_cast %max3A_23 : vector<16xi32> to vector<16x1xi32>
      %gather3A_2675 = vector.shape_cast %broadcast_in_dim3A_2674 : vector<16x1xi32> to vector<16xi32>
      %gather3A_2676 = tpu.dynamic_gather %add3A_2673[%gather3A_2675] in [0] : vector<16xi32>, vector<16xi32> -> vector<16xi32>
      %select_n3A_2677 = arith.select %ge3A_34, %gather3A_2676, %broadcast_in_dim3A_3 : vector<16xi1>, vector<16xi32>
      %add3A_2678 = arith.addi %add3A_2673, %select_n3A_2677 : vector<16xi32>
      %add3A_2679 = arith.addi %add3A_2678, %add3A_2653 : vector<16xi32>
      %mul3A_2680 = arith.muli %add3A_2679, %select_n3A_2658 : vector<16xi32>
      %convert_element_type3A_2681 = arith.sitofp %mul3A_2680 : vector<16xi32> to vector<16xf32>
      %swap3A_2682 = arith.constant 280 : index
      %swap3A_2683 = tpu.vector_load %arg7[%swap3A_2682] {strides = array<i32>} : memref<808xf32, #tpu.memory_space<vmem>>, vector<16xf32>,
      %swap3A_2684 = vector.shape_cast %swap3A_2683 : vector<16xf32> to vector<16xf32>
      %swap3A_2685 = vector.shape_cast %convert_element_type3A_2681 : vector<16xf32> to vector<16xf32>
      tpu.vector_store %arg7[%swap3A_2682], %swap3A_2685 {strides = array<i32>} : memref<808xf32, #tpu.memory_space<vmem>>, vector<16xf32>,
      %broadcast_in_dim3A_2686 = vector.shape_cast %broadcast_in_dim3A_36 : vector<16xi32> to vector<16x1xi32>
      %gather3A_2687 = vector.shape_cast %broadcast_in_dim3A_2686 : vector<16x1xi32> to vector<16xi32>
      %gather3A_2688 = tpu.dynamic_gather %add3A_2678[%gather3A_2687] in [0] : vector<16xi32>, vector<16xi32> -> vector<16xi32>
      %add3A_2689 = arith.addi %add3A_2653, %gather3A_2688 : vector<16xi32>
      %get3A_2690 = arith.constant 296 : index
      %get3A_2691 = tpu.vector_load %arg5[%get3A_2690] {strides = array<i32>} : memref<808xf32, #tpu.memory_space<vmem>>, vector<16xf32>,
      %get3A_2692 = vector.shape_cast %get3A_2691 : vector<16xf32> to vector<16xf32>
      %ne3A_2693 = arith.cmpf one, %get3A_2692, %broadcast_in_dim3A_5 : vector<16xf32>
      %select_n3A_2694 = arith.select %ne3A_2693, %broadcast_in_dim3A_7, %broadcast_in_dim3A_3 : vector<16xi1>, vector<16xi32>
      %broadcast_in_dim3A_2695 = vector.shape_cast %max3A : vector<16xi32> to vector<16x1xi32>
      %gather3A_2696 = vector.shape_cast %broadcast_in_dim3A_2695 : vector<16x1xi32> to vector<16xi32>
      %gather3A_2697 = tpu.dynamic_gather %select_n3A_2694[%gather3A_2696] in [0] : vector<16xi32>, vector<16xi32> -> vector<16xi32>
      %select_n3A_2698 = arith.select %ge3A, %gather3A_2697, %broadcast_in_dim3A_3 : vector<16xi1>, vector<16xi32>
      %add3A_2699 = arith.addi %select_n3A_2694, %select_n3A_2698 : vector<16xi32>
      %broadcast_in_dim3A_2700 = vector.shape_cast %max3A_15 : vector<16xi32> to vector<16x1xi32>
      %gather3A_2701 = vector.shape_cast %broadcast_in_dim3A_2700 : vector<16x1xi32> to vector<16xi32>
      %gather3A_2702 = tpu.dynamic_gather %add3A_2699[%gather3A_2701] in [0] : vector<16xi32>, vector<16xi32> -> vector<16xi32>
      %select_n3A_2703 = arith.select %ge3A_28, %gather3A_2702, %broadcast_in_dim3A_3 : vector<16xi1>, vector<16xi32>
      %add3A_2704 = arith.addi %add3A_2699, %select_n3A_2703 : vector<16xi32>
      %broadcast_in_dim3A_2705 = vector.shape_cast %max3A_19 : vector<16xi32> to vector<16x1xi32>
      %gather3A_2706 = vector.shape_cast %broadcast_in_dim3A_2705 : vector<16x1xi32> to vector<16xi32>
      %gather3A_2707 = tpu.dynamic_gather %add3A_2704[%gather3A_2706] in [0] : vector<16xi32>, vector<16xi32> -> vector<16xi32>
      %select_n3A_2708 = arith.select %ge3A_31, %gather3A_2707, %broadcast_in_dim3A_3 : vector<16xi1>, vector<16xi32>
      %add3A_2709 = arith.addi %add3A_2704, %select_n3A_2708 : vector<16xi32>
      %broadcast_in_dim3A_2710 = vector.shape_cast %max3A_23 : vector<16xi32> to vector<16x1xi32>
      %gather3A_2711 = vector.shape_cast %broadcast_in_dim3A_2710 : vector<16x1xi32> to vector<16xi32>
      %gather3A_2712 = tpu.dynamic_gather %add3A_2709[%gather3A_2711] in [0] : vector<16xi32>, vector<16xi32> -> vector<16xi32>
      %select_n3A_2713 = arith.select %ge3A_34, %gather3A_2712, %broadcast_in_dim3A_3 : vector<16xi1>, vector<16xi32>
      %add3A_2714 = arith.addi %add3A_2709, %select_n3A_2713 : vector<16xi32>
      %add3A_2715 = arith.addi %add3A_2714, %add3A_2689 : vector<16xi32>
      %mul3A_2716 = arith.muli %add3A_2715, %select_n3A_2694 : vector<16xi32>
      %convert_element_type3A_2717 = arith.sitofp %mul3A_2716 : vector<16xi32> to vector<16xf32>
      %swap3A_2718 = arith.constant 296 : index
      %swap3A_2719 = tpu.vector_load %arg7[%swap3A_2718] {strides = array<i32>} : memref<808xf32, #tpu.memory_space<vmem>>, vector<16xf32>,
      %swap3A_2720 = vector.shape_cast %swap3A_2719 : vector<16xf32> to vector<16xf32>
      %swap3A_2721 = vector.shape_cast %convert_element_type3A_2717 : vector<16xf32> to vector<16xf32>
      tpu.vector_store %arg7[%swap3A_2718], %swap3A_2721 {strides = array<i32>} : memref<808xf32, #tpu.memory_space<vmem>>, vector<16xf32>,
      %broadcast_in_dim3A_2722 = vector.shape_cast %broadcast_in_dim3A_36 : vector<16xi32> to vector<16x1xi32>
      %gather3A_2723 = vector.shape_cast %broadcast_in_dim3A_2722 : vector<16x1xi32> to vector<16xi32>
      %gather3A_2724 = tpu.dynamic_gather %add3A_2714[%gather3A_2723] in [0] : vector<16xi32>, vector<16xi32> -> vector<16xi32>
      %add3A_2725 = arith.addi %add3A_2689, %gather3A_2724 : vector<16xi32>
      %get3A_2726 = arith.constant 312 : index
      %get3A_2727 = tpu.vector_load %arg5[%get3A_2726] {strides = array<i32>} : memref<808xf32, #tpu.memory_space<vmem>>, vector<16xf32>,
      %get3A_2728 = vector.shape_cast %get3A_2727 : vector<16xf32> to vector<16xf32>
      %ne3A_2729 = arith.cmpf one, %get3A_2728, %broadcast_in_dim3A_5 : vector<16xf32>
      %select_n3A_2730 = arith.select %ne3A_2729, %broadcast_in_dim3A_7, %broadcast_in_dim3A_3 : vector<16xi1>, vector<16xi32>
      %broadcast_in_dim3A_2731 = vector.shape_cast %max3A : vector<16xi32> to vector<16x1xi32>
      %gather3A_2732 = vector.shape_cast %broadcast_in_dim3A_2731 : vector<16x1xi32> to vector<16xi32>
      %gather3A_2733 = tpu.dynamic_gather %select_n3A_2730[%gather3A_2732] in [0] : vector<16xi32>, vector<16xi32> -> vector<16xi32>
      %select_n3A_2734 = arith.select %ge3A, %gather3A_2733, %broadcast_in_dim3A_3 : vector<16xi1>, vector<16xi32>
      %add3A_2735 = arith.addi %select_n3A_2730, %select_n3A_2734 : vector<16xi32>
      %broadcast_in_dim3A_2736 = vector.shape_cast %max3A_15 : vector<16xi32> to vector<16x1xi32>
      %gather3A_2737 = vector.shape_cast %broadcast_in_dim3A_2736 : vector<16x1xi32> to vector<16xi32>
      %gather3A_2738 = tpu.dynamic_gather %add3A_2735[%gather3A_2737] in [0] : vector<16xi32>, vector<16xi32> -> vector<16xi32>
      %select_n3A_2739 = arith.select %ge3A_28, %gather3A_2738, %broadcast_in_dim3A_3 : vector<16xi1>, vector<16xi32>
      %add3A_2740 = arith.addi %add3A_2735, %select_n3A_2739 : vector<16xi32>
      %broadcast_in_dim3A_2741 = vector.shape_cast %max3A_19 : vector<16xi32> to vector<16x1xi32>
      %gather3A_2742 = vector.shape_cast %broadcast_in_dim3A_2741 : vector<16x1xi32> to vector<16xi32>
      %gather3A_2743 = tpu.dynamic_gather %add3A_2740[%gather3A_2742] in [0] : vector<16xi32>, vector<16xi32> -> vector<16xi32>
      %select_n3A_2744 = arith.select %ge3A_31, %gather3A_2743, %broadcast_in_dim3A_3 : vector<16xi1>, vector<16xi32>
      %add3A_2745 = arith.addi %add3A_2740, %select_n3A_2744 : vector<16xi32>
      %broadcast_in_dim3A_2746 = vector.shape_cast %max3A_23 : vector<16xi32> to vector<16x1xi32>
      %gather3A_2747 = vector.shape_cast %broadcast_in_dim3A_2746 : vector<16x1xi32> to vector<16xi32>
      %gather3A_2748 = tpu.dynamic_gather %add3A_2745[%gather3A_2747] in [0] : vector<16xi32>, vector<16xi32> -> vector<16xi32>
      %select_n3A_2749 = arith.select %ge3A_34, %gather3A_2748, %broadcast_in_dim3A_3 : vector<16xi1>, vector<16xi32>
      %add3A_2750 = arith.addi %add3A_2745, %select_n3A_2749 : vector<16xi32>
      %add3A_2751 = arith.addi %add3A_2750, %add3A_2725 : vector<16xi32>
      %mul3A_2752 = arith.muli %add3A_2751, %select_n3A_2730 : vector<16xi32>
      %convert_element_type3A_2753 = arith.sitofp %mul3A_2752 : vector<16xi32> to vector<16xf32>
      %swap3A_2754 = arith.constant 312 : index
      %swap3A_2755 = tpu.vector_load %arg7[%swap3A_2754] {strides = array<i32>} : memref<808xf32, #tpu.memory_space<vmem>>, vector<16xf32>,
      %swap3A_2756 = vector.shape_cast %swap3A_2755 : vector<16xf32> to vector<16xf32>
      %swap3A_2757 = vector.shape_cast %convert_element_type3A_2753 : vector<16xf32> to vector<16xf32>
      tpu.vector_store %arg7[%swap3A_2754], %swap3A_2757 {strides = array<i32>} : memref<808xf32, #tpu.memory_space<vmem>>, vector<16xf32>,
      %broadcast_in_dim3A_2758 = vector.shape_cast %broadcast_in_dim3A_36 : vector<16xi32> to vector<16x1xi32>
      %gather3A_2759 = vector.shape_cast %broadcast_in_dim3A_2758 : vector<16x1xi32> to vector<16xi32>
      %gather3A_2760 = tpu.dynamic_gather %add3A_2750[%gather3A_2759] in [0] : vector<16xi32>, vector<16xi32> -> vector<16xi32>
      %add3A_2761 = arith.addi %add3A_2725, %gather3A_2760 : vector<16xi32>
      %get3A_2762 = arith.constant 328 : index
      %get3A_2763 = tpu.vector_load %arg5[%get3A_2762] {strides = array<i32>} : memref<808xf32, #tpu.memory_space<vmem>>, vector<16xf32>,
      %get3A_2764 = vector.shape_cast %get3A_2763 : vector<16xf32> to vector<16xf32>
      %ne3A_2765 = arith.cmpf one, %get3A_2764, %broadcast_in_dim3A_5 : vector<16xf32>
      %select_n3A_2766 = arith.select %ne3A_2765, %broadcast_in_dim3A_7, %broadcast_in_dim3A_3 : vector<16xi1>, vector<16xi32>
      %broadcast_in_dim3A_2767 = vector.shape_cast %max3A : vector<16xi32> to vector<16x1xi32>
      %gather3A_2768 = vector.shape_cast %broadcast_in_dim3A_2767 : vector<16x1xi32> to vector<16xi32>
      %gather3A_2769 = tpu.dynamic_gather %select_n3A_2766[%gather3A_2768] in [0] : vector<16xi32>, vector<16xi32> -> vector<16xi32>
      %select_n3A_2770 = arith.select %ge3A, %gather3A_2769, %broadcast_in_dim3A_3 : vector<16xi1>, vector<16xi32>
      %add3A_2771 = arith.addi %select_n3A_2766, %select_n3A_2770 : vector<16xi32>
      %broadcast_in_dim3A_2772 = vector.shape_cast %max3A_15 : vector<16xi32> to vector<16x1xi32>
      %gather3A_2773 = vector.shape_cast %broadcast_in_dim3A_2772 : vector<16x1xi32> to vector<16xi32>
      %gather3A_2774 = tpu.dynamic_gather %add3A_2771[%gather3A_2773] in [0] : vector<16xi32>, vector<16xi32> -> vector<16xi32>
      %select_n3A_2775 = arith.select %ge3A_28, %gather3A_2774, %broadcast_in_dim3A_3 : vector<16xi1>, vector<16xi32>
      %add3A_2776 = arith.addi %add3A_2771, %select_n3A_2775 : vector<16xi32>
      %broadcast_in_dim3A_2777 = vector.shape_cast %max3A_19 : vector<16xi32> to vector<16x1xi32>
      %gather3A_2778 = vector.shape_cast %broadcast_in_dim3A_2777 : vector<16x1xi32> to vector<16xi32>
      %gather3A_2779 = tpu.dynamic_gather %add3A_2776[%gather3A_2778] in [0] : vector<16xi32>, vector<16xi32> -> vector<16xi32>
      %select_n3A_2780 = arith.select %ge3A_31, %gather3A_2779, %broadcast_in_dim3A_3 : vector<16xi1>, vector<16xi32>
      %add3A_2781 = arith.addi %add3A_2776, %select_n3A_2780 : vector<16xi32>
      %broadcast_in_dim3A_2782 = vector.shape_cast %max3A_23 : vector<16xi32> to vector<16x1xi32>
      %gather3A_2783 = vector.shape_cast %broadcast_in_dim3A_2782 : vector<16x1xi32> to vector<16xi32>
      %gather3A_2784 = tpu.dynamic_gather %add3A_2781[%gather3A_2783] in [0] : vector<16xi32>, vector<16xi32> -> vector<16xi32>
      %select_n3A_2785 = arith.select %ge3A_34, %gather3A_2784, %broadcast_in_dim3A_3 : vector<16xi1>, vector<16xi32>
      %add3A_2786 = arith.addi %add3A_2781, %select_n3A_2785 : vector<16xi32>
      %add3A_2787 = arith.addi %add3A_2786, %add3A_2761 : vector<16xi32>
      %mul3A_2788 = arith.muli %add3A_2787, %select_n3A_2766 : vector<16xi32>
      %convert_element_type3A_2789 = arith.sitofp %mul3A_2788 : vector<16xi32> to vector<16xf32>
      %swap3A_2790 = arith.constant 328 : index
      %swap3A_2791 = tpu.vector_load %arg7[%swap3A_2790] {strides = array<i32>} : memref<808xf32, #tpu.memory_space<vmem>>, vector<16xf32>,
      %swap3A_2792 = vector.shape_cast %swap3A_2791 : vector<16xf32> to vector<16xf32>
      %swap3A_2793 = vector.shape_cast %convert_element_type3A_2789 : vector<16xf32> to vector<16xf32>
      tpu.vector_store %arg7[%swap3A_2790], %swap3A_2793 {strides = array<i32>} : memref<808xf32, #tpu.memory_space<vmem>>, vector<16xf32>,
      %broadcast_in_dim3A_2794 = vector.shape_cast %broadcast_in_dim3A_36 : vector<16xi32> to vector<16x1xi32>
      %gather3A_2795 = vector.shape_cast %broadcast_in_dim3A_2794 : vector<16x1xi32> to vector<16xi32>
      %gather3A_2796 = tpu.dynamic_gather %add3A_2786[%gather3A_2795] in [0] : vector<16xi32>, vector<16xi32> -> vector<16xi32>
      %add3A_2797 = arith.addi %add3A_2761, %gather3A_2796 : vector<16xi32>
      %get3A_2798 = arith.constant 344 : index
      %get3A_2799 = tpu.vector_load %arg5[%get3A_2798] {strides = array<i32>} : memref<808xf32, #tpu.memory_space<vmem>>, vector<16xf32>,
      %get3A_2800 = vector.shape_cast %get3A_2799 : vector<16xf32> to vector<16xf32>
      %ne3A_2801 = arith.cmpf one, %get3A_2800, %broadcast_in_dim3A_5 : vector<16xf32>
      %select_n3A_2802 = arith.select %ne3A_2801, %broadcast_in_dim3A_7, %broadcast_in_dim3A_3 : vector<16xi1>, vector<16xi32>
      %broadcast_in_dim3A_2803 = vector.shape_cast %max3A : vector<16xi32> to vector<16x1xi32>
      %gather3A_2804 = vector.shape_cast %broadcast_in_dim3A_2803 : vector<16x1xi32> to vector<16xi32>
      %gather3A_2805 = tpu.dynamic_gather %select_n3A_2802[%gather3A_2804] in [0] : vector<16xi32>, vector<16xi32> -> vector<16xi32>
      %select_n3A_2806 = arith.select %ge3A, %gather3A_2805, %broadcast_in_dim3A_3 : vector<16xi1>, vector<16xi32>
      %add3A_2807 = arith.addi %select_n3A_2802, %select_n3A_2806 : vector<16xi32>
      %broadcast_in_dim3A_2808 = vector.shape_cast %max3A_15 : vector<16xi32> to vector<16x1xi32>
      %gather3A_2809 = vector.shape_cast %broadcast_in_dim3A_2808 : vector<16x1xi32> to vector<16xi32>
      %gather3A_2810 = tpu.dynamic_gather %add3A_2807[%gather3A_2809] in [0] : vector<16xi32>, vector<16xi32> -> vector<16xi32>
      %select_n3A_2811 = arith.select %ge3A_28, %gather3A_2810, %broadcast_in_dim3A_3 : vector<16xi1>, vector<16xi32>
      %add3A_2812 = arith.addi %add3A_2807, %select_n3A_2811 : vector<16xi32>
      %broadcast_in_dim3A_2813 = vector.shape_cast %max3A_19 : vector<16xi32> to vector<16x1xi32>
      %gather3A_2814 = vector.shape_cast %broadcast_in_dim3A_2813 : vector<16x1xi32> to vector<16xi32>
      %gather3A_2815 = tpu.dynamic_gather %add3A_2812[%gather3A_2814] in [0] : vector<16xi32>, vector<16xi32> -> vector<16xi32>
      %select_n3A_2816 = arith.select %ge3A_31, %gather3A_2815, %broadcast_in_dim3A_3 : vector<16xi1>, vector<16xi32>
      %add3A_2817 = arith.addi %add3A_2812, %select_n3A_2816 : vector<16xi32>
      %broadcast_in_dim3A_2818 = vector.shape_cast %max3A_23 : vector<16xi32> to vector<16x1xi32>
      %gather3A_2819 = vector.shape_cast %broadcast_in_dim3A_2818 : vector<16x1xi32> to vector<16xi32>
      %gather3A_2820 = tpu.dynamic_gather %add3A_2817[%gather3A_2819] in [0] : vector<16xi32>, vector<16xi32> -> vector<16xi32>
      %select_n3A_2821 = arith.select %ge3A_34, %gather3A_2820, %broadcast_in_dim3A_3 : vector<16xi1>, vector<16xi32>
      %add3A_2822 = arith.addi %add3A_2817, %select_n3A_2821 : vector<16xi32>
      %add3A_2823 = arith.addi %add3A_2822, %add3A_2797 : vector<16xi32>
      %mul3A_2824 = arith.muli %add3A_2823, %select_n3A_2802 : vector<16xi32>
      %convert_element_type3A_2825 = arith.sitofp %mul3A_2824 : vector<16xi32> to vector<16xf32>
      %swap3A_2826 = arith.constant 344 : index
      %swap3A_2827 = tpu.vector_load %arg7[%swap3A_2826] {strides = array<i32>} : memref<808xf32, #tpu.memory_space<vmem>>, vector<16xf32>,
      %swap3A_2828 = vector.shape_cast %swap3A_2827 : vector<16xf32> to vector<16xf32>
      %swap3A_2829 = vector.shape_cast %convert_element_type3A_2825 : vector<16xf32> to vector<16xf32>
      tpu.vector_store %arg7[%swap3A_2826], %swap3A_2829 {strides = array<i32>} : memref<808xf32, #tpu.memory_space<vmem>>, vector<16xf32>,
      %broadcast_in_dim3A_2830 = vector.shape_cast %broadcast_in_dim3A_36 : vector<16xi32> to vector<16x1xi32>
      %gather3A_2831 = vector.shape_cast %broadcast_in_dim3A_2830 : vector<16x1xi32> to vector<16xi32>
      %gather3A_2832 = tpu.dynamic_gather %add3A_2822[%gather3A_2831] in [0] : vector<16xi32>, vector<16xi32> -> vector<16xi32>
      %add3A_2833 = arith.addi %add3A_2797, %gather3A_2832 : vector<16xi32>
      %get3A_2834 = arith.constant 360 : index
      %get3A_2835 = tpu.vector_load %arg5[%get3A_2834] {strides = array<i32>} : memref<808xf32, #tpu.memory_space<vmem>>, vector<16xf32>,
      %get3A_2836 = vector.shape_cast %get3A_2835 : vector<16xf32> to vector<16xf32>
      %ne3A_2837 = arith.cmpf one, %get3A_2836, %broadcast_in_dim3A_5 : vector<16xf32>
      %select_n3A_2838 = arith.select %ne3A_2837, %broadcast_in_dim3A_7, %broadcast_in_dim3A_3 : vector<16xi1>, vector<16xi32>
      %broadcast_in_dim3A_2839 = vector.shape_cast %max3A : vector<16xi32> to vector<16x1xi32>
      %gather3A_2840 = vector.shape_cast %broadcast_in_dim3A_2839 : vector<16x1xi32> to vector<16xi32>
      %gather3A_2841 = tpu.dynamic_gather %select_n3A_2838[%gather3A_2840] in [0] : vector<16xi32>, vector<16xi32> -> vector<16xi32>
      %select_n3A_2842 = arith.select %ge3A, %gather3A_2841, %broadcast_in_dim3A_3 : vector<16xi1>, vector<16xi32>
      %add3A_2843 = arith.addi %select_n3A_2838, %select_n3A_2842 : vector<16xi32>
      %broadcast_in_dim3A_2844 = vector.shape_cast %max3A_15 : vector<16xi32> to vector<16x1xi32>
      %gather3A_2845 = vector.shape_cast %broadcast_in_dim3A_2844 : vector<16x1xi32> to vector<16xi32>
      %gather3A_2846 = tpu.dynamic_gather %add3A_2843[%gather3A_2845] in [0] : vector<16xi32>, vector<16xi32> -> vector<16xi32>
      %select_n3A_2847 = arith.select %ge3A_28, %gather3A_2846, %broadcast_in_dim3A_3 : vector<16xi1>, vector<16xi32>
      %add3A_2848 = arith.addi %add3A_2843, %select_n3A_2847 : vector<16xi32>
      %broadcast_in_dim3A_2849 = vector.shape_cast %max3A_19 : vector<16xi32> to vector<16x1xi32>
      %gather3A_2850 = vector.shape_cast %broadcast_in_dim3A_2849 : vector<16x1xi32> to vector<16xi32>
      %gather3A_2851 = tpu.dynamic_gather %add3A_2848[%gather3A_2850] in [0] : vector<16xi32>, vector<16xi32> -> vector<16xi32>
      %select_n3A_2852 = arith.select %ge3A_31, %gather3A_2851, %broadcast_in_dim3A_3 : vector<16xi1>, vector<16xi32>
      %add3A_2853 = arith.addi %add3A_2848, %select_n3A_2852 : vector<16xi32>
      %broadcast_in_dim3A_2854 = vector.shape_cast %max3A_23 : vector<16xi32> to vector<16x1xi32>
      %gather3A_2855 = vector.shape_cast %broadcast_in_dim3A_2854 : vector<16x1xi32> to vector<16xi32>
      %gather3A_2856 = tpu.dynamic_gather %add3A_2853[%gather3A_2855] in [0] : vector<16xi32>, vector<16xi32> -> vector<16xi32>
      %select_n3A_2857 = arith.select %ge3A_34, %gather3A_2856, %broadcast_in_dim3A_3 : vector<16xi1>, vector<16xi32>
      %add3A_2858 = arith.addi %add3A_2853, %select_n3A_2857 : vector<16xi32>
      %add3A_2859 = arith.addi %add3A_2858, %add3A_2833 : vector<16xi32>
      %mul3A_2860 = arith.muli %add3A_2859, %select_n3A_2838 : vector<16xi32>
      %convert_element_type3A_2861 = arith.sitofp %mul3A_2860 : vector<16xi32> to vector<16xf32>
      %swap3A_2862 = arith.constant 360 : index
      %swap3A_2863 = tpu.vector_load %arg7[%swap3A_2862] {strides = array<i32>} : memref<808xf32, #tpu.memory_space<vmem>>, vector<16xf32>,
      %swap3A_2864 = vector.shape_cast %swap3A_2863 : vector<16xf32> to vector<16xf32>
      %swap3A_2865 = vector.shape_cast %convert_element_type3A_2861 : vector<16xf32> to vector<16xf32>
      tpu.vector_store %arg7[%swap3A_2862], %swap3A_2865 {strides = array<i32>} : memref<808xf32, #tpu.memory_space<vmem>>, vector<16xf32>,
      %broadcast_in_dim3A_2866 = vector.shape_cast %broadcast_in_dim3A_36 : vector<16xi32> to vector<16x1xi32>
      %gather3A_2867 = vector.shape_cast %broadcast_in_dim3A_2866 : vector<16x1xi32> to vector<16xi32>
      %gather3A_2868 = tpu.dynamic_gather %add3A_2858[%gather3A_2867] in [0] : vector<16xi32>, vector<16xi32> -> vector<16xi32>
      %add3A_2869 = arith.addi %add3A_2833, %gather3A_2868 : vector<16xi32>
      %get3A_2870 = arith.constant 376 : index
      %get3A_2871 = tpu.vector_load %arg5[%get3A_2870] {strides = array<i32>} : memref<808xf32, #tpu.memory_space<vmem>>, vector<16xf32>,
      %get3A_2872 = vector.shape_cast %get3A_2871 : vector<16xf32> to vector<16xf32>
      %ne3A_2873 = arith.cmpf one, %get3A_2872, %broadcast_in_dim3A_5 : vector<16xf32>
      %select_n3A_2874 = arith.select %ne3A_2873, %broadcast_in_dim3A_7, %broadcast_in_dim3A_3 : vector<16xi1>, vector<16xi32>
      %broadcast_in_dim3A_2875 = vector.shape_cast %max3A : vector<16xi32> to vector<16x1xi32>
      %gather3A_2876 = vector.shape_cast %broadcast_in_dim3A_2875 : vector<16x1xi32> to vector<16xi32>
      %gather3A_2877 = tpu.dynamic_gather %select_n3A_2874[%gather3A_2876] in [0] : vector<16xi32>, vector<16xi32> -> vector<16xi32>
      %select_n3A_2878 = arith.select %ge3A, %gather3A_2877, %broadcast_in_dim3A_3 : vector<16xi1>, vector<16xi32>
      %add3A_2879 = arith.addi %select_n3A_2874, %select_n3A_2878 : vector<16xi32>
      %broadcast_in_dim3A_2880 = vector.shape_cast %max3A_15 : vector<16xi32> to vector<16x1xi32>
      %gather3A_2881 = vector.shape_cast %broadcast_in_dim3A_2880 : vector<16x1xi32> to vector<16xi32>
      %gather3A_2882 = tpu.dynamic_gather %add3A_2879[%gather3A_2881] in [0] : vector<16xi32>, vector<16xi32> -> vector<16xi32>
      %select_n3A_2883 = arith.select %ge3A_28, %gather3A_2882, %broadcast_in_dim3A_3 : vector<16xi1>, vector<16xi32>
      %add3A_2884 = arith.addi %add3A_2879, %select_n3A_2883 : vector<16xi32>
      %broadcast_in_dim3A_2885 = vector.shape_cast %max3A_19 : vector<16xi32> to vector<16x1xi32>
      %gather3A_2886 = vector.shape_cast %broadcast_in_dim3A_2885 : vector<16x1xi32> to vector<16xi32>
      %gather3A_2887 = tpu.dynamic_gather %add3A_2884[%gather3A_2886] in [0] : vector<16xi32>, vector<16xi32> -> vector<16xi32>
      %select_n3A_2888 = arith.select %ge3A_31, %gather3A_2887, %broadcast_in_dim3A_3 : vector<16xi1>, vector<16xi32>
      %add3A_2889 = arith.addi %add3A_2884, %select_n3A_2888 : vector<16xi32>
      %broadcast_in_dim3A_2890 = vector.shape_cast %max3A_23 : vector<16xi32> to vector<16x1xi32>
      %gather3A_2891 = vector.shape_cast %broadcast_in_dim3A_2890 : vector<16x1xi32> to vector<16xi32>
      %gather3A_2892 = tpu.dynamic_gather %add3A_2889[%gather3A_2891] in [0] : vector<16xi32>, vector<16xi32> -> vector<16xi32>
      %select_n3A_2893 = arith.select %ge3A_34, %gather3A_2892, %broadcast_in_dim3A_3 : vector<16xi1>, vector<16xi32>
      %add3A_2894 = arith.addi %add3A_2889, %select_n3A_2893 : vector<16xi32>
      %add3A_2895 = arith.addi %add3A_2894, %add3A_2869 : vector<16xi32>
      %mul3A_2896 = arith.muli %add3A_2895, %select_n3A_2874 : vector<16xi32>
      %convert_element_type3A_2897 = arith.sitofp %mul3A_2896 : vector<16xi32> to vector<16xf32>
      %swap3A_2898 = arith.constant 376 : index
      %swap3A_2899 = tpu.vector_load %arg7[%swap3A_2898] {strides = array<i32>} : memref<808xf32, #tpu.memory_space<vmem>>, vector<16xf32>,
      %swap3A_2900 = vector.shape_cast %swap3A_2899 : vector<16xf32> to vector<16xf32>
      %swap3A_2901 = vector.shape_cast %convert_element_type3A_2897 : vector<16xf32> to vector<16xf32>
      tpu.vector_store %arg7[%swap3A_2898], %swap3A_2901 {strides = array<i32>} : memref<808xf32, #tpu.memory_space<vmem>>, vector<16xf32>,
      %broadcast_in_dim3A_2902 = vector.shape_cast %broadcast_in_dim3A_36 : vector<16xi32> to vector<16x1xi32>
      %gather3A_2903 = vector.shape_cast %broadcast_in_dim3A_2902 : vector<16x1xi32> to vector<16xi32>
      %gather3A_2904 = tpu.dynamic_gather %add3A_2894[%gather3A_2903] in [0] : vector<16xi32>, vector<16xi32> -> vector<16xi32>
      %add3A_2905 = arith.addi %add3A_2869, %gather3A_2904 : vector<16xi32>
      %get3A_2906 = arith.constant 392 : index
      %get3A_2907 = tpu.vector_load %arg5[%get3A_2906] {strides = array<i32>} : memref<808xf32, #tpu.memory_space<vmem>>, vector<16xf32>,
      %get3A_2908 = vector.shape_cast %get3A_2907 : vector<16xf32> to vector<16xf32>
      %ne3A_2909 = arith.cmpf one, %get3A_2908, %broadcast_in_dim3A_5 : vector<16xf32>
      %and3A_2910 = arith.andi %ne3A_2909, %lt3A : vector<16xi1>
      %select_n3A_2911 = arith.select %and3A_2910, %broadcast_in_dim3A_7, %broadcast_in_dim3A_3 : vector<16xi1>, vector<16xi32>
      %broadcast_in_dim3A_2912 = vector.shape_cast %max3A : vector<16xi32> to vector<16x1xi32>
      %gather3A_2913 = vector.shape_cast %broadcast_in_dim3A_2912 : vector<16x1xi32> to vector<16xi32>
      %gather3A_2914 = tpu.dynamic_gather %select_n3A_2911[%gather3A_2913] in [0] : vector<16xi32>, vector<16xi32> -> vector<16xi32>
      %select_n3A_2915 = arith.select %ge3A, %gather3A_2914, %broadcast_in_dim3A_3 : vector<16xi1>, vector<16xi32>
      %add3A_2916 = arith.addi %select_n3A_2911, %select_n3A_2915 : vector<16xi32>
      %broadcast_in_dim3A_2917 = vector.shape_cast %max3A_15 : vector<16xi32> to vector<16x1xi32>
      %gather3A_2918 = vector.shape_cast %broadcast_in_dim3A_2917 : vector<16x1xi32> to vector<16xi32>
      %gather3A_2919 = tpu.dynamic_gather %add3A_2916[%gather3A_2918] in [0] : vector<16xi32>, vector<16xi32> -> vector<16xi32>
      %select_n3A_2920 = arith.select %ge3A_28, %gather3A_2919, %broadcast_in_dim3A_3 : vector<16xi1>, vector<16xi32>
      %add3A_2921 = arith.addi %add3A_2916, %select_n3A_2920 : vector<16xi32>
      %broadcast_in_dim3A_2922 = vector.shape_cast %max3A_19 : vector<16xi32> to vector<16x1xi32>
      %gather3A_2923 = vector.shape_cast %broadcast_in_dim3A_2922 : vector<16x1xi32> to vector<16xi32>
      %gather3A_2924 = tpu.dynamic_gather %add3A_2921[%gather3A_2923] in [0] : vector<16xi32>, vector<16xi32> -> vector<16xi32>
      %select_n3A_2925 = arith.select %ge3A_31, %gather3A_2924, %broadcast_in_dim3A_3 : vector<16xi1>, vector<16xi32>
      %add3A_2926 = arith.addi %add3A_2921, %select_n3A_2925 : vector<16xi32>
      %broadcast_in_dim3A_2927 = vector.shape_cast %max3A_23 : vector<16xi32> to vector<16x1xi32>
      %gather3A_2928 = vector.shape_cast %broadcast_in_dim3A_2927 : vector<16x1xi32> to vector<16xi32>
      %gather3A_2929 = tpu.dynamic_gather %add3A_2926[%gather3A_2928] in [0] : vector<16xi32>, vector<16xi32> -> vector<16xi32>
      %select_n3A_2930 = arith.select %ge3A_34, %gather3A_2929, %broadcast_in_dim3A_3 : vector<16xi1>, vector<16xi32>
      %add3A_2931 = arith.addi %add3A_2926, %select_n3A_2930 : vector<16xi32>
      %add3A_2932 = arith.addi %add3A_2931, %add3A_2905 : vector<16xi32>
      %mul3A_2933 = arith.muli %add3A_2932, %select_n3A_2911 : vector<16xi32>
      %convert_element_type3A_2934 = arith.sitofp %mul3A_2933 : vector<16xi32> to vector<16xf32>
      %swap3A_2935 = arith.constant 392 : index
      %swap3A_2936 = tpu.vector_load %arg7[%swap3A_2935] {strides = array<i32>} : memref<808xf32, #tpu.memory_space<vmem>>, vector<16xf32>,
      %swap3A_2937 = vector.shape_cast %swap3A_2936 : vector<16xf32> to vector<16xf32>
      %swap3A_2938 = vector.shape_cast %convert_element_type3A_2934 : vector<16xf32> to vector<16xf32>
      tpu.vector_store %arg7[%swap3A_2935], %swap3A_2938 {strides = array<i32>} : memref<808xf32, #tpu.memory_space<vmem>>, vector<16xf32>,
      %broadcast_in_dim3A_2939 = vector.shape_cast %broadcast_in_dim3A_36 : vector<16xi32> to vector<16x1xi32>
      %gather3A_2940 = vector.shape_cast %broadcast_in_dim3A_2939 : vector<16x1xi32> to vector<16xi32>
      %gather3A_2941 = tpu.dynamic_gather %add3A_2931[%gather3A_2940] in [0] : vector<16xi32>, vector<16xi32> -> vector<16xi32>
      %add3A_2942 = arith.addi %add3A_2905, %gather3A_2941 : vector<16xi32>
      %get3A_2943 = arith.constant 400 : index
      %get3A_2944 = tpu.vector_load %arg5[%get3A_2943] {strides = array<i32>} : memref<808xf32, #tpu.memory_space<vmem>>, vector<16xf32>,
      %get3A_2945 = vector.shape_cast %get3A_2944 : vector<16xf32> to vector<16xf32>
      %ne3A_2946 = arith.cmpf one, %get3A_2945, %broadcast_in_dim3A_5 : vector<16xf32>
      %select_n3A_2947 = arith.select %ne3A_2946, %broadcast_in_dim3A_7, %broadcast_in_dim3A_3 : vector<16xi1>, vector<16xi32>
      %broadcast_in_dim3A_2948 = vector.shape_cast %max3A : vector<16xi32> to vector<16x1xi32>
      %gather3A_2949 = vector.shape_cast %broadcast_in_dim3A_2948 : vector<16x1xi32> to vector<16xi32>
      %gather3A_2950 = tpu.dynamic_gather %select_n3A_2947[%gather3A_2949] in [0] : vector<16xi32>, vector<16xi32> -> vector<16xi32>
      %select_n3A_2951 = arith.select %ge3A, %gather3A_2950, %broadcast_in_dim3A_3 : vector<16xi1>, vector<16xi32>
      %add3A_2952 = arith.addi %select_n3A_2947, %select_n3A_2951 : vector<16xi32>
      %broadcast_in_dim3A_2953 = vector.shape_cast %max3A_15 : vector<16xi32> to vector<16x1xi32>
      %gather3A_2954 = vector.shape_cast %broadcast_in_dim3A_2953 : vector<16x1xi32> to vector<16xi32>
      %gather3A_2955 = tpu.dynamic_gather %add3A_2952[%gather3A_2954] in [0] : vector<16xi32>, vector<16xi32> -> vector<16xi32>
      %select_n3A_2956 = arith.select %ge3A_28, %gather3A_2955, %broadcast_in_dim3A_3 : vector<16xi1>, vector<16xi32>
      %add3A_2957 = arith.addi %add3A_2952, %select_n3A_2956 : vector<16xi32>
      %broadcast_in_dim3A_2958 = vector.shape_cast %max3A_19 : vector<16xi32> to vector<16x1xi32>
      %gather3A_2959 = vector.shape_cast %broadcast_in_dim3A_2958 : vector<16x1xi32> to vector<16xi32>
      %gather3A_2960 = tpu.dynamic_gather %add3A_2957[%gather3A_2959] in [0] : vector<16xi32>, vector<16xi32> -> vector<16xi32>
      %select_n3A_2961 = arith.select %ge3A_31, %gather3A_2960, %broadcast_in_dim3A_3 : vector<16xi1>, vector<16xi32>
      %add3A_2962 = arith.addi %add3A_2957, %select_n3A_2961 : vector<16xi32>
      %broadcast_in_dim3A_2963 = vector.shape_cast %max3A_23 : vector<16xi32> to vector<16x1xi32>
      %gather3A_2964 = vector.shape_cast %broadcast_in_dim3A_2963 : vector<16x1xi32> to vector<16xi32>
      %gather3A_2965 = tpu.dynamic_gather %add3A_2962[%gather3A_2964] in [0] : vector<16xi32>, vector<16xi32> -> vector<16xi32>
      %select_n3A_2966 = arith.select %ge3A_34, %gather3A_2965, %broadcast_in_dim3A_3 : vector<16xi1>, vector<16xi32>
      %add3A_2967 = arith.addi %add3A_2962, %select_n3A_2966 : vector<16xi32>
      %add3A_2968 = arith.addi %add3A_2967, %broadcast_in_dim3A_3 : vector<16xi32>
      %mul3A_2969 = arith.muli %add3A_2968, %select_n3A_2947 : vector<16xi32>
      %convert_element_type3A_2970 = arith.sitofp %mul3A_2969 : vector<16xi32> to vector<16xf32>
      %swap3A_2971 = arith.constant 400 : index
      %swap3A_2972 = tpu.vector_load %arg7[%swap3A_2971] {strides = array<i32>} : memref<808xf32, #tpu.memory_space<vmem>>, vector<16xf32>,
      %swap3A_2973 = vector.shape_cast %swap3A_2972 : vector<16xf32> to vector<16xf32>
      %swap3A_2974 = vector.shape_cast %convert_element_type3A_2970 : vector<16xf32> to vector<16xf32>
      tpu.vector_store %arg7[%swap3A_2971], %swap3A_2974 {strides = array<i32>} : memref<808xf32, #tpu.memory_space<vmem>>, vector<16xf32>,
      %broadcast_in_dim3A_2975 = vector.shape_cast %broadcast_in_dim3A_36 : vector<16xi32> to vector<16x1xi32>
      %gather3A_2976 = vector.shape_cast %broadcast_in_dim3A_2975 : vector<16x1xi32> to vector<16xi32>
      %gather3A_2977 = tpu.dynamic_gather %add3A_2967[%gather3A_2976] in [0] : vector<16xi32>, vector<16xi32> -> vector<16xi32>
      %add3A_2978 = arith.addi %broadcast_in_dim3A_3, %gather3A_2977 : vector<16xi32>
      %get3A_2979 = arith.constant 416 : index
      %get3A_2980 = tpu.vector_load %arg5[%get3A_2979] {strides = array<i32>} : memref<808xf32, #tpu.memory_space<vmem>>, vector<16xf32>,
      %get3A_2981 = vector.shape_cast %get3A_2980 : vector<16xf32> to vector<16xf32>
      %ne3A_2982 = arith.cmpf one, %get3A_2981, %broadcast_in_dim3A_5 : vector<16xf32>
      %select_n3A_2983 = arith.select %ne3A_2982, %broadcast_in_dim3A_7, %broadcast_in_dim3A_3 : vector<16xi1>, vector<16xi32>
      %broadcast_in_dim3A_2984 = vector.shape_cast %max3A : vector<16xi32> to vector<16x1xi32>
      %gather3A_2985 = vector.shape_cast %broadcast_in_dim3A_2984 : vector<16x1xi32> to vector<16xi32>
      %gather3A_2986 = tpu.dynamic_gather %select_n3A_2983[%gather3A_2985] in [0] : vector<16xi32>, vector<16xi32> -> vector<16xi32>
      %select_n3A_2987 = arith.select %ge3A, %gather3A_2986, %broadcast_in_dim3A_3 : vector<16xi1>, vector<16xi32>
      %add3A_2988 = arith.addi %select_n3A_2983, %select_n3A_2987 : vector<16xi32>
      %broadcast_in_dim3A_2989 = vector.shape_cast %max3A_15 : vector<16xi32> to vector<16x1xi32>
      %gather3A_2990 = vector.shape_cast %broadcast_in_dim3A_2989 : vector<16x1xi32> to vector<16xi32>
      %gather3A_2991 = tpu.dynamic_gather %add3A_2988[%gather3A_2990] in [0] : vector<16xi32>, vector<16xi32> -> vector<16xi32>
      %select_n3A_2992 = arith.select %ge3A_28, %gather3A_2991, %broadcast_in_dim3A_3 : vector<16xi1>, vector<16xi32>
      %add3A_2993 = arith.addi %add3A_2988, %select_n3A_2992 : vector<16xi32>
      %broadcast_in_dim3A_2994 = vector.shape_cast %max3A_19 : vector<16xi32> to vector<16x1xi32>
      %gather3A_2995 = vector.shape_cast %broadcast_in_dim3A_2994 : vector<16x1xi32> to vector<16xi32>
      %gather3A_2996 = tpu.dynamic_gather %add3A_2993[%gather3A_2995] in [0] : vector<16xi32>, vector<16xi32> -> vector<16xi32>
      %select_n3A_2997 = arith.select %ge3A_31, %gather3A_2996, %broadcast_in_dim3A_3 : vector<16xi1>, vector<16xi32>
      %add3A_2998 = arith.addi %add3A_2993, %select_n3A_2997 : vector<16xi32>
      %broadcast_in_dim3A_2999 = vector.shape_cast %max3A_23 : vector<16xi32> to vector<16x1xi32>
      %gather3A_3000 = vector.shape_cast %broadcast_in_dim3A_2999 : vector<16x1xi32> to vector<16xi32>
      %gather3A_3001 = tpu.dynamic_gather %add3A_2998[%gather3A_3000] in [0] : vector<16xi32>, vector<16xi32> -> vector<16xi32>
      %select_n3A_3002 = arith.select %ge3A_34, %gather3A_3001, %broadcast_in_dim3A_3 : vector<16xi1>, vector<16xi32>
      %add3A_3003 = arith.addi %add3A_2998, %select_n3A_3002 : vector<16xi32>
      %add3A_3004 = arith.addi %add3A_3003, %add3A_2978 : vector<16xi32>
      %mul3A_3005 = arith.muli %add3A_3004, %select_n3A_2983 : vector<16xi32>
      %convert_element_type3A_3006 = arith.sitofp %mul3A_3005 : vector<16xi32> to vector<16xf32>
      %swap3A_3007 = arith.constant 416 : index
      %swap3A_3008 = tpu.vector_load %arg7[%swap3A_3007] {strides = array<i32>} : memref<808xf32, #tpu.memory_space<vmem>>, vector<16xf32>,
      %swap3A_3009 = vector.shape_cast %swap3A_3008 : vector<16xf32> to vector<16xf32>
      %swap3A_3010 = vector.shape_cast %convert_element_type3A_3006 : vector<16xf32> to vector<16xf32>
      tpu.vector_store %arg7[%swap3A_3007], %swap3A_3010 {strides = array<i32>} : memref<808xf32, #tpu.memory_space<vmem>>, vector<16xf32>,
      %broadcast_in_dim3A_3011 = vector.shape_cast %broadcast_in_dim3A_36 : vector<16xi32> to vector<16x1xi32>
      %gather3A_3012 = vector.shape_cast %broadcast_in_dim3A_3011 : vector<16x1xi32> to vector<16xi32>
      %gather3A_3013 = tpu.dynamic_gather %add3A_3003[%gather3A_3012] in [0] : vector<16xi32>, vector<16xi32> -> vector<16xi32>
      %add3A_3014 = arith.addi %add3A_2978, %gather3A_3013 : vector<16xi32>
      %get3A_3015 = arith.constant 432 : index
      %get3A_3016 = tpu.vector_load %arg5[%get3A_3015] {strides = array<i32>} : memref<808xf32, #tpu.memory_space<vmem>>, vector<16xf32>,
      %get3A_3017 = vector.shape_cast %get3A_3016 : vector<16xf32> to vector<16xf32>
      %ne3A_3018 = arith.cmpf one, %get3A_3017, %broadcast_in_dim3A_5 : vector<16xf32>
      %select_n3A_3019 = arith.select %ne3A_3018, %broadcast_in_dim3A_7, %broadcast_in_dim3A_3 : vector<16xi1>, vector<16xi32>
      %broadcast_in_dim3A_3020 = vector.shape_cast %max3A : vector<16xi32> to vector<16x1xi32>
      %gather3A_3021 = vector.shape_cast %broadcast_in_dim3A_3020 : vector<16x1xi32> to vector<16xi32>
      %gather3A_3022 = tpu.dynamic_gather %select_n3A_3019[%gather3A_3021] in [0] : vector<16xi32>, vector<16xi32> -> vector<16xi32>
      %select_n3A_3023 = arith.select %ge3A, %gather3A_3022, %broadcast_in_dim3A_3 : vector<16xi1>, vector<16xi32>
      %add3A_3024 = arith.addi %select_n3A_3019, %select_n3A_3023 : vector<16xi32>
      %broadcast_in_dim3A_3025 = vector.shape_cast %max3A_15 : vector<16xi32> to vector<16x1xi32>
      %gather3A_3026 = vector.shape_cast %broadcast_in_dim3A_3025 : vector<16x1xi32> to vector<16xi32>
      %gather3A_3027 = tpu.dynamic_gather %add3A_3024[%gather3A_3026] in [0] : vector<16xi32>, vector<16xi32> -> vector<16xi32>
      %select_n3A_3028 = arith.select %ge3A_28, %gather3A_3027, %broadcast_in_dim3A_3 : vector<16xi1>, vector<16xi32>
      %add3A_3029 = arith.addi %add3A_3024, %select_n3A_3028 : vector<16xi32>
      %broadcast_in_dim3A_3030 = vector.shape_cast %max3A_19 : vector<16xi32> to vector<16x1xi32>
      %gather3A_3031 = vector.shape_cast %broadcast_in_dim3A_3030 : vector<16x1xi32> to vector<16xi32>
      %gather3A_3032 = tpu.dynamic_gather %add3A_3029[%gather3A_3031] in [0] : vector<16xi32>, vector<16xi32> -> vector<16xi32>
      %select_n3A_3033 = arith.select %ge3A_31, %gather3A_3032, %broadcast_in_dim3A_3 : vector<16xi1>, vector<16xi32>
      %add3A_3034 = arith.addi %add3A_3029, %select_n3A_3033 : vector<16xi32>
      %broadcast_in_dim3A_3035 = vector.shape_cast %max3A_23 : vector<16xi32> to vector<16x1xi32>
      %gather3A_3036 = vector.shape_cast %broadcast_in_dim3A_3035 : vector<16x1xi32> to vector<16xi32>
      %gather3A_3037 = tpu.dynamic_gather %add3A_3034[%gather3A_3036] in [0] : vector<16xi32>, vector<16xi32> -> vector<16xi32>
      %select_n3A_3038 = arith.select %ge3A_34, %gather3A_3037, %broadcast_in_dim3A_3 : vector<16xi1>, vector<16xi32>
      %add3A_3039 = arith.addi %add3A_3034, %select_n3A_3038 : vector<16xi32>
      %add3A_3040 = arith.addi %add3A_3039, %add3A_3014 : vector<16xi32>
      %mul3A_3041 = arith.muli %add3A_3040, %select_n3A_3019 : vector<16xi32>
      %convert_element_type3A_3042 = arith.sitofp %mul3A_3041 : vector<16xi32> to vector<16xf32>
      %swap3A_3043 = arith.constant 432 : index
      %swap3A_3044 = tpu.vector_load %arg7[%swap3A_3043] {strides = array<i32>} : memref<808xf32, #tpu.memory_space<vmem>>, vector<16xf32>,
      %swap3A_3045 = vector.shape_cast %swap3A_3044 : vector<16xf32> to vector<16xf32>
      %swap3A_3046 = vector.shape_cast %convert_element_type3A_3042 : vector<16xf32> to vector<16xf32>
      tpu.vector_store %arg7[%swap3A_3043], %swap3A_3046 {strides = array<i32>} : memref<808xf32, #tpu.memory_space<vmem>>, vector<16xf32>,
      %broadcast_in_dim3A_3047 = vector.shape_cast %broadcast_in_dim3A_36 : vector<16xi32> to vector<16x1xi32>
      %gather3A_3048 = vector.shape_cast %broadcast_in_dim3A_3047 : vector<16x1xi32> to vector<16xi32>
      %gather3A_3049 = tpu.dynamic_gather %add3A_3039[%gather3A_3048] in [0] : vector<16xi32>, vector<16xi32> -> vector<16xi32>
      %add3A_3050 = arith.addi %add3A_3014, %gather3A_3049 : vector<16xi32>
      %get3A_3051 = arith.constant 448 : index
      %get3A_3052 = tpu.vector_load %arg5[%get3A_3051] {strides = array<i32>} : memref<808xf32, #tpu.memory_space<vmem>>, vector<16xf32>,
      %get3A_3053 = vector.shape_cast %get3A_3052 : vector<16xf32> to vector<16xf32>
      %ne3A_3054 = arith.cmpf one, %get3A_3053, %broadcast_in_dim3A_5 : vector<16xf32>
      %select_n3A_3055 = arith.select %ne3A_3054, %broadcast_in_dim3A_7, %broadcast_in_dim3A_3 : vector<16xi1>, vector<16xi32>
      %broadcast_in_dim3A_3056 = vector.shape_cast %max3A : vector<16xi32> to vector<16x1xi32>
      %gather3A_3057 = vector.shape_cast %broadcast_in_dim3A_3056 : vector<16x1xi32> to vector<16xi32>
      %gather3A_3058 = tpu.dynamic_gather %select_n3A_3055[%gather3A_3057] in [0] : vector<16xi32>, vector<16xi32> -> vector<16xi32>
      %select_n3A_3059 = arith.select %ge3A, %gather3A_3058, %broadcast_in_dim3A_3 : vector<16xi1>, vector<16xi32>
      %add3A_3060 = arith.addi %select_n3A_3055, %select_n3A_3059 : vector<16xi32>
      %broadcast_in_dim3A_3061 = vector.shape_cast %max3A_15 : vector<16xi32> to vector<16x1xi32>
      %gather3A_3062 = vector.shape_cast %broadcast_in_dim3A_3061 : vector<16x1xi32> to vector<16xi32>
      %gather3A_3063 = tpu.dynamic_gather %add3A_3060[%gather3A_3062] in [0] : vector<16xi32>, vector<16xi32> -> vector<16xi32>
      %select_n3A_3064 = arith.select %ge3A_28, %gather3A_3063, %broadcast_in_dim3A_3 : vector<16xi1>, vector<16xi32>
      %add3A_3065 = arith.addi %add3A_3060, %select_n3A_3064 : vector<16xi32>
      %broadcast_in_dim3A_3066 = vector.shape_cast %max3A_19 : vector<16xi32> to vector<16x1xi32>
      %gather3A_3067 = vector.shape_cast %broadcast_in_dim3A_3066 : vector<16x1xi32> to vector<16xi32>
      %gather3A_3068 = tpu.dynamic_gather %add3A_3065[%gather3A_3067] in [0] : vector<16xi32>, vector<16xi32> -> vector<16xi32>
      %select_n3A_3069 = arith.select %ge3A_31, %gather3A_3068, %broadcast_in_dim3A_3 : vector<16xi1>, vector<16xi32>
      %add3A_3070 = arith.addi %add3A_3065, %select_n3A_3069 : vector<16xi32>
      %broadcast_in_dim3A_3071 = vector.shape_cast %max3A_23 : vector<16xi32> to vector<16x1xi32>
      %gather3A_3072 = vector.shape_cast %broadcast_in_dim3A_3071 : vector<16x1xi32> to vector<16xi32>
      %gather3A_3073 = tpu.dynamic_gather %add3A_3070[%gather3A_3072] in [0] : vector<16xi32>, vector<16xi32> -> vector<16xi32>
      %select_n3A_3074 = arith.select %ge3A_34, %gather3A_3073, %broadcast_in_dim3A_3 : vector<16xi1>, vector<16xi32>
      %add3A_3075 = arith.addi %add3A_3070, %select_n3A_3074 : vector<16xi32>
      %add3A_3076 = arith.addi %add3A_3075, %add3A_3050 : vector<16xi32>
      %mul3A_3077 = arith.muli %add3A_3076, %select_n3A_3055 : vector<16xi32>
      %convert_element_type3A_3078 = arith.sitofp %mul3A_3077 : vector<16xi32> to vector<16xf32>
      %swap3A_3079 = arith.constant 448 : index
      %swap3A_3080 = tpu.vector_load %arg7[%swap3A_3079] {strides = array<i32>} : memref<808xf32, #tpu.memory_space<vmem>>, vector<16xf32>,
      %swap3A_3081 = vector.shape_cast %swap3A_3080 : vector<16xf32> to vector<16xf32>
      %swap3A_3082 = vector.shape_cast %convert_element_type3A_3078 : vector<16xf32> to vector<16xf32>
      tpu.vector_store %arg7[%swap3A_3079], %swap3A_3082 {strides = array<i32>} : memref<808xf32, #tpu.memory_space<vmem>>, vector<16xf32>,
      %broadcast_in_dim3A_3083 = vector.shape_cast %broadcast_in_dim3A_36 : vector<16xi32> to vector<16x1xi32>
      %gather3A_3084 = vector.shape_cast %broadcast_in_dim3A_3083 : vector<16x1xi32> to vector<16xi32>
      %gather3A_3085 = tpu.dynamic_gather %add3A_3075[%gather3A_3084] in [0] : vector<16xi32>, vector<16xi32> -> vector<16xi32>
      %add3A_3086 = arith.addi %add3A_3050, %gather3A_3085 : vector<16xi32>
      %get3A_3087 = arith.constant 464 : index
      %get3A_3088 = tpu.vector_load %arg5[%get3A_3087] {strides = array<i32>} : memref<808xf32, #tpu.memory_space<vmem>>, vector<16xf32>,
      %get3A_3089 = vector.shape_cast %get3A_3088 : vector<16xf32> to vector<16xf32>
      %ne3A_3090 = arith.cmpf one, %get3A_3089, %broadcast_in_dim3A_5 : vector<16xf32>
      %select_n3A_3091 = arith.select %ne3A_3090, %broadcast_in_dim3A_7, %broadcast_in_dim3A_3 : vector<16xi1>, vector<16xi32>
      %broadcast_in_dim3A_3092 = vector.shape_cast %max3A : vector<16xi32> to vector<16x1xi32>
      %gather3A_3093 = vector.shape_cast %broadcast_in_dim3A_3092 : vector<16x1xi32> to vector<16xi32>
      %gather3A_3094 = tpu.dynamic_gather %select_n3A_3091[%gather3A_3093] in [0] : vector<16xi32>, vector<16xi32> -> vector<16xi32>
      %select_n3A_3095 = arith.select %ge3A, %gather3A_3094, %broadcast_in_dim3A_3 : vector<16xi1>, vector<16xi32>
      %add3A_3096 = arith.addi %select_n3A_3091, %select_n3A_3095 : vector<16xi32>
      %broadcast_in_dim3A_3097 = vector.shape_cast %max3A_15 : vector<16xi32> to vector<16x1xi32>
      %gather3A_3098 = vector.shape_cast %broadcast_in_dim3A_3097 : vector<16x1xi32> to vector<16xi32>
      %gather3A_3099 = tpu.dynamic_gather %add3A_3096[%gather3A_3098] in [0] : vector<16xi32>, vector<16xi32> -> vector<16xi32>
      %select_n3A_3100 = arith.select %ge3A_28, %gather3A_3099, %broadcast_in_dim3A_3 : vector<16xi1>, vector<16xi32>
      %add3A_3101 = arith.addi %add3A_3096, %select_n3A_3100 : vector<16xi32>
      %broadcast_in_dim3A_3102 = vector.shape_cast %max3A_19 : vector<16xi32> to vector<16x1xi32>
      %gather3A_3103 = vector.shape_cast %broadcast_in_dim3A_3102 : vector<16x1xi32> to vector<16xi32>
      %gather3A_3104 = tpu.dynamic_gather %add3A_3101[%gather3A_3103] in [0] : vector<16xi32>, vector<16xi32> -> vector<16xi32>
      %select_n3A_3105 = arith.select %ge3A_31, %gather3A_3104, %broadcast_in_dim3A_3 : vector<16xi1>, vector<16xi32>
      %add3A_3106 = arith.addi %add3A_3101, %select_n3A_3105 : vector<16xi32>
      %broadcast_in_dim3A_3107 = vector.shape_cast %max3A_23 : vector<16xi32> to vector<16x1xi32>
      %gather3A_3108 = vector.shape_cast %broadcast_in_dim3A_3107 : vector<16x1xi32> to vector<16xi32>
      %gather3A_3109 = tpu.dynamic_gather %add3A_3106[%gather3A_3108] in [0] : vector<16xi32>, vector<16xi32> -> vector<16xi32>
      %select_n3A_3110 = arith.select %ge3A_34, %gather3A_3109, %broadcast_in_dim3A_3 : vector<16xi1>, vector<16xi32>
      %add3A_3111 = arith.addi %add3A_3106, %select_n3A_3110 : vector<16xi32>
      %add3A_3112 = arith.addi %add3A_3111, %add3A_3086 : vector<16xi32>
      %mul3A_3113 = arith.muli %add3A_3112, %select_n3A_3091 : vector<16xi32>
      %convert_element_type3A_3114 = arith.sitofp %mul3A_3113 : vector<16xi32> to vector<16xf32>
      %swap3A_3115 = arith.constant 464 : index
      %swap3A_3116 = tpu.vector_load %arg7[%swap3A_3115] {strides = array<i32>} : memref<808xf32, #tpu.memory_space<vmem>>, vector<16xf32>,
      %swap3A_3117 = vector.shape_cast %swap3A_3116 : vector<16xf32> to vector<16xf32>
      %swap3A_3118 = vector.shape_cast %convert_element_type3A_3114 : vector<16xf32> to vector<16xf32>
      tpu.vector_store %arg7[%swap3A_3115], %swap3A_3118 {strides = array<i32>} : memref<808xf32, #tpu.memory_space<vmem>>, vector<16xf32>,
      %broadcast_in_dim3A_3119 = vector.shape_cast %broadcast_in_dim3A_36 : vector<16xi32> to vector<16x1xi32>
      %gather3A_3120 = vector.shape_cast %broadcast_in_dim3A_3119 : vector<16x1xi32> to vector<16xi32>
      %gather3A_3121 = tpu.dynamic_gather %add3A_3111[%gather3A_3120] in [0] : vector<16xi32>, vector<16xi32> -> vector<16xi32>
      %add3A_3122 = arith.addi %add3A_3086, %gather3A_3121 : vector<16xi32>
      %get3A_3123 = arith.constant 480 : index
      %get3A_3124 = tpu.vector_load %arg5[%get3A_3123] {strides = array<i32>} : memref<808xf32, #tpu.memory_space<vmem>>, vector<16xf32>,
      %get3A_3125 = vector.shape_cast %get3A_3124 : vector<16xf32> to vector<16xf32>
      %ne3A_3126 = arith.cmpf one, %get3A_3125, %broadcast_in_dim3A_5 : vector<16xf32>
      %select_n3A_3127 = arith.select %ne3A_3126, %broadcast_in_dim3A_7, %broadcast_in_dim3A_3 : vector<16xi1>, vector<16xi32>
      %broadcast_in_dim3A_3128 = vector.shape_cast %max3A : vector<16xi32> to vector<16x1xi32>
      %gather3A_3129 = vector.shape_cast %broadcast_in_dim3A_3128 : vector<16x1xi32> to vector<16xi32>
      %gather3A_3130 = tpu.dynamic_gather %select_n3A_3127[%gather3A_3129] in [0] : vector<16xi32>, vector<16xi32> -> vector<16xi32>
      %select_n3A_3131 = arith.select %ge3A, %gather3A_3130, %broadcast_in_dim3A_3 : vector<16xi1>, vector<16xi32>
      %add3A_3132 = arith.addi %select_n3A_3127, %select_n3A_3131 : vector<16xi32>
      %broadcast_in_dim3A_3133 = vector.shape_cast %max3A_15 : vector<16xi32> to vector<16x1xi32>
      %gather3A_3134 = vector.shape_cast %broadcast_in_dim3A_3133 : vector<16x1xi32> to vector<16xi32>
      %gather3A_3135 = tpu.dynamic_gather %add3A_3132[%gather3A_3134] in [0] : vector<16xi32>, vector<16xi32> -> vector<16xi32>
      %select_n3A_3136 = arith.select %ge3A_28, %gather3A_3135, %broadcast_in_dim3A_3 : vector<16xi1>, vector<16xi32>
      %add3A_3137 = arith.addi %add3A_3132, %select_n3A_3136 : vector<16xi32>
      %broadcast_in_dim3A_3138 = vector.shape_cast %max3A_19 : vector<16xi32> to vector<16x1xi32>
      %gather3A_3139 = vector.shape_cast %broadcast_in_dim3A_3138 : vector<16x1xi32> to vector<16xi32>
      %gather3A_3140 = tpu.dynamic_gather %add3A_3137[%gather3A_3139] in [0] : vector<16xi32>, vector<16xi32> -> vector<16xi32>
      %select_n3A_3141 = arith.select %ge3A_31, %gather3A_3140, %broadcast_in_dim3A_3 : vector<16xi1>, vector<16xi32>
      %add3A_3142 = arith.addi %add3A_3137, %select_n3A_3141 : vector<16xi32>
      %broadcast_in_dim3A_3143 = vector.shape_cast %max3A_23 : vector<16xi32> to vector<16x1xi32>
      %gather3A_3144 = vector.shape_cast %broadcast_in_dim3A_3143 : vector<16x1xi32> to vector<16xi32>
      %gather3A_3145 = tpu.dynamic_gather %add3A_3142[%gather3A_3144] in [0] : vector<16xi32>, vector<16xi32> -> vector<16xi32>
      %select_n3A_3146 = arith.select %ge3A_34, %gather3A_3145, %broadcast_in_dim3A_3 : vector<16xi1>, vector<16xi32>
      %add3A_3147 = arith.addi %add3A_3142, %select_n3A_3146 : vector<16xi32>
      %add3A_3148 = arith.addi %add3A_3147, %add3A_3122 : vector<16xi32>
      %mul3A_3149 = arith.muli %add3A_3148, %select_n3A_3127 : vector<16xi32>
      %convert_element_type3A_3150 = arith.sitofp %mul3A_3149 : vector<16xi32> to vector<16xf32>
      %swap3A_3151 = arith.constant 480 : index
      %swap3A_3152 = tpu.vector_load %arg7[%swap3A_3151] {strides = array<i32>} : memref<808xf32, #tpu.memory_space<vmem>>, vector<16xf32>,
      %swap3A_3153 = vector.shape_cast %swap3A_3152 : vector<16xf32> to vector<16xf32>
      %swap3A_3154 = vector.shape_cast %convert_element_type3A_3150 : vector<16xf32> to vector<16xf32>
      tpu.vector_store %arg7[%swap3A_3151], %swap3A_3154 {strides = array<i32>} : memref<808xf32, #tpu.memory_space<vmem>>, vector<16xf32>,
      %broadcast_in_dim3A_3155 = vector.shape_cast %broadcast_in_dim3A_36 : vector<16xi32> to vector<16x1xi32>
      %gather3A_3156 = vector.shape_cast %broadcast_in_dim3A_3155 : vector<16x1xi32> to vector<16xi32>
      %gather3A_3157 = tpu.dynamic_gather %add3A_3147[%gather3A_3156] in [0] : vector<16xi32>, vector<16xi32> -> vector<16xi32>
      %add3A_3158 = arith.addi %add3A_3122, %gather3A_3157 : vector<16xi32>
      %get3A_3159 = arith.constant 496 : index
      %get3A_3160 = tpu.vector_load %arg5[%get3A_3159] {strides = array<i32>} : memref<808xf32, #tpu.memory_space<vmem>>, vector<16xf32>,
      %get3A_3161 = vector.shape_cast %get3A_3160 : vector<16xf32> to vector<16xf32>
      %ne3A_3162 = arith.cmpf one, %get3A_3161, %broadcast_in_dim3A_5 : vector<16xf32>
      %select_n3A_3163 = arith.select %ne3A_3162, %broadcast_in_dim3A_7, %broadcast_in_dim3A_3 : vector<16xi1>, vector<16xi32>
      %broadcast_in_dim3A_3164 = vector.shape_cast %max3A : vector<16xi32> to vector<16x1xi32>
      %gather3A_3165 = vector.shape_cast %broadcast_in_dim3A_3164 : vector<16x1xi32> to vector<16xi32>
      %gather3A_3166 = tpu.dynamic_gather %select_n3A_3163[%gather3A_3165] in [0] : vector<16xi32>, vector<16xi32> -> vector<16xi32>
      %select_n3A_3167 = arith.select %ge3A, %gather3A_3166, %broadcast_in_dim3A_3 : vector<16xi1>, vector<16xi32>
      %add3A_3168 = arith.addi %select_n3A_3163, %select_n3A_3167 : vector<16xi32>
      %broadcast_in_dim3A_3169 = vector.shape_cast %max3A_15 : vector<16xi32> to vector<16x1xi32>
      %gather3A_3170 = vector.shape_cast %broadcast_in_dim3A_3169 : vector<16x1xi32> to vector<16xi32>
      %gather3A_3171 = tpu.dynamic_gather %add3A_3168[%gather3A_3170] in [0] : vector<16xi32>, vector<16xi32> -> vector<16xi32>
      %select_n3A_3172 = arith.select %ge3A_28, %gather3A_3171, %broadcast_in_dim3A_3 : vector<16xi1>, vector<16xi32>
      %add3A_3173 = arith.addi %add3A_3168, %select_n3A_3172 : vector<16xi32>
      %broadcast_in_dim3A_3174 = vector.shape_cast %max3A_19 : vector<16xi32> to vector<16x1xi32>
      %gather3A_3175 = vector.shape_cast %broadcast_in_dim3A_3174 : vector<16x1xi32> to vector<16xi32>
      %gather3A_3176 = tpu.dynamic_gather %add3A_3173[%gather3A_3175] in [0] : vector<16xi32>, vector<16xi32> -> vector<16xi32>
      %select_n3A_3177 = arith.select %ge3A_31, %gather3A_3176, %broadcast_in_dim3A_3 : vector<16xi1>, vector<16xi32>
      %add3A_3178 = arith.addi %add3A_3173, %select_n3A_3177 : vector<16xi32>
      %broadcast_in_dim3A_3179 = vector.shape_cast %max3A_23 : vector<16xi32> to vector<16x1xi32>
      %gather3A_3180 = vector.shape_cast %broadcast_in_dim3A_3179 : vector<16x1xi32> to vector<16xi32>
      %gather3A_3181 = tpu.dynamic_gather %add3A_3178[%gather3A_3180] in [0] : vector<16xi32>, vector<16xi32> -> vector<16xi32>
      %select_n3A_3182 = arith.select %ge3A_34, %gather3A_3181, %broadcast_in_dim3A_3 : vector<16xi1>, vector<16xi32>
      %add3A_3183 = arith.addi %add3A_3178, %select_n3A_3182 : vector<16xi32>
      %add3A_3184 = arith.addi %add3A_3183, %add3A_3158 : vector<16xi32>
      %mul3A_3185 = arith.muli %add3A_3184, %select_n3A_3163 : vector<16xi32>
      %convert_element_type3A_3186 = arith.sitofp %mul3A_3185 : vector<16xi32> to vector<16xf32>
      %swap3A_3187 = arith.constant 496 : index
      %swap3A_3188 = tpu.vector_load %arg7[%swap3A_3187] {strides = array<i32>} : memref<808xf32, #tpu.memory_space<vmem>>, vector<16xf32>,
      %swap3A_3189 = vector.shape_cast %swap3A_3188 : vector<16xf32> to vector<16xf32>
      %swap3A_3190 = vector.shape_cast %convert_element_type3A_3186 : vector<16xf32> to vector<16xf32>
      tpu.vector_store %arg7[%swap3A_3187], %swap3A_3190 {strides = array<i32>} : memref<808xf32, #tpu.memory_space<vmem>>, vector<16xf32>,
      %broadcast_in_dim3A_3191 = vector.shape_cast %broadcast_in_dim3A_36 : vector<16xi32> to vector<16x1xi32>
      %gather3A_3192 = vector.shape_cast %broadcast_in_dim3A_3191 : vector<16x1xi32> to vector<16xi32>
      %gather3A_3193 = tpu.dynamic_gather %add3A_3183[%gather3A_3192] in [0] : vector<16xi32>, vector<16xi32> -> vector<16xi32>
      %add3A_3194 = arith.addi %add3A_3158, %gather3A_3193 : vector<16xi32>
      %get3A_3195 = arith.constant 512 : index
      %get3A_3196 = tpu.vector_load %arg5[%get3A_3195] {strides = array<i32>} : memref<808xf32, #tpu.memory_space<vmem>>, vector<16xf32>,
      %get3A_3197 = vector.shape_cast %get3A_3196 : vector<16xf32> to vector<16xf32>
      %ne3A_3198 = arith.cmpf one, %get3A_3197, %broadcast_in_dim3A_5 : vector<16xf32>
      %select_n3A_3199 = arith.select %ne3A_3198, %broadcast_in_dim3A_7, %broadcast_in_dim3A_3 : vector<16xi1>, vector<16xi32>
      %broadcast_in_dim3A_3200 = vector.shape_cast %max3A : vector<16xi32> to vector<16x1xi32>
      %gather3A_3201 = vector.shape_cast %broadcast_in_dim3A_3200 : vector<16x1xi32> to vector<16xi32>
      %gather3A_3202 = tpu.dynamic_gather %select_n3A_3199[%gather3A_3201] in [0] : vector<16xi32>, vector<16xi32> -> vector<16xi32>
      %select_n3A_3203 = arith.select %ge3A, %gather3A_3202, %broadcast_in_dim3A_3 : vector<16xi1>, vector<16xi32>
      %add3A_3204 = arith.addi %select_n3A_3199, %select_n3A_3203 : vector<16xi32>
      %broadcast_in_dim3A_3205 = vector.shape_cast %max3A_15 : vector<16xi32> to vector<16x1xi32>
      %gather3A_3206 = vector.shape_cast %broadcast_in_dim3A_3205 : vector<16x1xi32> to vector<16xi32>
      %gather3A_3207 = tpu.dynamic_gather %add3A_3204[%gather3A_3206] in [0] : vector<16xi32>, vector<16xi32> -> vector<16xi32>
      %select_n3A_3208 = arith.select %ge3A_28, %gather3A_3207, %broadcast_in_dim3A_3 : vector<16xi1>, vector<16xi32>
      %add3A_3209 = arith.addi %add3A_3204, %select_n3A_3208 : vector<16xi32>
      %broadcast_in_dim3A_3210 = vector.shape_cast %max3A_19 : vector<16xi32> to vector<16x1xi32>
      %gather3A_3211 = vector.shape_cast %broadcast_in_dim3A_3210 : vector<16x1xi32> to vector<16xi32>
      %gather3A_3212 = tpu.dynamic_gather %add3A_3209[%gather3A_3211] in [0] : vector<16xi32>, vector<16xi32> -> vector<16xi32>
      %select_n3A_3213 = arith.select %ge3A_31, %gather3A_3212, %broadcast_in_dim3A_3 : vector<16xi1>, vector<16xi32>
      %add3A_3214 = arith.addi %add3A_3209, %select_n3A_3213 : vector<16xi32>
      %broadcast_in_dim3A_3215 = vector.shape_cast %max3A_23 : vector<16xi32> to vector<16x1xi32>
      %gather3A_3216 = vector.shape_cast %broadcast_in_dim3A_3215 : vector<16x1xi32> to vector<16xi32>
      %gather3A_3217 = tpu.dynamic_gather %add3A_3214[%gather3A_3216] in [0] : vector<16xi32>, vector<16xi32> -> vector<16xi32>
      %select_n3A_3218 = arith.select %ge3A_34, %gather3A_3217, %broadcast_in_dim3A_3 : vector<16xi1>, vector<16xi32>
      %add3A_3219 = arith.addi %add3A_3214, %select_n3A_3218 : vector<16xi32>
      %add3A_3220 = arith.addi %add3A_3219, %add3A_3194 : vector<16xi32>
      %mul3A_3221 = arith.muli %add3A_3220, %select_n3A_3199 : vector<16xi32>
      %convert_element_type3A_3222 = arith.sitofp %mul3A_3221 : vector<16xi32> to vector<16xf32>
      %swap3A_3223 = arith.constant 512 : index
      %swap3A_3224 = tpu.vector_load %arg7[%swap3A_3223] {strides = array<i32>} : memref<808xf32, #tpu.memory_space<vmem>>, vector<16xf32>,
      %swap3A_3225 = vector.shape_cast %swap3A_3224 : vector<16xf32> to vector<16xf32>
      %swap3A_3226 = vector.shape_cast %convert_element_type3A_3222 : vector<16xf32> to vector<16xf32>
      tpu.vector_store %arg7[%swap3A_3223], %swap3A_3226 {strides = array<i32>} : memref<808xf32, #tpu.memory_space<vmem>>, vector<16xf32>,
      %broadcast_in_dim3A_3227 = vector.shape_cast %broadcast_in_dim3A_36 : vector<16xi32> to vector<16x1xi32>
      %gather3A_3228 = vector.shape_cast %broadcast_in_dim3A_3227 : vector<16x1xi32> to vector<16xi32>
      %gather3A_3229 = tpu.dynamic_gather %add3A_3219[%gather3A_3228] in [0] : vector<16xi32>, vector<16xi32> -> vector<16xi32>
      %add3A_3230 = arith.addi %add3A_3194, %gather3A_3229 : vector<16xi32>
      %get3A_3231 = arith.constant 528 : index
      %get3A_3232 = tpu.vector_load %arg5[%get3A_3231] {strides = array<i32>} : memref<808xf32, #tpu.memory_space<vmem>>, vector<16xf32>,
      %get3A_3233 = vector.shape_cast %get3A_3232 : vector<16xf32> to vector<16xf32>
      %ne3A_3234 = arith.cmpf one, %get3A_3233, %broadcast_in_dim3A_5 : vector<16xf32>
      %select_n3A_3235 = arith.select %ne3A_3234, %broadcast_in_dim3A_7, %broadcast_in_dim3A_3 : vector<16xi1>, vector<16xi32>
      %broadcast_in_dim3A_3236 = vector.shape_cast %max3A : vector<16xi32> to vector<16x1xi32>
      %gather3A_3237 = vector.shape_cast %broadcast_in_dim3A_3236 : vector<16x1xi32> to vector<16xi32>
      %gather3A_3238 = tpu.dynamic_gather %select_n3A_3235[%gather3A_3237] in [0] : vector<16xi32>, vector<16xi32> -> vector<16xi32>
      %select_n3A_3239 = arith.select %ge3A, %gather3A_3238, %broadcast_in_dim3A_3 : vector<16xi1>, vector<16xi32>
      %add3A_3240 = arith.addi %select_n3A_3235, %select_n3A_3239 : vector<16xi32>
      %broadcast_in_dim3A_3241 = vector.shape_cast %max3A_15 : vector<16xi32> to vector<16x1xi32>
      %gather3A_3242 = vector.shape_cast %broadcast_in_dim3A_3241 : vector<16x1xi32> to vector<16xi32>
      %gather3A_3243 = tpu.dynamic_gather %add3A_3240[%gather3A_3242] in [0] : vector<16xi32>, vector<16xi32> -> vector<16xi32>
      %select_n3A_3244 = arith.select %ge3A_28, %gather3A_3243, %broadcast_in_dim3A_3 : vector<16xi1>, vector<16xi32>
      %add3A_3245 = arith.addi %add3A_3240, %select_n3A_3244 : vector<16xi32>
      %broadcast_in_dim3A_3246 = vector.shape_cast %max3A_19 : vector<16xi32> to vector<16x1xi32>
      %gather3A_3247 = vector.shape_cast %broadcast_in_dim3A_3246 : vector<16x1xi32> to vector<16xi32>
      %gather3A_3248 = tpu.dynamic_gather %add3A_3245[%gather3A_3247] in [0] : vector<16xi32>, vector<16xi32> -> vector<16xi32>
      %select_n3A_3249 = arith.select %ge3A_31, %gather3A_3248, %broadcast_in_dim3A_3 : vector<16xi1>, vector<16xi32>
      %add3A_3250 = arith.addi %add3A_3245, %select_n3A_3249 : vector<16xi32>
      %broadcast_in_dim3A_3251 = vector.shape_cast %max3A_23 : vector<16xi32> to vector<16x1xi32>
      %gather3A_3252 = vector.shape_cast %broadcast_in_dim3A_3251 : vector<16x1xi32> to vector<16xi32>
      %gather3A_3253 = tpu.dynamic_gather %add3A_3250[%gather3A_3252] in [0] : vector<16xi32>, vector<16xi32> -> vector<16xi32>
      %select_n3A_3254 = arith.select %ge3A_34, %gather3A_3253, %broadcast_in_dim3A_3 : vector<16xi1>, vector<16xi32>
      %add3A_3255 = arith.addi %add3A_3250, %select_n3A_3254 : vector<16xi32>
      %add3A_3256 = arith.addi %add3A_3255, %add3A_3230 : vector<16xi32>
      %mul3A_3257 = arith.muli %add3A_3256, %select_n3A_3235 : vector<16xi32>
      %convert_element_type3A_3258 = arith.sitofp %mul3A_3257 : vector<16xi32> to vector<16xf32>
      %swap3A_3259 = arith.constant 528 : index
      %swap3A_3260 = tpu.vector_load %arg7[%swap3A_3259] {strides = array<i32>} : memref<808xf32, #tpu.memory_space<vmem>>, vector<16xf32>,
      %swap3A_3261 = vector.shape_cast %swap3A_3260 : vector<16xf32> to vector<16xf32>
      %swap3A_3262 = vector.shape_cast %convert_element_type3A_3258 : vector<16xf32> to vector<16xf32>
      tpu.vector_store %arg7[%swap3A_3259], %swap3A_3262 {strides = array<i32>} : memref<808xf32, #tpu.memory_space<vmem>>, vector<16xf32>,
      %broadcast_in_dim3A_3263 = vector.shape_cast %broadcast_in_dim3A_36 : vector<16xi32> to vector<16x1xi32>
      %gather3A_3264 = vector.shape_cast %broadcast_in_dim3A_3263 : vector<16x1xi32> to vector<16xi32>
      %gather3A_3265 = tpu.dynamic_gather %add3A_3255[%gather3A_3264] in [0] : vector<16xi32>, vector<16xi32> -> vector<16xi32>
      %add3A_3266 = arith.addi %add3A_3230, %gather3A_3265 : vector<16xi32>
      %get3A_3267 = arith.constant 544 : index
      %get3A_3268 = tpu.vector_load %arg5[%get3A_3267] {strides = array<i32>} : memref<808xf32, #tpu.memory_space<vmem>>, vector<16xf32>,
      %get3A_3269 = vector.shape_cast %get3A_3268 : vector<16xf32> to vector<16xf32>
      %ne3A_3270 = arith.cmpf one, %get3A_3269, %broadcast_in_dim3A_5 : vector<16xf32>
      %select_n3A_3271 = arith.select %ne3A_3270, %broadcast_in_dim3A_7, %broadcast_in_dim3A_3 : vector<16xi1>, vector<16xi32>
      %broadcast_in_dim3A_3272 = vector.shape_cast %max3A : vector<16xi32> to vector<16x1xi32>
      %gather3A_3273 = vector.shape_cast %broadcast_in_dim3A_3272 : vector<16x1xi32> to vector<16xi32>
      %gather3A_3274 = tpu.dynamic_gather %select_n3A_3271[%gather3A_3273] in [0] : vector<16xi32>, vector<16xi32> -> vector<16xi32>
      %select_n3A_3275 = arith.select %ge3A, %gather3A_3274, %broadcast_in_dim3A_3 : vector<16xi1>, vector<16xi32>
      %add3A_3276 = arith.addi %select_n3A_3271, %select_n3A_3275 : vector<16xi32>
      %broadcast_in_dim3A_3277 = vector.shape_cast %max3A_15 : vector<16xi32> to vector<16x1xi32>
      %gather3A_3278 = vector.shape_cast %broadcast_in_dim3A_3277 : vector<16x1xi32> to vector<16xi32>
      %gather3A_3279 = tpu.dynamic_gather %add3A_3276[%gather3A_3278] in [0] : vector<16xi32>, vector<16xi32> -> vector<16xi32>
      %select_n3A_3280 = arith.select %ge3A_28, %gather3A_3279, %broadcast_in_dim3A_3 : vector<16xi1>, vector<16xi32>
      %add3A_3281 = arith.addi %add3A_3276, %select_n3A_3280 : vector<16xi32>
      %broadcast_in_dim3A_3282 = vector.shape_cast %max3A_19 : vector<16xi32> to vector<16x1xi32>
      %gather3A_3283 = vector.shape_cast %broadcast_in_dim3A_3282 : vector<16x1xi32> to vector<16xi32>
      %gather3A_3284 = tpu.dynamic_gather %add3A_3281[%gather3A_3283] in [0] : vector<16xi32>, vector<16xi32> -> vector<16xi32>
      %select_n3A_3285 = arith.select %ge3A_31, %gather3A_3284, %broadcast_in_dim3A_3 : vector<16xi1>, vector<16xi32>
      %add3A_3286 = arith.addi %add3A_3281, %select_n3A_3285 : vector<16xi32>
      %broadcast_in_dim3A_3287 = vector.shape_cast %max3A_23 : vector<16xi32> to vector<16x1xi32>
      %gather3A_3288 = vector.shape_cast %broadcast_in_dim3A_3287 : vector<16x1xi32> to vector<16xi32>
      %gather3A_3289 = tpu.dynamic_gather %add3A_3286[%gather3A_3288] in [0] : vector<16xi32>, vector<16xi32> -> vector<16xi32>
      %select_n3A_3290 = arith.select %ge3A_34, %gather3A_3289, %broadcast_in_dim3A_3 : vector<16xi1>, vector<16xi32>
      %add3A_3291 = arith.addi %add3A_3286, %select_n3A_3290 : vector<16xi32>
      %add3A_3292 = arith.addi %add3A_3291, %add3A_3266 : vector<16xi32>
      %mul3A_3293 = arith.muli %add3A_3292, %select_n3A_3271 : vector<16xi32>
      %convert_element_type3A_3294 = arith.sitofp %mul3A_3293 : vector<16xi32> to vector<16xf32>
      %swap3A_3295 = arith.constant 544 : index
      %swap3A_3296 = tpu.vector_load %arg7[%swap3A_3295] {strides = array<i32>} : memref<808xf32, #tpu.memory_space<vmem>>, vector<16xf32>,
      %swap3A_3297 = vector.shape_cast %swap3A_3296 : vector<16xf32> to vector<16xf32>
      %swap3A_3298 = vector.shape_cast %convert_element_type3A_3294 : vector<16xf32> to vector<16xf32>
      tpu.vector_store %arg7[%swap3A_3295], %swap3A_3298 {strides = array<i32>} : memref<808xf32, #tpu.memory_space<vmem>>, vector<16xf32>,
      %broadcast_in_dim3A_3299 = vector.shape_cast %broadcast_in_dim3A_36 : vector<16xi32> to vector<16x1xi32>
      %gather3A_3300 = vector.shape_cast %broadcast_in_dim3A_3299 : vector<16x1xi32> to vector<16xi32>
      %gather3A_3301 = tpu.dynamic_gather %add3A_3291[%gather3A_3300] in [0] : vector<16xi32>, vector<16xi32> -> vector<16xi32>
      %add3A_3302 = arith.addi %add3A_3266, %gather3A_3301 : vector<16xi32>
      %get3A_3303 = arith.constant 560 : index
      %get3A_3304 = tpu.vector_load %arg5[%get3A_3303] {strides = array<i32>} : memref<808xf32, #tpu.memory_space<vmem>>, vector<16xf32>,
      %get3A_3305 = vector.shape_cast %get3A_3304 : vector<16xf32> to vector<16xf32>
      %ne3A_3306 = arith.cmpf one, %get3A_3305, %broadcast_in_dim3A_5 : vector<16xf32>
      %select_n3A_3307 = arith.select %ne3A_3306, %broadcast_in_dim3A_7, %broadcast_in_dim3A_3 : vector<16xi1>, vector<16xi32>
      %broadcast_in_dim3A_3308 = vector.shape_cast %max3A : vector<16xi32> to vector<16x1xi32>
      %gather3A_3309 = vector.shape_cast %broadcast_in_dim3A_3308 : vector<16x1xi32> to vector<16xi32>
      %gather3A_3310 = tpu.dynamic_gather %select_n3A_3307[%gather3A_3309] in [0] : vector<16xi32>, vector<16xi32> -> vector<16xi32>
      %select_n3A_3311 = arith.select %ge3A, %gather3A_3310, %broadcast_in_dim3A_3 : vector<16xi1>, vector<16xi32>
      %add3A_3312 = arith.addi %select_n3A_3307, %select_n3A_3311 : vector<16xi32>
      %broadcast_in_dim3A_3313 = vector.shape_cast %max3A_15 : vector<16xi32> to vector<16x1xi32>
      %gather3A_3314 = vector.shape_cast %broadcast_in_dim3A_3313 : vector<16x1xi32> to vector<16xi32>
      %gather3A_3315 = tpu.dynamic_gather %add3A_3312[%gather3A_3314] in [0] : vector<16xi32>, vector<16xi32> -> vector<16xi32>
      %select_n3A_3316 = arith.select %ge3A_28, %gather3A_3315, %broadcast_in_dim3A_3 : vector<16xi1>, vector<16xi32>
      %add3A_3317 = arith.addi %add3A_3312, %select_n3A_3316 : vector<16xi32>
      %broadcast_in_dim3A_3318 = vector.shape_cast %max3A_19 : vector<16xi32> to vector<16x1xi32>
      %gather3A_3319 = vector.shape_cast %broadcast_in_dim3A_3318 : vector<16x1xi32> to vector<16xi32>
      %gather3A_3320 = tpu.dynamic_gather %add3A_3317[%gather3A_3319] in [0] : vector<16xi32>, vector<16xi32> -> vector<16xi32>
      %select_n3A_3321 = arith.select %ge3A_31, %gather3A_3320, %broadcast_in_dim3A_3 : vector<16xi1>, vector<16xi32>
      %add3A_3322 = arith.addi %add3A_3317, %select_n3A_3321 : vector<16xi32>
      %broadcast_in_dim3A_3323 = vector.shape_cast %max3A_23 : vector<16xi32> to vector<16x1xi32>
      %gather3A_3324 = vector.shape_cast %broadcast_in_dim3A_3323 : vector<16x1xi32> to vector<16xi32>
      %gather3A_3325 = tpu.dynamic_gather %add3A_3322[%gather3A_3324] in [0] : vector<16xi32>, vector<16xi32> -> vector<16xi32>
      %select_n3A_3326 = arith.select %ge3A_34, %gather3A_3325, %broadcast_in_dim3A_3 : vector<16xi1>, vector<16xi32>
      %add3A_3327 = arith.addi %add3A_3322, %select_n3A_3326 : vector<16xi32>
      %add3A_3328 = arith.addi %add3A_3327, %add3A_3302 : vector<16xi32>
      %mul3A_3329 = arith.muli %add3A_3328, %select_n3A_3307 : vector<16xi32>
      %convert_element_type3A_3330 = arith.sitofp %mul3A_3329 : vector<16xi32> to vector<16xf32>
      %swap3A_3331 = arith.constant 560 : index
      %swap3A_3332 = tpu.vector_load %arg7[%swap3A_3331] {strides = array<i32>} : memref<808xf32, #tpu.memory_space<vmem>>, vector<16xf32>,
      %swap3A_3333 = vector.shape_cast %swap3A_3332 : vector<16xf32> to vector<16xf32>
      %swap3A_3334 = vector.shape_cast %convert_element_type3A_3330 : vector<16xf32> to vector<16xf32>
      tpu.vector_store %arg7[%swap3A_3331], %swap3A_3334 {strides = array<i32>} : memref<808xf32, #tpu.memory_space<vmem>>, vector<16xf32>,
      %broadcast_in_dim3A_3335 = vector.shape_cast %broadcast_in_dim3A_36 : vector<16xi32> to vector<16x1xi32>
      %gather3A_3336 = vector.shape_cast %broadcast_in_dim3A_3335 : vector<16x1xi32> to vector<16xi32>
      %gather3A_3337 = tpu.dynamic_gather %add3A_3327[%gather3A_3336] in [0] : vector<16xi32>, vector<16xi32> -> vector<16xi32>
      %add3A_3338 = arith.addi %add3A_3302, %gather3A_3337 : vector<16xi32>
      %get3A_3339 = arith.constant 576 : index
      %get3A_3340 = tpu.vector_load %arg5[%get3A_3339] {strides = array<i32>} : memref<808xf32, #tpu.memory_space<vmem>>, vector<16xf32>,
      %get3A_3341 = vector.shape_cast %get3A_3340 : vector<16xf32> to vector<16xf32>
      %ne3A_3342 = arith.cmpf one, %get3A_3341, %broadcast_in_dim3A_5 : vector<16xf32>
      %select_n3A_3343 = arith.select %ne3A_3342, %broadcast_in_dim3A_7, %broadcast_in_dim3A_3 : vector<16xi1>, vector<16xi32>
      %broadcast_in_dim3A_3344 = vector.shape_cast %max3A : vector<16xi32> to vector<16x1xi32>
      %gather3A_3345 = vector.shape_cast %broadcast_in_dim3A_3344 : vector<16x1xi32> to vector<16xi32>
      %gather3A_3346 = tpu.dynamic_gather %select_n3A_3343[%gather3A_3345] in [0] : vector<16xi32>, vector<16xi32> -> vector<16xi32>
      %select_n3A_3347 = arith.select %ge3A, %gather3A_3346, %broadcast_in_dim3A_3 : vector<16xi1>, vector<16xi32>
      %add3A_3348 = arith.addi %select_n3A_3343, %select_n3A_3347 : vector<16xi32>
      %broadcast_in_dim3A_3349 = vector.shape_cast %max3A_15 : vector<16xi32> to vector<16x1xi32>
      %gather3A_3350 = vector.shape_cast %broadcast_in_dim3A_3349 : vector<16x1xi32> to vector<16xi32>
      %gather3A_3351 = tpu.dynamic_gather %add3A_3348[%gather3A_3350] in [0] : vector<16xi32>, vector<16xi32> -> vector<16xi32>
      %select_n3A_3352 = arith.select %ge3A_28, %gather3A_3351, %broadcast_in_dim3A_3 : vector<16xi1>, vector<16xi32>
      %add3A_3353 = arith.addi %add3A_3348, %select_n3A_3352 : vector<16xi32>
      %broadcast_in_dim3A_3354 = vector.shape_cast %max3A_19 : vector<16xi32> to vector<16x1xi32>
      %gather3A_3355 = vector.shape_cast %broadcast_in_dim3A_3354 : vector<16x1xi32> to vector<16xi32>
      %gather3A_3356 = tpu.dynamic_gather %add3A_3353[%gather3A_3355] in [0] : vector<16xi32>, vector<16xi32> -> vector<16xi32>
      %select_n3A_3357 = arith.select %ge3A_31, %gather3A_3356, %broadcast_in_dim3A_3 : vector<16xi1>, vector<16xi32>
      %add3A_3358 = arith.addi %add3A_3353, %select_n3A_3357 : vector<16xi32>
      %broadcast_in_dim3A_3359 = vector.shape_cast %max3A_23 : vector<16xi32> to vector<16x1xi32>
      %gather3A_3360 = vector.shape_cast %broadcast_in_dim3A_3359 : vector<16x1xi32> to vector<16xi32>
      %gather3A_3361 = tpu.dynamic_gather %add3A_3358[%gather3A_3360] in [0] : vector<16xi32>, vector<16xi32> -> vector<16xi32>
      %select_n3A_3362 = arith.select %ge3A_34, %gather3A_3361, %broadcast_in_dim3A_3 : vector<16xi1>, vector<16xi32>
      %add3A_3363 = arith.addi %add3A_3358, %select_n3A_3362 : vector<16xi32>
      %add3A_3364 = arith.addi %add3A_3363, %add3A_3338 : vector<16xi32>
      %mul3A_3365 = arith.muli %add3A_3364, %select_n3A_3343 : vector<16xi32>
      %convert_element_type3A_3366 = arith.sitofp %mul3A_3365 : vector<16xi32> to vector<16xf32>
      %swap3A_3367 = arith.constant 576 : index
      %swap3A_3368 = tpu.vector_load %arg7[%swap3A_3367] {strides = array<i32>} : memref<808xf32, #tpu.memory_space<vmem>>, vector<16xf32>,
      %swap3A_3369 = vector.shape_cast %swap3A_3368 : vector<16xf32> to vector<16xf32>
      %swap3A_3370 = vector.shape_cast %convert_element_type3A_3366 : vector<16xf32> to vector<16xf32>
      tpu.vector_store %arg7[%swap3A_3367], %swap3A_3370 {strides = array<i32>} : memref<808xf32, #tpu.memory_space<vmem>>, vector<16xf32>,
      %broadcast_in_dim3A_3371 = vector.shape_cast %broadcast_in_dim3A_36 : vector<16xi32> to vector<16x1xi32>
      %gather3A_3372 = vector.shape_cast %broadcast_in_dim3A_3371 : vector<16x1xi32> to vector<16xi32>
      %gather3A_3373 = tpu.dynamic_gather %add3A_3363[%gather3A_3372] in [0] : vector<16xi32>, vector<16xi32> -> vector<16xi32>
      %add3A_3374 = arith.addi %add3A_3338, %gather3A_3373 : vector<16xi32>
      %get3A_3375 = arith.constant 592 : index
      %get3A_3376 = tpu.vector_load %arg5[%get3A_3375] {strides = array<i32>} : memref<808xf32, #tpu.memory_space<vmem>>, vector<16xf32>,
      %get3A_3377 = vector.shape_cast %get3A_3376 : vector<16xf32> to vector<16xf32>
      %ne3A_3378 = arith.cmpf one, %get3A_3377, %broadcast_in_dim3A_5 : vector<16xf32>
      %and3A_3379 = arith.andi %ne3A_3378, %lt3A : vector<16xi1>
      %select_n3A_3380 = arith.select %and3A_3379, %broadcast_in_dim3A_7, %broadcast_in_dim3A_3 : vector<16xi1>, vector<16xi32>
      %broadcast_in_dim3A_3381 = vector.shape_cast %max3A : vector<16xi32> to vector<16x1xi32>
      %gather3A_3382 = vector.shape_cast %broadcast_in_dim3A_3381 : vector<16x1xi32> to vector<16xi32>
      %gather3A_3383 = tpu.dynamic_gather %select_n3A_3380[%gather3A_3382] in [0] : vector<16xi32>, vector<16xi32> -> vector<16xi32>
      %select_n3A_3384 = arith.select %ge3A, %gather3A_3383, %broadcast_in_dim3A_3 : vector<16xi1>, vector<16xi32>
      %add3A_3385 = arith.addi %select_n3A_3380, %select_n3A_3384 : vector<16xi32>
      %broadcast_in_dim3A_3386 = vector.shape_cast %max3A_15 : vector<16xi32> to vector<16x1xi32>
      %gather3A_3387 = vector.shape_cast %broadcast_in_dim3A_3386 : vector<16x1xi32> to vector<16xi32>
      %gather3A_3388 = tpu.dynamic_gather %add3A_3385[%gather3A_3387] in [0] : vector<16xi32>, vector<16xi32> -> vector<16xi32>
      %select_n3A_3389 = arith.select %ge3A_28, %gather3A_3388, %broadcast_in_dim3A_3 : vector<16xi1>, vector<16xi32>
      %add3A_3390 = arith.addi %add3A_3385, %select_n3A_3389 : vector<16xi32>
      %broadcast_in_dim3A_3391 = vector.shape_cast %max3A_19 : vector<16xi32> to vector<16x1xi32>
      %gather3A_3392 = vector.shape_cast %broadcast_in_dim3A_3391 : vector<16x1xi32> to vector<16xi32>
      %gather3A_3393 = tpu.dynamic_gather %add3A_3390[%gather3A_3392] in [0] : vector<16xi32>, vector<16xi32> -> vector<16xi32>
      %select_n3A_3394 = arith.select %ge3A_31, %gather3A_3393, %broadcast_in_dim3A_3 : vector<16xi1>, vector<16xi32>
      %add3A_3395 = arith.addi %add3A_3390, %select_n3A_3394 : vector<16xi32>
      %broadcast_in_dim3A_3396 = vector.shape_cast %max3A_23 : vector<16xi32> to vector<16x1xi32>
      %gather3A_3397 = vector.shape_cast %broadcast_in_dim3A_3396 : vector<16x1xi32> to vector<16xi32>
      %gather3A_3398 = tpu.dynamic_gather %add3A_3395[%gather3A_3397] in [0] : vector<16xi32>, vector<16xi32> -> vector<16xi32>
      %select_n3A_3399 = arith.select %ge3A_34, %gather3A_3398, %broadcast_in_dim3A_3 : vector<16xi1>, vector<16xi32>
      %add3A_3400 = arith.addi %add3A_3395, %select_n3A_3399 : vector<16xi32>
      %add3A_3401 = arith.addi %add3A_3400, %add3A_3374 : vector<16xi32>
      %mul3A_3402 = arith.muli %add3A_3401, %select_n3A_3380 : vector<16xi32>
      %convert_element_type3A_3403 = arith.sitofp %mul3A_3402 : vector<16xi32> to vector<16xf32>
      %swap3A_3404 = arith.constant 592 : index
      %swap3A_3405 = tpu.vector_load %arg7[%swap3A_3404] {strides = array<i32>} : memref<808xf32, #tpu.memory_space<vmem>>, vector<16xf32>,
      %swap3A_3406 = vector.shape_cast %swap3A_3405 : vector<16xf32> to vector<16xf32>
      %swap3A_3407 = vector.shape_cast %convert_element_type3A_3403 : vector<16xf32> to vector<16xf32>
      tpu.vector_store %arg7[%swap3A_3404], %swap3A_3407 {strides = array<i32>} : memref<808xf32, #tpu.memory_space<vmem>>, vector<16xf32>,
      %broadcast_in_dim3A_3408 = vector.shape_cast %broadcast_in_dim3A_36 : vector<16xi32> to vector<16x1xi32>
      %gather3A_3409 = vector.shape_cast %broadcast_in_dim3A_3408 : vector<16x1xi32> to vector<16xi32>
      %gather3A_3410 = tpu.dynamic_gather %add3A_3400[%gather3A_3409] in [0] : vector<16xi32>, vector<16xi32> -> vector<16xi32>
      %add3A_3411 = arith.addi %add3A_3374, %gather3A_3410 : vector<16xi32>
      %get3A_3412 = arith.constant 600 : index
      %get3A_3413 = tpu.vector_load %arg5[%get3A_3412] {strides = array<i32>} : memref<808xf32, #tpu.memory_space<vmem>>, vector<16xf32>,
      %get3A_3414 = vector.shape_cast %get3A_3413 : vector<16xf32> to vector<16xf32>
      %ne3A_3415 = arith.cmpf one, %get3A_3414, %broadcast_in_dim3A_5 : vector<16xf32>
      %select_n3A_3416 = arith.select %ne3A_3415, %broadcast_in_dim3A_7, %broadcast_in_dim3A_3 : vector<16xi1>, vector<16xi32>
      %broadcast_in_dim3A_3417 = vector.shape_cast %max3A : vector<16xi32> to vector<16x1xi32>
      %gather3A_3418 = vector.shape_cast %broadcast_in_dim3A_3417 : vector<16x1xi32> to vector<16xi32>
      %gather3A_3419 = tpu.dynamic_gather %select_n3A_3416[%gather3A_3418] in [0] : vector<16xi32>, vector<16xi32> -> vector<16xi32>
      %select_n3A_3420 = arith.select %ge3A, %gather3A_3419, %broadcast_in_dim3A_3 : vector<16xi1>, vector<16xi32>
      %add3A_3421 = arith.addi %select_n3A_3416, %select_n3A_3420 : vector<16xi32>
      %broadcast_in_dim3A_3422 = vector.shape_cast %max3A_15 : vector<16xi32> to vector<16x1xi32>
      %gather3A_3423 = vector.shape_cast %broadcast_in_dim3A_3422 : vector<16x1xi32> to vector<16xi32>
      %gather3A_3424 = tpu.dynamic_gather %add3A_3421[%gather3A_3423] in [0] : vector<16xi32>, vector<16xi32> -> vector<16xi32>
      %select_n3A_3425 = arith.select %ge3A_28, %gather3A_3424, %broadcast_in_dim3A_3 : vector<16xi1>, vector<16xi32>
      %add3A_3426 = arith.addi %add3A_3421, %select_n3A_3425 : vector<16xi32>
      %broadcast_in_dim3A_3427 = vector.shape_cast %max3A_19 : vector<16xi32> to vector<16x1xi32>
      %gather3A_3428 = vector.shape_cast %broadcast_in_dim3A_3427 : vector<16x1xi32> to vector<16xi32>
      %gather3A_3429 = tpu.dynamic_gather %add3A_3426[%gather3A_3428] in [0] : vector<16xi32>, vector<16xi32> -> vector<16xi32>
      %select_n3A_3430 = arith.select %ge3A_31, %gather3A_3429, %broadcast_in_dim3A_3 : vector<16xi1>, vector<16xi32>
      %add3A_3431 = arith.addi %add3A_3426, %select_n3A_3430 : vector<16xi32>
      %broadcast_in_dim3A_3432 = vector.shape_cast %max3A_23 : vector<16xi32> to vector<16x1xi32>
      %gather3A_3433 = vector.shape_cast %broadcast_in_dim3A_3432 : vector<16x1xi32> to vector<16xi32>
      %gather3A_3434 = tpu.dynamic_gather %add3A_3431[%gather3A_3433] in [0] : vector<16xi32>, vector<16xi32> -> vector<16xi32>
      %select_n3A_3435 = arith.select %ge3A_34, %gather3A_3434, %broadcast_in_dim3A_3 : vector<16xi1>, vector<16xi32>
      %add3A_3436 = arith.addi %add3A_3431, %select_n3A_3435 : vector<16xi32>
      %add3A_3437 = arith.addi %add3A_3436, %broadcast_in_dim3A_3 : vector<16xi32>
      %mul3A_3438 = arith.muli %add3A_3437, %select_n3A_3416 : vector<16xi32>
      %convert_element_type3A_3439 = arith.sitofp %mul3A_3438 : vector<16xi32> to vector<16xf32>
      %swap3A_3440 = arith.constant 600 : index
      %swap3A_3441 = tpu.vector_load %arg7[%swap3A_3440] {strides = array<i32>} : memref<808xf32, #tpu.memory_space<vmem>>, vector<16xf32>,
      %swap3A_3442 = vector.shape_cast %swap3A_3441 : vector<16xf32> to vector<16xf32>
      %swap3A_3443 = vector.shape_cast %convert_element_type3A_3439 : vector<16xf32> to vector<16xf32>
      tpu.vector_store %arg7[%swap3A_3440], %swap3A_3443 {strides = array<i32>} : memref<808xf32, #tpu.memory_space<vmem>>, vector<16xf32>,
      %broadcast_in_dim3A_3444 = vector.shape_cast %broadcast_in_dim3A_36 : vector<16xi32> to vector<16x1xi32>
      %gather3A_3445 = vector.shape_cast %broadcast_in_dim3A_3444 : vector<16x1xi32> to vector<16xi32>
      %gather3A_3446 = tpu.dynamic_gather %add3A_3436[%gather3A_3445] in [0] : vector<16xi32>, vector<16xi32> -> vector<16xi32>
      %add3A_3447 = arith.addi %broadcast_in_dim3A_3, %gather3A_3446 : vector<16xi32>
      %get3A_3448 = arith.constant 616 : index
      %get3A_3449 = tpu.vector_load %arg5[%get3A_3448] {strides = array<i32>} : memref<808xf32, #tpu.memory_space<vmem>>, vector<16xf32>,
      %get3A_3450 = vector.shape_cast %get3A_3449 : vector<16xf32> to vector<16xf32>
      %ne3A_3451 = arith.cmpf one, %get3A_3450, %broadcast_in_dim3A_5 : vector<16xf32>
      %select_n3A_3452 = arith.select %ne3A_3451, %broadcast_in_dim3A_7, %broadcast_in_dim3A_3 : vector<16xi1>, vector<16xi32>
      %broadcast_in_dim3A_3453 = vector.shape_cast %max3A : vector<16xi32> to vector<16x1xi32>
      %gather3A_3454 = vector.shape_cast %broadcast_in_dim3A_3453 : vector<16x1xi32> to vector<16xi32>
      %gather3A_3455 = tpu.dynamic_gather %select_n3A_3452[%gather3A_3454] in [0] : vector<16xi32>, vector<16xi32> -> vector<16xi32>
      %select_n3A_3456 = arith.select %ge3A, %gather3A_3455, %broadcast_in_dim3A_3 : vector<16xi1>, vector<16xi32>
      %add3A_3457 = arith.addi %select_n3A_3452, %select_n3A_3456 : vector<16xi32>
      %broadcast_in_dim3A_3458 = vector.shape_cast %max3A_15 : vector<16xi32> to vector<16x1xi32>
      %gather3A_3459 = vector.shape_cast %broadcast_in_dim3A_3458 : vector<16x1xi32> to vector<16xi32>
      %gather3A_3460 = tpu.dynamic_gather %add3A_3457[%gather3A_3459] in [0] : vector<16xi32>, vector<16xi32> -> vector<16xi32>
      %select_n3A_3461 = arith.select %ge3A_28, %gather3A_3460, %broadcast_in_dim3A_3 : vector<16xi1>, vector<16xi32>
      %add3A_3462 = arith.addi %add3A_3457, %select_n3A_3461 : vector<16xi32>
      %broadcast_in_dim3A_3463 = vector.shape_cast %max3A_19 : vector<16xi32> to vector<16x1xi32>
      %gather3A_3464 = vector.shape_cast %broadcast_in_dim3A_3463 : vector<16x1xi32> to vector<16xi32>
      %gather3A_3465 = tpu.dynamic_gather %add3A_3462[%gather3A_3464] in [0] : vector<16xi32>, vector<16xi32> -> vector<16xi32>
      %select_n3A_3466 = arith.select %ge3A_31, %gather3A_3465, %broadcast_in_dim3A_3 : vector<16xi1>, vector<16xi32>
      %add3A_3467 = arith.addi %add3A_3462, %select_n3A_3466 : vector<16xi32>
      %broadcast_in_dim3A_3468 = vector.shape_cast %max3A_23 : vector<16xi32> to vector<16x1xi32>
      %gather3A_3469 = vector.shape_cast %broadcast_in_dim3A_3468 : vector<16x1xi32> to vector<16xi32>
      %gather3A_3470 = tpu.dynamic_gather %add3A_3467[%gather3A_3469] in [0] : vector<16xi32>, vector<16xi32> -> vector<16xi32>
      %select_n3A_3471 = arith.select %ge3A_34, %gather3A_3470, %broadcast_in_dim3A_3 : vector<16xi1>, vector<16xi32>
      %add3A_3472 = arith.addi %add3A_3467, %select_n3A_3471 : vector<16xi32>
      %add3A_3473 = arith.addi %add3A_3472, %add3A_3447 : vector<16xi32>
      %mul3A_3474 = arith.muli %add3A_3473, %select_n3A_3452 : vector<16xi32>
      %convert_element_type3A_3475 = arith.sitofp %mul3A_3474 : vector<16xi32> to vector<16xf32>
      %swap3A_3476 = arith.constant 616 : index
      %swap3A_3477 = tpu.vector_load %arg7[%swap3A_3476] {strides = array<i32>} : memref<808xf32, #tpu.memory_space<vmem>>, vector<16xf32>,
      %swap3A_3478 = vector.shape_cast %swap3A_3477 : vector<16xf32> to vector<16xf32>
      %swap3A_3479 = vector.shape_cast %convert_element_type3A_3475 : vector<16xf32> to vector<16xf32>
      tpu.vector_store %arg7[%swap3A_3476], %swap3A_3479 {strides = array<i32>} : memref<808xf32, #tpu.memory_space<vmem>>, vector<16xf32>,
      %broadcast_in_dim3A_3480 = vector.shape_cast %broadcast_in_dim3A_36 : vector<16xi32> to vector<16x1xi32>
      %gather3A_3481 = vector.shape_cast %broadcast_in_dim3A_3480 : vector<16x1xi32> to vector<16xi32>
      %gather3A_3482 = tpu.dynamic_gather %add3A_3472[%gather3A_3481] in [0] : vector<16xi32>, vector<16xi32> -> vector<16xi32>
      %add3A_3483 = arith.addi %add3A_3447, %gather3A_3482 : vector<16xi32>
      %get3A_3484 = arith.constant 632 : index
      %get3A_3485 = tpu.vector_load %arg5[%get3A_3484] {strides = array<i32>} : memref<808xf32, #tpu.memory_space<vmem>>, vector<16xf32>,
      %get3A_3486 = vector.shape_cast %get3A_3485 : vector<16xf32> to vector<16xf32>
      %ne3A_3487 = arith.cmpf one, %get3A_3486, %broadcast_in_dim3A_5 : vector<16xf32>
      %select_n3A_3488 = arith.select %ne3A_3487, %broadcast_in_dim3A_7, %broadcast_in_dim3A_3 : vector<16xi1>, vector<16xi32>
      %broadcast_in_dim3A_3489 = vector.shape_cast %max3A : vector<16xi32> to vector<16x1xi32>
      %gather3A_3490 = vector.shape_cast %broadcast_in_dim3A_3489 : vector<16x1xi32> to vector<16xi32>
      %gather3A_3491 = tpu.dynamic_gather %select_n3A_3488[%gather3A_3490] in [0] : vector<16xi32>, vector<16xi32> -> vector<16xi32>
      %select_n3A_3492 = arith.select %ge3A, %gather3A_3491, %broadcast_in_dim3A_3 : vector<16xi1>, vector<16xi32>
      %add3A_3493 = arith.addi %select_n3A_3488, %select_n3A_3492 : vector<16xi32>
      %broadcast_in_dim3A_3494 = vector.shape_cast %max3A_15 : vector<16xi32> to vector<16x1xi32>
      %gather3A_3495 = vector.shape_cast %broadcast_in_dim3A_3494 : vector<16x1xi32> to vector<16xi32>
      %gather3A_3496 = tpu.dynamic_gather %add3A_3493[%gather3A_3495] in [0] : vector<16xi32>, vector<16xi32> -> vector<16xi32>
      %select_n3A_3497 = arith.select %ge3A_28, %gather3A_3496, %broadcast_in_dim3A_3 : vector<16xi1>, vector<16xi32>
      %add3A_3498 = arith.addi %add3A_3493, %select_n3A_3497 : vector<16xi32>
      %broadcast_in_dim3A_3499 = vector.shape_cast %max3A_19 : vector<16xi32> to vector<16x1xi32>
      %gather3A_3500 = vector.shape_cast %broadcast_in_dim3A_3499 : vector<16x1xi32> to vector<16xi32>
      %gather3A_3501 = tpu.dynamic_gather %add3A_3498[%gather3A_3500] in [0] : vector<16xi32>, vector<16xi32> -> vector<16xi32>
      %select_n3A_3502 = arith.select %ge3A_31, %gather3A_3501, %broadcast_in_dim3A_3 : vector<16xi1>, vector<16xi32>
      %add3A_3503 = arith.addi %add3A_3498, %select_n3A_3502 : vector<16xi32>
      %broadcast_in_dim3A_3504 = vector.shape_cast %max3A_23 : vector<16xi32> to vector<16x1xi32>
      %gather3A_3505 = vector.shape_cast %broadcast_in_dim3A_3504 : vector<16x1xi32> to vector<16xi32>
      %gather3A_3506 = tpu.dynamic_gather %add3A_3503[%gather3A_3505] in [0] : vector<16xi32>, vector<16xi32> -> vector<16xi32>
      %select_n3A_3507 = arith.select %ge3A_34, %gather3A_3506, %broadcast_in_dim3A_3 : vector<16xi1>, vector<16xi32>
      %add3A_3508 = arith.addi %add3A_3503, %select_n3A_3507 : vector<16xi32>
      %add3A_3509 = arith.addi %add3A_3508, %add3A_3483 : vector<16xi32>
      %mul3A_3510 = arith.muli %add3A_3509, %select_n3A_3488 : vector<16xi32>
      %convert_element_type3A_3511 = arith.sitofp %mul3A_3510 : vector<16xi32> to vector<16xf32>
      %swap3A_3512 = arith.constant 632 : index
      %swap3A_3513 = tpu.vector_load %arg7[%swap3A_3512] {strides = array<i32>} : memref<808xf32, #tpu.memory_space<vmem>>, vector<16xf32>,
      %swap3A_3514 = vector.shape_cast %swap3A_3513 : vector<16xf32> to vector<16xf32>
      %swap3A_3515 = vector.shape_cast %convert_element_type3A_3511 : vector<16xf32> to vector<16xf32>
      tpu.vector_store %arg7[%swap3A_3512], %swap3A_3515 {strides = array<i32>} : memref<808xf32, #tpu.memory_space<vmem>>, vector<16xf32>,
      %broadcast_in_dim3A_3516 = vector.shape_cast %broadcast_in_dim3A_36 : vector<16xi32> to vector<16x1xi32>
      %gather3A_3517 = vector.shape_cast %broadcast_in_dim3A_3516 : vector<16x1xi32> to vector<16xi32>
      %gather3A_3518 = tpu.dynamic_gather %add3A_3508[%gather3A_3517] in [0] : vector<16xi32>, vector<16xi32> -> vector<16xi32>
      %add3A_3519 = arith.addi %add3A_3483, %gather3A_3518 : vector<16xi32>
      %get3A_3520 = arith.constant 648 : index
      %get3A_3521 = tpu.vector_load %arg5[%get3A_3520] {strides = array<i32>} : memref<808xf32, #tpu.memory_space<vmem>>, vector<16xf32>,
      %get3A_3522 = vector.shape_cast %get3A_3521 : vector<16xf32> to vector<16xf32>
      %ne3A_3523 = arith.cmpf one, %get3A_3522, %broadcast_in_dim3A_5 : vector<16xf32>
      %select_n3A_3524 = arith.select %ne3A_3523, %broadcast_in_dim3A_7, %broadcast_in_dim3A_3 : vector<16xi1>, vector<16xi32>
      %broadcast_in_dim3A_3525 = vector.shape_cast %max3A : vector<16xi32> to vector<16x1xi32>
      %gather3A_3526 = vector.shape_cast %broadcast_in_dim3A_3525 : vector<16x1xi32> to vector<16xi32>
      %gather3A_3527 = tpu.dynamic_gather %select_n3A_3524[%gather3A_3526] in [0] : vector<16xi32>, vector<16xi32> -> vector<16xi32>
      %select_n3A_3528 = arith.select %ge3A, %gather3A_3527, %broadcast_in_dim3A_3 : vector<16xi1>, vector<16xi32>
      %add3A_3529 = arith.addi %select_n3A_3524, %select_n3A_3528 : vector<16xi32>
      %broadcast_in_dim3A_3530 = vector.shape_cast %max3A_15 : vector<16xi32> to vector<16x1xi32>
      %gather3A_3531 = vector.shape_cast %broadcast_in_dim3A_3530 : vector<16x1xi32> to vector<16xi32>
      %gather3A_3532 = tpu.dynamic_gather %add3A_3529[%gather3A_3531] in [0] : vector<16xi32>, vector<16xi32> -> vector<16xi32>
      %select_n3A_3533 = arith.select %ge3A_28, %gather3A_3532, %broadcast_in_dim3A_3 : vector<16xi1>, vector<16xi32>
      %add3A_3534 = arith.addi %add3A_3529, %select_n3A_3533 : vector<16xi32>
      %broadcast_in_dim3A_3535 = vector.shape_cast %max3A_19 : vector<16xi32> to vector<16x1xi32>
      %gather3A_3536 = vector.shape_cast %broadcast_in_dim3A_3535 : vector<16x1xi32> to vector<16xi32>
      %gather3A_3537 = tpu.dynamic_gather %add3A_3534[%gather3A_3536] in [0] : vector<16xi32>, vector<16xi32> -> vector<16xi32>
      %select_n3A_3538 = arith.select %ge3A_31, %gather3A_3537, %broadcast_in_dim3A_3 : vector<16xi1>, vector<16xi32>
      %add3A_3539 = arith.addi %add3A_3534, %select_n3A_3538 : vector<16xi32>
      %broadcast_in_dim3A_3540 = vector.shape_cast %max3A_23 : vector<16xi32> to vector<16x1xi32>
      %gather3A_3541 = vector.shape_cast %broadcast_in_dim3A_3540 : vector<16x1xi32> to vector<16xi32>
      %gather3A_3542 = tpu.dynamic_gather %add3A_3539[%gather3A_3541] in [0] : vector<16xi32>, vector<16xi32> -> vector<16xi32>
      %select_n3A_3543 = arith.select %ge3A_34, %gather3A_3542, %broadcast_in_dim3A_3 : vector<16xi1>, vector<16xi32>
      %add3A_3544 = arith.addi %add3A_3539, %select_n3A_3543 : vector<16xi32>
      %add3A_3545 = arith.addi %add3A_3544, %add3A_3519 : vector<16xi32>
      %mul3A_3546 = arith.muli %add3A_3545, %select_n3A_3524 : vector<16xi32>
      %convert_element_type3A_3547 = arith.sitofp %mul3A_3546 : vector<16xi32> to vector<16xf32>
      %swap3A_3548 = arith.constant 648 : index
      %swap3A_3549 = tpu.vector_load %arg7[%swap3A_3548] {strides = array<i32>} : memref<808xf32, #tpu.memory_space<vmem>>, vector<16xf32>,
      %swap3A_3550 = vector.shape_cast %swap3A_3549 : vector<16xf32> to vector<16xf32>
      %swap3A_3551 = vector.shape_cast %convert_element_type3A_3547 : vector<16xf32> to vector<16xf32>
      tpu.vector_store %arg7[%swap3A_3548], %swap3A_3551 {strides = array<i32>} : memref<808xf32, #tpu.memory_space<vmem>>, vector<16xf32>,
      %broadcast_in_dim3A_3552 = vector.shape_cast %broadcast_in_dim3A_36 : vector<16xi32> to vector<16x1xi32>
      %gather3A_3553 = vector.shape_cast %broadcast_in_dim3A_3552 : vector<16x1xi32> to vector<16xi32>
      %gather3A_3554 = tpu.dynamic_gather %add3A_3544[%gather3A_3553] in [0] : vector<16xi32>, vector<16xi32> -> vector<16xi32>
      %add3A_3555 = arith.addi %add3A_3519, %gather3A_3554 : vector<16xi32>
      %get3A_3556 = arith.constant 664 : index
      %get3A_3557 = tpu.vector_load %arg5[%get3A_3556] {strides = array<i32>} : memref<808xf32, #tpu.memory_space<vmem>>, vector<16xf32>,
      %get3A_3558 = vector.shape_cast %get3A_3557 : vector<16xf32> to vector<16xf32>
      %ne3A_3559 = arith.cmpf one, %get3A_3558, %broadcast_in_dim3A_5 : vector<16xf32>
      %select_n3A_3560 = arith.select %ne3A_3559, %broadcast_in_dim3A_7, %broadcast_in_dim3A_3 : vector<16xi1>, vector<16xi32>
      %broadcast_in_dim3A_3561 = vector.shape_cast %max3A : vector<16xi32> to vector<16x1xi32>
      %gather3A_3562 = vector.shape_cast %broadcast_in_dim3A_3561 : vector<16x1xi32> to vector<16xi32>
      %gather3A_3563 = tpu.dynamic_gather %select_n3A_3560[%gather3A_3562] in [0] : vector<16xi32>, vector<16xi32> -> vector<16xi32>
      %select_n3A_3564 = arith.select %ge3A, %gather3A_3563, %broadcast_in_dim3A_3 : vector<16xi1>, vector<16xi32>
      %add3A_3565 = arith.addi %select_n3A_3560, %select_n3A_3564 : vector<16xi32>
      %broadcast_in_dim3A_3566 = vector.shape_cast %max3A_15 : vector<16xi32> to vector<16x1xi32>
      %gather3A_3567 = vector.shape_cast %broadcast_in_dim3A_3566 : vector<16x1xi32> to vector<16xi32>
      %gather3A_3568 = tpu.dynamic_gather %add3A_3565[%gather3A_3567] in [0] : vector<16xi32>, vector<16xi32> -> vector<16xi32>
      %select_n3A_3569 = arith.select %ge3A_28, %gather3A_3568, %broadcast_in_dim3A_3 : vector<16xi1>, vector<16xi32>
      %add3A_3570 = arith.addi %add3A_3565, %select_n3A_3569 : vector<16xi32>
      %broadcast_in_dim3A_3571 = vector.shape_cast %max3A_19 : vector<16xi32> to vector<16x1xi32>
      %gather3A_3572 = vector.shape_cast %broadcast_in_dim3A_3571 : vector<16x1xi32> to vector<16xi32>
      %gather3A_3573 = tpu.dynamic_gather %add3A_3570[%gather3A_3572] in [0] : vector<16xi32>, vector<16xi32> -> vector<16xi32>
      %select_n3A_3574 = arith.select %ge3A_31, %gather3A_3573, %broadcast_in_dim3A_3 : vector<16xi1>, vector<16xi32>
      %add3A_3575 = arith.addi %add3A_3570, %select_n3A_3574 : vector<16xi32>
      %broadcast_in_dim3A_3576 = vector.shape_cast %max3A_23 : vector<16xi32> to vector<16x1xi32>
      %gather3A_3577 = vector.shape_cast %broadcast_in_dim3A_3576 : vector<16x1xi32> to vector<16xi32>
      %gather3A_3578 = tpu.dynamic_gather %add3A_3575[%gather3A_3577] in [0] : vector<16xi32>, vector<16xi32> -> vector<16xi32>
      %select_n3A_3579 = arith.select %ge3A_34, %gather3A_3578, %broadcast_in_dim3A_3 : vector<16xi1>, vector<16xi32>
      %add3A_3580 = arith.addi %add3A_3575, %select_n3A_3579 : vector<16xi32>
      %add3A_3581 = arith.addi %add3A_3580, %add3A_3555 : vector<16xi32>
      %mul3A_3582 = arith.muli %add3A_3581, %select_n3A_3560 : vector<16xi32>
      %convert_element_type3A_3583 = arith.sitofp %mul3A_3582 : vector<16xi32> to vector<16xf32>
      %swap3A_3584 = arith.constant 664 : index
      %swap3A_3585 = tpu.vector_load %arg7[%swap3A_3584] {strides = array<i32>} : memref<808xf32, #tpu.memory_space<vmem>>, vector<16xf32>,
      %swap3A_3586 = vector.shape_cast %swap3A_3585 : vector<16xf32> to vector<16xf32>
      %swap3A_3587 = vector.shape_cast %convert_element_type3A_3583 : vector<16xf32> to vector<16xf32>
      tpu.vector_store %arg7[%swap3A_3584], %swap3A_3587 {strides = array<i32>} : memref<808xf32, #tpu.memory_space<vmem>>, vector<16xf32>,
      %broadcast_in_dim3A_3588 = vector.shape_cast %broadcast_in_dim3A_36 : vector<16xi32> to vector<16x1xi32>
      %gather3A_3589 = vector.shape_cast %broadcast_in_dim3A_3588 : vector<16x1xi32> to vector<16xi32>
      %gather3A_3590 = tpu.dynamic_gather %add3A_3580[%gather3A_3589] in [0] : vector<16xi32>, vector<16xi32> -> vector<16xi32>
      %add3A_3591 = arith.addi %add3A_3555, %gather3A_3590 : vector<16xi32>
      %get3A_3592 = arith.constant 680 : index
      %get3A_3593 = tpu.vector_load %arg5[%get3A_3592] {strides = array<i32>} : memref<808xf32, #tpu.memory_space<vmem>>, vector<16xf32>,
      %get3A_3594 = vector.shape_cast %get3A_3593 : vector<16xf32> to vector<16xf32>
      %ne3A_3595 = arith.cmpf one, %get3A_3594, %broadcast_in_dim3A_5 : vector<16xf32>
      %select_n3A_3596 = arith.select %ne3A_3595, %broadcast_in_dim3A_7, %broadcast_in_dim3A_3 : vector<16xi1>, vector<16xi32>
      %broadcast_in_dim3A_3597 = vector.shape_cast %max3A : vector<16xi32> to vector<16x1xi32>
      %gather3A_3598 = vector.shape_cast %broadcast_in_dim3A_3597 : vector<16x1xi32> to vector<16xi32>
      %gather3A_3599 = tpu.dynamic_gather %select_n3A_3596[%gather3A_3598] in [0] : vector<16xi32>, vector<16xi32> -> vector<16xi32>
      %select_n3A_3600 = arith.select %ge3A, %gather3A_3599, %broadcast_in_dim3A_3 : vector<16xi1>, vector<16xi32>
      %add3A_3601 = arith.addi %select_n3A_3596, %select_n3A_3600 : vector<16xi32>
      %broadcast_in_dim3A_3602 = vector.shape_cast %max3A_15 : vector<16xi32> to vector<16x1xi32>
      %gather3A_3603 = vector.shape_cast %broadcast_in_dim3A_3602 : vector<16x1xi32> to vector<16xi32>
      %gather3A_3604 = tpu.dynamic_gather %add3A_3601[%gather3A_3603] in [0] : vector<16xi32>, vector<16xi32> -> vector<16xi32>
      %select_n3A_3605 = arith.select %ge3A_28, %gather3A_3604, %broadcast_in_dim3A_3 : vector<16xi1>, vector<16xi32>
      %add3A_3606 = arith.addi %add3A_3601, %select_n3A_3605 : vector<16xi32>
      %broadcast_in_dim3A_3607 = vector.shape_cast %max3A_19 : vector<16xi32> to vector<16x1xi32>
      %gather3A_3608 = vector.shape_cast %broadcast_in_dim3A_3607 : vector<16x1xi32> to vector<16xi32>
      %gather3A_3609 = tpu.dynamic_gather %add3A_3606[%gather3A_3608] in [0] : vector<16xi32>, vector<16xi32> -> vector<16xi32>
      %select_n3A_3610 = arith.select %ge3A_31, %gather3A_3609, %broadcast_in_dim3A_3 : vector<16xi1>, vector<16xi32>
      %add3A_3611 = arith.addi %add3A_3606, %select_n3A_3610 : vector<16xi32>
      %broadcast_in_dim3A_3612 = vector.shape_cast %max3A_23 : vector<16xi32> to vector<16x1xi32>
      %gather3A_3613 = vector.shape_cast %broadcast_in_dim3A_3612 : vector<16x1xi32> to vector<16xi32>
      %gather3A_3614 = tpu.dynamic_gather %add3A_3611[%gather3A_3613] in [0] : vector<16xi32>, vector<16xi32> -> vector<16xi32>
      %select_n3A_3615 = arith.select %ge3A_34, %gather3A_3614, %broadcast_in_dim3A_3 : vector<16xi1>, vector<16xi32>
      %add3A_3616 = arith.addi %add3A_3611, %select_n3A_3615 : vector<16xi32>
      %add3A_3617 = arith.addi %add3A_3616, %add3A_3591 : vector<16xi32>
      %mul3A_3618 = arith.muli %add3A_3617, %select_n3A_3596 : vector<16xi32>
      %convert_element_type3A_3619 = arith.sitofp %mul3A_3618 : vector<16xi32> to vector<16xf32>
      %swap3A_3620 = arith.constant 680 : index
      %swap3A_3621 = tpu.vector_load %arg7[%swap3A_3620] {strides = array<i32>} : memref<808xf32, #tpu.memory_space<vmem>>, vector<16xf32>,
      %swap3A_3622 = vector.shape_cast %swap3A_3621 : vector<16xf32> to vector<16xf32>
      %swap3A_3623 = vector.shape_cast %convert_element_type3A_3619 : vector<16xf32> to vector<16xf32>
      tpu.vector_store %arg7[%swap3A_3620], %swap3A_3623 {strides = array<i32>} : memref<808xf32, #tpu.memory_space<vmem>>, vector<16xf32>,
      %broadcast_in_dim3A_3624 = vector.shape_cast %broadcast_in_dim3A_36 : vector<16xi32> to vector<16x1xi32>
      %gather3A_3625 = vector.shape_cast %broadcast_in_dim3A_3624 : vector<16x1xi32> to vector<16xi32>
      %gather3A_3626 = tpu.dynamic_gather %add3A_3616[%gather3A_3625] in [0] : vector<16xi32>, vector<16xi32> -> vector<16xi32>
      %add3A_3627 = arith.addi %add3A_3591, %gather3A_3626 : vector<16xi32>
      %get3A_3628 = arith.constant 696 : index
      %get3A_3629 = tpu.vector_load %arg5[%get3A_3628] {strides = array<i32>} : memref<808xf32, #tpu.memory_space<vmem>>, vector<16xf32>,
      %get3A_3630 = vector.shape_cast %get3A_3629 : vector<16xf32> to vector<16xf32>
      %ne3A_3631 = arith.cmpf one, %get3A_3630, %broadcast_in_dim3A_5 : vector<16xf32>
      %select_n3A_3632 = arith.select %ne3A_3631, %broadcast_in_dim3A_7, %broadcast_in_dim3A_3 : vector<16xi1>, vector<16xi32>
      %broadcast_in_dim3A_3633 = vector.shape_cast %max3A : vector<16xi32> to vector<16x1xi32>
      %gather3A_3634 = vector.shape_cast %broadcast_in_dim3A_3633 : vector<16x1xi32> to vector<16xi32>
      %gather3A_3635 = tpu.dynamic_gather %select_n3A_3632[%gather3A_3634] in [0] : vector<16xi32>, vector<16xi32> -> vector<16xi32>
      %select_n3A_3636 = arith.select %ge3A, %gather3A_3635, %broadcast_in_dim3A_3 : vector<16xi1>, vector<16xi32>
      %add3A_3637 = arith.addi %select_n3A_3632, %select_n3A_3636 : vector<16xi32>
      %broadcast_in_dim3A_3638 = vector.shape_cast %max3A_15 : vector<16xi32> to vector<16x1xi32>
      %gather3A_3639 = vector.shape_cast %broadcast_in_dim3A_3638 : vector<16x1xi32> to vector<16xi32>
      %gather3A_3640 = tpu.dynamic_gather %add3A_3637[%gather3A_3639] in [0] : vector<16xi32>, vector<16xi32> -> vector<16xi32>
      %select_n3A_3641 = arith.select %ge3A_28, %gather3A_3640, %broadcast_in_dim3A_3 : vector<16xi1>, vector<16xi32>
      %add3A_3642 = arith.addi %add3A_3637, %select_n3A_3641 : vector<16xi32>
      %broadcast_in_dim3A_3643 = vector.shape_cast %max3A_19 : vector<16xi32> to vector<16x1xi32>
      %gather3A_3644 = vector.shape_cast %broadcast_in_dim3A_3643 : vector<16x1xi32> to vector<16xi32>
      %gather3A_3645 = tpu.dynamic_gather %add3A_3642[%gather3A_3644] in [0] : vector<16xi32>, vector<16xi32> -> vector<16xi32>
      %select_n3A_3646 = arith.select %ge3A_31, %gather3A_3645, %broadcast_in_dim3A_3 : vector<16xi1>, vector<16xi32>
      %add3A_3647 = arith.addi %add3A_3642, %select_n3A_3646 : vector<16xi32>
      %broadcast_in_dim3A_3648 = vector.shape_cast %max3A_23 : vector<16xi32> to vector<16x1xi32>
      %gather3A_3649 = vector.shape_cast %broadcast_in_dim3A_3648 : vector<16x1xi32> to vector<16xi32>
      %gather3A_3650 = tpu.dynamic_gather %add3A_3647[%gather3A_3649] in [0] : vector<16xi32>, vector<16xi32> -> vector<16xi32>
      %select_n3A_3651 = arith.select %ge3A_34, %gather3A_3650, %broadcast_in_dim3A_3 : vector<16xi1>, vector<16xi32>
      %add3A_3652 = arith.addi %add3A_3647, %select_n3A_3651 : vector<16xi32>
      %add3A_3653 = arith.addi %add3A_3652, %add3A_3627 : vector<16xi32>
      %mul3A_3654 = arith.muli %add3A_3653, %select_n3A_3632 : vector<16xi32>
      %convert_element_type3A_3655 = arith.sitofp %mul3A_3654 : vector<16xi32> to vector<16xf32>
      %swap3A_3656 = arith.constant 696 : index
      %swap3A_3657 = tpu.vector_load %arg7[%swap3A_3656] {strides = array<i32>} : memref<808xf32, #tpu.memory_space<vmem>>, vector<16xf32>,
      %swap3A_3658 = vector.shape_cast %swap3A_3657 : vector<16xf32> to vector<16xf32>
      %swap3A_3659 = vector.shape_cast %convert_element_type3A_3655 : vector<16xf32> to vector<16xf32>
      tpu.vector_store %arg7[%swap3A_3656], %swap3A_3659 {strides = array<i32>} : memref<808xf32, #tpu.memory_space<vmem>>, vector<16xf32>,
      %broadcast_in_dim3A_3660 = vector.shape_cast %broadcast_in_dim3A_36 : vector<16xi32> to vector<16x1xi32>
      %gather3A_3661 = vector.shape_cast %broadcast_in_dim3A_3660 : vector<16x1xi32> to vector<16xi32>
      %gather3A_3662 = tpu.dynamic_gather %add3A_3652[%gather3A_3661] in [0] : vector<16xi32>, vector<16xi32> -> vector<16xi32>
      %add3A_3663 = arith.addi %add3A_3627, %gather3A_3662 : vector<16xi32>
      %get3A_3664 = arith.constant 712 : index
      %get3A_3665 = tpu.vector_load %arg5[%get3A_3664] {strides = array<i32>} : memref<808xf32, #tpu.memory_space<vmem>>, vector<16xf32>,
      %get3A_3666 = vector.shape_cast %get3A_3665 : vector<16xf32> to vector<16xf32>
      %ne3A_3667 = arith.cmpf one, %get3A_3666, %broadcast_in_dim3A_5 : vector<16xf32>
      %select_n3A_3668 = arith.select %ne3A_3667, %broadcast_in_dim3A_7, %broadcast_in_dim3A_3 : vector<16xi1>, vector<16xi32>
      %broadcast_in_dim3A_3669 = vector.shape_cast %max3A : vector<16xi32> to vector<16x1xi32>
      %gather3A_3670 = vector.shape_cast %broadcast_in_dim3A_3669 : vector<16x1xi32> to vector<16xi32>
      %gather3A_3671 = tpu.dynamic_gather %select_n3A_3668[%gather3A_3670] in [0] : vector<16xi32>, vector<16xi32> -> vector<16xi32>
      %select_n3A_3672 = arith.select %ge3A, %gather3A_3671, %broadcast_in_dim3A_3 : vector<16xi1>, vector<16xi32>
      %add3A_3673 = arith.addi %select_n3A_3668, %select_n3A_3672 : vector<16xi32>
      %broadcast_in_dim3A_3674 = vector.shape_cast %max3A_15 : vector<16xi32> to vector<16x1xi32>
      %gather3A_3675 = vector.shape_cast %broadcast_in_dim3A_3674 : vector<16x1xi32> to vector<16xi32>
      %gather3A_3676 = tpu.dynamic_gather %add3A_3673[%gather3A_3675] in [0] : vector<16xi32>, vector<16xi32> -> vector<16xi32>
      %select_n3A_3677 = arith.select %ge3A_28, %gather3A_3676, %broadcast_in_dim3A_3 : vector<16xi1>, vector<16xi32>
      %add3A_3678 = arith.addi %add3A_3673, %select_n3A_3677 : vector<16xi32>
      %broadcast_in_dim3A_3679 = vector.shape_cast %max3A_19 : vector<16xi32> to vector<16x1xi32>
      %gather3A_3680 = vector.shape_cast %broadcast_in_dim3A_3679 : vector<16x1xi32> to vector<16xi32>
      %gather3A_3681 = tpu.dynamic_gather %add3A_3678[%gather3A_3680] in [0] : vector<16xi32>, vector<16xi32> -> vector<16xi32>
      %select_n3A_3682 = arith.select %ge3A_31, %gather3A_3681, %broadcast_in_dim3A_3 : vector<16xi1>, vector<16xi32>
      %add3A_3683 = arith.addi %add3A_3678, %select_n3A_3682 : vector<16xi32>
      %broadcast_in_dim3A_3684 = vector.shape_cast %max3A_23 : vector<16xi32> to vector<16x1xi32>
      %gather3A_3685 = vector.shape_cast %broadcast_in_dim3A_3684 : vector<16x1xi32> to vector<16xi32>
      %gather3A_3686 = tpu.dynamic_gather %add3A_3683[%gather3A_3685] in [0] : vector<16xi32>, vector<16xi32> -> vector<16xi32>
      %select_n3A_3687 = arith.select %ge3A_34, %gather3A_3686, %broadcast_in_dim3A_3 : vector<16xi1>, vector<16xi32>
      %add3A_3688 = arith.addi %add3A_3683, %select_n3A_3687 : vector<16xi32>
      %add3A_3689 = arith.addi %add3A_3688, %add3A_3663 : vector<16xi32>
      %mul3A_3690 = arith.muli %add3A_3689, %select_n3A_3668 : vector<16xi32>
      %convert_element_type3A_3691 = arith.sitofp %mul3A_3690 : vector<16xi32> to vector<16xf32>
      %swap3A_3692 = arith.constant 712 : index
      %swap3A_3693 = tpu.vector_load %arg7[%swap3A_3692] {strides = array<i32>} : memref<808xf32, #tpu.memory_space<vmem>>, vector<16xf32>,
      %swap3A_3694 = vector.shape_cast %swap3A_3693 : vector<16xf32> to vector<16xf32>
      %swap3A_3695 = vector.shape_cast %convert_element_type3A_3691 : vector<16xf32> to vector<16xf32>
      tpu.vector_store %arg7[%swap3A_3692], %swap3A_3695 {strides = array<i32>} : memref<808xf32, #tpu.memory_space<vmem>>, vector<16xf32>,
      %broadcast_in_dim3A_3696 = vector.shape_cast %broadcast_in_dim3A_36 : vector<16xi32> to vector<16x1xi32>
      %gather3A_3697 = vector.shape_cast %broadcast_in_dim3A_3696 : vector<16x1xi32> to vector<16xi32>
      %gather3A_3698 = tpu.dynamic_gather %add3A_3688[%gather3A_3697] in [0] : vector<16xi32>, vector<16xi32> -> vector<16xi32>
      %add3A_3699 = arith.addi %add3A_3663, %gather3A_3698 : vector<16xi32>
      %get3A_3700 = arith.constant 728 : index
      %get3A_3701 = tpu.vector_load %arg5[%get3A_3700] {strides = array<i32>} : memref<808xf32, #tpu.memory_space<vmem>>, vector<16xf32>,
      %get3A_3702 = vector.shape_cast %get3A_3701 : vector<16xf32> to vector<16xf32>
      %ne3A_3703 = arith.cmpf one, %get3A_3702, %broadcast_in_dim3A_5 : vector<16xf32>
      %select_n3A_3704 = arith.select %ne3A_3703, %broadcast_in_dim3A_7, %broadcast_in_dim3A_3 : vector<16xi1>, vector<16xi32>
      %broadcast_in_dim3A_3705 = vector.shape_cast %max3A : vector<16xi32> to vector<16x1xi32>
      %gather3A_3706 = vector.shape_cast %broadcast_in_dim3A_3705 : vector<16x1xi32> to vector<16xi32>
      %gather3A_3707 = tpu.dynamic_gather %select_n3A_3704[%gather3A_3706] in [0] : vector<16xi32>, vector<16xi32> -> vector<16xi32>
      %select_n3A_3708 = arith.select %ge3A, %gather3A_3707, %broadcast_in_dim3A_3 : vector<16xi1>, vector<16xi32>
      %add3A_3709 = arith.addi %select_n3A_3704, %select_n3A_3708 : vector<16xi32>
      %broadcast_in_dim3A_3710 = vector.shape_cast %max3A_15 : vector<16xi32> to vector<16x1xi32>
      %gather3A_3711 = vector.shape_cast %broadcast_in_dim3A_3710 : vector<16x1xi32> to vector<16xi32>
      %gather3A_3712 = tpu.dynamic_gather %add3A_3709[%gather3A_3711] in [0] : vector<16xi32>, vector<16xi32> -> vector<16xi32>
      %select_n3A_3713 = arith.select %ge3A_28, %gather3A_3712, %broadcast_in_dim3A_3 : vector<16xi1>, vector<16xi32>
      %add3A_3714 = arith.addi %add3A_3709, %select_n3A_3713 : vector<16xi32>
      %broadcast_in_dim3A_3715 = vector.shape_cast %max3A_19 : vector<16xi32> to vector<16x1xi32>
      %gather3A_3716 = vector.shape_cast %broadcast_in_dim3A_3715 : vector<16x1xi32> to vector<16xi32>
      %gather3A_3717 = tpu.dynamic_gather %add3A_3714[%gather3A_3716] in [0] : vector<16xi32>, vector<16xi32> -> vector<16xi32>
      %select_n3A_3718 = arith.select %ge3A_31, %gather3A_3717, %broadcast_in_dim3A_3 : vector<16xi1>, vector<16xi32>
      %add3A_3719 = arith.addi %add3A_3714, %select_n3A_3718 : vector<16xi32>
      %broadcast_in_dim3A_3720 = vector.shape_cast %max3A_23 : vector<16xi32> to vector<16x1xi32>
      %gather3A_3721 = vector.shape_cast %broadcast_in_dim3A_3720 : vector<16x1xi32> to vector<16xi32>
      %gather3A_3722 = tpu.dynamic_gather %add3A_3719[%gather3A_3721] in [0] : vector<16xi32>, vector<16xi32> -> vector<16xi32>
      %select_n3A_3723 = arith.select %ge3A_34, %gather3A_3722, %broadcast_in_dim3A_3 : vector<16xi1>, vector<16xi32>
      %add3A_3724 = arith.addi %add3A_3719, %select_n3A_3723 : vector<16xi32>
      %add3A_3725 = arith.addi %add3A_3724, %add3A_3699 : vector<16xi32>
      %mul3A_3726 = arith.muli %add3A_3725, %select_n3A_3704 : vector<16xi32>
      %convert_element_type3A_3727 = arith.sitofp %mul3A_3726 : vector<16xi32> to vector<16xf32>
      %swap3A_3728 = arith.constant 728 : index
      %swap3A_3729 = tpu.vector_load %arg7[%swap3A_3728] {strides = array<i32>} : memref<808xf32, #tpu.memory_space<vmem>>, vector<16xf32>,
      %swap3A_3730 = vector.shape_cast %swap3A_3729 : vector<16xf32> to vector<16xf32>
      %swap3A_3731 = vector.shape_cast %convert_element_type3A_3727 : vector<16xf32> to vector<16xf32>
      tpu.vector_store %arg7[%swap3A_3728], %swap3A_3731 {strides = array<i32>} : memref<808xf32, #tpu.memory_space<vmem>>, vector<16xf32>,
      %broadcast_in_dim3A_3732 = vector.shape_cast %broadcast_in_dim3A_36 : vector<16xi32> to vector<16x1xi32>
      %gather3A_3733 = vector.shape_cast %broadcast_in_dim3A_3732 : vector<16x1xi32> to vector<16xi32>
      %gather3A_3734 = tpu.dynamic_gather %add3A_3724[%gather3A_3733] in [0] : vector<16xi32>, vector<16xi32> -> vector<16xi32>
      %add3A_3735 = arith.addi %add3A_3699, %gather3A_3734 : vector<16xi32>
      %get3A_3736 = arith.constant 744 : index
      %get3A_3737 = tpu.vector_load %arg5[%get3A_3736] {strides = array<i32>} : memref<808xf32, #tpu.memory_space<vmem>>, vector<16xf32>,
      %get3A_3738 = vector.shape_cast %get3A_3737 : vector<16xf32> to vector<16xf32>
      %ne3A_3739 = arith.cmpf one, %get3A_3738, %broadcast_in_dim3A_5 : vector<16xf32>
      %select_n3A_3740 = arith.select %ne3A_3739, %broadcast_in_dim3A_7, %broadcast_in_dim3A_3 : vector<16xi1>, vector<16xi32>
      %broadcast_in_dim3A_3741 = vector.shape_cast %max3A : vector<16xi32> to vector<16x1xi32>
      %gather3A_3742 = vector.shape_cast %broadcast_in_dim3A_3741 : vector<16x1xi32> to vector<16xi32>
      %gather3A_3743 = tpu.dynamic_gather %select_n3A_3740[%gather3A_3742] in [0] : vector<16xi32>, vector<16xi32> -> vector<16xi32>
      %select_n3A_3744 = arith.select %ge3A, %gather3A_3743, %broadcast_in_dim3A_3 : vector<16xi1>, vector<16xi32>
      %add3A_3745 = arith.addi %select_n3A_3740, %select_n3A_3744 : vector<16xi32>
      %broadcast_in_dim3A_3746 = vector.shape_cast %max3A_15 : vector<16xi32> to vector<16x1xi32>
      %gather3A_3747 = vector.shape_cast %broadcast_in_dim3A_3746 : vector<16x1xi32> to vector<16xi32>
      %gather3A_3748 = tpu.dynamic_gather %add3A_3745[%gather3A_3747] in [0] : vector<16xi32>, vector<16xi32> -> vector<16xi32>
      %select_n3A_3749 = arith.select %ge3A_28, %gather3A_3748, %broadcast_in_dim3A_3 : vector<16xi1>, vector<16xi32>
      %add3A_3750 = arith.addi %add3A_3745, %select_n3A_3749 : vector<16xi32>
      %broadcast_in_dim3A_3751 = vector.shape_cast %max3A_19 : vector<16xi32> to vector<16x1xi32>
      %gather3A_3752 = vector.shape_cast %broadcast_in_dim3A_3751 : vector<16x1xi32> to vector<16xi32>
      %gather3A_3753 = tpu.dynamic_gather %add3A_3750[%gather3A_3752] in [0] : vector<16xi32>, vector<16xi32> -> vector<16xi32>
      %select_n3A_3754 = arith.select %ge3A_31, %gather3A_3753, %broadcast_in_dim3A_3 : vector<16xi1>, vector<16xi32>
      %add3A_3755 = arith.addi %add3A_3750, %select_n3A_3754 : vector<16xi32>
      %broadcast_in_dim3A_3756 = vector.shape_cast %max3A_23 : vector<16xi32> to vector<16x1xi32>
      %gather3A_3757 = vector.shape_cast %broadcast_in_dim3A_3756 : vector<16x1xi32> to vector<16xi32>
      %gather3A_3758 = tpu.dynamic_gather %add3A_3755[%gather3A_3757] in [0] : vector<16xi32>, vector<16xi32> -> vector<16xi32>
      %select_n3A_3759 = arith.select %ge3A_34, %gather3A_3758, %broadcast_in_dim3A_3 : vector<16xi1>, vector<16xi32>
      %add3A_3760 = arith.addi %add3A_3755, %select_n3A_3759 : vector<16xi32>
      %add3A_3761 = arith.addi %add3A_3760, %add3A_3735 : vector<16xi32>
      %mul3A_3762 = arith.muli %add3A_3761, %select_n3A_3740 : vector<16xi32>
      %convert_element_type3A_3763 = arith.sitofp %mul3A_3762 : vector<16xi32> to vector<16xf32>
      %swap3A_3764 = arith.constant 744 : index
      %swap3A_3765 = tpu.vector_load %arg7[%swap3A_3764] {strides = array<i32>} : memref<808xf32, #tpu.memory_space<vmem>>, vector<16xf32>,
      %swap3A_3766 = vector.shape_cast %swap3A_3765 : vector<16xf32> to vector<16xf32>
      %swap3A_3767 = vector.shape_cast %convert_element_type3A_3763 : vector<16xf32> to vector<16xf32>
      tpu.vector_store %arg7[%swap3A_3764], %swap3A_3767 {strides = array<i32>} : memref<808xf32, #tpu.memory_space<vmem>>, vector<16xf32>,
      %broadcast_in_dim3A_3768 = vector.shape_cast %broadcast_in_dim3A_36 : vector<16xi32> to vector<16x1xi32>
      %gather3A_3769 = vector.shape_cast %broadcast_in_dim3A_3768 : vector<16x1xi32> to vector<16xi32>
      %gather3A_3770 = tpu.dynamic_gather %add3A_3760[%gather3A_3769] in [0] : vector<16xi32>, vector<16xi32> -> vector<16xi32>
      %add3A_3771 = arith.addi %add3A_3735, %gather3A_3770 : vector<16xi32>
      %get3A_3772 = arith.constant 760 : index
      %get3A_3773 = tpu.vector_load %arg5[%get3A_3772] {strides = array<i32>} : memref<808xf32, #tpu.memory_space<vmem>>, vector<16xf32>,
      %get3A_3774 = vector.shape_cast %get3A_3773 : vector<16xf32> to vector<16xf32>
      %ne3A_3775 = arith.cmpf one, %get3A_3774, %broadcast_in_dim3A_5 : vector<16xf32>
      %select_n3A_3776 = arith.select %ne3A_3775, %broadcast_in_dim3A_7, %broadcast_in_dim3A_3 : vector<16xi1>, vector<16xi32>
      %broadcast_in_dim3A_3777 = vector.shape_cast %max3A : vector<16xi32> to vector<16x1xi32>
      %gather3A_3778 = vector.shape_cast %broadcast_in_dim3A_3777 : vector<16x1xi32> to vector<16xi32>
      %gather3A_3779 = tpu.dynamic_gather %select_n3A_3776[%gather3A_3778] in [0] : vector<16xi32>, vector<16xi32> -> vector<16xi32>
      %select_n3A_3780 = arith.select %ge3A, %gather3A_3779, %broadcast_in_dim3A_3 : vector<16xi1>, vector<16xi32>
      %add3A_3781 = arith.addi %select_n3A_3776, %select_n3A_3780 : vector<16xi32>
      %broadcast_in_dim3A_3782 = vector.shape_cast %max3A_15 : vector<16xi32> to vector<16x1xi32>
      %gather3A_3783 = vector.shape_cast %broadcast_in_dim3A_3782 : vector<16x1xi32> to vector<16xi32>
      %gather3A_3784 = tpu.dynamic_gather %add3A_3781[%gather3A_3783] in [0] : vector<16xi32>, vector<16xi32> -> vector<16xi32>
      %select_n3A_3785 = arith.select %ge3A_28, %gather3A_3784, %broadcast_in_dim3A_3 : vector<16xi1>, vector<16xi32>
      %add3A_3786 = arith.addi %add3A_3781, %select_n3A_3785 : vector<16xi32>
      %broadcast_in_dim3A_3787 = vector.shape_cast %max3A_19 : vector<16xi32> to vector<16x1xi32>
      %gather3A_3788 = vector.shape_cast %broadcast_in_dim3A_3787 : vector<16x1xi32> to vector<16xi32>
      %gather3A_3789 = tpu.dynamic_gather %add3A_3786[%gather3A_3788] in [0] : vector<16xi32>, vector<16xi32> -> vector<16xi32>
      %select_n3A_3790 = arith.select %ge3A_31, %gather3A_3789, %broadcast_in_dim3A_3 : vector<16xi1>, vector<16xi32>
      %add3A_3791 = arith.addi %add3A_3786, %select_n3A_3790 : vector<16xi32>
      %broadcast_in_dim3A_3792 = vector.shape_cast %max3A_23 : vector<16xi32> to vector<16x1xi32>
      %gather3A_3793 = vector.shape_cast %broadcast_in_dim3A_3792 : vector<16x1xi32> to vector<16xi32>
      %gather3A_3794 = tpu.dynamic_gather %add3A_3791[%gather3A_3793] in [0] : vector<16xi32>, vector<16xi32> -> vector<16xi32>
      %select_n3A_3795 = arith.select %ge3A_34, %gather3A_3794, %broadcast_in_dim3A_3 : vector<16xi1>, vector<16xi32>
      %add3A_3796 = arith.addi %add3A_3791, %select_n3A_3795 : vector<16xi32>
      %add3A_3797 = arith.addi %add3A_3796, %add3A_3771 : vector<16xi32>
      %mul3A_3798 = arith.muli %add3A_3797, %select_n3A_3776 : vector<16xi32>
      %convert_element_type3A_3799 = arith.sitofp %mul3A_3798 : vector<16xi32> to vector<16xf32>
      %swap3A_3800 = arith.constant 760 : index
      %swap3A_3801 = tpu.vector_load %arg7[%swap3A_3800] {strides = array<i32>} : memref<808xf32, #tpu.memory_space<vmem>>, vector<16xf32>,
      %swap3A_3802 = vector.shape_cast %swap3A_3801 : vector<16xf32> to vector<16xf32>
      %swap3A_3803 = vector.shape_cast %convert_element_type3A_3799 : vector<16xf32> to vector<16xf32>
      tpu.vector_store %arg7[%swap3A_3800], %swap3A_3803 {strides = array<i32>} : memref<808xf32, #tpu.memory_space<vmem>>, vector<16xf32>,
      %broadcast_in_dim3A_3804 = vector.shape_cast %broadcast_in_dim3A_36 : vector<16xi32> to vector<16x1xi32>
      %gather3A_3805 = vector.shape_cast %broadcast_in_dim3A_3804 : vector<16x1xi32> to vector<16xi32>
      %gather3A_3806 = tpu.dynamic_gather %add3A_3796[%gather3A_3805] in [0] : vector<16xi32>, vector<16xi32> -> vector<16xi32>
      %add3A_3807 = arith.addi %add3A_3771, %gather3A_3806 : vector<16xi32>
      %get3A_3808 = arith.constant 776 : index
      %get3A_3809 = tpu.vector_load %arg5[%get3A_3808] {strides = array<i32>} : memref<808xf32, #tpu.memory_space<vmem>>, vector<16xf32>,
      %get3A_3810 = vector.shape_cast %get3A_3809 : vector<16xf32> to vector<16xf32>
      %ne3A_3811 = arith.cmpf one, %get3A_3810, %broadcast_in_dim3A_5 : vector<16xf32>
      %select_n3A_3812 = arith.select %ne3A_3811, %broadcast_in_dim3A_7, %broadcast_in_dim3A_3 : vector<16xi1>, vector<16xi32>
      %broadcast_in_dim3A_3813 = vector.shape_cast %max3A : vector<16xi32> to vector<16x1xi32>
      %gather3A_3814 = vector.shape_cast %broadcast_in_dim3A_3813 : vector<16x1xi32> to vector<16xi32>
      %gather3A_3815 = tpu.dynamic_gather %select_n3A_3812[%gather3A_3814] in [0] : vector<16xi32>, vector<16xi32> -> vector<16xi32>
      %select_n3A_3816 = arith.select %ge3A, %gather3A_3815, %broadcast_in_dim3A_3 : vector<16xi1>, vector<16xi32>
      %add3A_3817 = arith.addi %select_n3A_3812, %select_n3A_3816 : vector<16xi32>
      %broadcast_in_dim3A_3818 = vector.shape_cast %max3A_15 : vector<16xi32> to vector<16x1xi32>
      %gather3A_3819 = vector.shape_cast %broadcast_in_dim3A_3818 : vector<16x1xi32> to vector<16xi32>
      %gather3A_3820 = tpu.dynamic_gather %add3A_3817[%gather3A_3819] in [0] : vector<16xi32>, vector<16xi32> -> vector<16xi32>
      %select_n3A_3821 = arith.select %ge3A_28, %gather3A_3820, %broadcast_in_dim3A_3 : vector<16xi1>, vector<16xi32>
      %add3A_3822 = arith.addi %add3A_3817, %select_n3A_3821 : vector<16xi32>
      %broadcast_in_dim3A_3823 = vector.shape_cast %max3A_19 : vector<16xi32> to vector<16x1xi32>
      %gather3A_3824 = vector.shape_cast %broadcast_in_dim3A_3823 : vector<16x1xi32> to vector<16xi32>
      %gather3A_3825 = tpu.dynamic_gather %add3A_3822[%gather3A_3824] in [0] : vector<16xi32>, vector<16xi32> -> vector<16xi32>
      %select_n3A_3826 = arith.select %ge3A_31, %gather3A_3825, %broadcast_in_dim3A_3 : vector<16xi1>, vector<16xi32>
      %add3A_3827 = arith.addi %add3A_3822, %select_n3A_3826 : vector<16xi32>
      %broadcast_in_dim3A_3828 = vector.shape_cast %max3A_23 : vector<16xi32> to vector<16x1xi32>
      %gather3A_3829 = vector.shape_cast %broadcast_in_dim3A_3828 : vector<16x1xi32> to vector<16xi32>
      %gather3A_3830 = tpu.dynamic_gather %add3A_3827[%gather3A_3829] in [0] : vector<16xi32>, vector<16xi32> -> vector<16xi32>
      %select_n3A_3831 = arith.select %ge3A_34, %gather3A_3830, %broadcast_in_dim3A_3 : vector<16xi1>, vector<16xi32>
      %add3A_3832 = arith.addi %add3A_3827, %select_n3A_3831 : vector<16xi32>
      %add3A_3833 = arith.addi %add3A_3832, %add3A_3807 : vector<16xi32>
      %mul3A_3834 = arith.muli %add3A_3833, %select_n3A_3812 : vector<16xi32>
      %convert_element_type3A_3835 = arith.sitofp %mul3A_3834 : vector<16xi32> to vector<16xf32>
      %swap3A_3836 = arith.constant 776 : index
      %swap3A_3837 = tpu.vector_load %arg7[%swap3A_3836] {strides = array<i32>} : memref<808xf32, #tpu.memory_space<vmem>>, vector<16xf32>,
      %swap3A_3838 = vector.shape_cast %swap3A_3837 : vector<16xf32> to vector<16xf32>
      %swap3A_3839 = vector.shape_cast %convert_element_type3A_3835 : vector<16xf32> to vector<16xf32>
      tpu.vector_store %arg7[%swap3A_3836], %swap3A_3839 {strides = array<i32>} : memref<808xf32, #tpu.memory_space<vmem>>, vector<16xf32>,
      %broadcast_in_dim3A_3840 = vector.shape_cast %broadcast_in_dim3A_36 : vector<16xi32> to vector<16x1xi32>
      %gather3A_3841 = vector.shape_cast %broadcast_in_dim3A_3840 : vector<16x1xi32> to vector<16xi32>
      %gather3A_3842 = tpu.dynamic_gather %add3A_3832[%gather3A_3841] in [0] : vector<16xi32>, vector<16xi32> -> vector<16xi32>
      %add3A_3843 = arith.addi %add3A_3807, %gather3A_3842 : vector<16xi32>
      %get3A_3844 = arith.constant 792 : index
      %get3A_3845 = tpu.vector_load %arg5[%get3A_3844] {strides = array<i32>} : memref<808xf32, #tpu.memory_space<vmem>>, vector<16xf32>,
      %get3A_3846 = vector.shape_cast %get3A_3845 : vector<16xf32> to vector<16xf32>
      %ne3A_3847 = arith.cmpf one, %get3A_3846, %broadcast_in_dim3A_5 : vector<16xf32>
      %and3A_3848 = arith.andi %ne3A_3847, %lt3A : vector<16xi1>
      %select_n3A_3849 = arith.select %and3A_3848, %broadcast_in_dim3A_7, %broadcast_in_dim3A_3 : vector<16xi1>, vector<16xi32>
      %broadcast_in_dim3A_3850 = vector.shape_cast %max3A : vector<16xi32> to vector<16x1xi32>
      %gather3A_3851 = vector.shape_cast %broadcast_in_dim3A_3850 : vector<16x1xi32> to vector<16xi32>
      %gather3A_3852 = tpu.dynamic_gather %select_n3A_3849[%gather3A_3851] in [0] : vector<16xi32>, vector<16xi32> -> vector<16xi32>
      %select_n3A_3853 = arith.select %ge3A, %gather3A_3852, %broadcast_in_dim3A_3 : vector<16xi1>, vector<16xi32>
      %add3A_3854 = arith.addi %select_n3A_3849, %select_n3A_3853 : vector<16xi32>
      %broadcast_in_dim3A_3855 = vector.shape_cast %max3A_15 : vector<16xi32> to vector<16x1xi32>
      %gather3A_3856 = vector.shape_cast %broadcast_in_dim3A_3855 : vector<16x1xi32> to vector<16xi32>
      %gather3A_3857 = tpu.dynamic_gather %add3A_3854[%gather3A_3856] in [0] : vector<16xi32>, vector<16xi32> -> vector<16xi32>
      %select_n3A_3858 = arith.select %ge3A_28, %gather3A_3857, %broadcast_in_dim3A_3 : vector<16xi1>, vector<16xi32>
      %add3A_3859 = arith.addi %add3A_3854, %select_n3A_3858 : vector<16xi32>
      %broadcast_in_dim3A_3860 = vector.shape_cast %max3A_19 : vector<16xi32> to vector<16x1xi32>
      %gather3A_3861 = vector.shape_cast %broadcast_in_dim3A_3860 : vector<16x1xi32> to vector<16xi32>
      %gather3A_3862 = tpu.dynamic_gather %add3A_3859[%gather3A_3861] in [0] : vector<16xi32>, vector<16xi32> -> vector<16xi32>
      %select_n3A_3863 = arith.select %ge3A_31, %gather3A_3862, %broadcast_in_dim3A_3 : vector<16xi1>, vector<16xi32>
      %add3A_3864 = arith.addi %add3A_3859, %select_n3A_3863 : vector<16xi32>
      %broadcast_in_dim3A_3865 = vector.shape_cast %max3A_23 : vector<16xi32> to vector<16x1xi32>
      %gather3A_3866 = vector.shape_cast %broadcast_in_dim3A_3865 : vector<16x1xi32> to vector<16xi32>
      %gather3A_3867 = tpu.dynamic_gather %add3A_3864[%gather3A_3866] in [0] : vector<16xi32>, vector<16xi32> -> vector<16xi32>
      %select_n3A_3868 = arith.select %ge3A_34, %gather3A_3867, %broadcast_in_dim3A_3 : vector<16xi1>, vector<16xi32>
      %add3A_3869 = arith.addi %add3A_3864, %select_n3A_3868 : vector<16xi32>
      %add3A_3870 = arith.addi %add3A_3869, %add3A_3843 : vector<16xi32>
      %mul3A_3871 = arith.muli %add3A_3870, %select_n3A_3849 : vector<16xi32>
      %convert_element_type3A_3872 = arith.sitofp %mul3A_3871 : vector<16xi32> to vector<16xf32>
      %swap3A_3873 = arith.constant 792 : index
      %swap3A_3874 = tpu.vector_load %arg7[%swap3A_3873] {strides = array<i32>} : memref<808xf32, #tpu.memory_space<vmem>>, vector<16xf32>,
      %swap3A_3875 = vector.shape_cast %swap3A_3874 : vector<16xf32> to vector<16xf32>
      %swap3A_3876 = vector.shape_cast %convert_element_type3A_3872 : vector<16xf32> to vector<16xf32>
      tpu.vector_store %arg7[%swap3A_3873], %swap3A_3876 {strides = array<i32>} : memref<808xf32, #tpu.memory_space<vmem>>, vector<16xf32>,
      %broadcast_in_dim3A_3877 = vector.shape_cast %broadcast_in_dim3A_36 : vector<16xi32> to vector<16x1xi32>
      %gather3A_3878 = vector.shape_cast %broadcast_in_dim3A_3877 : vector<16x1xi32> to vector<16xi32>
      %gather3A_3879 = tpu.dynamic_gather %add3A_3869[%gather3A_3878] in [0] : vector<16xi32>, vector<16xi32> -> vector<16xi32>
      %add3A_3880 = arith.addi %add3A_3843, %gather3A_3879 : vector<16xi32>
      %mul3A_3881 = arith.constant 4 : i32
      %mul3A_3882 = arith.muli %mul3A_3881, %add3A_1988 : i32
      %add3A_3883 = arith.addi %mul3A_2, %mul3A_3882 : i32
      %mul3A_3884 = arith.constant 200 : i32
      %mul3A_3885 = arith.muli %add3A_3883, %mul3A_3884 : i32
      %dma_start3A_3886 = arith.constant 0 : i32
      %dma_start3A_3887 = tpu.memref_slice %arg7[%dma_start3A_3886] : memref<808xf32, #tpu.memory_space<vmem>> -> memref<800xf32, #tpu.memory_space<vmem>>
      %dma_start3A_3888 = tpu.memref_slice %arg3[%mul3A_3885] : memref<819200xf32, #tpu.memory_space<hbm>> -> memref<800xf32, #tpu.memory_space<hbm>>
      %dma_start3A_3889 = tpu.memref_slice %arg3[%mul3A_3885] : memref<819200xf32, #tpu.memory_space<hbm>> -> memref<800xf32, #tpu.memory_space<hbm>>
      %dma_start3A_3890 = arith.constant 0 : i32
      %dma_start3A_3891 = tpu.memref_slice %arg7[%dma_start3A_3890] : memref<808xf32, #tpu.memory_space<vmem>> -> memref<800xf32, #tpu.memory_space<vmem>>
      tpu.enqueue_dma source(%dma_start3A_3891 : memref<800xf32, #tpu.memory_space<vmem>>) target(%dma_start3A_3889 : memref<800xf32, #tpu.memory_space<hbm>>) target_semaphore(%arg11 : memref<!tpu.dma_semaphore, #tpu.memory_space<semaphore_mem>>)
      %lt3A_3892 = arith.constant 15 : i32
      %lt3A_3893 = arith.cmpi slt, %scan3A_80, %lt3A_3892 : i32
      %convert_element_type3A_3894 = arith.extui %lt3A_3893 : i1 to i32
      %cond3A_3895 = arith.constant 0 : i32
      %cond3A_3896 = arith.cmpi ne, %convert_element_type3A_3894, %cond3A_3895 : i32
      scf.if %cond3A_3896 {
        %add3A_3897 = arith.constant 2 : i32
        %add3A_3898 = arith.addi %add3A_1988, %add3A_3897 : i32
        %mul3A_3899 = arith.constant 4 : i32
        %mul3A_3900 = arith.muli %mul3A_3899, %add3A_3898 : i32
        %add3A_3901 = arith.addi %mul3A_2, %mul3A_3900 : i32
        %mul3A_3902 = arith.constant 200 : i32
        %mul3A_3903 = arith.muli %add3A_3901, %mul3A_3902 : i32
        %dma_start3A_3904 = arith.constant 0 : i32
        %dma_start3A_3905 = tpu.memref_slice %arg5[%dma_start3A_3904] : memref<808xf32, #tpu.memory_space<vmem>> -> memref<800xf32, #tpu.memory_space<vmem>>
        %dma_start3A_3906 = tpu.memref_slice %arg2[%mul3A_3903] : memref<819200xf32, #tpu.memory_space<hbm>> -> memref<800xf32, #tpu.memory_space<hbm>>
        %dma_start3A_3907 = arith.constant 0 : i32
        %dma_start3A_3908 = tpu.memref_slice %arg5[%dma_start3A_3907] : memref<808xf32, #tpu.memory_space<vmem>> -> memref<800xf32, #tpu.memory_space<vmem>>
        %dma_start3A_3909 = tpu.memref_slice %arg2[%mul3A_3903] : memref<819200xf32, #tpu.memory_space<hbm>> -> memref<800xf32, #tpu.memory_space<hbm>>
        tpu.enqueue_dma source(%dma_start3A_3909 : memref<800xf32, #tpu.memory_space<hbm>>) target(%dma_start3A_3908 : memref<800xf32, #tpu.memory_space<vmem>>) target_semaphore(%arg9 : memref<!tpu.dma_semaphore, #tpu.memory_space<semaphore_mem>>)
      } else {
      }
    }
    %scan3A_60 = arith.constant 16 : i32
    %add3A_61 = arith.constant 120 : i32
    %add3A_62 = arith.addi %mul3A_2, %add3A_61 : i32
    %mul3A_63 = arith.constant 200 : i32
    %mul3A_64 = arith.muli %add3A_62, %mul3A_63 : i32
    %dma_wait3A = arith.constant 0 : i32
    %dma_wait3A_65 = tpu.memref_slice %arg6[%dma_wait3A] : memref<808xf32, #tpu.memory_space<vmem>> -> memref<800xf32, #tpu.memory_space<vmem>>
    %dma_wait3A_66 = tpu.memref_slice %arg3[%mul3A_64] : memref<819200xf32, #tpu.memory_space<hbm>> -> memref<800xf32, #tpu.memory_space<hbm>>
    %dma_wait3A_67 = tpu.memref_slice %arg3[%mul3A_64] : memref<819200xf32, #tpu.memory_space<hbm>> -> memref<800xf32, #tpu.memory_space<hbm>>
    %dma_wait3A_68 = arith.constant 0 : i32
    %dma_wait3A_69 = tpu.memref_slice %arg6[%dma_wait3A_68] : memref<808xf32, #tpu.memory_space<vmem>> -> memref<800xf32, #tpu.memory_space<vmem>>
    tpu.wait_dma2 semaphore(%arg10 : memref<!tpu.dma_semaphore, #tpu.memory_space<semaphore_mem>>) src(%dma_wait3A_69 : memref<800xf32, #tpu.memory_space<vmem>>) dst(%dma_wait3A_67 : memref<800xf32, #tpu.memory_space<hbm>>)
    %add3A_70 = arith.constant 124 : i32
    %add3A_71 = arith.addi %mul3A_2, %add3A_70 : i32
    %mul3A_72 = arith.constant 200 : i32
    %mul3A_73 = arith.muli %add3A_71, %mul3A_72 : i32
    %dma_wait3A_74 = arith.constant 0 : i32
    %dma_wait3A_75 = tpu.memref_slice %arg7[%dma_wait3A_74] : memref<808xf32, #tpu.memory_space<vmem>> -> memref<800xf32, #tpu.memory_space<vmem>>
    %dma_wait3A_76 = tpu.memref_slice %arg3[%mul3A_73] : memref<819200xf32, #tpu.memory_space<hbm>> -> memref<800xf32, #tpu.memory_space<hbm>>
    %dma_wait3A_77 = tpu.memref_slice %arg3[%mul3A_73] : memref<819200xf32, #tpu.memory_space<hbm>> -> memref<800xf32, #tpu.memory_space<hbm>>
    %dma_wait3A_78 = arith.constant 0 : i32
    %dma_wait3A_79 = tpu.memref_slice %arg7[%dma_wait3A_78] : memref<808xf32, #tpu.memory_space<vmem>> -> memref<800xf32, #tpu.memory_space<vmem>>
    tpu.wait_dma2 semaphore(%arg11 : memref<!tpu.dma_semaphore, #tpu.memory_space<semaphore_mem>>) src(%dma_wait3A_79 : memref<800xf32, #tpu.memory_space<vmem>>) dst(%dma_wait3A_77 : memref<800xf32, #tpu.memory_space<hbm>>)
    return
  }
}

</mosaic_0001>

<sc_bundles>
// kernel: _sc_positions.3.cloned.1.call-start
scs
__scs_entry_jumppad:
0x0: {  	(pc) =	sbr.rel $0x88, $3  }
0x1: {  	(tag) =	ssettag $0x0;
	lr =	simm.s32 $0x1  }
0x2: {  	[smem:$0x3FA0] =	sst lr;
	_ =	strace $0xD0000000  }
0x3: {  	_ = 	snop  }
0x4: {  	_ = 	snop  }
0x5: {  	_ = 	snop  }
0x6: {  	_ = 	snop  }
0x7: {  	_ = 	snop  }
__scs_overlays_trampoline_lowered:
0x8: {  	[smem:$0x3FAF] =	sst s0  }
0x9: {  	[smem:$0x3FB0] =	sst s1  }
0xa: {  	[smem:$0x3FB1] =	sst s2  }
0xb: {  	[smem:$0x3FB2] =	sst s3  }
0xc: {  	[smem:$0x3FB3] =	sst s4  }
0xd: {  	[smem:$0x3FB4] =	sst s5  }
0xe: {  	[smem:$0x3FB5] =	sst s6  }
0xf: {  	[smem:$0x3FB6] =	sst s7  }
0x10: {  	[smem:$0x3FB7] =	sst s8  }
0x11: {  	[smem:$0x3FB8] =	sst s9;
	s0 =	simm.s32 @!p0 $0x0  }
0x12: {  	s1 =	sld [smem:$0x3F9E];
	s0 =	simm.s32 @p0 $0x1  }
0x13: {  	[smem:$0x3FB9] =	sst s0;
	s0 =	simm.s32 @!p1 $0x0  }
0x14: {  	s2 =	sld [smem:$0x3F9D];
	s0 =	simm.s32 @p1 $0x1  }
0x15: {  	[smem:$0x3FBA] =	sst s0;
	s0 =	simm.s32 @!p2 $0x0  }
0x16: {  	s3 =	sld [smem:$0x3FDB];
	s0 =	simm.s32 @p2 $0x1  }
0x17: {  	s4 =	simm.s32 $0x1BF5;
	[smem:$0x3FBC] =	sst s0  }
0x18: {  	s0 =	sld [smem:$0x3F9F];
	_ =	swait.ge [sflag:s4], $0x0  }
0x19: {  	s7 =	sld [smem:$0x3FA0]  }
0x1a: {  	s8 =	sadd.s32 $0xFFFFE003, lr  }
0x1b: {  	s9 =	sadd.s32 $0xFFFFFEF7, lr;
	s5 =	simm.s32 $0xFFFFFFFF;
	p2 =	slt.u32 s8, $0xFFFFF086  }
0x1c: {  	p1 =	slt.u32 s9, $0xF7A;
	s5 =	simm.s32 @!p2 $0x0  }
0x1d: {  	s5 =	simm.s32 @p1 $0x1;
	p0 =	seq.s32 s7, s2  }
0x1e: {  	s7 =	smul.u32 @!p0 $0xF7A, s2;
	p2 =	seq.s32 @!p0 s5, $0x0  }
0x1f: {  	s9 =	smul.u32 $0xF7A, s1;
	s8 =	simm.s32 @!p0 $0x1BF5;
	p2 =	por !p2, p0  }
0x20: {  	[sflag:s8] =	ssyncset.s32 @!p0 $0xFFFFF086;
	s6 =	sadd.s32 @!p0 s3, s7;
	s7 =	simm.s32 @!p0 $0x108  }
0x21: {  	s3 =	sadd.s32 s3, s9;
	s6 =	sadd.s32 @!p0 $0x88, s6;
	s7 =	simm.s32 @p2 $0x1082  }
0x22: {  	[simem:s7], [sflag:s8] =	dma.local @!p0 [hbm:s6], $0xF7A  }
0x23: {  	s9 =	sor.u32 $0xD0000000, s2;
	s6 =	simm.s32 $0x108;
	_ =	swait.ge @!p0 [sflag:s8], $0x0  }
0x24: {  	s3 =	sadd.s32 $0x88, s3;
	s6 =	simm.s32 @!p1 $0x1082;
	[sflag:s4] =	ssyncset.s32 $0xFFFFF086  }
0x25: {  	[simem:s6], [sflag:s4] =	dma.local [hbm:s3], $0xF7A  }
0x26: {  	[smem:$0x3FA0] =	sst s1;
	(tag) =	ssettag s2;
	_ =	strace s9  }
0x27: {  	s1 =	sld [smem:$0x3FB0]  }
0x28: {  	s2 =	sld [smem:$0x3FB1]  }
0x29: {  	s4 =	sld [smem:$0x3FB3]  }
0x2a: {  	p0 =	seq.s32 s5, $0x0;
	s5 =	sld [smem:$0x3FB4]  }
0x2b: {  	s6 =	sld [smem:$0x3FB5]  }
0x2c: {  	s7 =	sld [smem:$0x3FB6]  }
0x2d: {  	s3 =	simm.s32 $0x108;
	s8 =	sld [smem:$0x3FB7]  }
0x2e: {  	s3 =	simm.s32 @!p0 $0x1082;
	s9 =	sld [smem:$0x3FB8]  }
0x2f: {  	lr =	sadd.s32 s0, s3;
	s0 =	sld [smem:$0x3FAF]  }
0x30: {  	s3 =	sld [smem:$0x3FB2]  }
0x31: {  	[smem:$0x3FBB] =	sst s10  }
0x32: {  	s10 =	sld [smem:$0x3FB9];
	_ =	sdelay $0x3  }
0x33: {  	p0 =	seq.s32 s10, $0x1;
	s10 =	sld [smem:$0x3FBB];
	_ =	sdelay $0x3  }
0x34: {  	[smem:$0x3FBB] =	sst s10  }
0x35: {  	s10 =	sld [smem:$0x3FBA];
	_ =	sdelay $0x3  }
0x36: {  	p1 =	seq.s32 s10, $0x1;
	s10 =	sld [smem:$0x3FBB];
	_ =	sdelay $0x3  }
0x37: {  	[smem:$0x3FBB] =	sst s10  }
0x38: {  	s10 =	sld [smem:$0x3FBC]  }
0x39: {  	_ = 	snop;
	(pc) =	sbr.ind lr, $3  }
0x3a: {  	_ = 	snop  }
0x3b: {  	_ = 	snop  }
0x3c: {  	p2 =	seq.s32 s10, $0x1;
	s10 =	sld [smem:$0x3FBB]  }
0x3d: {  	_ =	shalt  }
0x3e: {  	_ =	shalt  }
0x3f: {  	_ =	shalt  }
0x40: {  	_ =	shalt  }
0x41: {  	_ =	shalt  }
0x42: {  	_ =	shalt  }
0x43: {  	_ =	shalt  }
0x44: {  	_ =	shalt  }
0x45: {  	_ =	shalt  }
0x46: {  	_ =	shalt  }
0x47: {  	_ =	shalt  }
0x48: {  	_ =	shalt  }
0x49: {  	_ =	shalt  }
0x4a: {  	_ =	shalt  }
0x4b: {  	_ =	shalt  }
0x4c: {  	_ =	shalt  }
0x4d: {  	_ =	shalt  }
0x4e: {  	_ =	shalt  }
0x4f: {  	_ =	shalt  }
0x50: {  	_ =	shalt  }
0x51: {  	_ =	shalt  }
0x52: {  	_ =	shalt  }
0x53: {  	_ =	shalt  }
0x54: {  	_ =	shalt  }
0x55: {  	_ =	shalt  }
0x56: {  	_ =	shalt  }
0x57: {  	_ =	shalt  }
0x58: {  	_ =	shalt  }
0x59: {  	_ =	shalt  }
0x5a: {  	_ =	shalt  }
0x5b: {  	_ =	shalt  }
0x5c: {  	_ =	shalt  }
0x5d: {  	_ =	shalt  }
0x5e: {  	_ =	shalt  }
0x5f: {  	_ =	shalt  }
0x60: {  	_ =	shalt  }
0x61: {  	_ =	shalt  }
0x62: {  	_ =	shalt  }
0x63: {  	_ =	shalt  }
0x64: {  	_ =	shalt  }
0x65: {  	_ =	shalt  }
0x66: {  	_ =	shalt  }
0x67: {  	_ =	shalt  }
0x68: {  	_ =	shalt  }
0x69: {  	_ =	shalt  }
0x6a: {  	_ =	shalt  }
0x6b: {  	_ =	shalt  }
0x6c: {  	_ =	shalt  }
0x6d: {  	_ =	shalt  }
0x6e: {  	_ =	shalt  }
0x6f: {  	_ =	shalt  }
0x70: {  	_ =	shalt  }
0x71: {  	_ =	shalt  }
0x72: {  	_ =	shalt  }
0x73: {  	_ =	shalt  }
0x74: {  	_ =	shalt  }
0x75: {  	_ =	shalt  }
0x76: {  	_ =	shalt  }
0x77: {  	_ =	shalt  }
0x78: {  	_ =	shalt  }
0x79: {  	_ =	shalt  }
0x7a: {  	_ =	shalt  }
0x7b: {  	_ =	shalt  }
0x7c: {  	_ =	shalt  }
0x7d: {  	_ =	shalt  }
0x7e: {  	_ =	shalt  }
0x7f: {  	_ =	shalt  }
0x80: {  	_ =	shalt  }
0x81: {  	_ =	shalt  }
0x82: {  	_ =	shalt  }
0x83: {  	_ =	shalt  }
0x84: {  	_ =	shalt  }
0x85: {  	_ =	shalt  }
0x86: {  	_ =	shalt  }
0x87: {  	_ =	shalt  }
.Lfunc_end0:
.L_simem_size_0:
called_computation_lowered:
.L_overlay_start_0:
0x88: {  	s2 =	sld [smem:$0x3FD9]  }
0x89: {  	s3 =	sld [smem:$0x3FFE];
	_ =	sdelay $0x1  }
0x8a: {  	s1 =	srdreg.scid  }
0x8b: {  	s0 =	sand.u32 $0x1, s1  }
0x8c: {  	s18 =	sshll.u32 s0, $0xA;
	s2 =	sadd.s32 s3, s2  }
0x8d: {  	s2 =	sadd.s32 s2, s18  }
0x8e: {  	[smem:$0x3FC7] =	sst s2  }
0x8f: {  	_ = 	snop  }
0x90: {  	s2 =	sld [smem:$0x3FC9]  }
0x91: {  	s19 =	sld [smem:$0x3FD0];
	(tm) =	ssettm $0x1  }
0x92: {  	s4 =	sld [smem:$0x3FFB];
	_ =	sdelay $0x3  }
0x93: {  	_ =	strace s4  }
0x94: {  	s4 =	sld [smem:$0x3FFC];
	_ =	sdelay $0x3  }
0x95: {  	_ =	strace s4  }
0x96: {  	s4 =	sld [smem:$0x3FFD];
	_ =	sdelay $0x3  }
0x97: {  	_ =	strace s4  }
0x98: {  	_ =	strace $0x8FFFFFFF  }
0x99: {  	s20 =	sld [smem:$0x3FDB];
	_ =	sdelay $0x1  }
0x9a: {  	s5 =	simm.s32 $_scs_section_size  }
0x9b: {  	s6 =	simm.s32 $_size__tile_overlayer_lowered;
	s7 =	simm.s32 $_tile_overlayer_lowered  }
0x9c: {  	s23 =	simm.s32 $0x1BFF;
	s22 =	sshll.u32 s7, $0x1;
	s4 =	sadd.s32 s5, s20  }
0x9d: {  	s8 =	simm.s32 $0x0;
	s21 =	sshll.u32 s6, $0x1;
	s6 =	sadd.s32 s22, s4  }
0x9e: {  	[timem:s8], [sflag:s23] =	dma.local [hbm:s6], s21  }
0x9f: {  	_ =	swait.ge [sflag:s23], s21  }
0xa0: {  	s5 =	ssub.s32 $0x0, s21;
	[sflag:s23] =	ssyncset.done $0x0  }
0xa1: {  	[sflag:s23] =	ssyncadd.s32 s5;
	_ =	sdelay $0x1  }
0xa2: {  	s24 =	simm.s32 $0x1B8B  }
0xa3: {  	_ =	swait.ge [sflag:s24], $0x1  }
0xa4: {  	[sflag:s24] =	ssyncset.done $0x0  }
0xa5: {  	s25 =	simm.s32 $0x1B8E;
	[sflag:s24] =	ssyncadd.s32 $0xFFFFFFFF  }
0xa6: {  	s26 =	simm.s32 $execute0_lowered;
	[smem:$0x3FD2] =	sst s25  }
0xa7: {  	s5 =	sshll.u32 s26, $0x1;
	_ =	strace $0x80000046;
	[dreg:$0x1] =	wrdreg $0xFFFFFFFF  }
0xa8: {  	s28 =	simm.s32 $_size_execute0_lowered;
	s4 =	sadd.s32 s4, s5;
	[dreg:$0x0] =	wrdreg $0x0  }
0xa9: {  	s5 =	sshll.u32 s28, $0x1;
	[dreg:$0x2] =	wrdreg s4  }
0xaa: {  	[dreg:$0x3] =	wrdreg s5  }
0xab: {  	[dreg:$0x4] =	wrdreg $0xC0  }
0xac: {  	_ =	task [dreg:s8], $0x5FFFF  }
0xad: {  	[dreg:$0x1] =	wrdreg $0xFFFFFFFF  }
0xae: {  	[dreg:$0x0] =	wrdreg $0x60  }
0xaf: {  	[dreg:$0x2] =	wrdreg s2  }
0xb0: {  	[dreg:$0x3] =	wrdreg s19  }
0xb1: {  	[dreg:$0x4] =	wrdreg $0x9  }
0xb2: {  	_ =	task.clear_ibuf [dreg:s8], $0x5FFFF;
	_ =	strace $0x90000046  }
0xb3: {  	s29 =	simm.s32 $0x9;
	_ =	strace $0x80000048  }
0xb4: {  	_ =	swait.ge [sflag:s29], $0x1  }
0xb5: {  	[sflag:s29] =	ssyncadd.s32 $0xFFFFFFFF  }
0xb6: {  	_ =	strace $0x90000048  }
0xb7: {  	_ =	sfence  }
0xb8: {  	s30 =	sld [smem:$0x0];
	_ =	sdelay $0x2  }
0xb9: {  	s31 =	sshll.u32 s1, $0xD;
	s1 =	sshrl.u32 s1, $0x2  }
0xba: {  	s3 =	sand.u32 $0x4000, s31;
	s1 =	sadd.s32 s1, s30  }
0xbb: {  	s0 =	sor.u32 s3, s0;
	s1 =	sshll.u32 s1, $0x11  }
0xbc: {  	s0 =	sor.u32 s1, s0  }
0xbd: {  	s0 =	sadd.s32 $0x8F2B, s0  }
0xbe: {  	[sflag:s0] =	ssyncadd.remote.s32 $0x1  }
0xbf: {  	_ =	sfence.sel $0xFFFF  }
0xc0: {  	[dreg:$0x0] =	wrdreg $0xFFFFFFFF;
	(pc) =	sbr.abs _section_cstart, $3  }
0xc1: {  	[dreg:$0x1] =	wrdreg $0xFFFFFFFF  }
0xc2: {  	_ =	task.clear_ibuf [dreg:s8], $0x2FFFF;
	_ =	strace $0x9FFFFFFF  }
0xc3: {  	(tm) =	ssettm $0x7FFFFFFF  }
tec
execute0_lowered:
.L_overlay_start_1:
0x0: {  	(tag) =	ssettag $0x1  }
0x1: {  	v0 =	vimm.s32 $0xEDCBA987;
	v1 =	vimm.s32 $0x65432100;
	v2 =	vimm.s32 $0x54321000  }
0x2: {  	s5 =	rddreg [dreg:$0x0];
	v3 =	vimm.s32 $0xDCBA9876;
	v4 =	vimm.s32 $0xBA987654;
	v5 =	vimm.s32 $0x32100000  }
0x3: {  	s1 =	srdreg.scid;
	s0 =	stileid.u32;
	v6 =	vimm.s32 $0xE40000;
	vm0 =	vmmov $0x3;
	vm1 =	vmmov $0xf  }
0x4: {  	s7 =	rddreg [dreg:$0x1];
	s2 =	simm.s32 $0x0;
	s11 =	simm.s32 $0x2;
	v0 =	vunpack.c.l.s4.s8 v0;
	v1 =	vunpack.c.l.s4.s8 v1;
	v3 =	vunpack.c.l.s4.s8 v3  }
0x5: {  	s12 =	simm.s32 $0x978;
	s13 =	simm.s32 $0x3;
	s14 =	simm.s32 $0x4;
	v2 =	vunpack.c.l.s4.s8 v2;
	v4 =	vunpack.c.l.s4.s8 v4;
	v5 =	vunpack.c.l.s4.s8 v5  }
0x6: {  	s4 =	sand.u32 $0x1, s1;
	s3 =	sshll.u32 s0, $0x1;
	v6 =	vunpack.c.l.s2.s4 v6;
	s8 =	smul.u32 $0x1900, s0;
	v0 =	vunpack.c.0.s8.s32 v0;
	v3 =	vunpack.c.0.s8.s32 v3  }
0x7: {  	s1 =	rddreg [dreg:$0x2];
	s3 =	sor.u32 s4, s3;
	s10 =	smul.u32 $0xC80, s4;
	v1 =	vunpack.c.0.s8.s32 v1;
	v2 =	vunpack.c.0.s8.s32 v2;
	v4 =	vunpack.c.0.s8.s32 v4  }
0x8: {  	s15 =	simm.s32 $0x0;
	[smem:$0x7FF] =	sst s2;
	s3 =	smul.u32 $0xC80, s3;
	v5 =	vunpack.c.0.s8.s32 v5;
	v6 =	vunpack.c.l.s4.s8 v6;
	v3 =	vand.u32 $0xF, v3  }
.Ltmp0:
0x9: {  	_ =	strace $0x80000047;
	s6 =	ssub.s32 $0x2, s4;
	v0 =	vand.u32 $0xF, v0;
	v2 =	vcombine.low v2, v3;
	v3 =	vand.u32 $0xF, v4;
	(pc) =	sbr.rel .LBB2_1-.Ltmp0, $4  }
0xa: {  	s9 =	sshrl.u32 s6, $0x1;
	s31 =	sadd.s32 s8, s5;
	s7 =	sadd.s32 s8, s7;
	v6 =	vunpack.c.0.s8.s32 v6;
	v3 =	vcombine.low v5, v3;
	v5 =	vimm.s32 $0x7060504  }
0xb: {  	vm2 =	vcmask $0x3F30;
	s8 =	simm.s32 $0x328;
	s6 =	ssub.s32 s6, s9;
	s7 =	sadd.s32 s10, s7;
	v0 =	vcombine.low v1, v0;
	v5 =	vunpack.c.0.s8.s32 v5  }
0xc: {  	s9 =	simm.s32 $0x1;
	s3 =	sadd.s32 s5, s3;
	s5 =	smax.u32 s6, $0x1;
	v1 =	vimm.s32 $0x0;
	v4 =	vlaneseq.u32;
	v6 =	vand.u32 $0x3, v6  }
0xd: {  	s6 =	sadd.s32 s10, s31;
	s10 =	simm.s32 $0x650;
	s4 =	sadd.s32 $0x64, s3;
	v5 =	vsel vm2, v5, v6;
	vm2 =	vmmov $0xff;
	v6 =	vimm.s32 $0xF  }
.LBB2_4:
0xe: {  	s15 =	sadd.s32 $0x1, s15  }
0xf: {  	_ =	swait.ge [sflag:s13], $0x320;
	p0 =	sne.s32 s15, s5  }
.Ltmp1:
0x10: {  	[sflag:s13] =	ssyncset.done $0x0;
	(pc) =	sbr.rel @!p0 .LBB2_5-.Ltmp1, $4  }
0x11: {  	[sflag:s13] =	ssyncadd.s32 $0xFFFFFCE0  }
0x12: {  	_ =	swait.ge [sflag:s14], $0x320  }
0x13: {  	[sflag:s14] =	ssyncset.done $0x0  }
0x14: {  	[sflag:s14] =	ssyncadd.s32 $0xFFFFFCE0  }
.LBB2_1:
0x15: {  	[tilespmem:s2], [sflag:$0x1] =	stream.linear.gather [hbm4b:s3+s2], $0x320, $0x38;
	[tilespmem:$0xCA0] =	vst v63  }
0x16: {  	s16 =	simm.s32 $0x0  }
0x17: {  	[tilespmem:s8], [sflag:$0x2] =	stream.linear.gather [hbm4b:s4+s2], $0x320, $0x38;
	[tilespmem:$0xCA0] =	vst v63  }
.LBB2_2:
0x18: {  	_ =	swait.ge [sflag:s9], $0x320  }
0x19: {  	p0 =	seq.s32 s16, $0x0;
	[sflag:s9] =	ssyncset.done $0x0  }
0x1a: {  	s17 =	simm.s32 @!p0 $0x3;
	[sflag:s9] =	ssyncadd.s32 $0xFFFFFCE0  }
0x1b: {  	_ =	swait.ge @!p0 [sflag:s17], $0x320  }
0x1c: {  	[sflag:s17] =	ssyncset.done @!p0 $0x0  }
0x1d: {  	[sflag:s17] =	ssyncadd.s32 @!p0 $0xFFFFFCE0  }
0x1e: {  	v7 =	vld [tilespmem:$0x0];
	_ =	sdelay $0x1  }
0x1f: {  	v8 =	vld [tilespmem:$0x10]  }
0x20: {  	v21 =	vld [tilespmem:$0x20]  }
0x21: {  	v12 =	vld [tilespmem:$0x30]  }
0x22: {  	vm3 =	vlt.f32 v7, $0.0e+00;
	vm4 =	vgt.f32 v7, $0.0e+00  }
0x23: {  	v30 =	vld [tilespmem:$0x40];
	vm8 =	vmor vm4, vm3  }
0x24: {  	vm10 =	vlt.f32 v8, $0.0e+00;
	v7 =	vsel vm8, $0x1, v1  }
0x25: {  	v16 =	vld [tilespmem:$0x50];
	vm5 =	vgt.f32 v8, $0.0e+00;
	vm11 =	vlt.f32 v21, $0.0e+00;
	v9 =	vperm.xlane v7, v0  }
0x26: {  	vm6 =	vgt.f32 v21, $0.0e+00;
	vm12 =	vlt.f32 v12, $0.0e+00;
	vm3 =	veq.s32 v4, $0x0  }
0x27: {  	vm7 =	vgt.f32 v12, $0.0e+00;
	vm4 =	vmor vm5, vm10;
	v8 =	vsel vm3, $0x0, v9  }
0x28: {  	v18 =	vld [tilespmem:$0x60];
	vm13 =	vlt.f32 v30, $0.0e+00;
	v7 =	vadd.s32 v7, v8;
	v8 =	vsel vm4, $0x1, v1  }
0x29: {  	v52 =	vld [tilespmem:$0x70];
	vm9 =	vgt.f32 v30, $0.0e+00;
	v10 =	vperm.xlane v7, v2;
	v11 =	vperm.xlane v8, v0  }
0x2a: {  	vm14 =	vlt.f32 v16, $0.0e+00;
	vm15 =	vgt.f32 v16, $0.0e+00;
	vm6 =	vmor vm6, vm11  }
0x2b: {  	vm5 =	vmor vm7, vm12;
	v10 =	vsel vm0, $0x0, v10;
	v11 =	vsel vm3, $0x0, v11  }
0x2c: {  	vm7 =	vmor vm9, vm13;
	v7 =	vadd.s32 v10, v7;
	v8 =	vadd.s32 v8, v11  }
0x2d: {  	vm11 =	vlt.f32 v18, $0.0e+00;
	v22 =	vperm.xlane v8, v2;
	v23 =	vperm.xlane v7, v3  }
0x2e: {  	vm12 =	vgt.f32 v18, $0.0e+00;
	vm13 =	vlt.f32 v52, $0.0e+00;
	v24 =	vsel vm6, $0x1, v1  }
0x2f: {  	v25 =	vperm.xlane v24, v0;
	v10 =	vsel vm0, $0x0, v22;
	v9 =	vsel vm1, $0x0, v23  }
0x30: {  	v14 =	vsel vm5, $0x1, v1;
	v8 =	vadd.s32 v10, v8;
	v7 =	vadd.s32 v9, v7  }
0x31: {  	v10 =	vsel vm3, $0x0, v25;
	v26 =	vperm.xlane v8, v3;
	v13 =	vperm.xlane v7, v5  }
0x32: {  	v36 =	vsel vm7, $0x1, v1;
	v34 =	vperm.xlane v14, v0;
	v10 =	vadd.s32 v24, v10  }
0x33: {  	v28 =	vperm.xlane v10, v2;
	v9 =	vsel vm1, $0x0, v26;
	v27 =	vsel vm2, $0x0, v13  }
0x34: {  	v17 =	vperm.xlane v36, v0;
	v8 =	vadd.s32 v9, v8;
	v7 =	vadd.s32 v27, v7  }
0x35: {  	v9 =	vsel vm0, $0x0, v28;
	v29 =	vperm.xlane v8, v5;
	v31 =	vperm.xlane v7, v6  }
0x36: {  	v9 =	vadd.s32 v9, v10;
	v7 =	vcvt.s32.f32 v7;
	v10 =	vsel vm3, $0x0, v34  }
0x37: {  	v39 =	vsel vm3, $0x0, v17;
	v33 =	vperm.xlane v9, v3;
	v10 =	vadd.s32 v14, v10  }
0x38: {  	v32 =	vsel vm2, $0x0, v29;
	v35 =	vperm.xlane v10, v2;
	v7 =	vnsel vm8, $0x0, v7  }
0x39: {  	vm8 =	vmor vm15, vm14;
	v8 =	vadd.s32 v32, v8;
	v11 =	vsel vm1, $0x0, v33  }
0x3a: {  	v43 =	vsel vm8, $0x1, v1;
	v15 =	vadd.s32 v31, v8;
	v8 =	vperm.xlane v8, v6  }
0x3b: {  	v9 =	vadd.s32 v11, v9;
	v37 =	vsel vm0, $0x0, v35;
	v45 =	vperm.xlane v43, v0  }
0x3c: {  	v20 =	vld [tilespmem:$0x80];
	vm14 =	vgt.f32 v52, $0.0e+00;
	v11 =	vperm.xlane v9, v5;
	v38 =	vadd.s32 v37, v10  }
0x3d: {  	v10 =	vadd.s32 v36, v39;
	v13 =	vadd.s32 v31, v8;
	v47 =	vsel vm3, $0x0, v45  }
0x3e: {  	v41 =	vperm.xlane v38, v3;
	v8 =	vsel vm2, $0x0, v11;
	v12 =	vadd.s32 v43, v47  }
0x3f: {  	v14 =	vperm.xlane v10, v2;
	v8 =	vadd.s32 v8, v9;
	v16 =	vperm.xlane v12, v2  }
0x40: {  	v25 =	vld [tilespmem:$0x90];
	v40 =	vadd.s32 v13, v8;
	v42 =	vperm.xlane v8, v6;
	v8 =	vsel vm1, $0x0, v41  }
0x41: {  	vm15 =	vlt.f32 v20, $0.0e+00;
	v15 =	vcvt.s32.f32 v15;
	v9 =	vadd.s32 v8, v38  }
0x42: {  	v8 =	vsel vm0, $0x0, v14;
	v11 =	vcvt.s32.f32 v40;
	v16 =	vsel vm0, $0x0, v16  }
0x43: {  	v44 =	vperm.xlane v9, v5;
	v10 =	vadd.s32 v8, v10;
	v8 =	vnsel vm4, $0x0, v15  }
0x44: {  	v13 =	vadd.s32 v13, v42;
	v12 =	vadd.s32 v16, v12;
	vm4 =	vmor vm14, vm13  }
0x45: {  	vm13 =	vlt.f32 v25, $0.0e+00;
	vm14 =	vgt.f32 v25, $0.0e+00;
	v46 =	vperm.xlane v10, v3  }
0x46: {  	v16 =	vperm.xlane v12, v3;
	v58 =	vsel vm4, $0x1, v1;
	v14 =	vsel vm2, $0x0, v44  }
0x47: {  	v25 =	vld [tilespmem:$0xC8];
	v60 =	vperm.xlane v58, v0;
	v14 =	vadd.s32 v14, v9;
	v48 =	vsel vm1, $0x0, v46  }
0x48: {  	v9 =	vnsel vm6, $0x0, v11;
	vm6 =	vmor vm12, vm11;
	v55 =	vsel vm1, $0x0, v16  }
0x49: {  	v49 =	vadd.s32 v13, v14;
	v10 =	vadd.s32 v48, v10;
	v14 =	vperm.xlane v14, v6  }
0x4a: {  	v46 =	vld [tilespmem:$0xC0];
	v53 =	vsel vm6, $0x1, v1;
	v12 =	vadd.s32 v55, v12;
	v51 =	vperm.xlane v10, v5  }
0x4b: {  	vm12 =	vgt.f32 v20, $0.0e+00;
	v54 =	vperm.xlane v53, v0;
	v56 =	vperm.xlane v12, v5  }
0x4c: {  	v34 =	vld [tilespmem:$0xA0];
	v50 =	vcvt.s32.f32 v49;
	vm11 =	vgt.f32 v25, $0.0e+00;
	v13 =	vadd.s32 v13, v14  }
0x4d: {  	v15 =	vsel vm2, $0x0, v51;
	v14 =	vsel vm3, $0x0, v54;
	v16 =	vsel vm2, $0x0, v56  }
0x4e: {  	v10 =	vadd.s32 v15, v10;
	v14 =	vadd.s32 v53, v14;
	v12 =	vadd.s32 v16, v12  }
0x4f: {  	vm10 =	vgt.f32 v46, $0.0e+00;
	v15 =	vadd.s32 v13, v10;
	v19 =	vperm.xlane v10, v6  }
0x50: {  	v57 =	vperm.xlane v14, v2;
	v10 =	vnsel vm5, $0x0, v50;
	v61 =	vperm.xlane v12, v6  }
0x51: {  	vm5 =	vmor vm12, vm15;
	vm15 =	vlt.f32 v34, $0.0e+00;
	vm12 =	vgt.f32 v34, $0.0e+00  }
0x52: {  	v44 =	vld [tilespmem:$0xB0];
	v59 =	vcvt.s32.f32 v15;
	v15 =	vsel vm3, $0x0, v60;
	v24 =	vsel vm5, $0x1, v1  }
0x53: {  	vm9 =	vmor vm12, vm15;
	vm15 =	vlt.f32 v46, $0.0e+00;
	v13 =	vadd.s32 v13, v19  }
0x54: {  	v17 =	vsel vm0, $0x0, v57;
	v15 =	vadd.s32 v58, v15;
	v26 =	vperm.xlane v24, v0  }
0x55: {  	v41 =	vsel vm9, $0x1, v1;
	v14 =	vadd.s32 v17, v14;
	v16 =	vadd.s32 v13, v12  }
0x56: {  	v18 =	vperm.xlane v15, v2;
	v12 =	vnsel vm7, $0x0, v59;
	v13 =	vadd.s32 v13, v61  }
0x57: {  	vm7 =	vmor vm14, vm13;
	v43 =	vperm.xlane v41, v0;
	vm13 =	vlt.f32 v44, $0.0e+00  }
0x58: {  	v17 =	vperm.xlane v14, v3;
	v16 =	vcvt.s32.f32 v16;
	v31 =	vsel vm7, $0x1, v1  }
0x59: {  	v27 =	vsel vm3, $0x0, v26;
	v63 =	vsel vm0, $0x0, v18;
	v33 =	vperm.xlane v31, v0  }
0x5a: {  	v62 =	vsel vm1, $0x0, v17;
	v15 =	vadd.s32 v63, v15;
	v11 =	vnsel vm8, $0x0, v16  }
0x5b: {  	v16 =	vadd.s32 v24, v27;
	v14 =	vadd.s32 v62, v14;
	v22 =	vperm.xlane v15, v3  }
0x5c: {  	vm14 =	vgt.f32 v44, $0.0e+00;
	v18 =	vperm.xlane v16, v2;
	v21 =	vperm.xlane v14, v5  }
0x5d: {  	vm8 =	vmor vm10, vm15;
	vm10 =	vlt.f32 v25, $0.0e+00;
	v29 =	vsel vm1, $0x0, v22  }
0x5e: {  	v18 =	vsel vm0, $0x0, v18;
	v28 =	vsel vm2, $0x0, v21;
	v15 =	vadd.s32 v29, v15  }
0x5f: {  	v16 =	vadd.s32 v18, v16;
	v14 =	vadd.s32 v28, v14;
	v30 =	vperm.xlane v15, v5  }
0x60: {  	v34 =	vld [tilespmem:$0xE8];
	vm8 =	vmand vm8, vm2;
	v35 =	vperm.xlane v16, v3;
	v32 =	vperm.xlane v14, v6  }
0x61: {  	v36 =	vsel vm3, $0x0, v33;
	v56 =	vsel vm8, $0x1, v1;
	v14 =	vadd.s32 v13, v14  }
0x62: {  	v17 =	vsel vm2, $0x0, v30;
	v38 =	vsel vm1, $0x0, v35;
	v13 =	vadd.s32 v13, v32  }
0x63: {  	v15 =	vadd.s32 v17, v15;
	v17 =	vadd.s32 v31, v36;
	v16 =	vadd.s32 v38, v16  }
0x64: {  	v37 =	vadd.s32 v13, v15;
	v15 =	vperm.xlane v15, v6;
	v19 =	vperm.xlane v17, v2  }
0x65: {  	vm15 =	vgt.f32 v34, $0.0e+00;
	v24 =	vperm.xlane v56, v0;
	v20 =	vperm.xlane v16, v5  }
0x66: {  	v14 =	vcvt.s32.f32 v14;
	v15 =	vadd.s32 v13, v15;
	v39 =	vsel vm0, $0x0, v19  }
0x67: {  	v40 =	vsel vm2, $0x0, v20;
	v20 =	vsel vm3, $0x0, v43;
	v13 =	vadd.s32 v39, v17  }
0x68: {  	v16 =	vadd.s32 v40, v16;
	v17 =	vadd.s32 v41, v20;
	v42 =	vperm.xlane v13, v3  }
0x69: {  	v30 =	vld [tilespmem:$0xD8];
	v45 =	vadd.s32 v15, v16;
	v16 =	vperm.xlane v16, v6;
	v23 =	vperm.xlane v17, v2  }
0x6a: {  	v61 =	vsel vm3, $0x0, v24;
	v18 =	vcvt.s32.f32 v37;
	v22 =	vcvt.s32.f32 v45  }
0x6b: {  	v19 =	vsel vm1, $0x0, v42;
	v15 =	vadd.s32 v15, v16;
	v48 =	vsel vm0, $0x0, v23  }
0x6c: {  	v19 =	vadd.s32 v19, v13;
	v13 =	vnsel vm6, $0x0, v14;
	vm6 =	vmor vm14, vm13  }
0x6d: {  	v16 =	vadd.s32 v48, v17;
	v47 =	vperm.xlane v19, v5;
	v49 =	vsel vm6, $0x1, v1  }
0x6e: {  	vm12 =	vlt.f32 v30, $0.0e+00;
	v52 =	vperm.xlane v16, v3;
	v50 =	vperm.xlane v49, v0  }
0x6f: {  	v44 =	vld [tilespmem:$0xF8];
	vm13 =	vgt.f32 v30, $0.0e+00;
	vm14 =	vlt.f32 v34, $0.0e+00;
	v14 =	vsel vm2, $0x0, v47  }
0x70: {  	v55 =	vsel vm1, $0x0, v52;
	v14 =	vadd.s32 v14, v19;
	v54 =	vsel vm3, $0x0, v50  }
0x71: {  	v16 =	vadd.s32 v55, v16;
	v19 =	vadd.s32 v56, v61;
	v51 =	vadd.s32 v15, v14  }
0x72: {  	v53 =	vperm.xlane v14, v6;
	v17 =	vadd.s32 v49, v54;
	v14 =	vnsel vm4, $0x0, v18  }
0x73: {  	v59 =	vperm.xlane v16, v5;
	v63 =	vperm.xlane v19, v2;
	vm4 =	vmor vm13, vm12  }
0x74: {  	v46 =	vld [tilespmem:$0x108];
	vm12 =	vlt.f32 v44, $0.0e+00;
	vm13 =	vgt.f32 v44, $0.0e+00;
	v57 =	vperm.xlane v17, v2  }
0x75: {  	v58 =	vcvt.s32.f32 v51;
	v36 =	vsel vm4, $0x1, v1;
	v23 =	vadd.s32 v15, v53  }
0x76: {  	v20 =	vsel vm2, $0x0, v59;
	v29 =	vsel vm0, $0x0, v63;
	v27 =	vperm.xlane v36, v0  }
0x77: {  	v60 =	vsel vm0, $0x0, v57;
	v20 =	vadd.s32 v20, v16;
	v16 =	vnsel vm5, $0x0, v22  }
0x78: {  	v15 =	vnsel vm7, $0x0, v58;
	v19 =	vadd.s32 v29, v19;
	vm5 =	vmor vm11, vm10  }
0x79: {  	vm7 =	vmor vm15, vm14;
	vm14 =	vlt.f32 v46, $0.0e+00;
	vm15 =	vgt.f32 v46, $0.0e+00  }
0x7a: {  	v17 =	vadd.s32 v60, v17;
	v28 =	vadd.s32 v23, v20;
	v20 =	vperm.xlane v20, v6  }
0x7b: {  	v22 =	vperm.xlane v19, v3;
	v32 =	vsel vm5, $0x1, v1;
	v37 =	vsel vm3, $0x0, v27  }
0x7c: {  	v40 =	vsel vm7, $0x1, v1;
	v62 =	vperm.xlane v17, v3;
	v18 =	vcvt.s32.f32 v28  }
0x7d: {  	v30 =	vld [tilespmem:$0x118];
	v33 =	vperm.xlane v32, v0;
	v25 =	vadd.s32 v36, v37;
	v41 =	vperm.xlane v40, v0  }
0x7e: {  	v20 =	vadd.s32 v23, v20;
	v22 =	vsel vm1, $0x0, v22;
	v38 =	vperm.xlane v25, v2  }
0x7f: {  	v21 =	vsel vm1, $0x0, v62;
	v19 =	vadd.s32 v22, v19;
	v22 =	vsel vm3, $0x0, v33  }
0x80: {  	v43 =	vsel vm3, $0x0, v41;
	v21 =	vadd.s32 v21, v17;
	v17 =	vnsel vm9, $0x0, v18  }
0x81: {  	v35 =	vperm.xlane v19, v5;
	v22 =	vadd.s32 v32, v22;
	v24 =	vsel vm0, $0x0, v38  }
0x82: {  	vm9 =	vmor vm13, vm12;
	vm12 =	vlt.f32 v30, $0.0e+00;
	v31 =	vperm.xlane v21, v5  }
0x83: {  	vm13 =	vgt.f32 v30, $0.0e+00;
	v23 =	vperm.xlane v22, v2;
	v42 =	vadd.s32 v24, v25  }
0x84: {  	v49 =	vsel vm9, $0x1, v1;
	v24 =	vperm.xlane v42, v3;
	v18 =	vsel vm2, $0x0, v31  }
0x85: {  	v50 =	vperm.xlane v49, v0;
	v23 =	vsel vm0, $0x0, v23;
	v18 =	vadd.s32 v18, v21  }
0x86: {  	v21 =	vsel vm2, $0x0, v35;
	v39 =	vadd.s32 v23, v22;
	v22 =	vadd.s32 v40, v43  }
0x87: {  	v24 =	vsel vm1, $0x0, v24;
	v26 =	vperm.xlane v18, v6;
	v23 =	vperm.xlane v39, v3  }
0x88: {  	v51 =	vsel vm3, $0x0, v50;
	v18 =	vadd.s32 v20, v18;
	v25 =	vperm.xlane v22, v2  }
0x89: {  	v18 =	vcvt.s32.f32 v18;
	v20 =	vadd.s32 v20, v26;
	v23 =	vsel vm1, $0x0, v23  }
0x8a: {  	v31 =	vld [tilespmem:$0x128];
	v25 =	vsel vm0, $0x0, v25;
	v20 =	vadd.s32 v21, v20;
	v21 =	vadd.s32 v23, v39  }
0x8b: {  	v19 =	vadd.s32 v19, v20;
	v23 =	vperm.xlane v21, v5;
	v20 =	vadd.s32 v24, v42  }
0x8c: {  	v22 =	vadd.s32 v25, v22;
	v45 =	vcvt.s32.f32 v19;
	v24 =	vperm.xlane v20, v5  }
0x8d: {  	v47 =	vperm.xlane v22, v3;
	v19 =	vnsel vm6, $0x0, v18;
	v23 =	vsel vm2, $0x0, v23  }
0x8e: {  	v18 =	vnsel vm8, $0x0, v45;
	v21 =	vadd.s32 v23, v21;
	v24 =	vsel vm2, $0x0, v24  }
0x8f: {  	v42 =	vld [tilespmem:$0x138];
	v23 =	vsel vm1, $0x0, v47;
	vm8 =	vmor vm15, vm14;
	vm14 =	vlt.f32 v31, $0.0e+00  }
0x90: {  	vm15 =	vgt.f32 v31, $0.0e+00;
	v48 =	vperm.xlane v21, v6;
	v20 =	vadd.s32 v24, v20  }
0x91: {  	v21 =	vcvt.s32.f32 v21;
	v22 =	vadd.s32 v23, v22;
	v23 =	vadd.s32 v49, v51  }
0x92: {  	v54 =	vsel vm8, $0x1, v1;
	vm6 =	vmor vm15, vm14;
	v52 =	vperm.xlane v22, v5  }
0x93: {  	v53 =	vperm.xlane v23, v2;
	v29 =	vperm.xlane v54, v0;
	v41 =	vsel vm6, $0x1, v1  }
0x94: {  	vm10 =	vlt.f32 v42, $0.0e+00;
	v28 =	vadd.s32 v48, v20;
	v20 =	vperm.xlane v20, v6  }
0x95: {  	vm11 =	vgt.f32 v42, $0.0e+00;
	v43 =	vperm.xlane v41, v0;
	v28 =	vcvt.s32.f32 v28  }
0x96: {  	v49 =	vld [tilespmem:$0x148];
	v24 =	vsel vm2, $0x0, v52;
	v55 =	vsel vm0, $0x0, v53;
	v56 =	vsel vm3, $0x0, v29  }
0x97: {  	v26 =	vadd.s32 v48, v20;
	v22 =	vadd.s32 v24, v22;
	v23 =	vadd.s32 v55, v23  }
0x98: {  	v27 =	vadd.s32 v54, v56;
	v20 =	vnsel vm5, $0x0, v21;
	vm5 =	vmor vm13, vm12  }
0x99: {  	v24 =	vadd.s32 v26, v22;
	v57 =	vperm.xlane v23, v3;
	v58 =	vperm.xlane v22, v6  }
0x9a: {  	v59 =	vperm.xlane v27, v2;
	v62 =	vsel vm5, $0x1, v1;
	v22 =	vnsel vm4, $0x0, v28  }
0x9b: {  	vm4 =	vmor vm11, vm10;
	vm12 =	vlt.f32 v49, $0.0e+00;
	vm13 =	vgt.f32 v49, $0.0e+00  }
0x9c: {  	v24 =	vcvt.s32.f32 v24;
	v32 =	vperm.xlane v62, v0;
	v33 =	vsel vm4, $0x1, v1  }
0x9d: {  	v60 =	vsel vm1, $0x0, v57;
	v21 =	vsel vm0, $0x0, v59;
	v35 =	vadd.s32 v26, v58  }
0x9e: {  	v51 =	vperm.xlane v33, v0;
	v23 =	vadd.s32 v60, v23;
	v27 =	vadd.s32 v21, v27  }
0x9f: {  	v21 =	vnsel vm7, $0x0, v24;
	v37 =	vsel vm3, $0x0, v32;
	v61 =	vperm.xlane v23, v5  }
0xa0: {  	vm7 =	vmor vm13, vm12;
	v63 =	vperm.xlane v27, v3;
	v26 =	vadd.s32 v62, v37  }
0xa1: {  	v57 =	vsel vm7, $0x1, v1;
	v62 =	vld [tilespmem:$0x158];
	v39 =	vperm.xlane v26, v2;
	v25 =	vsel vm2, $0x0, v61  }
0xa2: {  	v37 =	vld [tilespmem:$0x168];
	v58 =	vperm.xlane v57, v0;
	v36 =	vsel vm1, $0x0, v63;
	v23 =	vadd.s32 v25, v23  }
0xa3: {  	v25 =	vadd.s32 v36, v27;
	v27 =	vsel vm0, $0x0, v39;
	v38 =	vadd.s32 v35, v23  }
0xa4: {  	v40 =	vperm.xlane v25, v5;
	v23 =	vperm.xlane v23, v6;
	v26 =	vadd.s32 v27, v26  }
0xa5: {  	v27 =	vsel vm3, $0x0, v43;
	v28 =	vcvt.s32.f32 v38;
	v46 =	vperm.xlane v26, v3  }
0xa6: {  	v27 =	vadd.s32 v41, v27;
	vm14 =	vlt.f32 v62, $0.0e+00;
	vm15 =	vgt.f32 v62, $0.0e+00  }
0xa7: {  	vm12 =	vlt.f32 v37, $0.0e+00;
	v29 =	vsel vm2, $0x0, v40;
	v44 =	vadd.s32 v35, v23  }
0xa8: {  	v48 =	vperm.xlane v27, v2;
	v45 =	vadd.s32 v29, v25;
	v25 =	vsel vm1, $0x0, v46  }
0xa9: {  	vm13 =	vgt.f32 v37, $0.0e+00;
	v47 =	vadd.s32 v44, v45;
	v25 =	vadd.s32 v25, v26  }
0xaa: {  	v50 =	vperm.xlane v45, v6;
	v29 =	vsel vm0, $0x0, v48;
	v26 =	vperm.xlane v25, v5  }
0xab: {  	v23 =	vnsel vm9, $0x0, v28;
	v28 =	vcvt.s32.f32 v47;
	v27 =	vadd.s32 v29, v27  }
0xac: {  	v52 =	vadd.s32 v44, v50;
	v53 =	vperm.xlane v27, v3;
	v26 =	vsel vm2, $0x0, v26  }
0xad: {  	v24 =	vnsel vm8, $0x0, v28;
	v28 =	vsel vm3, $0x0, v51;
	v25 =	vadd.s32 v26, v25  }
0xae: {  	v54 =	vadd.s32 v33, v28;
	v55 =	vsel vm1, $0x0, v53;
	v28 =	vsel vm3, $0x0, v58  }
0xaf: {  	v35 =	vld [tilespmem:$0x178];
	v56 =	vperm.xlane v54, v2;
	v32 =	vadd.s32 v52, v25;
	v27 =	vadd.s32 v55, v27  }
0xb0: {  	v25 =	vperm.xlane v25, v6;
	v28 =	vadd.s32 v57, v28;
	v59 =	vperm.xlane v27, v5  }
0xb1: {  	v32 =	vcvt.s32.f32 v32;
	v63 =	vperm.xlane v28, v2;
	v30 =	vsel vm0, $0x0, v56  }
0xb2: {  	v29 =	vadd.s32 v52, v25;
	v26 =	vadd.s32 v30, v54;
	v60 =	vsel vm2, $0x0, v59  }
0xb3: {  	v25 =	vnsel vm5, $0x0, v32;
	v30 =	vsel vm0, $0x0, v63;
	vm5 =	vmor vm15, vm14  }
0xb4: {  	vm14 =	vlt.f32 v35, $0.0e+00;
	vm15 =	vgt.f32 v35, $0.0e+00;
	v61 =	vperm.xlane v26, v3  }
0xb5: {  	v27 =	vadd.s32 v60, v27;
	v28 =	vadd.s32 v30, v28;
	v40 =	vsel vm5, $0x1, v1  }
0xb6: {  	v63 =	vld [tilespmem:$0x190];
	vm8 =	vmor vm15, vm14;
	v36 =	vadd.s32 v29, v27;
	v27 =	vperm.xlane v27, v6  }
0xb7: {  	v30 =	vperm.xlane v28, v3;
	v34 =	vperm.xlane v40, v0;
	v50 =	vsel vm8, $0x1, v1  }
0xb8: {  	v33 =	vsel vm1, $0x0, v61;
	v32 =	vcvt.s32.f32 v36;
	v36 =	vperm.xlane v50, v0  }
0xb9: {  	v26 =	vadd.s32 v33, v26;
	v27 =	vadd.s32 v29, v27;
	v39 =	vsel vm1, $0x0, v30  }
0xba: {  	v34 =	vsel vm3, $0x0, v34;
	v33 =	vperm.xlane v26, v5;
	v28 =	vadd.s32 v39, v28  }
0xbb: {  	v30 =	vadd.s32 v40, v34;
	v55 =	vsel vm3, $0x0, v36;
	vm14 =	vlt.f32 v63, $0.0e+00  }
0xbc: {  	vm15 =	vgt.f32 v63, $0.0e+00;
	v43 =	vperm.xlane v28, v5;
	v38 =	vsel vm2, $0x0, v33  }
0xbd: {  	v45 =	vperm.xlane v30, v2;
	vm9 =	vmor vm15, vm14;
	v29 =	vadd.s32 v38, v26  }
0xbe: {  	v26 =	vnsel vm6, $0x0, v32;
	vm6 =	vmor vm13, vm12;
	v44 =	vsel vm2, $0x0, v43  }
0xbf: {  	v49 =	vsel vm0, $0x0, v45;
	v41 =	vadd.s32 v27, v29;
	v46 =	vsel vm6, $0x1, v1  }
0xc0: {  	v29 =	vperm.xlane v29, v6;
	v30 =	vadd.s32 v49, v30;
	v48 =	vperm.xlane v46, v0  }
0xc1: {  	v38 =	vld [tilespmem:$0x188];
	v47 =	vadd.s32 v44, v28;
	v42 =	vcvt.s32.f32 v41;
	v31 =	vperm.xlane v30, v3  }
0xc2: {  	v37 =	vperm.xlane v47, v6;
	v29 =	vadd.s32 v27, v29;
	v28 =	vsel vm3, $0x0, v48  }
0xc3: {  	v43 =	vld [tilespmem:$0x1A0];
	v51 =	vadd.s32 v29, v47;
	v53 =	vsel vm1, $0x0, v31;
	v31 =	vadd.s32 v50, v55  }
0xc4: {  	v27 =	vnsel vm4, $0x0, v42;
	v29 =	vadd.s32 v29, v37;
	v47 =	vsel vm9, $0x1, v1  }
0xc5: {  	v28 =	vadd.s32 v46, v28;
	v34 =	vcvt.s32.f32 v51;
	v30 =	vadd.s32 v53, v30  }
0xc6: {  	v33 =	vperm.xlane v31, v2;
	vm12 =	vlt.f32 v38, $0.0e+00;
	v48 =	vperm.xlane v47, v0  }
0xc7: {  	vm13 =	vgt.f32 v38, $0.0e+00;
	v52 =	vperm.xlane v28, v2;
	v56 =	vperm.xlane v30, v5  }
0xc8: {  	vm11 =	vlt.f32 v43, $0.0e+00;
	vm4 =	vmor vm13, vm12;
	vm12 =	vgt.f32 v43, $0.0e+00  }
0xc9: {  	v33 =	vsel vm0, $0x0, v33;
	v54 =	vsel vm0, $0x0, v52;
	v59 =	vsel vm2, $0x0, v56  }
0xca: {  	v31 =	vadd.s32 v33, v31;
	v57 =	vadd.s32 v54, v28;
	v28 =	vnsel vm7, $0x0, v34  }
0xcb: {  	v30 =	vadd.s32 v59, v30;
	v61 =	vperm.xlane v31, v3;
	vm7 =	vmand vm4, vm2  }
0xcc: {  	vm4 =	vmor vm12, vm11;
	v58 =	vperm.xlane v57, v3;
	v34 =	vperm.xlane v30, v6  }
0xcd: {  	v30 =	vadd.s32 v29, v30;
	v40 =	vsel vm7, $0x1, v1;
	v39 =	vsel vm4, $0x1, v1  }
0xce: {  	v62 =	vsel vm1, $0x0, v61;
	v41 =	vperm.xlane v40, v0;
	v61 =	vld [tilespmem:$0x1C0];
	v32 =	vsel vm1, $0x0, v58  }
0xcf: {  	v29 =	vadd.s32 v29, v34;
	v31 =	vadd.s32 v62, v31;
	v32 =	vadd.s32 v32, v57  }
0xd0: {  	v34 =	vperm.xlane v31, v5;
	v37 =	vsel vm3, $0x0, v41;
	v41 =	vperm.xlane v39, v0  }
0xd1: {  	v30 =	vcvt.s32.f32 v30;
	v60 =	vperm.xlane v32, v5;
	v45 =	vadd.s32 v40, v37  }
0xd2: {  	v40 =	vld [tilespmem:$0x1B0];
	v42 =	vsel vm2, $0x0, v34;
	v37 =	vperm.xlane v45, v2;
	v52 =	vsel vm3, $0x0, v41  }
0xd3: {  	v33 =	vsel vm2, $0x0, v60;
	v44 =	vadd.s32 v42, v31;
	vm15 =	vlt.f32 v61, $0.0e+00  }
0xd4: {  	v32 =	vadd.s32 v33, v32;
	v37 =	vsel vm0, $0x0, v37;
	v35 =	vperm.xlane v44, v6  }
0xd5: {  	v33 =	vperm.xlane v32, v6;
	v32 =	vadd.s32 v29, v32;
	v49 =	vadd.s32 v37, v45  }
0xd6: {  	vm10 =	vgt.f32 v61, $0.0e+00;
	v42 =	vld [tilespmem:$0x1E0];
	v32 =	vcvt.s32.f32 v32;
	v37 =	vperm.xlane v49, v3  }
0xd7: {  	vm13 =	vlt.f32 v40, $0.0e+00;
	vm14 =	vgt.f32 v40, $0.0e+00;
	v33 =	vadd.s32 v29, v33  }
0xd8: {  	v45 =	vld [tilespmem:$0x1D0];
	v29 =	vnsel vm5, $0x0, v30;
	v30 =	vsel vm3, $0x0, v48;
	vm5 =	vmor vm14, vm13  }
0xd9: {  	v46 =	vadd.s32 v33, v44;
	v38 =	vadd.s32 v47, v30;
	v30 =	vnsel vm6, $0x0, v32  }
0xda: {  	v51 =	vsel vm1, $0x0, v37;
	v33 =	vadd.s32 v33, v35;
	v57 =	vsel vm5, $0x1, v1  }
0xdb: {  	vm13 =	vlt.f32 v42, $0.0e+00;
	vm14 =	vgt.f32 v42, $0.0e+00;
	v50 =	vperm.xlane v38, v2  }
0xdc: {  	v36 =	vcvt.s32.f32 v46;
	v34 =	vadd.s32 v51, v49;
	v58 =	vperm.xlane v57, v0  }
0xdd: {  	v53 =	vperm.xlane v34, v5;
	vm11 =	vlt.f32 v45, $0.0e+00;
	v32 =	vsel vm0, $0x0, v50  }
0xde: {  	v31 =	vnsel vm8, $0x0, v36;
	v36 =	vadd.s32 v39, v52;
	v32 =	vadd.s32 v32, v38  }
0xdf: {  	v54 =	vperm.xlane v36, v2;
	v37 =	vsel vm2, $0x0, v53;
	v55 =	vperm.xlane v32, v3  }
0xe0: {  	vm12 =	vgt.f32 v45, $0.0e+00;
	vm8 =	vmor vm10, vm15;
	v33 =	vadd.s32 v37, v33  }
0xe1: {  	v56 =	vsel vm0, $0x0, v54;
	v33 =	vadd.s32 v34, v33;
	v39 =	vsel vm1, $0x0, v55  }
0xe2: {  	v35 =	vadd.s32 v56, v36;
	v36 =	vsel vm3, $0x0, v58;
	v59 =	vadd.s32 v39, v32  }
0xe3: {  	v60 =	vperm.xlane v35, v3;
	v36 =	vadd.s32 v57, v36;
	v62 =	vperm.xlane v59, v5  }
0xe4: {  	v47 =	vsel vm8, $0x1, v1;
	v33 =	vcvt.s32.f32 v33;
	v38 =	vperm.xlane v36, v2  }
0xe5: {  	v48 =	vperm.xlane v47, v0;
	v32 =	vsel vm1, $0x0, v60;
	v34 =	vsel vm2, $0x0, v62  }
0xe6: {  	v35 =	vadd.s32 v32, v35;
	v32 =	vnsel vm7, $0x0, v33;
	v44 =	vsel vm0, $0x0, v38  }
0xe7: {  	vm7 =	vmor vm12, vm11;
	v43 =	vperm.xlane v35, v5;
	v36 =	vadd.s32 v44, v36  }
0xe8: {  	v63 =	vadd.s32 v34, v59;
	v51 =	vsel vm7, $0x1, v1;
	v37 =	vperm.xlane v36, v3  }
0xe9: {  	v46 =	vperm.xlane v63, v6;
	v33 =	vcvt.s32.f32 v63;
	v34 =	vsel vm2, $0x0, v43  }
0xea: {  	v44 =	vld [tilespmem:$0x1F0];
	v43 =	vperm.xlane v51, v0;
	v34 =	vadd.s32 v34, v35;
	v37 =	vsel vm1, $0x0, v37  }
0xeb: {  	v35 =	vsel vm3, $0x0, v48;
	v33 =	vnsel vm9, $0x0, v33;
	vm9 =	vmor vm14, vm13  }
0xec: {  	v49 =	vadd.s32 v46, v34;
	v34 =	vperm.xlane v34, v6;
	v36 =	vadd.s32 v37, v36  }
0xed: {  	v35 =	vadd.s32 v47, v35;
	v54 =	vsel vm3, $0x0, v43;
	v37 =	vperm.xlane v36, v5  }
0xee: {  	v60 =	vsel vm9, $0x1, v1;
	v50 =	vperm.xlane v35, v2;
	v41 =	vcvt.s32.f32 v49  }
0xef: {  	v62 =	vperm.xlane v60, v0;
	vm15 =	vlt.f32 v44, $0.0e+00;
	vm10 =	vgt.f32 v44, $0.0e+00  }
0xf0: {  	v39 =	vadd.s32 v46, v34;
	vm6 =	vmor vm10, vm15;
	v52 =	vsel vm2, $0x0, v37  }
0xf1: {  	v53 =	vsel vm0, $0x0, v50;
	v46 =	vsel vm3, $0x0, v62;
	v34 =	vadd.s32 v52, v36  }
0xf2: {  	v35 =	vadd.s32 v53, v35;
	v36 =	vadd.s32 v51, v54;
	v38 =	vadd.s32 v60, v46  }
0xf3: {  	v52 =	vsel vm6, $0x1, v1;
	v56 =	vperm.xlane v35, v3;
	v40 =	vperm.xlane v36, v2  }
0xf4: {  	v51 =	vld [tilespmem:$0x200];
	v55 =	vadd.s32 v39, v34;
	v57 =	vperm.xlane v34, v6;
	v42 =	vperm.xlane v38, v2  }
0xf5: {  	v46 =	vld [tilespmem:$0x210];
	v34 =	vnsel vm4, $0x0, v41;
	v53 =	vperm.xlane v52, v0;
	v37 =	vcvt.s32.f32 v55  }
0xf6: {  	v58 =	vsel vm1, $0x0, v56;
	v59 =	vsel vm0, $0x0, v40;
	v39 =	vadd.s32 v39, v57  }
0xf7: {  	v42 =	vsel vm0, $0x0, v42;
	v35 =	vadd.s32 v58, v35;
	v36 =	vadd.s32 v59, v36  }
0xf8: {  	v38 =	vadd.s32 v42, v38;
	v61 =	vperm.xlane v35, v5;
	v63 =	vperm.xlane v36, v3  }
0xf9: {  	v42 =	vperm.xlane v38, v3;
	vm11 =	vlt.f32 v51, $0.0e+00;
	vm12 =	vgt.f32 v51, $0.0e+00  }
0xfa: {  	vm13 =	vlt.f32 v46, $0.0e+00;
	vm14 =	vgt.f32 v46, $0.0e+00;
	vm4 =	vmor vm12, vm11  }
0xfb: {  	v40 =	vsel vm2, $0x0, v61;
	v47 =	vsel vm1, $0x0, v63;
	v54 =	vsel vm1, $0x0, v42  }
0xfc: {  	v57 =	vsel vm4, $0x1, v1;
	v40 =	vadd.s32 v40, v35;
	v36 =	vadd.s32 v47, v36  }
0xfd: {  	v35 =	vnsel vm5, $0x0, v37;
	v38 =	vadd.s32 v54, v38;
	vm5 =	vmor vm14, vm13  }
0xfe: {  	v48 =	vadd.s32 v39, v40;
	v50 =	vperm.xlane v36, v5;
	v40 =	vperm.xlane v40, v6  }
0xff: {  	v59 =	vperm.xlane v57, v0;
	v55 =	vperm.xlane v38, v5;
	v63 =	vsel vm5, $0x1, v1  }
0x100: {  	v49 =	vcvt.s32.f32 v48;
	v41 =	vsel vm2, $0x0, v50;
	v39 =	vadd.s32 v39, v40  }
0x101: {  	v40 =	vsel vm3, $0x0, v53;
	v42 =	vsel vm2, $0x0, v55;
	v53 =	vperm.xlane v63, v0  }
0x102: {  	v36 =	vadd.s32 v41, v36;
	v40 =	vadd.s32 v52, v40;
	v38 =	vadd.s32 v42, v38  }
0x103: {  	v52 =	vld [tilespmem:$0x220];
	v41 =	vadd.s32 v39, v36;
	v45 =	vperm.xlane v36, v6;
	v56 =	vperm.xlane v40, v2  }
0x104: {  	v36 =	vnsel vm8, $0x0, v49;
	v60 =	vperm.xlane v38, v6;
	v54 =	vsel vm3, $0x0, v53  }
0x105: {  	v58 =	vcvt.s32.f32 v41;
	v41 =	vsel vm3, $0x0, v59;
	v43 =	vsel vm0, $0x0, v56  }
0x106: {  	v39 =	vadd.s32 v39, v45;
	v41 =	vadd.s32 v57, v41;
	v40 =	vadd.s32 v43, v40  }
0x107: {  	v42 =	vadd.s32 v39, v38;
	v44 =	vperm.xlane v41, v2;
	v43 =	vperm.xlane v40, v3  }
0x108: {  	v42 =	vcvt.s32.f32 v42;
	vm15 =	vlt.f32 v52, $0.0e+00;
	vm12 =	vgt.f32 v52, $0.0e+00  }
0x109: {  	v38 =	vnsel vm7, $0x0, v58;
	v62 =	vsel vm0, $0x0, v44;
	vm7 =	vmor vm12, vm15  }
0x10a: {  	v61 =	vsel vm1, $0x0, v43;
	v41 =	vadd.s32 v62, v41;
	v37 =	vnsel vm9, $0x0, v42  }
0x10b: {  	v42 =	vadd.s32 v63, v54;
	v40 =	vadd.s32 v61, v40;
	v48 =	vperm.xlane v41, v3  }
0x10c: {  	v58 =	vsel vm7, $0x1, v1;
	v44 =	vperm.xlane v42, v2;
	v61 =	vld [tilespmem:$0x230];
	v47 =	vperm.xlane v40, v5  }
0x10d: {  	v39 =	vadd.s32 v39, v60;
	v60 =	vperm.xlane v58, v0;
	v56 =	vsel vm1, $0x0, v48  }
0x10e: {  	v44 =	vsel vm0, $0x0, v44;
	v55 =	vsel vm2, $0x0, v47;
	v41 =	vadd.s32 v56, v41  }
0x10f: {  	v42 =	vadd.s32 v44, v42;
	v40 =	vadd.s32 v55, v40;
	v57 =	vperm.xlane v41, v5  }
0x110: {  	v63 =	vsel vm3, $0x0, v60;
	v62 =	vperm.xlane v42, v3;
	v59 =	vperm.xlane v40, v6  }
0x111: {  	v40 =	vadd.s32 v39, v40;
	vm13 =	vlt.f32 v61, $0.0e+00;
	vm14 =	vgt.f32 v61, $0.0e+00  }
0x112: {  	v56 =	vld [tilespmem:$0x240];
	v43 =	vsel vm2, $0x0, v57;
	v50 =	vsel vm1, $0x0, v62;
	vm9 =	vmor vm14, vm13  }
0x113: {  	v40 =	vcvt.s32.f32 v40;
	v39 =	vadd.s32 v39, v59;
	v41 =	vadd.s32 v43, v41  }
0x114: {  	v43 =	vadd.s32 v58, v63;
	v42 =	vadd.s32 v50, v42;
	v53 =	vsel vm9, $0x1, v1  }
0x115: {  	v49 =	vadd.s32 v39, v41;
	v41 =	vperm.xlane v41, v6;
	v45 =	vperm.xlane v43, v2  }
0x116: {  	v58 =	vld [tilespmem:$0x250];
	v46 =	vperm.xlane v42, v5;
	v55 =	vperm.xlane v53, v0  }
0x117: {  	vm15 =	vlt.f32 v56, $0.0e+00;
	v44 =	vcvt.s32.f32 v49;
	v41 =	vadd.s32 v39, v41  }
0x118: {  	v51 =	vsel vm0, $0x0, v45;
	v52 =	vsel vm2, $0x0, v46;
	v46 =	vsel vm3, $0x0, v55  }
0x119: {  	v39 =	vadd.s32 v51, v43;
	v42 =	vadd.s32 v52, v42;
	v43 =	vadd.s32 v53, v46  }
0x11a: {  	v54 =	vperm.xlane v39, v3;
	v57 =	vadd.s32 v41, v42;
	v42 =	vperm.xlane v42, v6  }
0x11b: {  	v49 =	vperm.xlane v43, v2;
	vm13 =	vlt.f32 v58, $0.0e+00;
	vm14 =	vgt.f32 v58, $0.0e+00  }
0x11c: {  	vm12 =	vgt.f32 v56, $0.0e+00;
	v48 =	vcvt.s32.f32 v57;
	vm8 =	vmor vm14, vm13  }
0x11d: {  	v51 =	vld [tilespmem:$0x258];
	v45 =	vsel vm1, $0x0, v54;
	v41 =	vadd.s32 v41, v42;
	v60 =	vsel vm0, $0x0, v49  }
0x11e: {  	vm8 =	vmand vm8, vm2;
	v45 =	vadd.s32 v45, v39;
	v39 =	vnsel vm6, $0x0, v40  }
0x11f: {  	vm6 =	vmor vm12, vm15;
	v42 =	vadd.s32 v60, v43;
	v59 =	vperm.xlane v45, v5  }
0x120: {  	v56 =	vsel vm8, $0x1, v1;
	v61 =	vsel vm6, $0x1, v1;
	v52 =	vperm.xlane v42, v3  }
0x121: {  	v50 =	vperm.xlane v56, v0;
	v62 =	vperm.xlane v61, v0;
	v40 =	vsel vm2, $0x0, v59  }
0x122: {  	vm15 =	vlt.f32 v51, $0.0e+00;
	v55 =	vsel vm1, $0x0, v52;
	v40 =	vadd.s32 v40, v45  }
0x123: {  	v54 =	vsel vm3, $0x0, v62;
	v42 =	vadd.s32 v55, v42;
	v63 =	vadd.s32 v41, v40  }
0x124: {  	v53 =	vperm.xlane v40, v6;
	v43 =	vadd.s32 v61, v54;
	v40 =	vnsel vm4, $0x0, v44  }
0x125: {  	v59 =	vperm.xlane v42, v5;
	v61 =	vsel vm3, $0x0, v50;
	v57 =	vperm.xlane v43, v2  }
0x126: {  	v58 =	vcvt.s32.f32 v63;
	v45 =	vadd.s32 v56, v61;
	v49 =	vadd.s32 v41, v53  }
0x127: {  	v56 =	vld [tilespmem:$0x268];
	v46 =	vsel vm2, $0x0, v59;
	v63 =	vperm.xlane v45, v2;
	v60 =	vsel vm0, $0x0, v57  }
0x128: {  	v46 =	vadd.s32 v46, v42;
	v42 =	vnsel vm5, $0x0, v48;
	v43 =	vadd.s32 v60, v43  }
0x129: {  	v54 =	vadd.s32 v49, v46;
	v55 =	vsel vm0, $0x0, v63;
	v46 =	vperm.xlane v46, v6  }
0x12a: {  	v41 =	vnsel vm7, $0x0, v58;
	v62 =	vperm.xlane v43, v3;
	v45 =	vadd.s32 v55, v45  }
0x12b: {  	v60 =	vld [tilespmem:$0x278];
	v44 =	vcvt.s32.f32 v54;
	v48 =	vperm.xlane v45, v3;
	v46 =	vadd.s32 v49, v46  }
0x12c: {  	vm10 =	vlt.f32 v56, $0.0e+00;
	vm11 =	vgt.f32 v56, $0.0e+00;
	v47 =	vsel vm1, $0x0, v62  }
0x12d: {  	vm4 =	vmor vm11, vm10;
	v47 =	vadd.s32 v47, v43;
	v43 =	vnsel vm9, $0x0, v44  }
0x12e: {  	vm9 =	vgt.f32 v51, $0.0e+00;
	v48 =	vsel vm1, $0x0, v48;
	v62 =	vsel vm4, $0x1, v1  }
0x12f: {  	v57 =	vperm.xlane v47, v5;
	vm5 =	vmor vm9, vm15;
	v45 =	vadd.s32 v48, v45  }
0x130: {  	v53 =	vperm.xlane v62, v0;
	vm12 =	vlt.f32 v60, $0.0e+00;
	vm13 =	vgt.f32 v60, $0.0e+00  }
0x131: {  	v58 =	vsel vm5, $0x1, v1;
	v61 =	vperm.xlane v45, v5;
	vm7 =	vmor vm13, vm12  }
0x132: {  	v44 =	vsel vm2, $0x0, v57;
	v59 =	vperm.xlane v58, v0;
	v63 =	vsel vm3, $0x0, v53  }
0x133: {  	v57 =	vsel vm7, $0x1, v1;
	v44 =	vadd.s32 v44, v47;
	v47 =	vsel vm2, $0x0, v61  }
0x134: {  	v51 =	vadd.s32 v62, v63;
	v61 =	vld [tilespmem:$0x288];
	v52 =	vperm.xlane v44, v6;
	v48 =	vsel vm3, $0x0, v59  }
0x135: {  	v63 =	vld [tilespmem:$0x298];
	v44 =	vadd.s32 v46, v44;
	v55 =	vperm.xlane v51, v2;
	v48 =	vadd.s32 v58, v48  }
0x136: {  	v58 =	vperm.xlane v57, v0;
	v46 =	vadd.s32 v46, v52;
	v49 =	vperm.xlane v48, v2  }
0x137: {  	v44 =	vcvt.s32.f32 v44;
	v50 =	vsel vm0, $0x0, v55;
	v46 =	vadd.s32 v47, v46  }
0x138: {  	v59 =	vadd.s32 v50, v51;
	v60 =	vsel vm3, $0x0, v58;
	v49 =	vsel vm0, $0x0, v49  }
0x139: {  	v45 =	vadd.s32 v45, v46;
	v50 =	vperm.xlane v59, v3;
	vm14 =	vlt.f32 v61, $0.0e+00  }
0x13a: {  	vm15 =	vgt.f32 v61, $0.0e+00;
	vm12 =	vlt.f32 v63, $0.0e+00;
	vm13 =	vgt.f32 v63, $0.0e+00  }
0x13b: {  	v56 =	vadd.s32 v49, v48;
	v62 =	vcvt.s32.f32 v45;
	v48 =	vadd.s32 v57, v60  }
0x13c: {  	v45 =	vnsel vm6, $0x0, v44;
	vm9 =	vmor vm15, vm14;
	v49 =	vperm.xlane v56, v3  }
0x13d: {  	v50 =	vsel vm1, $0x0, v50;
	v51 =	vperm.xlane v48, v2;
	v58 =	vsel vm9, $0x1, v1  }
0x13e: {  	v44 =	vnsel vm8, $0x0, v62;
	v46 =	vadd.s32 v50, v59;
	v59 =	vperm.xlane v58, v0  }
0x13f: {  	vm8 =	vmor vm13, vm12;
	v49 =	vsel vm1, $0x0, v49;
	v50 =	vperm.xlane v46, v5  }
0x140: {  	v51 =	vsel vm0, $0x0, v51;
	v63 =	vsel vm8, $0x1, v1;
	v47 =	vadd.s32 v49, v56  }
0x141: {  	v48 =	vadd.s32 v51, v48;
	v55 =	vperm.xlane v63, v0;
	v56 =	vld [tilespmem:$0x2A8];
	v49 =	vperm.xlane v47, v5  }
0x142: {  	v60 =	vsel vm3, $0x0, v59;
	v57 =	vperm.xlane v48, v3  }
0x143: {  	v50 =	vsel vm2, $0x0, v50;
	v59 =	vsel vm3, $0x0, v55;
	v49 =	vsel vm2, $0x0, v49  }
0x144: {  	v46 =	vadd.s32 v50, v46;
	v53 =	vadd.s32 v63, v59;
	v47 =	vadd.s32 v49, v47  }
0x145: {  	v49 =	vsel vm1, $0x0, v57;
	v52 =	vperm.xlane v47, v6;
	v47 =	vcvt.s32.f32 v47  }
0x146: {  	v48 =	vadd.s32 v49, v48;
	v49 =	vadd.s32 v58, v60;
	vm14 =	vlt.f32 v56, $0.0e+00  }
0x147: {  	v57 =	vld [tilespmem:$0x2B8];
	vm15 =	vgt.f32 v56, $0.0e+00;
	v61 =	vperm.xlane v48, v5;
	v62 =	vperm.xlane v49, v2  }
0x148: {  	vm6 =	vmor vm15, vm14;
	v54 =	vadd.s32 v52, v46;
	v46 =	vperm.xlane v46, v6  }
0x149: {  	v54 =	vcvt.s32.f32 v54;
	v50 =	vsel vm2, $0x0, v61;
	v58 =	vsel vm0, $0x0, v62  }
0x14a: {  	v61 =	vperm.xlane v53, v2;
	v52 =	vadd.s32 v52, v46;
	v49 =	vadd.s32 v58, v49  }
0x14b: {  	v48 =	vadd.s32 v50, v48;
	v46 =	vnsel vm5, $0x0, v47;
	v60 =	vperm.xlane v49, v3  }
0x14c: {  	vm10 =	vlt.f32 v57, $0.0e+00;
	vm11 =	vgt.f32 v57, $0.0e+00;
	v50 =	vadd.s32 v52, v48  }
0x14d: {  	v55 =	vperm.xlane v48, v6;
	v47 =	vsel vm0, $0x0, v61;
	v62 =	vsel vm1, $0x0, v60  }
0x14e: {  	v50 =	vcvt.s32.f32 v50;
	v60 =	vsel vm6, $0x1, v1;
	v49 =	vadd.s32 v62, v49  }
0x14f: {  	v53 =	vadd.s32 v47, v53;
	v58 =	vperm.xlane v60, v0;
	v63 =	vperm.xlane v49, v5  }
0x150: {  	v61 =	vperm.xlane v53, v3;
	v47 =	vnsel vm7, $0x0, v50;
	v50 =	vadd.s32 v52, v55  }
0x151: {  	vm7 =	vmor vm11, vm10;
	v51 =	vsel vm2, $0x0, v63;
	v63 =	vsel vm3, $0x0, v58  }
0x152: {  	v62 =	vsel vm1, $0x0, v61;
	v61 =	vsel vm7, $0x1, v1;
	v52 =	vadd.s32 v60, v63  }
0x153: {  	v49 =	vadd.s32 v51, v49;
	v51 =	vadd.s32 v62, v53;
	v59 =	vperm.xlane v52, v2  }
0x154: {  	v62 =	vld [tilespmem:$0x2C8];
	v58 =	vadd.s32 v50, v49;
	v60 =	vperm.xlane v51, v5;
	v49 =	vperm.xlane v49, v6  }
0x155: {  	v48 =	vnsel vm4, $0x0, v54;
	v63 =	vperm.xlane v61, v0;
	v54 =	vcvt.s32.f32 v58  }
0x156: {  	v53 =	vsel vm0, $0x0, v59;
	v55 =	vsel vm2, $0x0, v60;
	v50 =	vadd.s32 v50, v49  }
0x157: {  	v52 =	vadd.s32 v53, v52;
	v51 =	vadd.s32 v55, v51;
	v49 =	vnsel vm9, $0x0, v54  }
0x158: {  	v60 =	vld [tilespmem:$0x2D8];
	v53 =	vsel vm3, $0x0, v63;
	v58 =	vperm.xlane v52, v3;
	v59 =	vadd.s32 v50, v51  }
0x159: {  	v53 =	vadd.s32 v61, v53;
	vm12 =	vlt.f32 v62, $0.0e+00;
	vm13 =	vgt.f32 v62, $0.0e+00  }
0x15a: {  	v51 =	vperm.xlane v51, v6;
	v56 =	vperm.xlane v53, v2;
	vm5 =	vmor vm13, vm12  }
0x15b: {  	[tilespmem:$0x650] =	vst v7;
	v54 =	vcvt.s32.f32 v59;
	v55 =	vsel vm1, $0x0, v58;
	v62 =	vsel vm5, $0x1, v1  }
0x15c: {  	[tilespmem:$0x680] =	vst v10;
	v10 =	vadd.s32 v50, v51;
	v52 =	vadd.s32 v55, v52;
	v61 =	vsel vm0, $0x0, v56  }
0x15d: {  	[tilespmem:$0x660] =	vst v8;
	v7 =	vnsel vm8, $0x0, v54;
	v63 =	vperm.xlane v62, v0;
	vm14 =	vlt.f32 v60, $0.0e+00  }
0x15e: {  	[tilespmem:$0x670] =	vst v9;
	vm15 =	vgt.f32 v60, $0.0e+00;
	v8 =	vperm.xlane v52, v5;
	v9 =	vadd.s32 v61, v53  }
0x15f: {  	[tilespmem:$0x690] =	vst v12;
	vm4 =	vmor vm15, vm14;
	v54 =	vperm.xlane v9, v3;
	v55 =	vsel vm3, $0x0, v63  }
0x160: {  	[tilespmem:$0x6A0] =	vst v11;
	v61 =	vsel vm4, $0x1, v1;
	v8 =	vsel vm2, $0x0, v8;
	v58 =	vadd.s32 v62, v55  }
0x161: {  	[tilespmem:$0x6B0] =	vst v13;
	v63 =	vperm.xlane v61, v0;
	v8 =	vadd.s32 v8, v52;
	v59 =	vsel vm1, $0x0, v54  }
0x162: {  	[tilespmem:$0x6C0] =	vst v14;
	v60 =	vperm.xlane v58, v2;
	v52 =	vld [tilespmem:$0x2E8];
	v62 =	vadd.s32 v10, v8;
	v9 =	vadd.s32 v59, v9  }
0x163: {  	[tilespmem:$0x6D0] =	vst v16;
	v8 =	vperm.xlane v8, v6;
	v12 =	vsel vm3, $0x0, v63;
	v14 =	vcvt.s32.f32 v62  }
0x164: {  	[tilespmem:$0x6E0] =	vst v15;
	v51 =	vperm.xlane v9, v5;
	v13 =	vsel vm0, $0x0, v60;
	v12 =	vadd.s32 v61, v12  }
0x165: {  	[tilespmem:$0x6F0] =	vst v17;
	v11 =	vadd.s32 v13, v58;
	v10 =	vadd.s32 v10, v8;
	v55 =	vperm.xlane v12, v2  }
0x166: {  	[tilespmem:$0x700] =	vst v19;
	v60 =	vld [tilespmem:$0x308];
	v53 =	vsel vm2, $0x0, v51;
	v54 =	vperm.xlane v11, v3;
	v8 =	vnsel vm6, $0x0, v14  }
0x167: {  	[tilespmem:$0x710] =	vst v18;
	v62 =	vld [tilespmem:$0x318];
	v9 =	vadd.s32 v53, v9;
	v15 =	vsel vm0, $0x0, v55;
	vm12 =	vlt.f32 v52, $0.0e+00  }
0x168: {  	[tilespmem:$0x728] =	vst v22;
	v58 =	vld [tilespmem:$0x2F8];
	vm13 =	vgt.f32 v52, $0.0e+00;
	v56 =	vadd.s32 v10, v9;
	v16 =	vsel vm1, $0x0, v54  }
0x169: {  	[tilespmem:$0x738] =	vst v21;
	v12 =	vadd.s32 v15, v12;
	vm6 =	vmor vm13, vm12;
	v9 =	vperm.xlane v9, v6  }
0x16a: {  	[tilespmem:$0x748] =	vst v23;
	v14 =	vcvt.s32.f32 v56;
	v11 =	vadd.s32 v16, v11;
	v15 =	vperm.xlane v12, v3  }
0x16b: {  	[tilespmem:$0x758] =	vst v24;
	v59 =	vsel vm6, $0x1, v1;
	vm12 =	vlt.f32 v60, $0.0e+00;
	vm13 =	vgt.f32 v60, $0.0e+00  }
0x16c: {  	[tilespmem:$0x768] =	vst v25;
	vm11 =	vgt.f32 v62, $0.0e+00;
	v57 =	vperm.xlane v11, v5;
	v61 =	vperm.xlane v59, v0  }
0x16d: {  	[tilespmem:$0x778] =	vst v26;
	v9 =	vadd.s32 v10, v9;
	vm14 =	vlt.f32 v58, $0.0e+00;
	vm15 =	vgt.f32 v58, $0.0e+00  }
0x16e: {  	[tilespmem:$0x7A8] =	vst v29;
	vm8 =	vmor vm13, vm12;
	v14 =	vnsel vm7, $0x0, v14;
	v15 =	vsel vm1, $0x0, v15  }
0x16f: {  	[tilespmem:$0x7C8] =	vst v31;
	vm7 =	vmor vm15, vm14;
	vm14 =	vlt.f32 v62, $0.0e+00;
	v31 =	vsel vm8, $0x1, v1  }
0x170: {  	[tilespmem:$0x7D8] =	vst v32;
	v13 =	vsel vm2, $0x0, v57;
	v21 =	vadd.s32 v15, v12;
	v24 =	vsel vm3, $0x0, v61  }
0x171: {  	[tilespmem:$0x7E0] =	vst v33;
	vm15 =	vmor vm11, vm14;
	v29 =	vsel vm7, $0x1, v1;
	v33 =	vperm.xlane v31, v0  }
0x172: {  	[tilespmem:$0x788] =	vst v27;
	v63 =	vadd.s32 v13, v11;
	v23 =	vperm.xlane v21, v5;
	v15 =	vadd.s32 v59, v24  }
0x173: {  	[tilespmem:$0x7B8] =	vst v30;
	v30 =	vperm.xlane v29, v0;
	vm9 =	vmand vm15, vm2;
	v22 =	vperm.xlane v63, v6  }
0x174: {  	[tilespmem:$0x7F0] =	vst v34;
	v25 =	vperm.xlane v15, v2;
	v10 =	vadd.s32 v9, v63;
	v34 =	vsel vm3, $0x0, v33  }
0x175: {  	[tilespmem:$0x810] =	vst v36;
	v36 =	vsel vm9, $0x1, v1;
	v26 =	vsel vm2, $0x0, v23;
	v10 =	vcvt.s32.f32 v10  }
0x176: {  	[tilespmem:$0x820] =	vst v38;
	v16 =	vsel vm3, $0x0, v30;
	v38 =	vperm.xlane v36, v0;
	v9 =	vadd.s32 v9, v22  }
0x177: {  	[tilespmem:$0x798] =	vst v28;
	v27 =	vsel vm0, $0x0, v25;
	v11 =	vadd.s32 v26, v21;
	v13 =	vadd.s32 v29, v16  }
0x178: {  	[tilespmem:$0x800] =	vst v35;
	v16 =	vadd.s32 v31, v34;
	v28 =	vadd.s32 v27, v15;
	v35 =	vperm.xlane v13, v2  }
0x179: {  	[tilespmem:$0x830] =	vst v37;
	v32 =	vadd.s32 v9, v11;
	v37 =	vperm.xlane v16, v2;
	v15 =	vperm.xlane v28, v3  }
0x17a: {  	[tilespmem:$0x718] =	vst v20;
	v11 =	vperm.xlane v11, v6;
	v51 =	vsel vm3, $0x0, v38;
	v10 =	vnsel vm5, $0x0, v10  }
0x17b: {  	[tilespmem:$0x840] =	vst v39;
	v53 =	vadd.s32 v36, v51;
	v19 =	vsel vm0, $0x0, v35;
	v15 =	vsel vm1, $0x0, v15  }
0x17c: {  	[tilespmem:$0x850] =	vst v40;
	v13 =	vadd.s32 v19, v13;
	v12 =	vadd.s32 v15, v28;
	v15 =	vsel vm0, $0x0, v37  }
0x17d: {  	[tilespmem:$0x860] =	vst v42;
	v19 =	vperm.xlane v53, v2;
	v52 =	vperm.xlane v13, v3;
	v15 =	vadd.s32 v15, v16  }
0x17e: {  	[tilespmem:$0x870] =	vst v41;
	v18 =	vcvt.s32.f32 v32;
	v9 =	vadd.s32 v9, v11;
	v54 =	vperm.xlane v15, v3  }
0x17f: {  	[tilespmem:$0x880] =	vst v43;
	v50 =	vperm.xlane v12, v5;
	v19 =	vsel vm0, $0x0, v19;
	v20 =	vsel vm1, $0x0, v52  }
0x180: {  	[tilespmem:$0x890] =	vst v45;
	v16 =	vadd.s32 v19, v53;
	v13 =	vadd.s32 v20, v13;
	v17 =	vsel vm1, $0x0, v54  }
0x181: {  	[tilespmem:$0x8A0] =	vst v44;
	v55 =	vsel vm2, $0x0, v50;
	v20 =	vperm.xlane v13, v5;
	v15 =	vadd.s32 v17, v15  }
0x182: {  	[tilespmem:$0x8A8] =	vst v46;
	v57 =	vperm.xlane v16, v3;
	v11 =	vadd.s32 v55, v12;
	v56 =	vperm.xlane v15, v5  }
0x183: {  	[tilespmem:$0x8B8] =	vst v48;
	v58 =	vadd.s32 v9, v11;
	v11 =	vperm.xlane v11, v6;
	v20 =	vsel vm2, $0x0, v20  }
0x184: {  	[tilespmem:$0x8C8] =	vst v47;
	v17 =	vsel vm1, $0x0, v57;
	v13 =	vadd.s32 v20, v13;
	v12 =	vsel vm2, $0x0, v56  }
0x185: {  	[tilespmem:$0x8D8] =	vst v49;
	v59 =	vadd.s32 v17, v16;
	v20 =	vperm.xlane v13, v6;
	v12 =	vadd.s32 v12, v15  }
0x186: {  	[tilespmem:$0x8E8] =	vst v7;
	v7 =	vadd.s32 v9, v11;
	v61 =	vperm.xlane v59, v5;
	v60 =	vperm.xlane v12, v6  }
0x187: {  	[tilespmem:$0x8F8] =	vst v8;
	v8 =	vnsel vm4, $0x0, v18;
	v62 =	vcvt.s32.f32 v58;
	v63 =	vadd.s32 v7, v20  }
0x188: {  	[tilespmem:$0x908] =	vst v14;
	v11 =	vsel vm2, $0x0, v61;
	v7 =	vadd.s32 v7, v13;
	v9 =	vadd.s32 v63, v60  }
0x189: {  	[tilespmem:$0x918] =	vst v10;
	v7 =	vcvt.s32.f32 v7;
	v14 =	vadd.s32 v63, v12;
	v9 =	vadd.s32 v11, v9  }
0x18a: {  	[tilespmem:$0x928] =	vst v8;
	v8 =	vnsel vm6, $0x0, v62;
	v10 =	vcvt.s32.f32 v14;
	v9 =	vadd.s32 v59, v9  }
0x18b: {  	[tilespmem:$0x938] =	vst v8;
	v7 =	vnsel vm7, $0x0, v7;
	v8 =	vcvt.s32.f32 v9  }
0x18c: {  	[tilespmem:$0x948] =	vst v7;
	v7 =	vnsel vm8, $0x0, v10  }
0x18d: {  	p1 =	seq.s32 s16, $0xBB8;
	[tilespmem:$0x958] =	vst v7;
	v7 =	vnsel vm9, $0x0, v8  }
0x18e: {  	s31 =	sadd.s32 s16, s7;
	s18 =	sadd.s32 @!p1 s16, s6;
	[tilespmem:$0x968] =	vst v7  }
0x18f: {  	[hbm4b:s31+s2] =	stream.linear.scatter [tilespmem:s10], [sflag:$0x3], $0x320, $0x38;
	[tilespmem:$0xCA0] =	vst v63  }
0x190: {  	s19 =	simm.s32 @!p1 $0x0;
	s18 =	sadd.s32 @!p1 $0xC8, s18  }
0x191: {  	[tilespmem:s19], [sflag:$0x1] =	stream.linear.gather @!p1 [hbm4b:s18+s19], $0x320, $0x38;
	[tilespmem:$0xCA0] =	vst v63  }
0x192: {  	_ =	swait.ge [sflag:s11], $0x320  }
0x193: {  	[sflag:s11] =	ssyncset.done $0x0  }
0x194: {  	s18 =	simm.s32 @!p0 $0x4;
	[sflag:s11] =	ssyncadd.s32 $0xFFFFFCE0  }
0x195: {  	_ =	swait.ge @!p0 [sflag:s18], $0x320  }
0x196: {  	[sflag:s18] =	ssyncset.done @!p0 $0x0  }
0x197: {  	[sflag:s18] =	ssyncadd.s32 @!p0 $0xFFFFFCE0  }
0x198: {  	v7 =	vld [tilespmem:$0x328];
	_ =	sdelay $0x2  }
0x199: {  	v8 =	vld [tilespmem:$0x338];
	_ =	sdelay $0x1  }
0x19a: {  	v22 =	vld [tilespmem:$0x358];
	vm8 =	vlt.f32 v7, $0.0e+00;
	vm9 =	vgt.f32 v7, $0.0e+00  }
0x19b: {  	vm4 =	vmor vm9, vm8  }
0x19c: {  	v39 =	vld [tilespmem:$0x378];
	v7 =	vsel vm4, $0x1, v1  }
0x19d: {  	vm10 =	vlt.f32 v8, $0.0e+00;
	vm11 =	vgt.f32 v8, $0.0e+00;
	v8 =	vld [tilespmem:$0x348];
	v16 =	vperm.xlane v7, v0;
	_ =	sdelay $0x1  }
0x19e: {  	vm14 =	vlt.f32 v22, $0.0e+00;
	vm15 =	vgt.f32 v22, $0.0e+00;
	v9 =	vsel vm3, $0x0, v16  }
0x19f: {  	vm7 =	vmor vm11, vm10;
	vm8 =	vmor vm15, vm14;
	v7 =	vadd.s32 v7, v9  }
0x1a0: {  	v34 =	vld [tilespmem:$0x368];
	vm14 =	vlt.f32 v39, $0.0e+00;
	v17 =	vsel vm7, $0x1, v1;
	v9 =	vperm.xlane v7, v2  }
0x1a1: {  	v18 =	vperm.xlane v17, v0;
	vm12 =	vlt.f32 v8, $0.0e+00;
	vm13 =	vgt.f32 v8, $0.0e+00  }
0x1a2: {  	vm15 =	vgt.f32 v39, $0.0e+00;
	vm5 =	vmor vm13, vm12;
	v9 =	vsel vm0, $0x0, v9  }
0x1a3: {  	v21 =	vsel vm5, $0x1, v1;
	v7 =	vadd.s32 v9, v7;
	v9 =	vsel vm3, $0x0, v18  }
0x1a4: {  	v48 =	vld [tilespmem:$0x388];
	v29 =	vsel vm8, $0x1, v1;
	v23 =	vperm.xlane v21, v0;
	v8 =	vadd.s32 v17, v9  }
0x1a5: {  	v31 =	vperm.xlane v29, v0;
	vm12 =	vlt.f32 v34, $0.0e+00;
	v10 =	vperm.xlane v8, v2  }
0x1a6: {  	vm13 =	vgt.f32 v34, $0.0e+00;
	v19 =	vperm.xlane v7, v3;
	v9 =	vsel vm3, $0x0, v23  }
0x1a7: {  	vm6 =	vmor vm13, vm12;
	v9 =	vadd.s32 v21, v9;
	v10 =	vsel vm0, $0x0, v10  }
0x1a8: {  	v20 =	vsel vm1, $0x0, v19;
	v11 =	vperm.xlane v9, v2;
	v8 =	vadd.s32 v10, v8  }
0x1a9: {  	vm12 =	vlt.f32 v48, $0.0e+00;
	v7 =	vadd.s32 v20, v7;
	v26 =	vperm.xlane v8, v3  }
0x1aa: {  	vm13 =	vgt.f32 v48, $0.0e+00;
	v24 =	vperm.xlane v7, v5;
	v28 =	vsel vm0, $0x0, v11  }
0x1ab: {  	v10 =	vsel vm3, $0x0, v31;
	v9 =	vadd.s32 v28, v9;
	v27 =	vsel vm1, $0x0, v26  }
0x1ac: {  	v10 =	vadd.s32 v29, v10;
	v25 =	vsel vm2, $0x0, v24;
	v8 =	vadd.s32 v27, v8  }
0x1ad: {  	v37 =	vperm.xlane v10, v2;
	v7 =	vadd.s32 v25, v7;
	v30 =	vperm.xlane v8, v5  }
0x1ae: {  	v57 =	vld [tilespmem:$0x398];
	v42 =	vsel vm6, $0x1, v1;
	v33 =	vperm.xlane v9, v3;
	v32 =	vcvt.s32.f32 v7  }
0x1af: {  	v35 =	vperm.xlane v7, v6;
	v12 =	vsel vm0, $0x0, v37;
	v7 =	vsel vm2, $0x0, v30  }
0x1b0: {  	v10 =	vadd.s32 v12, v10;
	v8 =	vadd.s32 v7, v8;
	v7 =	vsel vm1, $0x0, v33  }
0x1b1: {  	v43 =	vperm.xlane v42, v0;
	v41 =	vperm.xlane v10, v3;
	v9 =	vadd.s32 v7, v9  }
0x1b2: {  	v36 =	vadd.s32 v35, v8;
	v7 =	vnsel vm4, $0x0, v32;
	v38 =	vperm.xlane v9, v5  }
0x1b3: {  	v8 =	vperm.xlane v8, v6;
	vm4 =	vmor vm15, vm14;
	vm14 =	vlt.f32 v57, $0.0e+00  }
0x1b4: {  	vm15 =	vgt.f32 v57, $0.0e+00;
	v11 =	vcvt.s32.f32 v36;
	v40 =	vsel vm2, $0x0, v38  }
0x1b5: {  	v24 =	vld [tilespmem:$0x3A8];
	v47 =	vsel vm4, $0x1, v1;
	v16 =	vadd.s32 v35, v8;
	v8 =	vadd.s32 v40, v9  }
0x1b6: {  	v50 =	vperm.xlane v47, v0;
	v9 =	vsel vm3, $0x0, v43;
	v12 =	vadd.s32 v16, v8  }
0x1b7: {  	v44 =	vperm.xlane v8, v6;
	v8 =	vsel vm1, $0x0, v41;
	v9 =	vadd.s32 v42, v9  }
0x1b8: {  	v10 =	vadd.s32 v8, v10;
	v46 =	vperm.xlane v9, v2;
	v8 =	vnsel vm7, $0x0, v11  }
0x1b9: {  	v49 =	vcvt.s32.f32 v12;
	v12 =	vsel vm3, $0x0, v50;
	vm7 =	vmor vm13, vm12  }
0x1ba: {  	vm12 =	vlt.f32 v24, $0.0e+00;
	vm13 =	vgt.f32 v24, $0.0e+00;
	v45 =	vperm.xlane v10, v5  }
0x1bb: {  	v12 =	vadd.s32 v47, v12;
	v52 =	vsel vm7, $0x1, v1;
	v14 =	vsel vm0, $0x0, v46  }
0x1bc: {  	v15 =	vperm.xlane v12, v2;
	v54 =	vperm.xlane v52, v0;
	v13 =	vsel vm2, $0x0, v45  }
0x1bd: {  	v16 =	vadd.s32 v16, v44;
	v9 =	vadd.s32 v14, v9;
	v10 =	vadd.s32 v13, v10  }
0x1be: {  	v29 =	vld [tilespmem:$0x3B8];
	v14 =	vperm.xlane v9, v3;
	v51 =	vsel vm0, $0x0, v15;
	v59 =	vsel vm3, $0x0, v54  }
0x1bf: {  	v13 =	vadd.s32 v16, v10;
	v10 =	vperm.xlane v10, v6;
	v12 =	vadd.s32 v51, v12  }
0x1c0: {  	v45 =	vld [tilespmem:$0x3C8];
	v61 =	vadd.s32 v52, v59;
	v14 =	vsel vm1, $0x0, v14;
	v55 =	vcvt.s32.f32 v13  }
0x1c1: {  	v56 =	vperm.xlane v12, v3;
	v17 =	vperm.xlane v61, v2;
	v14 =	vadd.s32 v14, v9  }
0x1c2: {  	v9 =	vnsel vm5, $0x0, v49;
	v16 =	vadd.s32 v16, v10;
	vm5 =	vmor vm15, vm14  }
0x1c3: {  	vm14 =	vlt.f32 v29, $0.0e+00;
	vm15 =	vgt.f32 v29, $0.0e+00;
	v53 =	vperm.xlane v14, v5  }
0x1c4: {  	v52 =	vld [tilespmem:$0x3D8];
	v60 =	vsel vm1, $0x0, v56;
	v10 =	vnsel vm8, $0x0, v55;
	v17 =	vsel vm0, $0x0, v17  }
0x1c5: {  	v25 =	vsel vm5, $0x1, v1;
	vm8 =	vmor vm13, vm12;
	vm11 =	vlt.f32 v45, $0.0e+00  }
0x1c6: {  	vm12 =	vgt.f32 v45, $0.0e+00;
	v12 =	vadd.s32 v60, v12;
	v13 =	vadd.s32 v17, v61  }
0x1c7: {  	v45 =	vld [tilespmem:$0x410];
	v26 =	vperm.xlane v25, v0;
	v28 =	vsel vm8, $0x1, v1;
	v58 =	vsel vm2, $0x0, v53  }
0x1c8: {  	v23 =	vperm.xlane v12, v5;
	v17 =	vperm.xlane v13, v3;
	v14 =	vadd.s32 v58, v14  }
0x1c9: {  	v30 =	vperm.xlane v28, v0;
	vm13 =	vlt.f32 v52, $0.0e+00;
	v62 =	vadd.s32 v16, v14  }
0x1ca: {  	v14 =	vperm.xlane v14, v6;
	v15 =	vsel vm2, $0x0, v23;
	v17 =	vsel vm1, $0x0, v17  }
0x1cb: {  	v59 =	vld [tilespmem:$0x3E8];
	v34 =	vsel vm3, $0x0, v30;
	v63 =	vcvt.s32.f32 v62;
	v12 =	vadd.s32 v15, v12  }
0x1cc: {  	v15 =	vsel vm3, $0x0, v26;
	v13 =	vadd.s32 v17, v13;
	vm10 =	vlt.f32 v45, $0.0e+00  }
0x1cd: {  	v14 =	vadd.s32 v16, v14;
	v15 =	vadd.s32 v25, v15;
	v17 =	vperm.xlane v13, v5  }
0x1ce: {  	v16 =	vadd.s32 v14, v12;
	v12 =	vperm.xlane v12, v6;
	v27 =	vperm.xlane v15, v2  }
0x1cf: {  	v11 =	vnsel vm6, $0x0, v63;
	vm6 =	vmor vm15, vm14;
	vm14 =	vgt.f32 v52, $0.0e+00  }
0x1d0: {  	vm15 =	vlt.f32 v59, $0.0e+00;
	v16 =	vcvt.s32.f32 v16;
	v31 =	vsel vm2, $0x0, v17  }
0x1d1: {  	v40 =	vsel vm6, $0x1, v1;
	v14 =	vadd.s32 v14, v12;
	v32 =	vsel vm0, $0x0, v27  }
0x1d2: {  	v12 =	vadd.s32 v31, v13;
	v42 =	vperm.xlane v40, v0;
	v33 =	vadd.s32 v32, v15  }
0x1d3: {  	v35 =	vadd.s32 v14, v12;
	v15 =	vadd.s32 v28, v34;
	v37 =	vperm.xlane v12, v6  }
0x1d4: {  	v12 =	vnsel vm4, $0x0, v16;
	vm4 =	vmor vm12, vm11;
	vm12 =	vgt.f32 v59, $0.0e+00  }
0x1d5: {  	v36 =	vperm.xlane v33, v3;
	v19 =	vperm.xlane v15, v2;
	v46 =	vsel vm3, $0x0, v42  }
0x1d6: {  	vm11 =	vgt.f32 v45, $0.0e+00;
	v43 =	vcvt.s32.f32 v35;
	v48 =	vadd.s32 v40, v46  }
0x1d7: {  	v38 =	vsel vm1, $0x0, v36;
	v39 =	vsel vm0, $0x0, v19;
	v20 =	vperm.xlane v48, v2  }
0x1d8: {  	v31 =	vld [tilespmem:$0x3F0];
	v54 =	vsel vm4, $0x1, v1;
	v13 =	vadd.s32 v38, v33;
	v15 =	vadd.s32 v39, v15  }
0x1d9: {  	v41 =	vperm.xlane v13, v5;
	v44 =	vperm.xlane v15, v3;
	v20 =	vsel vm0, $0x0, v20  }
0x1da: {  	v14 =	vadd.s32 v14, v37;
	v55 =	vperm.xlane v54, v0;
	v39 =	vld [tilespmem:$0x400];
	v17 =	vadd.s32 v20, v48  }
0x1db: {  	v19 =	vsel vm2, $0x0, v41;
	v47 =	vsel vm1, $0x0, v44;
	v53 =	vperm.xlane v17, v3  }
0x1dc: {  	v19 =	vadd.s32 v19, v13;
	v15 =	vadd.s32 v47, v15;
	v13 =	vnsel vm7, $0x0, v43  }
0x1dd: {  	vm7 =	vmor vm14, vm13;
	vm13 =	vlt.f32 v31, $0.0e+00;
	vm14 =	vgt.f32 v31, $0.0e+00  }
0x1de: {  	v49 =	vadd.s32 v14, v19;
	v51 =	vperm.xlane v15, v5;
	v19 =	vperm.xlane v19, v6  }
0x1df: {  	v21 =	vsel vm1, $0x0, v53;
	v61 =	vsel vm7, $0x1, v1;
	vm9 =	vgt.f32 v39, $0.0e+00  }
0x1e0: {  	v50 =	vcvt.s32.f32 v49;
	v17 =	vadd.s32 v21, v17;
	v62 =	vperm.xlane v61, v0  }
0x1e1: {  	v18 =	vsel vm2, $0x0, v51;
	v19 =	vadd.s32 v14, v19;
	v58 =	vperm.xlane v17, v5  }
0x1e2: {  	v18 =	vadd.s32 v18, v15;
	v14 =	vnsel vm5, $0x0, v50;
	v15 =	vsel vm3, $0x0, v55  }
0x1e3: {  	v29 =	vsel vm3, $0x0, v62;
	vm5 =	vmor vm12, vm15;
	vm15 =	vlt.f32 v39, $0.0e+00  }
0x1e4: {  	v56 =	vadd.s32 v19, v18;
	v57 =	vadd.s32 v54, v15;
	v60 =	vperm.xlane v18, v6  }
0x1e5: {  	v20 =	vsel vm2, $0x0, v58;
	v18 =	vadd.s32 v61, v29;
	vm5 =	vmand vm5, vm2  }
0x1e6: {  	v16 =	vcvt.s32.f32 v56;
	v22 =	vperm.xlane v57, v2;
	v63 =	vadd.s32 v20, v17  }
0x1e7: {  	v54 =	vld [tilespmem:$0x420];
	v30 =	vsel vm5, $0x1, v1;
	v19 =	vadd.s32 v19, v60;
	v32 =	vperm.xlane v63, v6  }
0x1e8: {  	v33 =	vperm.xlane v30, v0;
	v15 =	vnsel vm8, $0x0, v16;
	v22 =	vsel vm0, $0x0, v22  }
0x1e9: {  	v20 =	vadd.s32 v19, v63;
	vm8 =	vmor vm14, vm13;
	v28 =	vadd.s32 v22, v57  }
0x1ea: {  	v22 =	vperm.xlane v18, v2;
	v20 =	vcvt.s32.f32 v20;
	v19 =	vadd.s32 v19, v32  }
0x1eb: {  	v36 =	vsel vm3, $0x0, v33;
	v38 =	vsel vm8, $0x1, v1;
	v21 =	vperm.xlane v28, v3  }
0x1ec: {  	v41 =	vperm.xlane v38, v0;
	vm12 =	vlt.f32 v54, $0.0e+00;
	v22 =	vsel vm0, $0x0, v22  }
0x1ed: {  	v16 =	vnsel vm6, $0x0, v20;
	v20 =	vadd.s32 v30, v36;
	v21 =	vsel vm1, $0x0, v21  }
0x1ee: {  	v18 =	vadd.s32 v22, v18;
	v23 =	vperm.xlane v20, v2;
	v17 =	vadd.s32 v21, v28  }
0x1ef: {  	vm6 =	vmor vm9, vm15;
	v35 =	vperm.xlane v18, v3;
	v21 =	vperm.xlane v17, v5  }
0x1f0: {  	vm13 =	vgt.f32 v54, $0.0e+00;
	v43 =	vsel vm3, $0x0, v41;
	v47 =	vsel vm6, $0x1, v1  }
0x1f1: {  	v23 =	vsel vm0, $0x0, v23;
	v34 =	vsel vm2, $0x0, v21;
	v21 =	vsel vm1, $0x0, v35  }
0x1f2: {  	v20 =	vadd.s32 v23, v20;
	v35 =	vld [tilespmem:$0x430];
	v17 =	vadd.s32 v34, v17;
	v18 =	vadd.s32 v21, v18  }
0x1f3: {  	v37 =	vadd.s32 v19, v17;
	v21 =	vperm.xlane v18, v5;
	v40 =	vperm.xlane v17, v6  }
0x1f4: {  	v24 =	vadd.s32 v38, v43;
	v42 =	vperm.xlane v20, v3;
	v22 =	vcvt.s32.f32 v37  }
0x1f5: {  	v49 =	vperm.xlane v47, v0;
	v21 =	vsel vm2, $0x0, v21;
	v19 =	vadd.s32 v19, v40  }
0x1f6: {  	v17 =	vnsel vm4, $0x0, v22;
	v21 =	vadd.s32 v21, v18;
	v22 =	vsel vm1, $0x0, v42  }
0x1f7: {  	v18 =	vperm.xlane v24, v2;
	vm4 =	vmor vm11, vm10;
	vm14 =	vlt.f32 v35, $0.0e+00  }
0x1f8: {  	vm15 =	vgt.f32 v35, $0.0e+00;
	v44 =	vadd.s32 v19, v21;
	v20 =	vadd.s32 v22, v20  }
0x1f9: {  	v21 =	vperm.xlane v21, v6;
	v53 =	vsel vm4, $0x1, v1;
	v23 =	vcvt.s32.f32 v44  }
0x1fa: {  	v42 =	vld [tilespmem:$0x440];
	v22 =	vperm.xlane v20, v5;
	v46 =	vsel vm0, $0x0, v18;
	v56 =	vperm.xlane v53, v0  }
0x1fb: {  	v48 =	vadd.s32 v46, v24;
	v24 =	vsel vm3, $0x0, v49;
	v19 =	vadd.s32 v19, v21  }
0x1fc: {  	v18 =	vnsel vm7, $0x0, v23;
	v22 =	vsel vm2, $0x0, v22;
	v26 =	vperm.xlane v48, v3  }
0x1fd: {  	v50 =	vadd.s32 v47, v24;
	v23 =	vsel vm3, $0x0, v56;
	vm7 =	vmor vm13, vm12  }
0x1fe: {  	v52 =	vperm.xlane v50, v2;
	v19 =	vadd.s32 v22, v19;
	v23 =	vadd.s32 v53, v23  }
0x1ff: {  	v62 =	vsel vm7, $0x1, v1;
	vm12 =	vlt.f32 v42, $0.0e+00;
	vm13 =	vgt.f32 v42, $0.0e+00  }
0x200: {  	v51 =	vsel vm1, $0x0, v26;
	v19 =	vadd.s32 v20, v19;
	v59 =	vperm.xlane v23, v2  }
0x201: {  	v32 =	vperm.xlane v62, v0;
	v55 =	vadd.s32 v51, v48;
	v58 =	vsel vm0, $0x0, v52  }
0x202: {  	v19 =	vcvt.s32.f32 v19;
	v21 =	vadd.s32 v58, v50;
	v61 =	vsel vm0, $0x0, v59  }
0x203: {  	v57 =	vperm.xlane v55, v5;
	v24 =	vperm.xlane v21, v3;
	v22 =	vadd.s32 v61, v23  }
0x204: {  	v19 =	vnsel vm5, $0x0, v19;
	v23 =	vsel vm3, $0x0, v32;
	vm5 =	vmor vm13, vm12  }
0x205: {  	v20 =	vsel vm2, $0x0, v57;
	v34 =	vperm.xlane v22, v3;
	v23 =	vadd.s32 v62, v23  }
0x206: {  	v53 =	vld [tilespmem:$0x450];
	v52 =	vsel vm5, $0x1, v1;
	v20 =	vadd.s32 v20, v55;
	v60 =	vsel vm1, $0x0, v24  }
0x207: {  	v40 =	vperm.xlane v23, v2;
	v55 =	vperm.xlane v52, v0;
	v21 =	vadd.s32 v60, v21  }
0x208: {  	v62 =	vld [tilespmem:$0x460];
	v33 =	vcvt.s32.f32 v20;
	v36 =	vperm.xlane v20, v6;
	v38 =	vsel vm1, $0x0, v34  }
0x209: {  	v63 =	vperm.xlane v21, v5;
	v22 =	vadd.s32 v38, v22;
	v25 =	vsel vm0, $0x0, v40  }
0x20a: {  	v20 =	vnsel vm8, $0x0, v33;
	v41 =	vperm.xlane v22, v5;
	v23 =	vadd.s32 v25, v23  }
0x20b: {  	vm8 =	vmor vm15, vm14;
	vm14 =	vlt.f32 v53, $0.0e+00;
	vm15 =	vgt.f32 v53, $0.0e+00  }
0x20c: {  	v37 =	vsel vm2, $0x0, v63;
	v44 =	vperm.xlane v23, v3;
	v45 =	vsel vm8, $0x1, v1  }
0x20d: {  	vm12 =	vlt.f32 v62, $0.0e+00;
	vm13 =	vgt.f32 v62, $0.0e+00;
	v21 =	vadd.s32 v37, v21  }
0x20e: {  	v43 =	vsel vm2, $0x0, v41;
	v47 =	vperm.xlane v45, v0;
	v39 =	vadd.s32 v36, v21  }
0x20f: {  	v21 =	vperm.xlane v21, v6;
	v46 =	vadd.s32 v43, v22;
	v49 =	vsel vm1, $0x0, v44  }
0x210: {  	v24 =	vcvt.s32.f32 v39;
	v48 =	vperm.xlane v46, v6;
	v22 =	vsel vm3, $0x0, v47  }
0x211: {  	v23 =	vadd.s32 v49, v23;
	v29 =	vadd.s32 v36, v21;
	v22 =	vadd.s32 v45, v22  }
0x212: {  	v50 =	vperm.xlane v23, v5;
	v25 =	vadd.s32 v29, v46;
	v51 =	vperm.xlane v22, v2  }
0x213: {  	v39 =	vld [tilespmem:$0x470];
	v21 =	vnsel vm6, $0x0, v24;
	v29 =	vadd.s32 v29, v48;
	vm6 =	vmor vm15, vm14  }
0x214: {  	v54 =	vcvt.s32.f32 v25;
	v26 =	vsel vm2, $0x0, v50;
	v25 =	vsel vm3, $0x0, v55  }
0x215: {  	v57 =	vsel vm6, $0x1, v1;
	v27 =	vsel vm0, $0x0, v51;
	v23 =	vadd.s32 v26, v23  }
0x216: {  	v25 =	vadd.s32 v52, v25;
	v59 =	vperm.xlane v57, v0;
	v22 =	vadd.s32 v27, v22  }
0x217: {  	v26 =	vadd.s32 v29, v23;
	v28 =	vperm.xlane v25, v2;
	v23 =	vperm.xlane v23, v6  }
0x218: {  	vm14 =	vlt.f32 v39, $0.0e+00;
	vm15 =	vgt.f32 v39, $0.0e+00;
	v27 =	vperm.xlane v22, v3  }
0x219: {  	v44 =	vld [tilespmem:$0x480];
	v60 =	vcvt.s32.f32 v26;
	v33 =	vsel vm3, $0x0, v59;
	vm9 =	vmor vm15, vm14  }
0x21a: {  	v56 =	vsel vm0, $0x0, v28;
	v29 =	vadd.s32 v29, v23;
	v35 =	vadd.s32 v57, v33  }
0x21b: {  	v39 =	vld [tilespmem:$0x4A0];
	v43 =	vsel vm9, $0x1, v1;
	v27 =	vsel vm1, $0x0, v27;
	v25 =	vadd.s32 v56, v25  }
0x21c: {  	v30 =	vperm.xlane v35, v2;
	v23 =	vnsel vm7, $0x0, v60;
	v45 =	vperm.xlane v43, v0  }
0x21d: {  	v27 =	vadd.s32 v27, v22;
	v22 =	vnsel vm4, $0x0, v54;
	v61 =	vperm.xlane v25, v3  }
0x21e: {  	vm4 =	vmor vm13, vm12;
	vm12 =	vlt.f32 v44, $0.0e+00;
	vm13 =	vgt.f32 v44, $0.0e+00  }
0x21f: {  	v58 =	vperm.xlane v27, v5;
	v30 =	vsel vm0, $0x0, v30;
	v40 =	vsel vm4, $0x1, v1  }
0x220: {  	v60 =	vld [tilespmem:$0x490];
	v49 =	vsel vm3, $0x0, v45;
	vm7 =	vmor vm13, vm12;
	vm10 =	vlt.f32 v39, $0.0e+00  }
0x221: {  	vm11 =	vgt.f32 v39, $0.0e+00;
	v34 =	vsel vm1, $0x0, v61;
	v26 =	vadd.s32 v30, v35  }
0x222: {  	v41 =	vperm.xlane v40, v0;
	v55 =	vsel vm7, $0x1, v1;
	vm12 =	vmor vm11, vm10  }
0x223: {  	v63 =	vsel vm2, $0x0, v58;
	v25 =	vadd.s32 v34, v25;
	v30 =	vperm.xlane v26, v3  }
0x224: {  	v57 =	vperm.xlane v55, v0;
	v27 =	vadd.s32 v63, v27;
	v38 =	vperm.xlane v25, v5  }
0x225: {  	vm14 =	vlt.f32 v60, $0.0e+00;
	vm15 =	vgt.f32 v60, $0.0e+00;
	v36 =	vadd.s32 v29, v27  }
0x226: {  	v27 =	vperm.xlane v27, v6;
	v30 =	vsel vm1, $0x0, v30;
	v61 =	vsel vm3, $0x0, v57  }
0x227: {  	v37 =	vcvt.s32.f32 v36;
	v28 =	vsel vm2, $0x0, v38;
	v26 =	vadd.s32 v30, v26  }
0x228: {  	v63 =	vadd.s32 v55, v61;
	v27 =	vadd.s32 v29, v27;
	v25 =	vadd.s32 v28, v25  }
0x229: {  	v28 =	vsel vm3, $0x0, v41;
	v30 =	vperm.xlane v26, v5;
	v33 =	vperm.xlane v63, v2  }
0x22a: {  	v29 =	vadd.s32 v27, v25;
	v25 =	vperm.xlane v25, v6;
	v28 =	vadd.s32 v40, v28  }
0x22b: {  	v24 =	vnsel vm8, $0x0, v37;
	v42 =	vperm.xlane v28, v2;
	v29 =	vcvt.s32.f32 v29  }
0x22c: {  	v46 =	vsel vm2, $0x0, v30;
	v33 =	vsel vm0, $0x0, v33;
	v27 =	vadd.s32 v27, v25  }
0x22d: {  	v25 =	vadd.s32 v46, v26;
	v30 =	vadd.s32 v33, v63;
	v47 =	vsel vm0, $0x0, v42  }
0x22e: {  	v50 =	vadd.s32 v27, v25;
	v40 =	vperm.xlane v30, v3;
	v48 =	vadd.s32 v47, v28  }
0x22f: {  	v52 =	vperm.xlane v25, v6;
	v28 =	vadd.s32 v43, v49;
	v51 =	vperm.xlane v48, v3  }
0x230: {  	v46 =	vld [tilespmem:$0x4B0];
	v25 =	vnsel vm5, $0x0, v29;
	v32 =	vperm.xlane v28, v2;
	v34 =	vsel vm1, $0x0, v40  }
0x231: {  	v58 =	vcvt.s32.f32 v50;
	v30 =	vadd.s32 v34, v30;
	v53 =	vsel vm1, $0x0, v51  }
0x232: {  	v54 =	vsel vm0, $0x0, v32;
	v45 =	vperm.xlane v30, v5;
	v26 =	vadd.s32 v53, v48  }
0x233: {  	v28 =	vadd.s32 v54, v28;
	v48 =	vsel vm12, $0x1, v1;
	v56 =	vperm.xlane v26, v5  }
0x234: {  	v59 =	vperm.xlane v28, v3;
	v33 =	vsel vm2, $0x0, v45;
	v49 =	vperm.xlane v48, v0  }
0x235: {  	v27 =	vadd.s32 v27, v52;
	vm13 =	vlt.f32 v46, $0.0e+00;
	v50 =	vadd.s32 v33, v30  }
0x236: {  	v54 =	vld [tilespmem:$0x4B8];
	v32 =	vsel vm2, $0x0, v56;
	v62 =	vsel vm1, $0x0, v59;
	v52 =	vsel vm3, $0x0, v49  }
0x237: {  	v55 =	vperm.xlane v50, v6;
	v32 =	vadd.s32 v32, v26;
	v28 =	vadd.s32 v62, v28  }
0x238: {  	v45 =	vld [tilespmem:$0x4D8];
	v26 =	vnsel vm6, $0x0, v58;
	vm6 =	vmor vm15, vm14;
	v36 =	vadd.s32 v27, v32  }
0x239: {  	v38 =	vperm.xlane v28, v5;
	v32 =	vperm.xlane v32, v6;
	v41 =	vsel vm6, $0x1, v1  }
0x23a: {  	vm14 =	vgt.f32 v46, $0.0e+00;
	v62 =	vld [tilespmem:$0x4C8];
	v37 =	vcvt.s32.f32 v36;
	v42 =	vperm.xlane v41, v0  }
0x23b: {  	vm15 =	vlt.f32 v54, $0.0e+00;
	v31 =	vsel vm2, $0x0, v38;
	v32 =	vadd.s32 v27, v32  }
0x23c: {  	v31 =	vadd.s32 v31, v28;
	v27 =	vnsel vm4, $0x0, v37;
	v28 =	vsel vm3, $0x0, v42  }
0x23d: {  	vm4 =	vmor vm14, vm13;
	vm13 =	vgt.f32 v45, $0.0e+00;
	v43 =	vadd.s32 v32, v31  }
0x23e: {  	v44 =	vadd.s32 v41, v28;
	v47 =	vperm.xlane v31, v6;
	v31 =	vadd.s32 v48, v52  }
0x23f: {  	vm4 =	vmand vm4, vm2;
	vm10 =	vlt.f32 v62, $0.0e+00;
	v29 =	vcvt.s32.f32 v43  }
0x240: {  	vm11 =	vgt.f32 v62, $0.0e+00;
	v35 =	vperm.xlane v44, v2;
	v53 =	vsel vm4, $0x1, v1  }
0x241: {  	v32 =	vadd.s32 v32, v47;
	v56 =	vperm.xlane v53, v0;
	v28 =	vnsel vm9, $0x0, v29  }
0x242: {  	v35 =	vsel vm0, $0x0, v35;
	v33 =	vadd.s32 v32, v50;
	vm9 =	vgt.f32 v54, $0.0e+00  }
0x243: {  	v51 =	vadd.s32 v35, v44;
	v35 =	vperm.xlane v31, v2;
	v33 =	vcvt.s32.f32 v33  }
0x244: {  	v54 =	vld [tilespmem:$0x4E8];
	v59 =	vsel vm3, $0x0, v56;
	vm5 =	vmor vm9, vm15;
	v34 =	vperm.xlane v51, v3  }
0x245: {  	v61 =	vsel vm5, $0x1, v1;
	v35 =	vsel vm0, $0x0, v35;
	v29 =	vnsel vm7, $0x0, v33  }
0x246: {  	v33 =	vadd.s32 v53, v59;
	v41 =	vperm.xlane v61, v0;
	v34 =	vsel vm1, $0x0, v34  }
0x247: {  	v31 =	vadd.s32 v35, v31;
	v36 =	vperm.xlane v33, v2;
	v30 =	vadd.s32 v34, v51  }
0x248: {  	v32 =	vadd.s32 v32, v55;
	v58 =	vperm.xlane v31, v3;
	v34 =	vperm.xlane v30, v5  }
0x249: {  	v43 =	vsel vm3, $0x0, v41;
	vm14 =	vlt.f32 v54, $0.0e+00;
	vm15 =	vgt.f32 v54, $0.0e+00  }
0x24a: {  	v36 =	vsel vm0, $0x0, v36;
	v57 =	vsel vm2, $0x0, v34;
	v34 =	vsel vm1, $0x0, v58  }
0x24b: {  	v33 =	vadd.s32 v36, v33;
	v30 =	vadd.s32 v57, v30;
	v31 =	vadd.s32 v34, v31  }
0x24c: {  	v60 =	vadd.s32 v32, v30;
	v34 =	vperm.xlane v31, v5;
	v63 =	vperm.xlane v30, v6  }
0x24d: {  	v37 =	vadd.s32 v61, v43;
	v42 =	vperm.xlane v33, v3;
	v35 =	vcvt.s32.f32 v60  }
0x24e: {  	vm9 =	vmor vm15, vm14;
	v34 =	vsel vm2, $0x0, v34;
	v32 =	vadd.s32 v32, v63  }
0x24f: {  	v30 =	vnsel vm6, $0x0, v35;
	v34 =	vadd.s32 v34, v31;
	v35 =	vsel vm1, $0x0, v42  }
0x250: {  	v31 =	vperm.xlane v37, v2;
	vm6 =	vmor vm11, vm10;
	v44 =	vadd.s32 v32, v34  }
0x251: {  	v33 =	vadd.s32 v35, v33;
	v47 =	vsel vm6, $0x1, v1;
	v34 =	vperm.xlane v34, v6  }
0x252: {  	v36 =	vcvt.s32.f32 v44;
	v35 =	vperm.xlane v33, v5;
	v46 =	vsel vm0, $0x0, v31  }
0x253: {  	v62 =	vsel vm9, $0x1, v1;
	v49 =	vperm.xlane v47, v0;
	v48 =	vadd.s32 v46, v37  }
0x254: {  	v32 =	vadd.s32 v32, v34;
	v31 =	vnsel vm12, $0x0, v36;
	v35 =	vsel vm2, $0x0, v35  }
0x255: {  	v39 =	vperm.xlane v48, v3;
	v37 =	vsel vm3, $0x0, v49;
	vm12 =	vlt.f32 v45, $0.0e+00  }
0x256: {  	v45 =	vperm.xlane v62, v0;
	v50 =	vadd.s32 v47, v37;
	vm7 =	vmor vm13, vm12  }
0x257: {  	v51 =	vsel vm1, $0x0, v39;
	v52 =	vperm.xlane v50, v2;
	v53 =	vsel vm7, $0x1, v1  }
0x258: {  	v32 =	vadd.s32 v35, v32;
	v55 =	vadd.s32 v51, v48;
	v56 =	vperm.xlane v53, v0  }
0x259: {  	v32 =	vadd.s32 v33, v32;
	v48 =	vld [tilespmem:$0x4F8];
	v57 =	vperm.xlane v55, v5;
	v58 =	vsel vm0, $0x0, v52  }
0x25a: {  	v32 =	vcvt.s32.f32 v32;
	v34 =	vadd.s32 v58, v50;
	v36 =	vsel vm3, $0x0, v56  }
0x25b: {  	v33 =	vsel vm2, $0x0, v57;
	v37 =	vperm.xlane v34, v3;
	v36 =	vadd.s32 v53, v36  }
0x25c: {  	v32 =	vnsel vm4, $0x0, v32;
	v59 =	vperm.xlane v36, v2;
	v33 =	vadd.s32 v33, v55  }
0x25d: {  	v60 =	vsel vm1, $0x0, v37;
	v46 =	vcvt.s32.f32 v33;
	v49 =	vperm.xlane v33, v6  }
0x25e: {  	v55 =	vld [tilespmem:$0x508];
	vm10 =	vlt.f32 v48, $0.0e+00;
	vm11 =	vgt.f32 v48, $0.0e+00;
	v34 =	vadd.s32 v60, v34  }
0x25f: {  	v61 =	vsel vm0, $0x0, v59;
	vm4 =	vmor vm11, vm10;
	v63 =	vperm.xlane v34, v5  }
0x260: {  	v35 =	vadd.s32 v61, v36;
	v36 =	vsel vm3, $0x0, v45;
	v33 =	vnsel vm5, $0x0, v46  }
0x261: {  	v58 =	vsel vm4, $0x1, v1;
	v47 =	vperm.xlane v35, v3;
	v36 =	vadd.s32 v62, v36  }
0x262: {  	v60 =	vperm.xlane v58, v0;
	v50 =	vsel vm2, $0x0, v63;
	v53 =	vperm.xlane v36, v2  }
0x263: {  	vm12 =	vlt.f32 v55, $0.0e+00;
	vm13 =	vgt.f32 v55, $0.0e+00;
	v34 =	vadd.s32 v50, v34  }
0x264: {  	v63 =	vld [tilespmem:$0x518];
	v51 =	vsel vm1, $0x0, v47;
	vm5 =	vmor vm13, vm12;
	v52 =	vadd.s32 v49, v34  }
0x265: {  	v35 =	vadd.s32 v51, v35;
	v38 =	vsel vm0, $0x0, v53;
	v34 =	vperm.xlane v34, v6  }
0x266: {  	v37 =	vcvt.s32.f32 v52;
	v54 =	vperm.xlane v35, v5;
	v36 =	vadd.s32 v38, v36  }
0x267: {  	v57 =	vperm.xlane v36, v3;
	v42 =	vadd.s32 v49, v34;
	v49 =	vsel vm5, $0x1, v1  }
0x268: {  	v56 =	vsel vm2, $0x0, v54;
	v34 =	vnsel vm6, $0x0, v37;
	v51 =	vperm.xlane v49, v0  }
0x269: {  	vm14 =	vlt.f32 v63, $0.0e+00;
	vm15 =	vgt.f32 v63, $0.0e+00;
	v59 =	vadd.s32 v56, v35  }
0x26a: {  	v62 =	vsel vm1, $0x0, v57;
	v35 =	vsel vm3, $0x0, v60;
	vm8 =	vmor vm15, vm14  }
0x26b: {  	v38 =	vadd.s32 v42, v59;
	v61 =	vperm.xlane v59, v6;
	v36 =	vadd.s32 v62, v36  }
0x26c: {  	v35 =	vadd.s32 v58, v35;
	v53 =	vsel vm3, $0x0, v51;
	v48 =	vperm.xlane v36, v5  }
0x26d: {  	v57 =	vsel vm8, $0x1, v1;
	v41 =	vperm.xlane v35, v2;
	v50 =	vcvt.s32.f32 v38  }
0x26e: {  	v51 =	vld [tilespmem:$0x538];
	v38 =	vadd.s32 v49, v53;
	v58 =	vperm.xlane v57, v0;
	v42 =	vadd.s32 v42, v61  }
0x26f: {  	v55 =	vperm.xlane v38, v2;
	v40 =	vsel vm2, $0x0, v48;
	v41 =	vsel vm0, $0x0, v41  }
0x270: {  	v61 =	vld [tilespmem:$0x528];
	v44 =	vsel vm3, $0x0, v58;
	v40 =	vadd.s32 v40, v36;
	v52 =	vadd.s32 v41, v35  }
0x271: {  	v35 =	vnsel vm7, $0x0, v50;
	v41 =	vsel vm0, $0x0, v55;
	v63 =	vadd.s32 v57, v44  }
0x272: {  	v54 =	vperm.xlane v52, v3;
	v56 =	vadd.s32 v42, v40;
	v38 =	vadd.s32 v41, v38  }
0x273: {  	v62 =	vperm.xlane v40, v6;
	v44 =	vperm.xlane v63, v2;
	vm13 =	vlt.f32 v51, $0.0e+00  }
0x274: {  	vm14 =	vgt.f32 v51, $0.0e+00;
	v37 =	vcvt.s32.f32 v56;
	v60 =	vperm.xlane v38, v3  }
0x275: {  	v39 =	vsel vm1, $0x0, v54;
	v50 =	vsel vm0, $0x0, v44;
	vm11 =	vlt.f32 v61, $0.0e+00  }
0x276: {  	vm12 =	vgt.f32 v61, $0.0e+00;
	v39 =	vadd.s32 v39, v52;
	v36 =	vnsel vm9, $0x0, v37  }
0x277: {  	v48 =	vsel vm1, $0x0, v60;
	v37 =	vadd.s32 v42, v62;
	v40 =	vadd.s32 v50, v63  }
0x278: {  	vm7 =	vmor vm12, vm11;
	vm9 =	vmor vm14, vm13;
	v59 =	vperm.xlane v39, v5  }
0x279: {  	v38 =	vadd.s32 v48, v38;
	v52 =	vperm.xlane v40, v3;
	v54 =	vsel vm7, $0x1, v1  }
0x27a: {  	v62 =	vld [tilespmem:$0x548];
	v60 =	vsel vm9, $0x1, v1;
	v49 =	vperm.xlane v38, v5;
	v56 =	vperm.xlane v54, v0  }
0x27b: {  	v61 =	vperm.xlane v60, v0;
	v41 =	vsel vm2, $0x0, v59;
	v55 =	vsel vm1, $0x0, v52  }
0x27c: {  	v39 =	vadd.s32 v41, v39;
	v53 =	vsel vm2, $0x0, v49;
	v40 =	vadd.s32 v55, v40  }
0x27d: {  	v58 =	vsel vm3, $0x0, v56;
	v52 =	vsel vm3, $0x0, v61;
	v41 =	vperm.xlane v39, v6  }
0x27e: {  	v39 =	vadd.s32 v37, v39;
	v38 =	vadd.s32 v53, v38;
	v59 =	vperm.xlane v40, v5  }
0x27f: {  	vm15 =	vlt.f32 v62, $0.0e+00;
	vm10 =	vgt.f32 v62, $0.0e+00;
	v39 =	vcvt.s32.f32 v39  }
0x280: {  	vm6 =	vmor vm10, vm15;
	v37 =	vadd.s32 v37, v41;
	v41 =	vadd.s32 v54, v58  }
0x281: {  	v43 =	vsel vm2, $0x0, v59;
	v54 =	vadd.s32 v60, v52;
	v59 =	vsel vm6, $0x1, v1  }
0x282: {  	v57 =	vadd.s32 v37, v38;
	v38 =	vperm.xlane v38, v6;
	v42 =	vperm.xlane v41, v2  }
0x283: {  	v50 =	vadd.s32 v43, v40;
	v56 =	vperm.xlane v54, v2;
	v62 =	vperm.xlane v59, v0  }
0x284: {  	v60 =	vld [tilespmem:$0x558];
	v45 =	vcvt.s32.f32 v57;
	v55 =	vperm.xlane v50, v6;
	v63 =	vadd.s32 v37, v38  }
0x285: {  	v51 =	vsel vm0, $0x0, v42;
	v37 =	vnsel vm4, $0x0, v39;
	v38 =	vsel vm0, $0x0, v56  }
0x286: {  	v40 =	vadd.s32 v63, v50;
	v41 =	vadd.s32 v51, v41;
	v43 =	vadd.s32 v38, v54  }
0x287: {  	v56 =	vld [tilespmem:$0x568];
	v39 =	vnsel vm5, $0x0, v45;
	v63 =	vadd.s32 v63, v55;
	v53 =	vperm.xlane v41, v3  }
0x288: {  	v51 =	vsel vm3, $0x0, v62;
	v40 =	vcvt.s32.f32 v40;
	v61 =	vperm.xlane v43, v3  }
0x289: {  	vm11 =	vlt.f32 v60, $0.0e+00;
	vm12 =	vgt.f32 v60, $0.0e+00;
	v57 =	vsel vm1, $0x0, v53  }
0x28a: {  	v38 =	vnsel vm8, $0x0, v40;
	v50 =	vsel vm1, $0x0, v61;
	v41 =	vadd.s32 v57, v41  }
0x28b: {  	v53 =	vadd.s32 v59, v51;
	vm8 =	vmor vm12, vm11;
	v58 =	vperm.xlane v41, v5  }
0x28c: {  	v44 =	vperm.xlane v53, v2;
	v55 =	vsel vm8, $0x1, v1;
	vm13 =	vlt.f32 v56, $0.0e+00  }
0x28d: {  	vm14 =	vgt.f32 v56, $0.0e+00;
	v57 =	vperm.xlane v55, v0;
	v42 =	vsel vm2, $0x0, v58  }
0x28e: {  	vm15 =	vmor vm14, vm13;
	v44 =	vsel vm0, $0x0, v44;
	v41 =	vadd.s32 v42, v41  }
0x28f: {  	v42 =	vadd.s32 v50, v43;
	v43 =	vadd.s32 v44, v53;
	v44 =	vsel vm3, $0x0, v57  }
0x290: {  	v53 =	vsel vm15, $0x1, v1;
	v52 =	vadd.s32 v63, v41;
	v54 =	vperm.xlane v42, v5  }
0x291: {  	v41 =	vperm.xlane v41, v6;
	v60 =	vperm.xlane v43, v3;
	v44 =	vadd.s32 v55, v44  }
0x292: {  	v45 =	vcvt.s32.f32 v52;
	v62 =	vperm.xlane v44, v2;
	v46 =	vsel vm2, $0x0, v54  }
0x293: {  	v58 =	vadd.s32 v63, v41;
	v54 =	vperm.xlane v53, v0;
	v59 =	vadd.s32 v46, v42  }
0x294: {  	v63 =	vld [tilespmem:$0x578];
	v40 =	vnsel vm7, $0x0, v45;
	v42 =	vsel vm1, $0x0, v60;
	v46 =	vsel vm0, $0x0, v62  }
0x295: {  	v61 =	vadd.s32 v58, v59;
	v52 =	vperm.xlane v59, v6;
	v42 =	vadd.s32 v42, v43  }
0x296: {  	v44 =	vadd.s32 v46, v44;
	v45 =	vcvt.s32.f32 v61;
	v43 =	vperm.xlane v42, v5  }
0x297: {  	v55 =	vperm.xlane v44, v3;
	v46 =	vadd.s32 v58, v52  }
0x298: {  	v41 =	vnsel vm9, $0x0, v45;
	v43 =	vsel vm2, $0x0, v43;
	v45 =	vsel vm3, $0x0, v54  }
0x299: {  	vm9 =	vlt.f32 v63, $0.0e+00;
	vm10 =	vgt.f32 v63, $0.0e+00;
	v57 =	vsel vm1, $0x0, v55  }
0x29a: {  	v42 =	vadd.s32 v43, v42;
	v56 =	vadd.s32 v53, v45;
	vm4 =	vmor vm10, vm9  }
0x29b: {  	v63 =	vld [tilespmem:$0x580];
	v44 =	vadd.s32 v57, v44;
	v58 =	vperm.xlane v56, v2;
	vm4 =	vmand vm4, vm2  }
0x29c: {  	v59 =	vadd.s32 v46, v42;
	v61 =	vperm.xlane v44, v5;
	v42 =	vperm.xlane v42, v6  }
0x29d: {  	v60 =	vsel vm4, $0x1, v1;
	v48 =	vcvt.s32.f32 v59;
	v47 =	vsel vm0, $0x0, v58  }
0x29e: {  	v62 =	vperm.xlane v60, v0;
	v49 =	vsel vm2, $0x0, v61;
	v46 =	vadd.s32 v46, v42  }
0x29f: {  	v43 =	vadd.s32 v47, v56;
	v44 =	vadd.s32 v49, v44;
	v42 =	vnsel vm6, $0x0, v48  }
0x2a0: {  	vm11 =	vlt.f32 v63, $0.0e+00;
	vm12 =	vgt.f32 v63, $0.0e+00;
	v54 =	vperm.xlane v43, v3  }
0x2a1: {  	v63 =	vld [tilespmem:$0x590];
	v50 =	vsel vm3, $0x0, v62;
	v49 =	vadd.s32 v46, v44;
	vm5 =	vmor vm12, vm11  }
0x2a2: {  	v44 =	vperm.xlane v44, v6;
	v45 =	vadd.s32 v60, v50;
	v57 =	vcvt.s32.f32 v49  }
0x2a3: {  	v62 =	vsel vm5, $0x1, v1;
	v55 =	vsel vm1, $0x0, v54;
	v56 =	vperm.xlane v45, v2  }
0x2a4: {  	v53 =	vperm.xlane v62, v0;
	v44 =	vadd.s32 v46, v44;
	v58 =	vadd.s32 v55, v43  }
0x2a5: {  	v43 =	vnsel vm8, $0x0, v57;
	v59 =	vsel vm0, $0x0, v56;
	v60 =	vperm.xlane v58, v5  }
0x2a6: {  	vm13 =	vlt.f32 v63, $0.0e+00;
	vm14 =	vgt.f32 v63, $0.0e+00;
	v63 =	vld [tilespmem:$0x5B0];
	v45 =	vadd.s32 v59, v45  }
0x2a7: {  	v56 =	vsel vm3, $0x0, v53;
	v61 =	vperm.xlane v45, v3;
	v47 =	vsel vm2, $0x0, v60  }
0x2a8: {  	v59 =	vld [tilespmem:$0x5A0];
	vm6 =	vmor vm14, vm13;
	v54 =	vadd.s32 v47, v58;
	v47 =	vadd.s32 v62, v56  }
0x2a9: {  	v55 =	vsel vm1, $0x0, v61;
	v49 =	vadd.s32 v44, v54;
	v46 =	vperm.xlane v54, v6  }
0x2aa: {  	v58 =	vperm.xlane v47, v2;
	v61 =	vsel vm6, $0x1, v1;
	v45 =	vadd.s32 v55, v45  }
0x2ab: {  	v49 =	vcvt.s32.f32 v49;
	v62 =	vperm.xlane v61, v0;
	vm13 =	vlt.f32 v63, $0.0e+00  }
0x2ac: {  	vm14 =	vgt.f32 v63, $0.0e+00;
	v57 =	vperm.xlane v45, v5;
	v44 =	vadd.s32 v44, v46  }
0x2ad: {  	v60 =	vsel vm0, $0x0, v58;
	vm12 =	vgt.f32 v59, $0.0e+00;
	vm9 =	vmor vm14, vm13  }
0x2ae: {  	v46 =	vadd.s32 v60, v47;
	v47 =	vsel vm3, $0x0, v62;
	v48 =	vsel vm2, $0x0, v57  }
0x2af: {  	v48 =	vadd.s32 v48, v44;
	v44 =	vnsel vm15, $0x0, v49;
	vm15 =	vlt.f32 v59, $0.0e+00  }
0x2b0: {  	v55 =	vperm.xlane v46, v3;
	v47 =	vadd.s32 v61, v47;
	vm7 =	vmor vm12, vm15  }
0x2b1: {  	v61 =	vsel vm9, $0x1, v1;
	v56 =	vperm.xlane v47, v2;
	v57 =	vsel vm7, $0x1, v1  }
0x2b2: {  	v45 =	vadd.s32 v45, v48;
	v48 =	vsel vm1, $0x0, v55;
	v58 =	vperm.xlane v57, v0  }
0x2b3: {  	v63 =	vperm.xlane v61, v0;
	v46 =	vadd.s32 v48, v46;
	v48 =	vsel vm0, $0x0, v56  }
0x2b4: {  	v59 =	vperm.xlane v46, v5;
	v47 =	vadd.s32 v48, v47;
	v60 =	vsel vm3, $0x0, v58  }
0x2b5: {  	v49 =	vsel vm3, $0x0, v63;
	v62 =	vperm.xlane v47, v3;
	v48 =	vadd.s32 v57, v60  }
0x2b6: {  	v49 =	vadd.s32 v61, v49;
	v61 =	vld [tilespmem:$0x5C0];
	v51 =	vsel vm2, $0x0, v59;
	v56 =	vperm.xlane v48, v2  }
0x2b7: {  	v45 =	vcvt.s32.f32 v45;
	v46 =	vadd.s32 v51, v46;
	v57 =	vsel vm1, $0x0, v62  }
0x2b8: {  	v60 =	vperm.xlane v49, v2;
	v47 =	vadd.s32 v57, v47;
	v58 =	vsel vm0, $0x0, v56  }
0x2b9: {  	v53 =	vcvt.s32.f32 v46;
	v55 =	vperm.xlane v46, v6;
	v48 =	vadd.s32 v58, v48  }
0x2ba: {  	v59 =	vperm.xlane v47, v5;
	v62 =	vperm.xlane v48, v3  }
0x2bb: {  	vm15 =	vlt.f32 v61, $0.0e+00;
	vm12 =	vgt.f32 v61, $0.0e+00;
	v56 =	vsel vm0, $0x0, v60  }
0x2bc: {  	v63 =	vsel vm2, $0x0, v59;
	v49 =	vadd.s32 v56, v49;
	v57 =	vsel vm1, $0x0, v62  }
0x2bd: {  	v46 =	vadd.s32 v63, v47;
	v59 =	vperm.xlane v49, v3;
	v47 =	vadd.s32 v57, v48  }
0x2be: {  	v45 =	vnsel vm4, $0x0, v45;
	vm4 =	vmor vm12, vm15;
	v60 =	vperm.xlane v47, v5  }
0x2bf: {  	v51 =	vsel vm4, $0x1, v1;
	v58 =	vadd.s32 v55, v46;
	v61 =	vsel vm1, $0x0, v59  }
0x2c0: {  	v52 =	vperm.xlane v46, v6;
	v49 =	vadd.s32 v61, v49;
	v62 =	vsel vm2, $0x0, v60  }
0x2c1: {  	v63 =	vperm.xlane v49, v5;
	v60 =	vperm.xlane v51, v0;
	v47 =	vadd.s32 v62, v47  }
0x2c2: {  	v46 =	vnsel vm5, $0x0, v53;
	v50 =	vcvt.s32.f32 v58;
	v62 =	vld [tilespmem:$0x5D0];
	v61 =	vperm.xlane v47, v6  }
0x2c3: {  	v52 =	vadd.s32 v55, v52;
	v48 =	vsel vm2, $0x0, v63;
	v54 =	vsel vm3, $0x0, v60  }
0x2c4: {  	v55 =	vadd.s32 v48, v49;
	v63 =	vadd.s32 v51, v54;
	v54 =	vld [tilespmem:$0x5E0];
	v53 =	vadd.s32 v52, v61  }
0x2c5: {  	v57 =	vadd.s32 v52, v47;
	v51 =	vld [tilespmem:$0x5F0];
	v59 =	vperm.xlane v63, v2;
	v58 =	vadd.s32 v53, v55  }
0x2c6: {  	v47 =	vnsel vm6, $0x0, v50;
	v49 =	vcvt.s32.f32 v57;
	v60 =	vcvt.s32.f32 v58  }
0x2c7: {  	v61 =	vld [tilespmem:$0x600];
	v52 =	vsel vm0, $0x0, v59;
	vm13 =	vlt.f32 v62, $0.0e+00;
	vm14 =	vgt.f32 v62, $0.0e+00  }
0x2c8: {  	v49 =	vnsel vm7, $0x0, v49;
	v52 =	vadd.s32 v52, v63;
	vm15 =	vmor vm14, vm13  }
0x2c9: {  	[tilespmem:$0xA60] =	vst v22;
	v22 =	vld [tilespmem:$0x620];
	v48 =	vnsel vm9, $0x0, v60;
	v62 =	vperm.xlane v52, v3;
	v63 =	vsel vm15, $0x1, v1  }
0x2ca: {  	vm9 =	vlt.f32 v54, $0.0e+00;
	vm10 =	vgt.f32 v54, $0.0e+00;
	vm11 =	vlt.f32 v51, $0.0e+00  }
0x2cb: {  	vm12 =	vgt.f32 v51, $0.0e+00;
	v60 =	vperm.xlane v63, v0;
	vm7 =	vmor vm10, vm9  }
0x2cc: {  	vm6 =	vmor vm12, vm11;
	vm13 =	vlt.f32 v61, $0.0e+00;
	vm14 =	vgt.f32 v61, $0.0e+00  }
0x2cd: {  	vm5 =	vmor vm14, vm13;
	v50 =	vsel vm1, $0x0, v62;
	v62 =	vperm.xlane v55, v6  }
0x2ce: {  	vm13 =	vlt.f32 v22, $0.0e+00;
	v61 =	vsel vm3, $0x0, v60;
	v50 =	vadd.s32 v50, v52  }
0x2cf: {  	v60 =	vsel vm7, $0x1, v1;
	v51 =	vadd.s32 v63, v61;
	v52 =	vperm.xlane v50, v5  }
0x2d0: {  	vm14 =	vgt.f32 v22, $0.0e+00;
	v61 =	vperm.xlane v60, v0;
	v63 =	vperm.xlane v51, v2  }
0x2d1: {  	v53 =	vadd.s32 v53, v62;
	v62 =	vsel vm6, $0x1, v1;
	v52 =	vsel vm2, $0x0, v52  }
0x2d2: {  	v59 =	vsel vm3, $0x0, v61;
	v55 =	vsel vm0, $0x0, v63;
	v63 =	vperm.xlane v62, v0  }
0x2d3: {  	[tilespmem:$0x978] =	vst v7;
	v50 =	vadd.s32 v52, v50;
	v52 =	vadd.s32 v60, v59;
	v51 =	vadd.s32 v55, v51  }
0x2d4: {  	[tilespmem:$0x988] =	vst v8;
	v8 =	vadd.s32 v53, v50;
	v61 =	vperm.xlane v52, v2;
	v7 =	vperm.xlane v51, v3  }
0x2d5: {  	v60 =	vsel vm3, $0x0, v63;
	v63 =	vsel vm5, $0x1, v1;
	v8 =	vcvt.s32.f32 v8  }
0x2d6: {  	[tilespmem:$0x998] =	vst v9;
	v54 =	vadd.s32 v62, v60;
	v57 =	vsel vm0, $0x0, v61;
	v58 =	vperm.xlane v63, v0  }
0x2d7: {  	[tilespmem:$0x9A8] =	vst v10;
	v61 =	vperm.xlane v50, v6;
	v7 =	vsel vm1, $0x0, v7;
	v62 =	vperm.xlane v54, v2  }
0x2d8: {  	[tilespmem:$0x9B8] =	vst v11;
	v10 =	vadd.s32 v57, v52;
	v8 =	vnsel vm4, $0x0, v8;
	v7 =	vadd.s32 v7, v51  }
0x2d9: {  	[tilespmem:$0x9D8] =	vst v13;
	v60 =	vperm.xlane v10, v3;
	v51 =	vsel vm3, $0x0, v58;
	v13 =	vadd.s32 v53, v61  }
0x2da: {  	[tilespmem:$0x9C8] =	vst v12;
	v59 =	vperm.xlane v7, v5;
	v9 =	vsel vm0, $0x0, v62;
	v62 =	vadd.s32 v63, v51  }
0x2db: {  	[tilespmem:$0x9E8] =	vst v14;
	v9 =	vadd.s32 v9, v54;
	v12 =	vsel vm1, $0x0, v60;
	v51 =	vperm.xlane v62, v2  }
0x2dc: {  	[tilespmem:$0x9F8] =	vst v15;
	v11 =	vsel vm2, $0x0, v59;
	v63 =	vperm.xlane v9, v3;
	v10 =	vadd.s32 v12, v10  }
0x2dd: {  	[tilespmem:$0xA08] =	vst v16;
	v7 =	vadd.s32 v11, v7;
	v52 =	vperm.xlane v10, v5;
	v54 =	vsel vm0, $0x0, v51  }
0x2de: {  	[tilespmem:$0xA18] =	vst v17;
	v53 =	vsel vm1, $0x0, v63;
	v55 =	vperm.xlane v7, v6;
	v14 =	vadd.s32 v54, v62  }
0x2df: {  	[tilespmem:$0xA28] =	vst v18;
	v7 =	vadd.s32 v13, v7;
	v9 =	vadd.s32 v53, v9;
	v57 =	vperm.xlane v14, v3  }
0x2e0: {  	[tilespmem:$0xA38] =	vst v19;
	v62 =	vld [tilespmem:$0x610];
	v11 =	vsel vm2, $0x0, v52;
	v7 =	vcvt.s32.f32 v7;
	v56 =	vperm.xlane v9, v5  }
0x2e1: {  	[tilespmem:$0xA40] =	vst v20;
	v12 =	vadd.s32 v13, v55;
	v10 =	vadd.s32 v11, v10;
	v59 =	vsel vm1, $0x0, v57  }
0x2e2: {  	[tilespmem:$0xA70] =	vst v23;
	v23 =	vld [tilespmem:$0x630];
	v60 =	vperm.xlane v10, v6;
	v10 =	vadd.s32 v12, v10;
	v7 =	vnsel vm15, $0x0, v7  }
0x2e3: {  	[tilespmem:$0xA50] =	vst v21;
	v58 =	vsel vm2, $0x0, v56;
	v61 =	vadd.s32 v59, v14;
	v10 =	vcvt.s32.f32 v10  }
0x2e4: {  	[tilespmem:$0xA80] =	vst v24;
	v9 =	vadd.s32 v58, v9;
	v20 =	vperm.xlane v61, v5;
	v12 =	vadd.s32 v12, v60  }
0x2e5: {  	[tilespmem:$0xA90] =	vst v25;
	vm15 =	vlt.f32 v62, $0.0e+00;
	vm12 =	vgt.f32 v62, $0.0e+00;
	v63 =	vperm.xlane v9, v6  }
0x2e6: {  	[tilespmem:$0xAA0] =	vst v26;
	v26 =	vld [tilespmem:$0x640];
	v9 =	vadd.s32 v12, v9;
	v10 =	vnsel vm7, $0x0, v10;
	vm4 =	vmor vm12, vm15  }
0x2e7: {  	[tilespmem:$0xAB0] =	vst v27;
	vm15 =	vlt.f32 v23, $0.0e+00;
	v21 =	vsel vm2, $0x0, v20;
	v9 =	vcvt.s32.f32 v9  }
0x2e8: {  	[tilespmem:$0xAC0] =	vst v28;
	v25 =	vsel vm4, $0x1, v1;
	v12 =	vadd.s32 v12, v63;
	v11 =	vadd.s32 v21, v61  }
0x2e9: {  	[tilespmem:$0xAD0] =	vst v29;
	vm12 =	vgt.f32 v23, $0.0e+00;
	v27 =	vperm.xlane v25, v0;
	v24 =	vadd.s32 v12, v11  }
0x2ea: {  	[tilespmem:$0xAE0] =	vst v30;
	v9 =	vnsel vm6, $0x0, v9;
	vm6 =	vmor vm14, vm13;
	vm13 =	vmor vm12, vm15  }
0x2eb: {  	[tilespmem:$0xAF0] =	vst v31;
	vm14 =	vlt.f32 v26, $0.0e+00;
	vm15 =	vgt.f32 v26, $0.0e+00;
	v11 =	vperm.xlane v11, v6  }
0x2ec: {  	[tilespmem:$0xB00] =	vst v32;
	v13 =	vcvt.s32.f32 v24;
	v28 =	vsel vm6, $0x1, v1;
	v15 =	vsel vm3, $0x0, v27  }
0x2ed: {  	[tilespmem:$0xB08] =	vst v33;
	v30 =	vsel vm13, $0x1, v1;
	vm7 =	vmor vm15, vm14;
	v29 =	vperm.xlane v28, v0  }
0x2ee: {  	[tilespmem:$0xB18] =	vst v34;
	v31 =	vperm.xlane v30, v0;
	v15 =	vadd.s32 v25, v15;
	vm7 =	vmand vm7, vm2  }
0x2ef: {  	[tilespmem:$0xB28] =	vst v35;
	v33 =	vperm.xlane v15, v2;
	v35 =	vsel vm7, $0x1, v1;
	v32 =	vsel vm3, $0x0, v29  }
0x2f0: {  	[tilespmem:$0xB48] =	vst v37;
	v17 =	vsel vm3, $0x0, v31;
	v37 =	vperm.xlane v35, v0;
	v14 =	vadd.s32 v28, v32  }
0x2f1: {  	[tilespmem:$0xB38] =	vst v36;
	v17 =	vadd.s32 v30, v17;
	v16 =	vsel vm0, $0x0, v33;
	v34 =	vperm.xlane v14, v2  }
0x2f2: {  	[tilespmem:$0xB58] =	vst v39;
	v19 =	vperm.xlane v17, v2;
	v15 =	vadd.s32 v16, v15;
	v18 =	vsel vm3, $0x0, v37  }
0x2f3: {  	[tilespmem:$0xB68] =	vst v38;
	v38 =	vperm.xlane v15, v3;
	v18 =	vadd.s32 v35, v18;
	v36 =	vsel vm0, $0x0, v34  }
0x2f4: {  	[tilespmem:$0xB98] =	vst v42;
	v19 =	vsel vm0, $0x0, v19;
	v42 =	vperm.xlane v18, v2;
	v14 =	vadd.s32 v36, v14  }
0x2f5: {  	[tilespmem:$0xB78] =	vst v40;
	v17 =	vadd.s32 v19, v17;
	v16 =	vsel vm1, $0x0, v38;
	v39 =	vperm.xlane v14, v3  }
0x2f6: {  	[tilespmem:$0xB88] =	vst v41;
	v11 =	vadd.s32 v12, v11;
	v40 =	vperm.xlane v17, v3;
	v15 =	vadd.s32 v16, v15  }
0x2f7: {  	[tilespmem:$0xBA8] =	vst v43;
	v19 =	vsel vm0, $0x0, v42;
	v43 =	vperm.xlane v15, v5;
	v41 =	vsel vm1, $0x0, v39  }
0x2f8: {  	[tilespmem:$0xBB8] =	vst v44;
	v18 =	vadd.s32 v19, v18;
	v20 =	vsel vm1, $0x0, v40;
	v14 =	vadd.s32 v41, v14  }
0x2f9: {  	[tilespmem:$0xBC8] =	vst v45;
	v53 =	vperm.xlane v18, v3;
	v17 =	vadd.s32 v20, v17;
	v50 =	vperm.xlane v14, v5  }
0x2fa: {  	[tilespmem:$0xBD0] =	vst v46;
	v13 =	vnsel vm5, $0x0, v13;
	v16 =	vsel vm2, $0x0, v43;
	v52 =	vperm.xlane v17, v5  }
0x2fb: {  	[tilespmem:$0xBE0] =	vst v47;
	v54 =	vadd.s32 v16, v15;
	v56 =	vsel vm1, $0x0, v53;
	v51 =	vsel vm2, $0x0, v50  }
0x2fc: {  	[tilespmem:$0xBF0] =	vst v49;
	v15 =	vperm.xlane v54, v6;
	v55 =	vsel vm2, $0x0, v52;
	v14 =	vadd.s32 v51, v14  }
0x2fd: {  	[tilespmem:$0xC00] =	vst v48;
	v18 =	vadd.s32 v56, v18;
	v16 =	vadd.s32 v55, v17;
	v57 =	vperm.xlane v14, v6  }
0x2fe: {  	[tilespmem:$0xC10] =	vst v8;
	v19 =	vperm.xlane v18, v5;
	v8 =	vadd.s32 v11, v15;
	v58 =	vperm.xlane v16, v6  }
0x2ff: {  	[tilespmem:$0xC20] =	vst v7;
	v7 =	vadd.s32 v11, v54;
	v59 =	vadd.s32 v8, v14;
	v8 =	vadd.s32 v8, v57  }
0x300: {  	[tilespmem:$0xC30] =	vst v10;
	v7 =	vcvt.s32.f32 v7;
	v60 =	vsel vm2, $0x0, v19;
	v61 =	vadd.s32 v8, v58  }
0x301: {  	[tilespmem:$0xC40] =	vst v9;
	v63 =	vcvt.s32.f32 v59;
	v8 =	vadd.s32 v8, v16;
	v62 =	vadd.s32 v60, v61  }
0x302: {  	[tilespmem:$0xC50] =	vst v13;
	v7 =	vnsel vm4, $0x0, v7;
	v8 =	vcvt.s32.f32 v8;
	v9 =	vadd.s32 v18, v62  }
.Ltmp2:
0x303: {  	[tilespmem:$0xC60] =	vst v7;
	v7 =	vnsel vm6, $0x0, v63;
	v9 =	vcvt.s32.f32 v9;
	(pc) =	sbr.rel @p1 .LBB2_4-.Ltmp2, $4  }
0x304: {  	[tilespmem:$0xC70] =	vst v7;
	v7 =	vnsel vm13, $0x0, v8  }
0x305: {  	[tilespmem:$0xC80] =	vst v7;
	v7 =	vnsel vm7, $0x0, v9  }
0x306: {  	s17 =	sadd.s32 $0x64, s31;
	[tilespmem:$0xC90] =	vst v7  }
0x307: {  	[hbm4b:s17+s2] =	stream.linear.scatter [tilespmem:s12], [sflag:$0x4], $0x320, $0x38;
	[tilespmem:$0xCA0] =	vst v63  }
.Ltmp3:
0x308: {  	(pc) =	sbr.rel .LBB2_2-.Ltmp3, $4  }
0x309: {  	_ = 	snop  }
0x30a: {  	s17 =	sadd.s32 s16, s6  }
0x30b: {  	s16 =	sadd.s32 $0xC8, s16;
	s17 =	sadd.s32 $0x12C, s17  }
0x30c: {  	[tilespmem:s8], [sflag:$0x2] =	stream.linear.gather [hbm4b:s17+s2], $0x320, $0x38;
	[tilespmem:$0xCA0] =	vst v63  }
.LBB2_5:
0x30d: {  	_ =	sfence.sel $0x180000  }
0x30e: {  	[bflag:$0x0] =	sbarrier.arrive $0xFFFF  }
0x30f: {  	p0 =	sne.s32 s0, $0x0;
	_ =	strace $0x90000047  }
0x310: {  	s0 =	sadd.s32 @!p0 $0x100000, s1;
	[bflag:$0x2] =	sbarrier.arrive $0xFFFF  }
0x311: {  	[sflag:s0] =	ssyncadd.tile.s32 @!p0 $0x1;
	_ =	shalt  }
.Lfunc_end2:
_tile_overlayer_lowered:
.L_overlay_start_2:
0x312: {  	(tag) =	ssettag $0x2  }
0x313: {  	s0 =	rddreg [dreg:$0x0];
	s2 =	stileid.u32  }
0x314: {  	s1 =	rddreg [dreg:$0x1];
	p0 =	sne.s32 s2, $0x0  }
0x315: {  	s3 =	rddreg [dreg:$0x2];
	[bflag:$0x3] =	sbarrier.arrive $0xFFFF;
	s2 =	simm.s32 @!p0 $0x1C05  }
0x316: {  	[timem:s3], [sflag:s2] =	dma.local @!p0 [hbm:s0], s1  }
0x317: {  	s0 =	simm.s32 @!p0 $0x5  }
0x318: {  	_ =	swait.ge @!p0 [sflag:s0], s1  }
0x319: {  	s1 =	ssub.s32 @!p0 $0x0, s1;
	[sflag:s0] =	ssyncset.done @!p0 $0x0  }
0x31a: {  	[sflag:s0] =	ssyncadd.s32 @!p0 s1  }
0x31b: {  	[bflag:$0x3] =	sbarrier.arrive $0xFFFF  }
0x31c: {  	_ =	shalt  }

</sc_bundles>
